<compile_context>
chip_gen: v7x
topology: tpu7x:2x2x1
jax: 0.10.2.dev20260603
libtpu: 0.0.44.dev20260713+nightly
codegen_flags: <defaults>
</compile_context>

<pallas_src>
import functools

import jax
import jax.numpy as jnp
from jax import lax
from jax.experimental import pallas as pl
from jax.experimental.pallas import tpu as pltpu
from jax.experimental.pallas import tpu_sc as plsc

NC = 2
NS = 16
NW = NC * NS

B = 16384
D = 32
D_SCAL = 16

B_PER_W = B // NW
CH = 16
NCHUNK = B_PER_W // CH
W_SLAB = 128


def _make_sc_gather():
    mesh = plsc.VectorSubcoreMesh(core_axis_name="c", subcore_axis_name="s")

    @functools.partial(
        pl.kernel,
        mesh=mesh,
        out_type=jax.ShapeDtypeStruct((2 * D, B), jnp.float32),
        compiler_params=pltpu.CompilerParams(needs_layout_passes=False),
        scratch_types=[
            pltpu.VMEM((B_PER_W,), jnp.int32),
            pltpu.VMEM((CH, D, W_SLAB), jnp.float32),
            pltpu.VMEM((D, B_PER_W), jnp.float32),
            pltpu.SemaphoreType.DMA,
            pltpu.SemaphoreType.DMA,
            pltpu.SemaphoreType.DMA,
            pltpu.SemaphoreType.DMA,
            pltpu.SemaphoreType.DMA,
            pltpu.SemaphoreType.DMA,
            pltpu.SemaphoreType.DMA,
            pltpu.SemaphoreType.DMA,
            pltpu.SemaphoreType.DMA,
        ],
    )
    def gather_kernel(
        table_t, idx_hbm, scal_t, out_t, idx_v, slab, stage,
        semA, semB, semD, semE, semF, semG, semH, semI, semC,
    ):
        wid = lax.axis_index("s") * NC + lax.axis_index("c")
        base = wid * B_PER_W
        pltpu.sync_copy(idx_hbm.at[pl.ds(base, B_PER_W)], idx_v)
        scal_copy = pltpu.make_async_copy(
            scal_t.at[:, pl.ds(base, B_PER_W)],
            out_t.at[pl.ds(0, D), pl.ds(base, B_PER_W)],
            semC,
        )
        scal_copy.start()

        rows_lo = lax.iota(jnp.int32, 16)
        rows_hi = rows_lo + 16
        lane16 = lax.iota(jnp.int32, 16)
        HH = CH // 8

        def _scal_idx(c, r):
            i_vec = idx_v[pl.ds(c * CH, CH)]
            sel = jnp.where(lane16 == r, i_vec, jnp.zeros_like(i_vec))
            return lax.reduce_max(sel, axes=(0,))

        def issue_half(c, h, sem_h):
            for r in range(h * HH, (h + 1) * HH):
                si = _scal_idx(c, r)
                off = pl.multiple_of((si // W_SLAB) * W_SLAB, 128)
                pltpu.async_copy(
                    table_t.at[:, pl.ds(off, W_SLAB)], slab.at[r], sem_h
                )

        def drain_half(sem_h):
            for _ in range(HH):
                pltpu.make_async_copy(
                    table_t.at[:, pl.ds(0, W_SLAB)], slab.at[0], sem_h
                ).wait()

        def extract_half(c, h):
            j0 = c * CH
            for r in range(h * HH, (h + 1) * HH):
                si = _scal_idx(c, r)
                lane = jnp.full((16,), si % W_SLAB, jnp.int32)
                colv = jnp.full((16,), j0 + r, jnp.int32)
                v_lo = plsc.load_gather(slab.at[r], [rows_lo, lane])
                v_hi = plsc.load_gather(slab.at[r], [rows_hi, lane])
                plsc.store_scatter(stage, [rows_lo, colv], v_lo)
                plsc.store_scatter(stage, [rows_hi, colv], v_hi)

        sems = (semA, semB, semD, semE, semF, semG, semH, semI)
        for h in range(8):
            issue_half(0, h, sems[h])

        @pl.loop(0, NCHUNK)
        def _(c):
            for h in range(8):
                drain_half(sems[h])
                extract_half(c, h)

                @pl.when(c + 1 < NCHUNK)
                def _(h=h):
                    issue_half(c + 1, h, sems[h])

        scal_copy.wait()
        pltpu.sync_copy(stage, out_t.at[pl.ds(D, D), pl.ds(base, B_PER_W)])

    return gather_kernel


_sc_gather = _make_sc_gather()


def _mm_body(w_ref, x_ref, b_ref, o_ref):
    o_ref[...] = (
        jax.lax.dot_general(
            w_ref[...], x_ref[...],
            dimension_numbers=(((0,), (0,)), ((), ())),
            preferred_element_type=jnp.float32,
            precision=jax.lax.Precision.HIGHEST,
        )
        + b_ref[...]
    )


def _tc_matmul_t(W_scal, scal_t, b_col):
    BLK = 2048
    return pl.pallas_call(
        _mm_body,
        grid=(B // BLK,),
        in_specs=[
            pl.BlockSpec((D_SCAL, D), lambda i: (0, 0)),
            pl.BlockSpec((D_SCAL, BLK), lambda i: (0, i)),
            pl.BlockSpec((D, 1), lambda i: (0, 0)),
        ],
        out_specs=pl.BlockSpec((D, BLK), lambda i: (0, i)),
        out_shape=jax.ShapeDtypeStruct((D, B), jnp.float32),
    )(W_scal, scal_t, b_col)


def kernel(scal_feat, cat_feat, W_scal, b_scal, emb_table):
    idx = cat_feat.astype(jnp.int32)
    scal_t = _tc_matmul_t(W_scal, scal_feat.T, b_scal.reshape(D, 1))
    out_t = _sc_gather(emb_table.T, idx, scal_t)
    return out_t.T

# --- scband reference (transcript-rebuilt; emitter-appended) ---
"""Pipeline reference for scband-cat-scal-embedding-36378372997409 (READ-ONLY COPY).

The authoritative reference and input builder live on the scoring server;
editing this copy changes nothing except your own understanding.
"""

import jax, jax.numpy as jnp
import numpy as np

VOCAB = 1000000
EMBED = 32
D_SCAL = 16
BATCH = 16384

def setup_inputs(seed: int = 0) -> dict:
    key = jax.random.key(seed)
    k1, k2, k3, k4 = jax.random.split(key, 4)
    scal_feat = jax.random.normal(k1, (BATCH, D_SCAL), dtype=jnp.float32)
    cat_feat = jax.random.randint(k2, (BATCH,), 0, VOCAB, dtype=jnp.int64) if jax.config.jax_enable_x64 else jax.random.randint(k2, (BATCH,), 0, VOCAB, dtype=jnp.int32)
    # Lazily-initialized params materialized explicitly:
    W_scal = jax.random.normal(k3, (D_SCAL, EMBED), dtype=jnp.float32) * (1.0 / np.sqrt(D_SCAL))
    b_scal = jnp.zeros((EMBED,), dtype=jnp.float32)
    emb_table = jax.random.normal(k4, (VOCAB, EMBED), dtype=jnp.float32) * 0.05
    return {"scal_feat": scal_feat, "cat_feat": cat_feat, "W_scal": W_scal, "b_scal": b_scal, "emb_table": emb_table}

def reference(scal_feat, cat_feat, W_scal, b_scal, emb_table):
    # scal = LazyLinear(embed_size)(batch.scal_feat)
    scal = scal_feat @ W_scal + b_scal
    # cat = LazyEmbedding(embed_size)(batch.cat_feat)  -> gather rows
    cat = jnp.take(emb_table, cat_feat, axis=0)
    # torch.cat((scal, cat), -1)
    return jnp.concatenate((scal, cat), axis=-1)

if __name__ == "__main__":
    import jax
    _d = setup_inputs()
    print(jax.jit(kernel)(*tuple(_d.values())))

</pallas_src>

<mosaic_0001>
#map = affine_map<(d0, d1) -> (0, 0)>
#map1 = affine_map<(d0, d1) -> (0)>
module attributes {stable_mosaic.version = 14 : i64} {
  func.func @gather_kernel(%arg0: i32, %arg1: i32, %arg2: memref<32x1000000xf32, #tpu.memory_space<hbm>>, %arg3: memref<16384xi32, #tpu.memory_space<hbm>>, %arg4: memref<32x16384xf32, #tpu.memory_space<hbm>>, %arg5: memref<64x16384xf32, #tpu.memory_space<hbm>>, %arg6: memref<512xi32, #tpu.memory_space<vmem>>, %arg7: memref<16x32x128xf32, #tpu.memory_space<vmem>>, %arg8: memref<32x512xf32, #tpu.memory_space<vmem>>, %arg9: memref<!tpu.dma_semaphore, #tpu.memory_space<semaphore_mem>>, %arg10: memref<!tpu.dma_semaphore, #tpu.memory_space<semaphore_mem>>, %arg11: memref<!tpu.dma_semaphore, #tpu.memory_space<semaphore_mem>>, %arg12: memref<!tpu.dma_semaphore, #tpu.memory_space<semaphore_mem>>, %arg13: memref<!tpu.dma_semaphore, #tpu.memory_space<semaphore_mem>>, %arg14: memref<!tpu.dma_semaphore, #tpu.memory_space<semaphore_mem>>, %arg15: memref<!tpu.dma_semaphore, #tpu.memory_space<semaphore_mem>>, %arg16: memref<!tpu.dma_semaphore, #tpu.memory_space<semaphore_mem>>, %arg17: memref<!tpu.dma_semaphore, #tpu.memory_space<semaphore_mem>>) attributes {dimension_semantics = [#tpu.dimension_semantics<core_parallel>, #tpu.dimension_semantics<subcore_parallel>], iteration_bounds = array<i64: 2, 16>, scalar_prefetch = 0 : i64, scratch_operands = 12 : i64, tpu.core_type = #tpu.core_type<sc_vector_subcore>, window_params = [{transform_indices = #map}, {transform_indices = #map1}, {transform_indices = #map}, {transform_indices = #map}]} {
    %mul3A = arith.constant 2 : i32
    %mul3A_0 = arith.muli %arg1, %mul3A : i32
    %add3A = arith.addi %mul3A_0, %arg0 : i32
    %mul3A_1 = arith.constant 512 : i32
    %mul3A_2 = arith.muli %add3A, %mul3A_1 : i32
    "tpu.region"() ({
      %run_scoped3A = tpu.sem_alloc : memref<!tpu.dma_semaphore, #tpu.memory_space<semaphore_mem>>
      %dma_start3A_900 = tpu.memref_slice %arg3[%mul3A_2] : memref<16384xi32, #tpu.memory_space<hbm>> -> memref<512xi32, #tpu.memory_space<hbm>>
      %dma_start3A_901 = tpu.memref_slice %arg3[%mul3A_2] : memref<16384xi32, #tpu.memory_space<hbm>> -> memref<512xi32, #tpu.memory_space<hbm>>
      tpu.enqueue_dma source(%dma_start3A_901 : memref<512xi32, #tpu.memory_space<hbm>>) target(%arg6 : memref<512xi32, #tpu.memory_space<vmem>>) target_semaphore(%run_scoped3A : memref<!tpu.dma_semaphore, #tpu.memory_space<semaphore_mem>>)
      %dma_wait3A_902 = tpu.memref_slice %arg3[%mul3A_2] : memref<16384xi32, #tpu.memory_space<hbm>> -> memref<512xi32, #tpu.memory_space<hbm>>
      %dma_wait3A_903 = tpu.memref_slice %arg3[%mul3A_2] : memref<16384xi32, #tpu.memory_space<hbm>> -> memref<512xi32, #tpu.memory_space<hbm>>
      tpu.wait_dma2 semaphore(%run_scoped3A : memref<!tpu.dma_semaphore, #tpu.memory_space<semaphore_mem>>) src(%dma_wait3A_903 : memref<512xi32, #tpu.memory_space<hbm>>) dst(%arg6 : memref<512xi32, #tpu.memory_space<vmem>>)
      tpu.yield
    }) : () -> ()
    %dma_start3A = arith.constant 0 : i32
    %dma_start3A_3 = tpu.memref_slice %arg5[%dma_start3A, %mul3A_2] : memref<64x16384xf32, #tpu.memory_space<hbm>> -> memref<32x512xf32, #tpu.memory_space<hbm>>
    %dma_start3A_4 = arith.constant 0 : i32
    %dma_start3A_5 = tpu.memref_slice %arg4[%dma_start3A_4, %mul3A_2] : memref<32x16384xf32, #tpu.memory_space<hbm>> -> memref<32x512xf32, #tpu.memory_space<hbm>>
    tpu.enqueue_dma source(%dma_start3A_5 : memref<32x512xf32, #tpu.memory_space<hbm>>) target(%dma_start3A_3 : memref<32x512xf32, #tpu.memory_space<hbm>>) target_semaphore(%arg17 : memref<!tpu.dma_semaphore, #tpu.memory_space<semaphore_mem>>)
    %iota3A = tpu.iota {dimensions = array<i32: 0>} : vector<16xi32>
    %add3A_6 = arith.constant 16 : i32
    %add3A_7 = vector.broadcast %add3A_6 : i32 to vector<16xi32>
    %add3A_8 = arith.addi %iota3A, %add3A_7 : vector<16xi32>
    %iota3A_9 = tpu.iota {dimensions = array<i32: 0>} : vector<16xi32>
    %get3A = arith.constant 0 : index
    %get3A_10 = tpu.vector_load %arg6[%get3A] {strides = array<i32>} : memref<512xi32, #tpu.memory_space<vmem>>, vector<16xi32>,
    %eq3A = arith.constant 0 : i32
    %eq3A_11 = vector.broadcast %eq3A : i32 to vector<16xi32>
    %eq3A_12 = arith.cmpi eq, %iota3A_9, %eq3A_11 : vector<16xi32>
    %broadcast_in_dim3A = arith.constant 0 : i32
    %broadcast_in_dim3A_13 = vector.broadcast %broadcast_in_dim3A : i32 to vector<16xi32>
    %select_n3A = arith.select %eq3A_12, %get3A_10, %broadcast_in_dim3A_13 : vector<16xi1>, vector<16xi32>
    %reduce_max3A = arith.constant true
    %reduce_max3A_14 = vector.broadcast %reduce_max3A : i1 to vector<16xi1>
    %reduce_max3A_15 = arith.constant -2147483648 : i32
    %reduce_max3A_16 = vector.broadcast %reduce_max3A_15 : i32 to vector<16xi32>
    %reduce_max3A_17 = arith.xori %select_n3A, %reduce_max3A_16 : vector<16xi32>
    %reduce_max3A_18 = tpu.scan <max>, %reduce_max3A_17 masked %reduce_max3A_14 : vector<16xi32>, vector<16xi1> -> vector<16xi32>
    %reduce_max3A_19 = arith.xori %reduce_max3A_18, %reduce_max3A_16 : vector<16xi32>
    %reduce_max3A_20 = vector.extract %reduce_max3A_19[15] : i32 from vector<16xi32>
    %jit3A = arith.constant 128 : i32
    %div3A = arith.divsi %reduce_max3A_20, %jit3A : i32
    %sign3A = arith.constant 0 : i32
    %sign3A_21 = arith.cmpi sgt, %reduce_max3A_20, %sign3A : i32
    %sign3A_22 = arith.extui %sign3A_21 : i1 to i32
    %sign3A_23 = arith.constant 0 : i32
    %sign3A_24 = arith.cmpi slt, %reduce_max3A_20, %sign3A_23 : i32
    %sign3A_25 = arith.extui %sign3A_24 : i1 to i32
    %sign3A_26 = arith.subi %sign3A_22, %sign3A_25 : i32
    %sign3A_27 = arith.constant 0 : i32
    %sign3A_28 = arith.cmpi sgt, %jit3A, %sign3A_27 : i32
    %sign3A_29 = arith.extui %sign3A_28 : i1 to i32
    %sign3A_30 = arith.constant 0 : i32
    %sign3A_31 = arith.cmpi slt, %jit3A, %sign3A_30 : i32
    %sign3A_32 = arith.extui %sign3A_31 : i1 to i32
    %sign3A_33 = arith.subi %sign3A_29, %sign3A_32 : i32
    %ne3A = arith.cmpi ne, %sign3A_26, %sign3A_33 : i32
    %rem3A = arith.remsi %reduce_max3A_20, %jit3A : i32
    %ne3A_34 = arith.constant 0 : i32
    %ne3A_35 = arith.cmpi ne, %rem3A, %ne3A_34 : i32
    %and3A = arith.andi %ne3A, %ne3A_35 : i1
    %sub3A = arith.constant 1 : i32
    %sub3A_36 = arith.subi %div3A, %sub3A : i32
    %select_n3A_37 = arith.select %and3A, %sub3A_36, %div3A : i32
    %mul3A_38 = arith.constant 128 : i32
    %mul3A_39 = arith.muli %select_n3A_37, %mul3A_38 : i32
    %multiple_of3A = tpu.assume_multiple %mul3A_39, 128 : i32
    %dma_start3A_40 = arith.constant 0 : i32
    %dma_start3A_41 = arith.constant 0 : i32
    %dma_start3A_42 = arith.constant 0 : i32
    %dma_start3A_43 = tpu.memref_slice %arg7[%dma_start3A_40, %dma_start3A_41, %dma_start3A_42] : memref<16x32x128xf32, #tpu.memory_space<vmem>> -> memref<1x32x128xf32, #tpu.memory_space<vmem>>
    %dma_start3A_44 = tpu.memref_squeeze %dma_start3A_43 : memref<1x32x128xf32, #tpu.memory_space<vmem>> -> memref<32x128xf32, #tpu.memory_space<vmem>>
    %dma_start3A_45 = arith.constant 0 : i32
    %dma_start3A_46 = tpu.memref_slice %arg2[%dma_start3A_45, %multiple_of3A] : memref<32x1000000xf32, #tpu.memory_space<hbm>> -> memref<32x128xf32, #tpu.memory_space<hbm>>
    %dma_start3A_47 = arith.constant 0 : i32
    %dma_start3A_48 = arith.constant 0 : i32
    %dma_start3A_49 = tpu.memref_slice %arg7[%dma_start3A_40, %dma_start3A_47, %dma_start3A_48] : memref<16x32x128xf32, #tpu.memory_space<vmem>> -> memref<1x32x128xf32, #tpu.memory_space<vmem>>
    %dma_start3A_50 = tpu.memref_squeeze %dma_start3A_49 : memref<1x32x128xf32, #tpu.memory_space<vmem>> -> memref<32x128xf32, #tpu.memory_space<vmem>>
    %dma_start3A_51 = arith.constant 0 : i32
    %dma_start3A_52 = tpu.memref_slice %arg2[%dma_start3A_51, %multiple_of3A] : memref<32x1000000xf32, #tpu.memory_space<hbm>> -> memref<32x128xf32, #tpu.memory_space<hbm>>
    tpu.enqueue_dma source(%dma_start3A_52 : memref<32x128xf32, #tpu.memory_space<hbm>>) target(%dma_start3A_50 : memref<32x128xf32, #tpu.memory_space<vmem>>) target_semaphore(%arg9 : memref<!tpu.dma_semaphore, #tpu.memory_space<semaphore_mem>>)
    %get3A_53 = arith.constant 0 : index
    %get3A_54 = tpu.vector_load %arg6[%get3A_53] {strides = array<i32>} : memref<512xi32, #tpu.memory_space<vmem>>, vector<16xi32>,
    %eq3A_55 = arith.constant 1 : i32
    %eq3A_56 = vector.broadcast %eq3A_55 : i32 to vector<16xi32>
    %eq3A_57 = arith.cmpi eq, %iota3A_9, %eq3A_56 : vector<16xi32>
    %broadcast_in_dim3A_58 = arith.constant 0 : i32
    %broadcast_in_dim3A_59 = vector.broadcast %broadcast_in_dim3A_58 : i32 to vector<16xi32>
    %select_n3A_60 = arith.select %eq3A_57, %get3A_54, %broadcast_in_dim3A_59 : vector<16xi1>, vector<16xi32>
    %reduce_max3A_61 = arith.constant true
    %reduce_max3A_62 = vector.broadcast %reduce_max3A_61 : i1 to vector<16xi1>
    %reduce_max3A_63 = arith.constant -2147483648 : i32
    %reduce_max3A_64 = vector.broadcast %reduce_max3A_63 : i32 to vector<16xi32>
    %reduce_max3A_65 = arith.xori %select_n3A_60, %reduce_max3A_64 : vector<16xi32>
    %reduce_max3A_66 = tpu.scan <max>, %reduce_max3A_65 masked %reduce_max3A_62 : vector<16xi32>, vector<16xi1> -> vector<16xi32>
    %reduce_max3A_67 = arith.xori %reduce_max3A_66, %reduce_max3A_64 : vector<16xi32>
    %reduce_max3A_68 = vector.extract %reduce_max3A_67[15] : i32 from vector<16xi32>
    %jit3A_69 = arith.constant 128 : i32
    %div3A_70 = arith.divsi %reduce_max3A_68, %jit3A_69 : i32
    %sign3A_71 = arith.constant 0 : i32
    %sign3A_72 = arith.cmpi sgt, %reduce_max3A_68, %sign3A_71 : i32
    %sign3A_73 = arith.extui %sign3A_72 : i1 to i32
    %sign3A_74 = arith.constant 0 : i32
    %sign3A_75 = arith.cmpi slt, %reduce_max3A_68, %sign3A_74 : i32
    %sign3A_76 = arith.extui %sign3A_75 : i1 to i32
    %sign3A_77 = arith.subi %sign3A_73, %sign3A_76 : i32
    %sign3A_78 = arith.constant 0 : i32
    %sign3A_79 = arith.cmpi sgt, %jit3A_69, %sign3A_78 : i32
    %sign3A_80 = arith.extui %sign3A_79 : i1 to i32
    %sign3A_81 = arith.constant 0 : i32
    %sign3A_82 = arith.cmpi slt, %jit3A_69, %sign3A_81 : i32
    %sign3A_83 = arith.extui %sign3A_82 : i1 to i32
    %sign3A_84 = arith.subi %sign3A_80, %sign3A_83 : i32
    %ne3A_85 = arith.cmpi ne, %sign3A_77, %sign3A_84 : i32
    %rem3A_86 = arith.remsi %reduce_max3A_68, %jit3A_69 : i32
    %ne3A_87 = arith.constant 0 : i32
    %ne3A_88 = arith.cmpi ne, %rem3A_86, %ne3A_87 : i32
    %and3A_89 = arith.andi %ne3A_85, %ne3A_88 : i1
    %sub3A_90 = arith.constant 1 : i32
    %sub3A_91 = arith.subi %div3A_70, %sub3A_90 : i32
    %select_n3A_92 = arith.select %and3A_89, %sub3A_91, %div3A_70 : i32
    %mul3A_93 = arith.constant 128 : i32
    %mul3A_94 = arith.muli %select_n3A_92, %mul3A_93 : i32
    %multiple_of3A_95 = tpu.assume_multiple %mul3A_94, 128 : i32
    %dma_start3A_96 = arith.constant 1 : i32
    %dma_start3A_97 = arith.constant 0 : i32
    %dma_start3A_98 = arith.constant 0 : i32
    %dma_start3A_99 = tpu.memref_slice %arg7[%dma_start3A_96, %dma_start3A_97, %dma_start3A_98] : memref<16x32x128xf32, #tpu.memory_space<vmem>> -> memref<1x32x128xf32, #tpu.memory_space<vmem>>
    %dma_start3A_100 = tpu.memref_squeeze %dma_start3A_99 : memref<1x32x128xf32, #tpu.memory_space<vmem>> -> memref<32x128xf32, #tpu.memory_space<vmem>>
    %dma_start3A_101 = arith.constant 0 : i32
    %dma_start3A_102 = tpu.memref_slice %arg2[%dma_start3A_101, %multiple_of3A_95] : memref<32x1000000xf32, #tpu.memory_space<hbm>> -> memref<32x128xf32, #tpu.memory_space<hbm>>
    %dma_start3A_103 = arith.constant 0 : i32
    %dma_start3A_104 = arith.constant 0 : i32
    %dma_start3A_105 = tpu.memref_slice %arg7[%dma_start3A_96, %dma_start3A_103, %dma_start3A_104] : memref<16x32x128xf32, #tpu.memory_space<vmem>> -> memref<1x32x128xf32, #tpu.memory_space<vmem>>
    %dma_start3A_106 = tpu.memref_squeeze %dma_start3A_105 : memref<1x32x128xf32, #tpu.memory_space<vmem>> -> memref<32x128xf32, #tpu.memory_space<vmem>>
    %dma_start3A_107 = arith.constant 0 : i32
    %dma_start3A_108 = tpu.memref_slice %arg2[%dma_start3A_107, %multiple_of3A_95] : memref<32x1000000xf32, #tpu.memory_space<hbm>> -> memref<32x128xf32, #tpu.memory_space<hbm>>
    tpu.enqueue_dma source(%dma_start3A_108 : memref<32x128xf32, #tpu.memory_space<hbm>>) target(%dma_start3A_106 : memref<32x128xf32, #tpu.memory_space<vmem>>) target_semaphore(%arg9 : memref<!tpu.dma_semaphore, #tpu.memory_space<semaphore_mem>>)
    %get3A_109 = arith.constant 0 : index
    %get3A_110 = tpu.vector_load %arg6[%get3A_109] {strides = array<i32>} : memref<512xi32, #tpu.memory_space<vmem>>, vector<16xi32>,
    %eq3A_111 = arith.constant 2 : i32
    %eq3A_112 = vector.broadcast %eq3A_111 : i32 to vector<16xi32>
    %eq3A_113 = arith.cmpi eq, %iota3A_9, %eq3A_112 : vector<16xi32>
    %broadcast_in_dim3A_114 = arith.constant 0 : i32
    %broadcast_in_dim3A_115 = vector.broadcast %broadcast_in_dim3A_114 : i32 to vector<16xi32>
    %select_n3A_116 = arith.select %eq3A_113, %get3A_110, %broadcast_in_dim3A_115 : vector<16xi1>, vector<16xi32>
    %reduce_max3A_117 = arith.constant true
    %reduce_max3A_118 = vector.broadcast %reduce_max3A_117 : i1 to vector<16xi1>
    %reduce_max3A_119 = arith.constant -2147483648 : i32
    %reduce_max3A_120 = vector.broadcast %reduce_max3A_119 : i32 to vector<16xi32>
    %reduce_max3A_121 = arith.xori %select_n3A_116, %reduce_max3A_120 : vector<16xi32>
    %reduce_max3A_122 = tpu.scan <max>, %reduce_max3A_121 masked %reduce_max3A_118 : vector<16xi32>, vector<16xi1> -> vector<16xi32>
    %reduce_max3A_123 = arith.xori %reduce_max3A_122, %reduce_max3A_120 : vector<16xi32>
    %reduce_max3A_124 = vector.extract %reduce_max3A_123[15] : i32 from vector<16xi32>
    %jit3A_125 = arith.constant 128 : i32
    %div3A_126 = arith.divsi %reduce_max3A_124, %jit3A_125 : i32
    %sign3A_127 = arith.constant 0 : i32
    %sign3A_128 = arith.cmpi sgt, %reduce_max3A_124, %sign3A_127 : i32
    %sign3A_129 = arith.extui %sign3A_128 : i1 to i32
    %sign3A_130 = arith.constant 0 : i32
    %sign3A_131 = arith.cmpi slt, %reduce_max3A_124, %sign3A_130 : i32
    %sign3A_132 = arith.extui %sign3A_131 : i1 to i32
    %sign3A_133 = arith.subi %sign3A_129, %sign3A_132 : i32
    %sign3A_134 = arith.constant 0 : i32
    %sign3A_135 = arith.cmpi sgt, %jit3A_125, %sign3A_134 : i32
    %sign3A_136 = arith.extui %sign3A_135 : i1 to i32
    %sign3A_137 = arith.constant 0 : i32
    %sign3A_138 = arith.cmpi slt, %jit3A_125, %sign3A_137 : i32
    %sign3A_139 = arith.extui %sign3A_138 : i1 to i32
    %sign3A_140 = arith.subi %sign3A_136, %sign3A_139 : i32
    %ne3A_141 = arith.cmpi ne, %sign3A_133, %sign3A_140 : i32
    %rem3A_142 = arith.remsi %reduce_max3A_124, %jit3A_125 : i32
    %ne3A_143 = arith.constant 0 : i32
    %ne3A_144 = arith.cmpi ne, %rem3A_142, %ne3A_143 : i32
    %and3A_145 = arith.andi %ne3A_141, %ne3A_144 : i1
    %sub3A_146 = arith.constant 1 : i32
    %sub3A_147 = arith.subi %div3A_126, %sub3A_146 : i32
    %select_n3A_148 = arith.select %and3A_145, %sub3A_147, %div3A_126 : i32
    %mul3A_149 = arith.constant 128 : i32
    %mul3A_150 = arith.muli %select_n3A_148, %mul3A_149 : i32
    %multiple_of3A_151 = tpu.assume_multiple %mul3A_150, 128 : i32
    %dma_start3A_152 = arith.constant 2 : i32
    %dma_start3A_153 = arith.constant 0 : i32
    %dma_start3A_154 = arith.constant 0 : i32
    %dma_start3A_155 = tpu.memref_slice %arg7[%dma_start3A_152, %dma_start3A_153, %dma_start3A_154] : memref<16x32x128xf32, #tpu.memory_space<vmem>> -> memref<1x32x128xf32, #tpu.memory_space<vmem>>
    %dma_start3A_156 = tpu.memref_squeeze %dma_start3A_155 : memref<1x32x128xf32, #tpu.memory_space<vmem>> -> memref<32x128xf32, #tpu.memory_space<vmem>>
    %dma_start3A_157 = arith.constant 0 : i32
    %dma_start3A_158 = tpu.memref_slice %arg2[%dma_start3A_157, %multiple_of3A_151] : memref<32x1000000xf32, #tpu.memory_space<hbm>> -> memref<32x128xf32, #tpu.memory_space<hbm>>
    %dma_start3A_159 = arith.constant 0 : i32
    %dma_start3A_160 = arith.constant 0 : i32
    %dma_start3A_161 = tpu.memref_slice %arg7[%dma_start3A_152, %dma_start3A_159, %dma_start3A_160] : memref<16x32x128xf32, #tpu.memory_space<vmem>> -> memref<1x32x128xf32, #tpu.memory_space<vmem>>
    %dma_start3A_162 = tpu.memref_squeeze %dma_start3A_161 : memref<1x32x128xf32, #tpu.memory_space<vmem>> -> memref<32x128xf32, #tpu.memory_space<vmem>>
    %dma_start3A_163 = arith.constant 0 : i32
    %dma_start3A_164 = tpu.memref_slice %arg2[%dma_start3A_163, %multiple_of3A_151] : memref<32x1000000xf32, #tpu.memory_space<hbm>> -> memref<32x128xf32, #tpu.memory_space<hbm>>
    tpu.enqueue_dma source(%dma_start3A_164 : memref<32x128xf32, #tpu.memory_space<hbm>>) target(%dma_start3A_162 : memref<32x128xf32, #tpu.memory_space<vmem>>) target_semaphore(%arg10 : memref<!tpu.dma_semaphore, #tpu.memory_space<semaphore_mem>>)
    %get3A_165 = arith.constant 0 : index
    %get3A_166 = tpu.vector_load %arg6[%get3A_165] {strides = array<i32>} : memref<512xi32, #tpu.memory_space<vmem>>, vector<16xi32>,
    %eq3A_167 = arith.constant 3 : i32
    %eq3A_168 = vector.broadcast %eq3A_167 : i32 to vector<16xi32>
    %eq3A_169 = arith.cmpi eq, %iota3A_9, %eq3A_168 : vector<16xi32>
    %broadcast_in_dim3A_170 = arith.constant 0 : i32
    %broadcast_in_dim3A_171 = vector.broadcast %broadcast_in_dim3A_170 : i32 to vector<16xi32>
    %select_n3A_172 = arith.select %eq3A_169, %get3A_166, %broadcast_in_dim3A_171 : vector<16xi1>, vector<16xi32>
    %reduce_max3A_173 = arith.constant true
    %reduce_max3A_174 = vector.broadcast %reduce_max3A_173 : i1 to vector<16xi1>
    %reduce_max3A_175 = arith.constant -2147483648 : i32
    %reduce_max3A_176 = vector.broadcast %reduce_max3A_175 : i32 to vector<16xi32>
    %reduce_max3A_177 = arith.xori %select_n3A_172, %reduce_max3A_176 : vector<16xi32>
    %reduce_max3A_178 = tpu.scan <max>, %reduce_max3A_177 masked %reduce_max3A_174 : vector<16xi32>, vector<16xi1> -> vector<16xi32>
    %reduce_max3A_179 = arith.xori %reduce_max3A_178, %reduce_max3A_176 : vector<16xi32>
    %reduce_max3A_180 = vector.extract %reduce_max3A_179[15] : i32 from vector<16xi32>
    %jit3A_181 = arith.constant 128 : i32
    %div3A_182 = arith.divsi %reduce_max3A_180, %jit3A_181 : i32
    %sign3A_183 = arith.constant 0 : i32
    %sign3A_184 = arith.cmpi sgt, %reduce_max3A_180, %sign3A_183 : i32
    %sign3A_185 = arith.extui %sign3A_184 : i1 to i32
    %sign3A_186 = arith.constant 0 : i32
    %sign3A_187 = arith.cmpi slt, %reduce_max3A_180, %sign3A_186 : i32
    %sign3A_188 = arith.extui %sign3A_187 : i1 to i32
    %sign3A_189 = arith.subi %sign3A_185, %sign3A_188 : i32
    %sign3A_190 = arith.constant 0 : i32
    %sign3A_191 = arith.cmpi sgt, %jit3A_181, %sign3A_190 : i32
    %sign3A_192 = arith.extui %sign3A_191 : i1 to i32
    %sign3A_193 = arith.constant 0 : i32
    %sign3A_194 = arith.cmpi slt, %jit3A_181, %sign3A_193 : i32
    %sign3A_195 = arith.extui %sign3A_194 : i1 to i32
    %sign3A_196 = arith.subi %sign3A_192, %sign3A_195 : i32
    %ne3A_197 = arith.cmpi ne, %sign3A_189, %sign3A_196 : i32
    %rem3A_198 = arith.remsi %reduce_max3A_180, %jit3A_181 : i32
    %ne3A_199 = arith.constant 0 : i32
    %ne3A_200 = arith.cmpi ne, %rem3A_198, %ne3A_199 : i32
    %and3A_201 = arith.andi %ne3A_197, %ne3A_200 : i1
    %sub3A_202 = arith.constant 1 : i32
    %sub3A_203 = arith.subi %div3A_182, %sub3A_202 : i32
    %select_n3A_204 = arith.select %and3A_201, %sub3A_203, %div3A_182 : i32
    %mul3A_205 = arith.constant 128 : i32
    %mul3A_206 = arith.muli %select_n3A_204, %mul3A_205 : i32
    %multiple_of3A_207 = tpu.assume_multiple %mul3A_206, 128 : i32
    %dma_start3A_208 = arith.constant 3 : i32
    %dma_start3A_209 = arith.constant 0 : i32
    %dma_start3A_210 = arith.constant 0 : i32
    %dma_start3A_211 = tpu.memref_slice %arg7[%dma_start3A_208, %dma_start3A_209, %dma_start3A_210] : memref<16x32x128xf32, #tpu.memory_space<vmem>> -> memref<1x32x128xf32, #tpu.memory_space<vmem>>
    %dma_start3A_212 = tpu.memref_squeeze %dma_start3A_211 : memref<1x32x128xf32, #tpu.memory_space<vmem>> -> memref<32x128xf32, #tpu.memory_space<vmem>>
    %dma_start3A_213 = arith.constant 0 : i32
    %dma_start3A_214 = tpu.memref_slice %arg2[%dma_start3A_213, %multiple_of3A_207] : memref<32x1000000xf32, #tpu.memory_space<hbm>> -> memref<32x128xf32, #tpu.memory_space<hbm>>
    %dma_start3A_215 = arith.constant 0 : i32
    %dma_start3A_216 = arith.constant 0 : i32
    %dma_start3A_217 = tpu.memref_slice %arg7[%dma_start3A_208, %dma_start3A_215, %dma_start3A_216] : memref<16x32x128xf32, #tpu.memory_space<vmem>> -> memref<1x32x128xf32, #tpu.memory_space<vmem>>
    %dma_start3A_218 = tpu.memref_squeeze %dma_start3A_217 : memref<1x32x128xf32, #tpu.memory_space<vmem>> -> memref<32x128xf32, #tpu.memory_space<vmem>>
    %dma_start3A_219 = arith.constant 0 : i32
    %dma_start3A_220 = tpu.memref_slice %arg2[%dma_start3A_219, %multiple_of3A_207] : memref<32x1000000xf32, #tpu.memory_space<hbm>> -> memref<32x128xf32, #tpu.memory_space<hbm>>
    tpu.enqueue_dma source(%dma_start3A_220 : memref<32x128xf32, #tpu.memory_space<hbm>>) target(%dma_start3A_218 : memref<32x128xf32, #tpu.memory_space<vmem>>) target_semaphore(%arg10 : memref<!tpu.dma_semaphore, #tpu.memory_space<semaphore_mem>>)
    %get3A_221 = arith.constant 0 : index
    %get3A_222 = tpu.vector_load %arg6[%get3A_221] {strides = array<i32>} : memref<512xi32, #tpu.memory_space<vmem>>, vector<16xi32>,
    %eq3A_223 = arith.constant 4 : i32
    %eq3A_224 = vector.broadcast %eq3A_223 : i32 to vector<16xi32>
    %eq3A_225 = arith.cmpi eq, %iota3A_9, %eq3A_224 : vector<16xi32>
    %broadcast_in_dim3A_226 = arith.constant 0 : i32
    %broadcast_in_dim3A_227 = vector.broadcast %broadcast_in_dim3A_226 : i32 to vector<16xi32>
    %select_n3A_228 = arith.select %eq3A_225, %get3A_222, %broadcast_in_dim3A_227 : vector<16xi1>, vector<16xi32>
    %reduce_max3A_229 = arith.constant true
    %reduce_max3A_230 = vector.broadcast %reduce_max3A_229 : i1 to vector<16xi1>
    %reduce_max3A_231 = arith.constant -2147483648 : i32
    %reduce_max3A_232 = vector.broadcast %reduce_max3A_231 : i32 to vector<16xi32>
    %reduce_max3A_233 = arith.xori %select_n3A_228, %reduce_max3A_232 : vector<16xi32>
    %reduce_max3A_234 = tpu.scan <max>, %reduce_max3A_233 masked %reduce_max3A_230 : vector<16xi32>, vector<16xi1> -> vector<16xi32>
    %reduce_max3A_235 = arith.xori %reduce_max3A_234, %reduce_max3A_232 : vector<16xi32>
    %reduce_max3A_236 = vector.extract %reduce_max3A_235[15] : i32 from vector<16xi32>
    %jit3A_237 = arith.constant 128 : i32
    %div3A_238 = arith.divsi %reduce_max3A_236, %jit3A_237 : i32
    %sign3A_239 = arith.constant 0 : i32
    %sign3A_240 = arith.cmpi sgt, %reduce_max3A_236, %sign3A_239 : i32
    %sign3A_241 = arith.extui %sign3A_240 : i1 to i32
    %sign3A_242 = arith.constant 0 : i32
    %sign3A_243 = arith.cmpi slt, %reduce_max3A_236, %sign3A_242 : i32
    %sign3A_244 = arith.extui %sign3A_243 : i1 to i32
    %sign3A_245 = arith.subi %sign3A_241, %sign3A_244 : i32
    %sign3A_246 = arith.constant 0 : i32
    %sign3A_247 = arith.cmpi sgt, %jit3A_237, %sign3A_246 : i32
    %sign3A_248 = arith.extui %sign3A_247 : i1 to i32
    %sign3A_249 = arith.constant 0 : i32
    %sign3A_250 = arith.cmpi slt, %jit3A_237, %sign3A_249 : i32
    %sign3A_251 = arith.extui %sign3A_250 : i1 to i32
    %sign3A_252 = arith.subi %sign3A_248, %sign3A_251 : i32
    %ne3A_253 = arith.cmpi ne, %sign3A_245, %sign3A_252 : i32
    %rem3A_254 = arith.remsi %reduce_max3A_236, %jit3A_237 : i32
    %ne3A_255 = arith.constant 0 : i32
    %ne3A_256 = arith.cmpi ne, %rem3A_254, %ne3A_255 : i32
    %and3A_257 = arith.andi %ne3A_253, %ne3A_256 : i1
    %sub3A_258 = arith.constant 1 : i32
    %sub3A_259 = arith.subi %div3A_238, %sub3A_258 : i32
    %select_n3A_260 = arith.select %and3A_257, %sub3A_259, %div3A_238 : i32
    %mul3A_261 = arith.constant 128 : i32
    %mul3A_262 = arith.muli %select_n3A_260, %mul3A_261 : i32
    %multiple_of3A_263 = tpu.assume_multiple %mul3A_262, 128 : i32
    %dma_start3A_264 = arith.constant 4 : i32
    %dma_start3A_265 = arith.constant 0 : i32
    %dma_start3A_266 = arith.constant 0 : i32
    %dma_start3A_267 = tpu.memref_slice %arg7[%dma_start3A_264, %dma_start3A_265, %dma_start3A_266] : memref<16x32x128xf32, #tpu.memory_space<vmem>> -> memref<1x32x128xf32, #tpu.memory_space<vmem>>
    %dma_start3A_268 = tpu.memref_squeeze %dma_start3A_267 : memref<1x32x128xf32, #tpu.memory_space<vmem>> -> memref<32x128xf32, #tpu.memory_space<vmem>>
    %dma_start3A_269 = arith.constant 0 : i32
    %dma_start3A_270 = tpu.memref_slice %arg2[%dma_start3A_269, %multiple_of3A_263] : memref<32x1000000xf32, #tpu.memory_space<hbm>> -> memref<32x128xf32, #tpu.memory_space<hbm>>
    %dma_start3A_271 = arith.constant 0 : i32
    %dma_start3A_272 = arith.constant 0 : i32
    %dma_start3A_273 = tpu.memref_slice %arg7[%dma_start3A_264, %dma_start3A_271, %dma_start3A_272] : memref<16x32x128xf32, #tpu.memory_space<vmem>> -> memref<1x32x128xf32, #tpu.memory_space<vmem>>
    %dma_start3A_274 = tpu.memref_squeeze %dma_start3A_273 : memref<1x32x128xf32, #tpu.memory_space<vmem>> -> memref<32x128xf32, #tpu.memory_space<vmem>>
    %dma_start3A_275 = arith.constant 0 : i32
    %dma_start3A_276 = tpu.memref_slice %arg2[%dma_start3A_275, %multiple_of3A_263] : memref<32x1000000xf32, #tpu.memory_space<hbm>> -> memref<32x128xf32, #tpu.memory_space<hbm>>
    tpu.enqueue_dma source(%dma_start3A_276 : memref<32x128xf32, #tpu.memory_space<hbm>>) target(%dma_start3A_274 : memref<32x128xf32, #tpu.memory_space<vmem>>) target_semaphore(%arg11 : memref<!tpu.dma_semaphore, #tpu.memory_space<semaphore_mem>>)
    %get3A_277 = arith.constant 0 : index
    %get3A_278 = tpu.vector_load %arg6[%get3A_277] {strides = array<i32>} : memref<512xi32, #tpu.memory_space<vmem>>, vector<16xi32>,
    %eq3A_279 = arith.constant 5 : i32
    %eq3A_280 = vector.broadcast %eq3A_279 : i32 to vector<16xi32>
    %eq3A_281 = arith.cmpi eq, %iota3A_9, %eq3A_280 : vector<16xi32>
    %broadcast_in_dim3A_282 = arith.constant 0 : i32
    %broadcast_in_dim3A_283 = vector.broadcast %broadcast_in_dim3A_282 : i32 to vector<16xi32>
    %select_n3A_284 = arith.select %eq3A_281, %get3A_278, %broadcast_in_dim3A_283 : vector<16xi1>, vector<16xi32>
    %reduce_max3A_285 = arith.constant true
    %reduce_max3A_286 = vector.broadcast %reduce_max3A_285 : i1 to vector<16xi1>
    %reduce_max3A_287 = arith.constant -2147483648 : i32
    %reduce_max3A_288 = vector.broadcast %reduce_max3A_287 : i32 to vector<16xi32>
    %reduce_max3A_289 = arith.xori %select_n3A_284, %reduce_max3A_288 : vector<16xi32>
    %reduce_max3A_290 = tpu.scan <max>, %reduce_max3A_289 masked %reduce_max3A_286 : vector<16xi32>, vector<16xi1> -> vector<16xi32>
    %reduce_max3A_291 = arith.xori %reduce_max3A_290, %reduce_max3A_288 : vector<16xi32>
    %reduce_max3A_292 = vector.extract %reduce_max3A_291[15] : i32 from vector<16xi32>
    %jit3A_293 = arith.constant 128 : i32
    %div3A_294 = arith.divsi %reduce_max3A_292, %jit3A_293 : i32
    %sign3A_295 = arith.constant 0 : i32
    %sign3A_296 = arith.cmpi sgt, %reduce_max3A_292, %sign3A_295 : i32
    %sign3A_297 = arith.extui %sign3A_296 : i1 to i32
    %sign3A_298 = arith.constant 0 : i32
    %sign3A_299 = arith.cmpi slt, %reduce_max3A_292, %sign3A_298 : i32
    %sign3A_300 = arith.extui %sign3A_299 : i1 to i32
    %sign3A_301 = arith.subi %sign3A_297, %sign3A_300 : i32
    %sign3A_302 = arith.constant 0 : i32
    %sign3A_303 = arith.cmpi sgt, %jit3A_293, %sign3A_302 : i32
    %sign3A_304 = arith.extui %sign3A_303 : i1 to i32
    %sign3A_305 = arith.constant 0 : i32
    %sign3A_306 = arith.cmpi slt, %jit3A_293, %sign3A_305 : i32
    %sign3A_307 = arith.extui %sign3A_306 : i1 to i32
    %sign3A_308 = arith.subi %sign3A_304, %sign3A_307 : i32
    %ne3A_309 = arith.cmpi ne, %sign3A_301, %sign3A_308 : i32
    %rem3A_310 = arith.remsi %reduce_max3A_292, %jit3A_293 : i32
    %ne3A_311 = arith.constant 0 : i32
    %ne3A_312 = arith.cmpi ne, %rem3A_310, %ne3A_311 : i32
    %and3A_313 = arith.andi %ne3A_309, %ne3A_312 : i1
    %sub3A_314 = arith.constant 1 : i32
    %sub3A_315 = arith.subi %div3A_294, %sub3A_314 : i32
    %select_n3A_316 = arith.select %and3A_313, %sub3A_315, %div3A_294 : i32
    %mul3A_317 = arith.constant 128 : i32
    %mul3A_318 = arith.muli %select_n3A_316, %mul3A_317 : i32
    %multiple_of3A_319 = tpu.assume_multiple %mul3A_318, 128 : i32
    %dma_start3A_320 = arith.constant 5 : i32
    %dma_start3A_321 = arith.constant 0 : i32
    %dma_start3A_322 = arith.constant 0 : i32
    %dma_start3A_323 = tpu.memref_slice %arg7[%dma_start3A_320, %dma_start3A_321, %dma_start3A_322] : memref<16x32x128xf32, #tpu.memory_space<vmem>> -> memref<1x32x128xf32, #tpu.memory_space<vmem>>
    %dma_start3A_324 = tpu.memref_squeeze %dma_start3A_323 : memref<1x32x128xf32, #tpu.memory_space<vmem>> -> memref<32x128xf32, #tpu.memory_space<vmem>>
    %dma_start3A_325 = arith.constant 0 : i32
    %dma_start3A_326 = tpu.memref_slice %arg2[%dma_start3A_325, %multiple_of3A_319] : memref<32x1000000xf32, #tpu.memory_space<hbm>> -> memref<32x128xf32, #tpu.memory_space<hbm>>
    %dma_start3A_327 = arith.constant 0 : i32
    %dma_start3A_328 = arith.constant 0 : i32
    %dma_start3A_329 = tpu.memref_slice %arg7[%dma_start3A_320, %dma_start3A_327, %dma_start3A_328] : memref<16x32x128xf32, #tpu.memory_space<vmem>> -> memref<1x32x128xf32, #tpu.memory_space<vmem>>
    %dma_start3A_330 = tpu.memref_squeeze %dma_start3A_329 : memref<1x32x128xf32, #tpu.memory_space<vmem>> -> memref<32x128xf32, #tpu.memory_space<vmem>>
    %dma_start3A_331 = arith.constant 0 : i32
    %dma_start3A_332 = tpu.memref_slice %arg2[%dma_start3A_331, %multiple_of3A_319] : memref<32x1000000xf32, #tpu.memory_space<hbm>> -> memref<32x128xf32, #tpu.memory_space<hbm>>
    tpu.enqueue_dma source(%dma_start3A_332 : memref<32x128xf32, #tpu.memory_space<hbm>>) target(%dma_start3A_330 : memref<32x128xf32, #tpu.memory_space<vmem>>) target_semaphore(%arg11 : memref<!tpu.dma_semaphore, #tpu.memory_space<semaphore_mem>>)
    %get3A_333 = arith.constant 0 : index
    %get3A_334 = tpu.vector_load %arg6[%get3A_333] {strides = array<i32>} : memref<512xi32, #tpu.memory_space<vmem>>, vector<16xi32>,
    %eq3A_335 = arith.constant 6 : i32
    %eq3A_336 = vector.broadcast %eq3A_335 : i32 to vector<16xi32>
    %eq3A_337 = arith.cmpi eq, %iota3A_9, %eq3A_336 : vector<16xi32>
    %broadcast_in_dim3A_338 = arith.constant 0 : i32
    %broadcast_in_dim3A_339 = vector.broadcast %broadcast_in_dim3A_338 : i32 to vector<16xi32>
    %select_n3A_340 = arith.select %eq3A_337, %get3A_334, %broadcast_in_dim3A_339 : vector<16xi1>, vector<16xi32>
    %reduce_max3A_341 = arith.constant true
    %reduce_max3A_342 = vector.broadcast %reduce_max3A_341 : i1 to vector<16xi1>
    %reduce_max3A_343 = arith.constant -2147483648 : i32
    %reduce_max3A_344 = vector.broadcast %reduce_max3A_343 : i32 to vector<16xi32>
    %reduce_max3A_345 = arith.xori %select_n3A_340, %reduce_max3A_344 : vector<16xi32>
    %reduce_max3A_346 = tpu.scan <max>, %reduce_max3A_345 masked %reduce_max3A_342 : vector<16xi32>, vector<16xi1> -> vector<16xi32>
    %reduce_max3A_347 = arith.xori %reduce_max3A_346, %reduce_max3A_344 : vector<16xi32>
    %reduce_max3A_348 = vector.extract %reduce_max3A_347[15] : i32 from vector<16xi32>
    %jit3A_349 = arith.constant 128 : i32
    %div3A_350 = arith.divsi %reduce_max3A_348, %jit3A_349 : i32
    %sign3A_351 = arith.constant 0 : i32
    %sign3A_352 = arith.cmpi sgt, %reduce_max3A_348, %sign3A_351 : i32
    %sign3A_353 = arith.extui %sign3A_352 : i1 to i32
    %sign3A_354 = arith.constant 0 : i32
    %sign3A_355 = arith.cmpi slt, %reduce_max3A_348, %sign3A_354 : i32
    %sign3A_356 = arith.extui %sign3A_355 : i1 to i32
    %sign3A_357 = arith.subi %sign3A_353, %sign3A_356 : i32
    %sign3A_358 = arith.constant 0 : i32
    %sign3A_359 = arith.cmpi sgt, %jit3A_349, %sign3A_358 : i32
    %sign3A_360 = arith.extui %sign3A_359 : i1 to i32
    %sign3A_361 = arith.constant 0 : i32
    %sign3A_362 = arith.cmpi slt, %jit3A_349, %sign3A_361 : i32
    %sign3A_363 = arith.extui %sign3A_362 : i1 to i32
    %sign3A_364 = arith.subi %sign3A_360, %sign3A_363 : i32
    %ne3A_365 = arith.cmpi ne, %sign3A_357, %sign3A_364 : i32
    %rem3A_366 = arith.remsi %reduce_max3A_348, %jit3A_349 : i32
    %ne3A_367 = arith.constant 0 : i32
    %ne3A_368 = arith.cmpi ne, %rem3A_366, %ne3A_367 : i32
    %and3A_369 = arith.andi %ne3A_365, %ne3A_368 : i1
    %sub3A_370 = arith.constant 1 : i32
    %sub3A_371 = arith.subi %div3A_350, %sub3A_370 : i32
    %select_n3A_372 = arith.select %and3A_369, %sub3A_371, %div3A_350 : i32
    %mul3A_373 = arith.constant 128 : i32
    %mul3A_374 = arith.muli %select_n3A_372, %mul3A_373 : i32
    %multiple_of3A_375 = tpu.assume_multiple %mul3A_374, 128 : i32
    %dma_start3A_376 = arith.constant 6 : i32
    %dma_start3A_377 = arith.constant 0 : i32
    %dma_start3A_378 = arith.constant 0 : i32
    %dma_start3A_379 = tpu.memref_slice %arg7[%dma_start3A_376, %dma_start3A_377, %dma_start3A_378] : memref<16x32x128xf32, #tpu.memory_space<vmem>> -> memref<1x32x128xf32, #tpu.memory_space<vmem>>
    %dma_start3A_380 = tpu.memref_squeeze %dma_start3A_379 : memref<1x32x128xf32, #tpu.memory_space<vmem>> -> memref<32x128xf32, #tpu.memory_space<vmem>>
    %dma_start3A_381 = arith.constant 0 : i32
    %dma_start3A_382 = tpu.memref_slice %arg2[%dma_start3A_381, %multiple_of3A_375] : memref<32x1000000xf32, #tpu.memory_space<hbm>> -> memref<32x128xf32, #tpu.memory_space<hbm>>
    %dma_start3A_383 = arith.constant 0 : i32
    %dma_start3A_384 = arith.constant 0 : i32
    %dma_start3A_385 = tpu.memref_slice %arg7[%dma_start3A_376, %dma_start3A_383, %dma_start3A_384] : memref<16x32x128xf32, #tpu.memory_space<vmem>> -> memref<1x32x128xf32, #tpu.memory_space<vmem>>
    %dma_start3A_386 = tpu.memref_squeeze %dma_start3A_385 : memref<1x32x128xf32, #tpu.memory_space<vmem>> -> memref<32x128xf32, #tpu.memory_space<vmem>>
    %dma_start3A_387 = arith.constant 0 : i32
    %dma_start3A_388 = tpu.memref_slice %arg2[%dma_start3A_387, %multiple_of3A_375] : memref<32x1000000xf32, #tpu.memory_space<hbm>> -> memref<32x128xf32, #tpu.memory_space<hbm>>
    tpu.enqueue_dma source(%dma_start3A_388 : memref<32x128xf32, #tpu.memory_space<hbm>>) target(%dma_start3A_386 : memref<32x128xf32, #tpu.memory_space<vmem>>) target_semaphore(%arg12 : memref<!tpu.dma_semaphore, #tpu.memory_space<semaphore_mem>>)
    %get3A_389 = arith.constant 0 : index
    %get3A_390 = tpu.vector_load %arg6[%get3A_389] {strides = array<i32>} : memref<512xi32, #tpu.memory_space<vmem>>, vector<16xi32>,
    %eq3A_391 = arith.constant 7 : i32
    %eq3A_392 = vector.broadcast %eq3A_391 : i32 to vector<16xi32>
    %eq3A_393 = arith.cmpi eq, %iota3A_9, %eq3A_392 : vector<16xi32>
    %broadcast_in_dim3A_394 = arith.constant 0 : i32
    %broadcast_in_dim3A_395 = vector.broadcast %broadcast_in_dim3A_394 : i32 to vector<16xi32>
    %select_n3A_396 = arith.select %eq3A_393, %get3A_390, %broadcast_in_dim3A_395 : vector<16xi1>, vector<16xi32>
    %reduce_max3A_397 = arith.constant true
    %reduce_max3A_398 = vector.broadcast %reduce_max3A_397 : i1 to vector<16xi1>
    %reduce_max3A_399 = arith.constant -2147483648 : i32
    %reduce_max3A_400 = vector.broadcast %reduce_max3A_399 : i32 to vector<16xi32>
    %reduce_max3A_401 = arith.xori %select_n3A_396, %reduce_max3A_400 : vector<16xi32>
    %reduce_max3A_402 = tpu.scan <max>, %reduce_max3A_401 masked %reduce_max3A_398 : vector<16xi32>, vector<16xi1> -> vector<16xi32>
    %reduce_max3A_403 = arith.xori %reduce_max3A_402, %reduce_max3A_400 : vector<16xi32>
    %reduce_max3A_404 = vector.extract %reduce_max3A_403[15] : i32 from vector<16xi32>
    %jit3A_405 = arith.constant 128 : i32
    %div3A_406 = arith.divsi %reduce_max3A_404, %jit3A_405 : i32
    %sign3A_407 = arith.constant 0 : i32
    %sign3A_408 = arith.cmpi sgt, %reduce_max3A_404, %sign3A_407 : i32
    %sign3A_409 = arith.extui %sign3A_408 : i1 to i32
    %sign3A_410 = arith.constant 0 : i32
    %sign3A_411 = arith.cmpi slt, %reduce_max3A_404, %sign3A_410 : i32
    %sign3A_412 = arith.extui %sign3A_411 : i1 to i32
    %sign3A_413 = arith.subi %sign3A_409, %sign3A_412 : i32
    %sign3A_414 = arith.constant 0 : i32
    %sign3A_415 = arith.cmpi sgt, %jit3A_405, %sign3A_414 : i32
    %sign3A_416 = arith.extui %sign3A_415 : i1 to i32
    %sign3A_417 = arith.constant 0 : i32
    %sign3A_418 = arith.cmpi slt, %jit3A_405, %sign3A_417 : i32
    %sign3A_419 = arith.extui %sign3A_418 : i1 to i32
    %sign3A_420 = arith.subi %sign3A_416, %sign3A_419 : i32
    %ne3A_421 = arith.cmpi ne, %sign3A_413, %sign3A_420 : i32
    %rem3A_422 = arith.remsi %reduce_max3A_404, %jit3A_405 : i32
    %ne3A_423 = arith.constant 0 : i32
    %ne3A_424 = arith.cmpi ne, %rem3A_422, %ne3A_423 : i32
    %and3A_425 = arith.andi %ne3A_421, %ne3A_424 : i1
    %sub3A_426 = arith.constant 1 : i32
    %sub3A_427 = arith.subi %div3A_406, %sub3A_426 : i32
    %select_n3A_428 = arith.select %and3A_425, %sub3A_427, %div3A_406 : i32
    %mul3A_429 = arith.constant 128 : i32
    %mul3A_430 = arith.muli %select_n3A_428, %mul3A_429 : i32
    %multiple_of3A_431 = tpu.assume_multiple %mul3A_430, 128 : i32
    %dma_start3A_432 = arith.constant 7 : i32
    %dma_start3A_433 = arith.constant 0 : i32
    %dma_start3A_434 = arith.constant 0 : i32
    %dma_start3A_435 = tpu.memref_slice %arg7[%dma_start3A_432, %dma_start3A_433, %dma_start3A_434] : memref<16x32x128xf32, #tpu.memory_space<vmem>> -> memref<1x32x128xf32, #tpu.memory_space<vmem>>
    %dma_start3A_436 = tpu.memref_squeeze %dma_start3A_435 : memref<1x32x128xf32, #tpu.memory_space<vmem>> -> memref<32x128xf32, #tpu.memory_space<vmem>>
    %dma_start3A_437 = arith.constant 0 : i32
    %dma_start3A_438 = tpu.memref_slice %arg2[%dma_start3A_437, %multiple_of3A_431] : memref<32x1000000xf32, #tpu.memory_space<hbm>> -> memref<32x128xf32, #tpu.memory_space<hbm>>
    %dma_start3A_439 = arith.constant 0 : i32
    %dma_start3A_440 = arith.constant 0 : i32
    %dma_start3A_441 = tpu.memref_slice %arg7[%dma_start3A_432, %dma_start3A_439, %dma_start3A_440] : memref<16x32x128xf32, #tpu.memory_space<vmem>> -> memref<1x32x128xf32, #tpu.memory_space<vmem>>
    %dma_start3A_442 = tpu.memref_squeeze %dma_start3A_441 : memref<1x32x128xf32, #tpu.memory_space<vmem>> -> memref<32x128xf32, #tpu.memory_space<vmem>>
    %dma_start3A_443 = arith.constant 0 : i32
    %dma_start3A_444 = tpu.memref_slice %arg2[%dma_start3A_443, %multiple_of3A_431] : memref<32x1000000xf32, #tpu.memory_space<hbm>> -> memref<32x128xf32, #tpu.memory_space<hbm>>
    tpu.enqueue_dma source(%dma_start3A_444 : memref<32x128xf32, #tpu.memory_space<hbm>>) target(%dma_start3A_442 : memref<32x128xf32, #tpu.memory_space<vmem>>) target_semaphore(%arg12 : memref<!tpu.dma_semaphore, #tpu.memory_space<semaphore_mem>>)
    %get3A_445 = arith.constant 0 : index
    %get3A_446 = tpu.vector_load %arg6[%get3A_445] {strides = array<i32>} : memref<512xi32, #tpu.memory_space<vmem>>, vector<16xi32>,
    %eq3A_447 = arith.constant 8 : i32
    %eq3A_448 = vector.broadcast %eq3A_447 : i32 to vector<16xi32>
    %eq3A_449 = arith.cmpi eq, %iota3A_9, %eq3A_448 : vector<16xi32>
    %broadcast_in_dim3A_450 = arith.constant 0 : i32
    %broadcast_in_dim3A_451 = vector.broadcast %broadcast_in_dim3A_450 : i32 to vector<16xi32>
    %select_n3A_452 = arith.select %eq3A_449, %get3A_446, %broadcast_in_dim3A_451 : vector<16xi1>, vector<16xi32>
    %reduce_max3A_453 = arith.constant true
    %reduce_max3A_454 = vector.broadcast %reduce_max3A_453 : i1 to vector<16xi1>
    %reduce_max3A_455 = arith.constant -2147483648 : i32
    %reduce_max3A_456 = vector.broadcast %reduce_max3A_455 : i32 to vector<16xi32>
    %reduce_max3A_457 = arith.xori %select_n3A_452, %reduce_max3A_456 : vector<16xi32>
    %reduce_max3A_458 = tpu.scan <max>, %reduce_max3A_457 masked %reduce_max3A_454 : vector<16xi32>, vector<16xi1> -> vector<16xi32>
    %reduce_max3A_459 = arith.xori %reduce_max3A_458, %reduce_max3A_456 : vector<16xi32>
    %reduce_max3A_460 = vector.extract %reduce_max3A_459[15] : i32 from vector<16xi32>
    %jit3A_461 = arith.constant 128 : i32
    %div3A_462 = arith.divsi %reduce_max3A_460, %jit3A_461 : i32
    %sign3A_463 = arith.constant 0 : i32
    %sign3A_464 = arith.cmpi sgt, %reduce_max3A_460, %sign3A_463 : i32
    %sign3A_465 = arith.extui %sign3A_464 : i1 to i32
    %sign3A_466 = arith.constant 0 : i32
    %sign3A_467 = arith.cmpi slt, %reduce_max3A_460, %sign3A_466 : i32
    %sign3A_468 = arith.extui %sign3A_467 : i1 to i32
    %sign3A_469 = arith.subi %sign3A_465, %sign3A_468 : i32
    %sign3A_470 = arith.constant 0 : i32
    %sign3A_471 = arith.cmpi sgt, %jit3A_461, %sign3A_470 : i32
    %sign3A_472 = arith.extui %sign3A_471 : i1 to i32
    %sign3A_473 = arith.constant 0 : i32
    %sign3A_474 = arith.cmpi slt, %jit3A_461, %sign3A_473 : i32
    %sign3A_475 = arith.extui %sign3A_474 : i1 to i32
    %sign3A_476 = arith.subi %sign3A_472, %sign3A_475 : i32
    %ne3A_477 = arith.cmpi ne, %sign3A_469, %sign3A_476 : i32
    %rem3A_478 = arith.remsi %reduce_max3A_460, %jit3A_461 : i32
    %ne3A_479 = arith.constant 0 : i32
    %ne3A_480 = arith.cmpi ne, %rem3A_478, %ne3A_479 : i32
    %and3A_481 = arith.andi %ne3A_477, %ne3A_480 : i1
    %sub3A_482 = arith.constant 1 : i32
    %sub3A_483 = arith.subi %div3A_462, %sub3A_482 : i32
    %select_n3A_484 = arith.select %and3A_481, %sub3A_483, %div3A_462 : i32
    %mul3A_485 = arith.constant 128 : i32
    %mul3A_486 = arith.muli %select_n3A_484, %mul3A_485 : i32
    %multiple_of3A_487 = tpu.assume_multiple %mul3A_486, 128 : i32
    %dma_start3A_488 = arith.constant 8 : i32
    %dma_start3A_489 = arith.constant 0 : i32
    %dma_start3A_490 = arith.constant 0 : i32
    %dma_start3A_491 = tpu.memref_slice %arg7[%dma_start3A_488, %dma_start3A_489, %dma_start3A_490] : memref<16x32x128xf32, #tpu.memory_space<vmem>> -> memref<1x32x128xf32, #tpu.memory_space<vmem>>
    %dma_start3A_492 = tpu.memref_squeeze %dma_start3A_491 : memref<1x32x128xf32, #tpu.memory_space<vmem>> -> memref<32x128xf32, #tpu.memory_space<vmem>>
    %dma_start3A_493 = arith.constant 0 : i32
    %dma_start3A_494 = tpu.memref_slice %arg2[%dma_start3A_493, %multiple_of3A_487] : memref<32x1000000xf32, #tpu.memory_space<hbm>> -> memref<32x128xf32, #tpu.memory_space<hbm>>
    %dma_start3A_495 = arith.constant 0 : i32
    %dma_start3A_496 = arith.constant 0 : i32
    %dma_start3A_497 = tpu.memref_slice %arg7[%dma_start3A_488, %dma_start3A_495, %dma_start3A_496] : memref<16x32x128xf32, #tpu.memory_space<vmem>> -> memref<1x32x128xf32, #tpu.memory_space<vmem>>
    %dma_start3A_498 = tpu.memref_squeeze %dma_start3A_497 : memref<1x32x128xf32, #tpu.memory_space<vmem>> -> memref<32x128xf32, #tpu.memory_space<vmem>>
    %dma_start3A_499 = arith.constant 0 : i32
    %dma_start3A_500 = tpu.memref_slice %arg2[%dma_start3A_499, %multiple_of3A_487] : memref<32x1000000xf32, #tpu.memory_space<hbm>> -> memref<32x128xf32, #tpu.memory_space<hbm>>
    tpu.enqueue_dma source(%dma_start3A_500 : memref<32x128xf32, #tpu.memory_space<hbm>>) target(%dma_start3A_498 : memref<32x128xf32, #tpu.memory_space<vmem>>) target_semaphore(%arg13 : memref<!tpu.dma_semaphore, #tpu.memory_space<semaphore_mem>>)
    %get3A_501 = arith.constant 0 : index
    %get3A_502 = tpu.vector_load %arg6[%get3A_501] {strides = array<i32>} : memref<512xi32, #tpu.memory_space<vmem>>, vector<16xi32>,
    %eq3A_503 = arith.constant 9 : i32
    %eq3A_504 = vector.broadcast %eq3A_503 : i32 to vector<16xi32>
    %eq3A_505 = arith.cmpi eq, %iota3A_9, %eq3A_504 : vector<16xi32>
    %broadcast_in_dim3A_506 = arith.constant 0 : i32
    %broadcast_in_dim3A_507 = vector.broadcast %broadcast_in_dim3A_506 : i32 to vector<16xi32>
    %select_n3A_508 = arith.select %eq3A_505, %get3A_502, %broadcast_in_dim3A_507 : vector<16xi1>, vector<16xi32>
    %reduce_max3A_509 = arith.constant true
    %reduce_max3A_510 = vector.broadcast %reduce_max3A_509 : i1 to vector<16xi1>
    %reduce_max3A_511 = arith.constant -2147483648 : i32
    %reduce_max3A_512 = vector.broadcast %reduce_max3A_511 : i32 to vector<16xi32>
    %reduce_max3A_513 = arith.xori %select_n3A_508, %reduce_max3A_512 : vector<16xi32>
    %reduce_max3A_514 = tpu.scan <max>, %reduce_max3A_513 masked %reduce_max3A_510 : vector<16xi32>, vector<16xi1> -> vector<16xi32>
    %reduce_max3A_515 = arith.xori %reduce_max3A_514, %reduce_max3A_512 : vector<16xi32>
    %reduce_max3A_516 = vector.extract %reduce_max3A_515[15] : i32 from vector<16xi32>
    %jit3A_517 = arith.constant 128 : i32
    %div3A_518 = arith.divsi %reduce_max3A_516, %jit3A_517 : i32
    %sign3A_519 = arith.constant 0 : i32
    %sign3A_520 = arith.cmpi sgt, %reduce_max3A_516, %sign3A_519 : i32
    %sign3A_521 = arith.extui %sign3A_520 : i1 to i32
    %sign3A_522 = arith.constant 0 : i32
    %sign3A_523 = arith.cmpi slt, %reduce_max3A_516, %sign3A_522 : i32
    %sign3A_524 = arith.extui %sign3A_523 : i1 to i32
    %sign3A_525 = arith.subi %sign3A_521, %sign3A_524 : i32
    %sign3A_526 = arith.constant 0 : i32
    %sign3A_527 = arith.cmpi sgt, %jit3A_517, %sign3A_526 : i32
    %sign3A_528 = arith.extui %sign3A_527 : i1 to i32
    %sign3A_529 = arith.constant 0 : i32
    %sign3A_530 = arith.cmpi slt, %jit3A_517, %sign3A_529 : i32
    %sign3A_531 = arith.extui %sign3A_530 : i1 to i32
    %sign3A_532 = arith.subi %sign3A_528, %sign3A_531 : i32
    %ne3A_533 = arith.cmpi ne, %sign3A_525, %sign3A_532 : i32
    %rem3A_534 = arith.remsi %reduce_max3A_516, %jit3A_517 : i32
    %ne3A_535 = arith.constant 0 : i32
    %ne3A_536 = arith.cmpi ne, %rem3A_534, %ne3A_535 : i32
    %and3A_537 = arith.andi %ne3A_533, %ne3A_536 : i1
    %sub3A_538 = arith.constant 1 : i32
    %sub3A_539 = arith.subi %div3A_518, %sub3A_538 : i32
    %select_n3A_540 = arith.select %and3A_537, %sub3A_539, %div3A_518 : i32
    %mul3A_541 = arith.constant 128 : i32
    %mul3A_542 = arith.muli %select_n3A_540, %mul3A_541 : i32
    %multiple_of3A_543 = tpu.assume_multiple %mul3A_542, 128 : i32
    %dma_start3A_544 = arith.constant 9 : i32
    %dma_start3A_545 = arith.constant 0 : i32
    %dma_start3A_546 = arith.constant 0 : i32
    %dma_start3A_547 = tpu.memref_slice %arg7[%dma_start3A_544, %dma_start3A_545, %dma_start3A_546] : memref<16x32x128xf32, #tpu.memory_space<vmem>> -> memref<1x32x128xf32, #tpu.memory_space<vmem>>
    %dma_start3A_548 = tpu.memref_squeeze %dma_start3A_547 : memref<1x32x128xf32, #tpu.memory_space<vmem>> -> memref<32x128xf32, #tpu.memory_space<vmem>>
    %dma_start3A_549 = arith.constant 0 : i32
    %dma_start3A_550 = tpu.memref_slice %arg2[%dma_start3A_549, %multiple_of3A_543] : memref<32x1000000xf32, #tpu.memory_space<hbm>> -> memref<32x128xf32, #tpu.memory_space<hbm>>
    %dma_start3A_551 = arith.constant 0 : i32
    %dma_start3A_552 = arith.constant 0 : i32
    %dma_start3A_553 = tpu.memref_slice %arg7[%dma_start3A_544, %dma_start3A_551, %dma_start3A_552] : memref<16x32x128xf32, #tpu.memory_space<vmem>> -> memref<1x32x128xf32, #tpu.memory_space<vmem>>
    %dma_start3A_554 = tpu.memref_squeeze %dma_start3A_553 : memref<1x32x128xf32, #tpu.memory_space<vmem>> -> memref<32x128xf32, #tpu.memory_space<vmem>>
    %dma_start3A_555 = arith.constant 0 : i32
    %dma_start3A_556 = tpu.memref_slice %arg2[%dma_start3A_555, %multiple_of3A_543] : memref<32x1000000xf32, #tpu.memory_space<hbm>> -> memref<32x128xf32, #tpu.memory_space<hbm>>
    tpu.enqueue_dma source(%dma_start3A_556 : memref<32x128xf32, #tpu.memory_space<hbm>>) target(%dma_start3A_554 : memref<32x128xf32, #tpu.memory_space<vmem>>) target_semaphore(%arg13 : memref<!tpu.dma_semaphore, #tpu.memory_space<semaphore_mem>>)
    %get3A_557 = arith.constant 0 : index
    %get3A_558 = tpu.vector_load %arg6[%get3A_557] {strides = array<i32>} : memref<512xi32, #tpu.memory_space<vmem>>, vector<16xi32>,
    %eq3A_559 = arith.constant 10 : i32
    %eq3A_560 = vector.broadcast %eq3A_559 : i32 to vector<16xi32>
    %eq3A_561 = arith.cmpi eq, %iota3A_9, %eq3A_560 : vector<16xi32>
    %broadcast_in_dim3A_562 = arith.constant 0 : i32
    %broadcast_in_dim3A_563 = vector.broadcast %broadcast_in_dim3A_562 : i32 to vector<16xi32>
    %select_n3A_564 = arith.select %eq3A_561, %get3A_558, %broadcast_in_dim3A_563 : vector<16xi1>, vector<16xi32>
    %reduce_max3A_565 = arith.constant true
    %reduce_max3A_566 = vector.broadcast %reduce_max3A_565 : i1 to vector<16xi1>
    %reduce_max3A_567 = arith.constant -2147483648 : i32
    %reduce_max3A_568 = vector.broadcast %reduce_max3A_567 : i32 to vector<16xi32>
    %reduce_max3A_569 = arith.xori %select_n3A_564, %reduce_max3A_568 : vector<16xi32>
    %reduce_max3A_570 = tpu.scan <max>, %reduce_max3A_569 masked %reduce_max3A_566 : vector<16xi32>, vector<16xi1> -> vector<16xi32>
    %reduce_max3A_571 = arith.xori %reduce_max3A_570, %reduce_max3A_568 : vector<16xi32>
    %reduce_max3A_572 = vector.extract %reduce_max3A_571[15] : i32 from vector<16xi32>
    %jit3A_573 = arith.constant 128 : i32
    %div3A_574 = arith.divsi %reduce_max3A_572, %jit3A_573 : i32
    %sign3A_575 = arith.constant 0 : i32
    %sign3A_576 = arith.cmpi sgt, %reduce_max3A_572, %sign3A_575 : i32
    %sign3A_577 = arith.extui %sign3A_576 : i1 to i32
    %sign3A_578 = arith.constant 0 : i32
    %sign3A_579 = arith.cmpi slt, %reduce_max3A_572, %sign3A_578 : i32
    %sign3A_580 = arith.extui %sign3A_579 : i1 to i32
    %sign3A_581 = arith.subi %sign3A_577, %sign3A_580 : i32
    %sign3A_582 = arith.constant 0 : i32
    %sign3A_583 = arith.cmpi sgt, %jit3A_573, %sign3A_582 : i32
    %sign3A_584 = arith.extui %sign3A_583 : i1 to i32
    %sign3A_585 = arith.constant 0 : i32
    %sign3A_586 = arith.cmpi slt, %jit3A_573, %sign3A_585 : i32
    %sign3A_587 = arith.extui %sign3A_586 : i1 to i32
    %sign3A_588 = arith.subi %sign3A_584, %sign3A_587 : i32
    %ne3A_589 = arith.cmpi ne, %sign3A_581, %sign3A_588 : i32
    %rem3A_590 = arith.remsi %reduce_max3A_572, %jit3A_573 : i32
    %ne3A_591 = arith.constant 0 : i32
    %ne3A_592 = arith.cmpi ne, %rem3A_590, %ne3A_591 : i32
    %and3A_593 = arith.andi %ne3A_589, %ne3A_592 : i1
    %sub3A_594 = arith.constant 1 : i32
    %sub3A_595 = arith.subi %div3A_574, %sub3A_594 : i32
    %select_n3A_596 = arith.select %and3A_593, %sub3A_595, %div3A_574 : i32
    %mul3A_597 = arith.constant 128 : i32
    %mul3A_598 = arith.muli %select_n3A_596, %mul3A_597 : i32
    %multiple_of3A_599 = tpu.assume_multiple %mul3A_598, 128 : i32
    %dma_start3A_600 = arith.constant 10 : i32
    %dma_start3A_601 = arith.constant 0 : i32
    %dma_start3A_602 = arith.constant 0 : i32
    %dma_start3A_603 = tpu.memref_slice %arg7[%dma_start3A_600, %dma_start3A_601, %dma_start3A_602] : memref<16x32x128xf32, #tpu.memory_space<vmem>> -> memref<1x32x128xf32, #tpu.memory_space<vmem>>
    %dma_start3A_604 = tpu.memref_squeeze %dma_start3A_603 : memref<1x32x128xf32, #tpu.memory_space<vmem>> -> memref<32x128xf32, #tpu.memory_space<vmem>>
    %dma_start3A_605 = arith.constant 0 : i32
    %dma_start3A_606 = tpu.memref_slice %arg2[%dma_start3A_605, %multiple_of3A_599] : memref<32x1000000xf32, #tpu.memory_space<hbm>> -> memref<32x128xf32, #tpu.memory_space<hbm>>
    %dma_start3A_607 = arith.constant 0 : i32
    %dma_start3A_608 = arith.constant 0 : i32
    %dma_start3A_609 = tpu.memref_slice %arg7[%dma_start3A_600, %dma_start3A_607, %dma_start3A_608] : memref<16x32x128xf32, #tpu.memory_space<vmem>> -> memref<1x32x128xf32, #tpu.memory_space<vmem>>
    %dma_start3A_610 = tpu.memref_squeeze %dma_start3A_609 : memref<1x32x128xf32, #tpu.memory_space<vmem>> -> memref<32x128xf32, #tpu.memory_space<vmem>>
    %dma_start3A_611 = arith.constant 0 : i32
    %dma_start3A_612 = tpu.memref_slice %arg2[%dma_start3A_611, %multiple_of3A_599] : memref<32x1000000xf32, #tpu.memory_space<hbm>> -> memref<32x128xf32, #tpu.memory_space<hbm>>
    tpu.enqueue_dma source(%dma_start3A_612 : memref<32x128xf32, #tpu.memory_space<hbm>>) target(%dma_start3A_610 : memref<32x128xf32, #tpu.memory_space<vmem>>) target_semaphore(%arg14 : memref<!tpu.dma_semaphore, #tpu.memory_space<semaphore_mem>>)
    %get3A_613 = arith.constant 0 : index
    %get3A_614 = tpu.vector_load %arg6[%get3A_613] {strides = array<i32>} : memref<512xi32, #tpu.memory_space<vmem>>, vector<16xi32>,
    %eq3A_615 = arith.constant 11 : i32
    %eq3A_616 = vector.broadcast %eq3A_615 : i32 to vector<16xi32>
    %eq3A_617 = arith.cmpi eq, %iota3A_9, %eq3A_616 : vector<16xi32>
    %broadcast_in_dim3A_618 = arith.constant 0 : i32
    %broadcast_in_dim3A_619 = vector.broadcast %broadcast_in_dim3A_618 : i32 to vector<16xi32>
    %select_n3A_620 = arith.select %eq3A_617, %get3A_614, %broadcast_in_dim3A_619 : vector<16xi1>, vector<16xi32>
    %reduce_max3A_621 = arith.constant true
    %reduce_max3A_622 = vector.broadcast %reduce_max3A_621 : i1 to vector<16xi1>
    %reduce_max3A_623 = arith.constant -2147483648 : i32
    %reduce_max3A_624 = vector.broadcast %reduce_max3A_623 : i32 to vector<16xi32>
    %reduce_max3A_625 = arith.xori %select_n3A_620, %reduce_max3A_624 : vector<16xi32>
    %reduce_max3A_626 = tpu.scan <max>, %reduce_max3A_625 masked %reduce_max3A_622 : vector<16xi32>, vector<16xi1> -> vector<16xi32>
    %reduce_max3A_627 = arith.xori %reduce_max3A_626, %reduce_max3A_624 : vector<16xi32>
    %reduce_max3A_628 = vector.extract %reduce_max3A_627[15] : i32 from vector<16xi32>
    %jit3A_629 = arith.constant 128 : i32
    %div3A_630 = arith.divsi %reduce_max3A_628, %jit3A_629 : i32
    %sign3A_631 = arith.constant 0 : i32
    %sign3A_632 = arith.cmpi sgt, %reduce_max3A_628, %sign3A_631 : i32
    %sign3A_633 = arith.extui %sign3A_632 : i1 to i32
    %sign3A_634 = arith.constant 0 : i32
    %sign3A_635 = arith.cmpi slt, %reduce_max3A_628, %sign3A_634 : i32
    %sign3A_636 = arith.extui %sign3A_635 : i1 to i32
    %sign3A_637 = arith.subi %sign3A_633, %sign3A_636 : i32
    %sign3A_638 = arith.constant 0 : i32
    %sign3A_639 = arith.cmpi sgt, %jit3A_629, %sign3A_638 : i32
    %sign3A_640 = arith.extui %sign3A_639 : i1 to i32
    %sign3A_641 = arith.constant 0 : i32
    %sign3A_642 = arith.cmpi slt, %jit3A_629, %sign3A_641 : i32
    %sign3A_643 = arith.extui %sign3A_642 : i1 to i32
    %sign3A_644 = arith.subi %sign3A_640, %sign3A_643 : i32
    %ne3A_645 = arith.cmpi ne, %sign3A_637, %sign3A_644 : i32
    %rem3A_646 = arith.remsi %reduce_max3A_628, %jit3A_629 : i32
    %ne3A_647 = arith.constant 0 : i32
    %ne3A_648 = arith.cmpi ne, %rem3A_646, %ne3A_647 : i32
    %and3A_649 = arith.andi %ne3A_645, %ne3A_648 : i1
    %sub3A_650 = arith.constant 1 : i32
    %sub3A_651 = arith.subi %div3A_630, %sub3A_650 : i32
    %select_n3A_652 = arith.select %and3A_649, %sub3A_651, %div3A_630 : i32
    %mul3A_653 = arith.constant 128 : i32
    %mul3A_654 = arith.muli %select_n3A_652, %mul3A_653 : i32
    %multiple_of3A_655 = tpu.assume_multiple %mul3A_654, 128 : i32
    %dma_start3A_656 = arith.constant 11 : i32
    %dma_start3A_657 = arith.constant 0 : i32
    %dma_start3A_658 = arith.constant 0 : i32
    %dma_start3A_659 = tpu.memref_slice %arg7[%dma_start3A_656, %dma_start3A_657, %dma_start3A_658] : memref<16x32x128xf32, #tpu.memory_space<vmem>> -> memref<1x32x128xf32, #tpu.memory_space<vmem>>
    %dma_start3A_660 = tpu.memref_squeeze %dma_start3A_659 : memref<1x32x128xf32, #tpu.memory_space<vmem>> -> memref<32x128xf32, #tpu.memory_space<vmem>>
    %dma_start3A_661 = arith.constant 0 : i32
    %dma_start3A_662 = tpu.memref_slice %arg2[%dma_start3A_661, %multiple_of3A_655] : memref<32x1000000xf32, #tpu.memory_space<hbm>> -> memref<32x128xf32, #tpu.memory_space<hbm>>
    %dma_start3A_663 = arith.constant 0 : i32
    %dma_start3A_664 = arith.constant 0 : i32
    %dma_start3A_665 = tpu.memref_slice %arg7[%dma_start3A_656, %dma_start3A_663, %dma_start3A_664] : memref<16x32x128xf32, #tpu.memory_space<vmem>> -> memref<1x32x128xf32, #tpu.memory_space<vmem>>
    %dma_start3A_666 = tpu.memref_squeeze %dma_start3A_665 : memref<1x32x128xf32, #tpu.memory_space<vmem>> -> memref<32x128xf32, #tpu.memory_space<vmem>>
    %dma_start3A_667 = arith.constant 0 : i32
    %dma_start3A_668 = tpu.memref_slice %arg2[%dma_start3A_667, %multiple_of3A_655] : memref<32x1000000xf32, #tpu.memory_space<hbm>> -> memref<32x128xf32, #tpu.memory_space<hbm>>
    tpu.enqueue_dma source(%dma_start3A_668 : memref<32x128xf32, #tpu.memory_space<hbm>>) target(%dma_start3A_666 : memref<32x128xf32, #tpu.memory_space<vmem>>) target_semaphore(%arg14 : memref<!tpu.dma_semaphore, #tpu.memory_space<semaphore_mem>>)
    %get3A_669 = arith.constant 0 : index
    %get3A_670 = tpu.vector_load %arg6[%get3A_669] {strides = array<i32>} : memref<512xi32, #tpu.memory_space<vmem>>, vector<16xi32>,
    %eq3A_671 = arith.constant 12 : i32
    %eq3A_672 = vector.broadcast %eq3A_671 : i32 to vector<16xi32>
    %eq3A_673 = arith.cmpi eq, %iota3A_9, %eq3A_672 : vector<16xi32>
    %broadcast_in_dim3A_674 = arith.constant 0 : i32
    %broadcast_in_dim3A_675 = vector.broadcast %broadcast_in_dim3A_674 : i32 to vector<16xi32>
    %select_n3A_676 = arith.select %eq3A_673, %get3A_670, %broadcast_in_dim3A_675 : vector<16xi1>, vector<16xi32>
    %reduce_max3A_677 = arith.constant true
    %reduce_max3A_678 = vector.broadcast %reduce_max3A_677 : i1 to vector<16xi1>
    %reduce_max3A_679 = arith.constant -2147483648 : i32
    %reduce_max3A_680 = vector.broadcast %reduce_max3A_679 : i32 to vector<16xi32>
    %reduce_max3A_681 = arith.xori %select_n3A_676, %reduce_max3A_680 : vector<16xi32>
    %reduce_max3A_682 = tpu.scan <max>, %reduce_max3A_681 masked %reduce_max3A_678 : vector<16xi32>, vector<16xi1> -> vector<16xi32>
    %reduce_max3A_683 = arith.xori %reduce_max3A_682, %reduce_max3A_680 : vector<16xi32>
    %reduce_max3A_684 = vector.extract %reduce_max3A_683[15] : i32 from vector<16xi32>
    %jit3A_685 = arith.constant 128 : i32
    %div3A_686 = arith.divsi %reduce_max3A_684, %jit3A_685 : i32
    %sign3A_687 = arith.constant 0 : i32
    %sign3A_688 = arith.cmpi sgt, %reduce_max3A_684, %sign3A_687 : i32
    %sign3A_689 = arith.extui %sign3A_688 : i1 to i32
    %sign3A_690 = arith.constant 0 : i32
    %sign3A_691 = arith.cmpi slt, %reduce_max3A_684, %sign3A_690 : i32
    %sign3A_692 = arith.extui %sign3A_691 : i1 to i32
    %sign3A_693 = arith.subi %sign3A_689, %sign3A_692 : i32
    %sign3A_694 = arith.constant 0 : i32
    %sign3A_695 = arith.cmpi sgt, %jit3A_685, %sign3A_694 : i32
    %sign3A_696 = arith.extui %sign3A_695 : i1 to i32
    %sign3A_697 = arith.constant 0 : i32
    %sign3A_698 = arith.cmpi slt, %jit3A_685, %sign3A_697 : i32
    %sign3A_699 = arith.extui %sign3A_698 : i1 to i32
    %sign3A_700 = arith.subi %sign3A_696, %sign3A_699 : i32
    %ne3A_701 = arith.cmpi ne, %sign3A_693, %sign3A_700 : i32
    %rem3A_702 = arith.remsi %reduce_max3A_684, %jit3A_685 : i32
    %ne3A_703 = arith.constant 0 : i32
    %ne3A_704 = arith.cmpi ne, %rem3A_702, %ne3A_703 : i32
    %and3A_705 = arith.andi %ne3A_701, %ne3A_704 : i1
    %sub3A_706 = arith.constant 1 : i32
    %sub3A_707 = arith.subi %div3A_686, %sub3A_706 : i32
    %select_n3A_708 = arith.select %and3A_705, %sub3A_707, %div3A_686 : i32
    %mul3A_709 = arith.constant 128 : i32
    %mul3A_710 = arith.muli %select_n3A_708, %mul3A_709 : i32
    %multiple_of3A_711 = tpu.assume_multiple %mul3A_710, 128 : i32
    %dma_start3A_712 = arith.constant 12 : i32
    %dma_start3A_713 = arith.constant 0 : i32
    %dma_start3A_714 = arith.constant 0 : i32
    %dma_start3A_715 = tpu.memref_slice %arg7[%dma_start3A_712, %dma_start3A_713, %dma_start3A_714] : memref<16x32x128xf32, #tpu.memory_space<vmem>> -> memref<1x32x128xf32, #tpu.memory_space<vmem>>
    %dma_start3A_716 = tpu.memref_squeeze %dma_start3A_715 : memref<1x32x128xf32, #tpu.memory_space<vmem>> -> memref<32x128xf32, #tpu.memory_space<vmem>>
    %dma_start3A_717 = arith.constant 0 : i32
    %dma_start3A_718 = tpu.memref_slice %arg2[%dma_start3A_717, %multiple_of3A_711] : memref<32x1000000xf32, #tpu.memory_space<hbm>> -> memref<32x128xf32, #tpu.memory_space<hbm>>
    %dma_start3A_719 = arith.constant 0 : i32
    %dma_start3A_720 = arith.constant 0 : i32
    %dma_start3A_721 = tpu.memref_slice %arg7[%dma_start3A_712, %dma_start3A_719, %dma_start3A_720] : memref<16x32x128xf32, #tpu.memory_space<vmem>> -> memref<1x32x128xf32, #tpu.memory_space<vmem>>
    %dma_start3A_722 = tpu.memref_squeeze %dma_start3A_721 : memref<1x32x128xf32, #tpu.memory_space<vmem>> -> memref<32x128xf32, #tpu.memory_space<vmem>>
    %dma_start3A_723 = arith.constant 0 : i32
    %dma_start3A_724 = tpu.memref_slice %arg2[%dma_start3A_723, %multiple_of3A_711] : memref<32x1000000xf32, #tpu.memory_space<hbm>> -> memref<32x128xf32, #tpu.memory_space<hbm>>
    tpu.enqueue_dma source(%dma_start3A_724 : memref<32x128xf32, #tpu.memory_space<hbm>>) target(%dma_start3A_722 : memref<32x128xf32, #tpu.memory_space<vmem>>) target_semaphore(%arg15 : memref<!tpu.dma_semaphore, #tpu.memory_space<semaphore_mem>>)
    %get3A_725 = arith.constant 0 : index
    %get3A_726 = tpu.vector_load %arg6[%get3A_725] {strides = array<i32>} : memref<512xi32, #tpu.memory_space<vmem>>, vector<16xi32>,
    %eq3A_727 = arith.constant 13 : i32
    %eq3A_728 = vector.broadcast %eq3A_727 : i32 to vector<16xi32>
    %eq3A_729 = arith.cmpi eq, %iota3A_9, %eq3A_728 : vector<16xi32>
    %broadcast_in_dim3A_730 = arith.constant 0 : i32
    %broadcast_in_dim3A_731 = vector.broadcast %broadcast_in_dim3A_730 : i32 to vector<16xi32>
    %select_n3A_732 = arith.select %eq3A_729, %get3A_726, %broadcast_in_dim3A_731 : vector<16xi1>, vector<16xi32>
    %reduce_max3A_733 = arith.constant true
    %reduce_max3A_734 = vector.broadcast %reduce_max3A_733 : i1 to vector<16xi1>
    %reduce_max3A_735 = arith.constant -2147483648 : i32
    %reduce_max3A_736 = vector.broadcast %reduce_max3A_735 : i32 to vector<16xi32>
    %reduce_max3A_737 = arith.xori %select_n3A_732, %reduce_max3A_736 : vector<16xi32>
    %reduce_max3A_738 = tpu.scan <max>, %reduce_max3A_737 masked %reduce_max3A_734 : vector<16xi32>, vector<16xi1> -> vector<16xi32>
    %reduce_max3A_739 = arith.xori %reduce_max3A_738, %reduce_max3A_736 : vector<16xi32>
    %reduce_max3A_740 = vector.extract %reduce_max3A_739[15] : i32 from vector<16xi32>
    %jit3A_741 = arith.constant 128 : i32
    %div3A_742 = arith.divsi %reduce_max3A_740, %jit3A_741 : i32
    %sign3A_743 = arith.constant 0 : i32
    %sign3A_744 = arith.cmpi sgt, %reduce_max3A_740, %sign3A_743 : i32
    %sign3A_745 = arith.extui %sign3A_744 : i1 to i32
    %sign3A_746 = arith.constant 0 : i32
    %sign3A_747 = arith.cmpi slt, %reduce_max3A_740, %sign3A_746 : i32
    %sign3A_748 = arith.extui %sign3A_747 : i1 to i32
    %sign3A_749 = arith.subi %sign3A_745, %sign3A_748 : i32
    %sign3A_750 = arith.constant 0 : i32
    %sign3A_751 = arith.cmpi sgt, %jit3A_741, %sign3A_750 : i32
    %sign3A_752 = arith.extui %sign3A_751 : i1 to i32
    %sign3A_753 = arith.constant 0 : i32
    %sign3A_754 = arith.cmpi slt, %jit3A_741, %sign3A_753 : i32
    %sign3A_755 = arith.extui %sign3A_754 : i1 to i32
    %sign3A_756 = arith.subi %sign3A_752, %sign3A_755 : i32
    %ne3A_757 = arith.cmpi ne, %sign3A_749, %sign3A_756 : i32
    %rem3A_758 = arith.remsi %reduce_max3A_740, %jit3A_741 : i32
    %ne3A_759 = arith.constant 0 : i32
    %ne3A_760 = arith.cmpi ne, %rem3A_758, %ne3A_759 : i32
    %and3A_761 = arith.andi %ne3A_757, %ne3A_760 : i1
    %sub3A_762 = arith.constant 1 : i32
    %sub3A_763 = arith.subi %div3A_742, %sub3A_762 : i32
    %select_n3A_764 = arith.select %and3A_761, %sub3A_763, %div3A_742 : i32
    %mul3A_765 = arith.constant 128 : i32
    %mul3A_766 = arith.muli %select_n3A_764, %mul3A_765 : i32
    %multiple_of3A_767 = tpu.assume_multiple %mul3A_766, 128 : i32
    %dma_start3A_768 = arith.constant 13 : i32
    %dma_start3A_769 = arith.constant 0 : i32
    %dma_start3A_770 = arith.constant 0 : i32
    %dma_start3A_771 = tpu.memref_slice %arg7[%dma_start3A_768, %dma_start3A_769, %dma_start3A_770] : memref<16x32x128xf32, #tpu.memory_space<vmem>> -> memref<1x32x128xf32, #tpu.memory_space<vmem>>
    %dma_start3A_772 = tpu.memref_squeeze %dma_start3A_771 : memref<1x32x128xf32, #tpu.memory_space<vmem>> -> memref<32x128xf32, #tpu.memory_space<vmem>>
    %dma_start3A_773 = arith.constant 0 : i32
    %dma_start3A_774 = tpu.memref_slice %arg2[%dma_start3A_773, %multiple_of3A_767] : memref<32x1000000xf32, #tpu.memory_space<hbm>> -> memref<32x128xf32, #tpu.memory_space<hbm>>
    %dma_start3A_775 = arith.constant 0 : i32
    %dma_start3A_776 = arith.constant 0 : i32
    %dma_start3A_777 = tpu.memref_slice %arg7[%dma_start3A_768, %dma_start3A_775, %dma_start3A_776] : memref<16x32x128xf32, #tpu.memory_space<vmem>> -> memref<1x32x128xf32, #tpu.memory_space<vmem>>
    %dma_start3A_778 = tpu.memref_squeeze %dma_start3A_777 : memref<1x32x128xf32, #tpu.memory_space<vmem>> -> memref<32x128xf32, #tpu.memory_space<vmem>>
    %dma_start3A_779 = arith.constant 0 : i32
    %dma_start3A_780 = tpu.memref_slice %arg2[%dma_start3A_779, %multiple_of3A_767] : memref<32x1000000xf32, #tpu.memory_space<hbm>> -> memref<32x128xf32, #tpu.memory_space<hbm>>
    tpu.enqueue_dma source(%dma_start3A_780 : memref<32x128xf32, #tpu.memory_space<hbm>>) target(%dma_start3A_778 : memref<32x128xf32, #tpu.memory_space<vmem>>) target_semaphore(%arg15 : memref<!tpu.dma_semaphore, #tpu.memory_space<semaphore_mem>>)
    %get3A_781 = arith.constant 0 : index
    %get3A_782 = tpu.vector_load %arg6[%get3A_781] {strides = array<i32>} : memref<512xi32, #tpu.memory_space<vmem>>, vector<16xi32>,
    %eq3A_783 = arith.constant 14 : i32
    %eq3A_784 = vector.broadcast %eq3A_783 : i32 to vector<16xi32>
    %eq3A_785 = arith.cmpi eq, %iota3A_9, %eq3A_784 : vector<16xi32>
    %broadcast_in_dim3A_786 = arith.constant 0 : i32
    %broadcast_in_dim3A_787 = vector.broadcast %broadcast_in_dim3A_786 : i32 to vector<16xi32>
    %select_n3A_788 = arith.select %eq3A_785, %get3A_782, %broadcast_in_dim3A_787 : vector<16xi1>, vector<16xi32>
    %reduce_max3A_789 = arith.constant true
    %reduce_max3A_790 = vector.broadcast %reduce_max3A_789 : i1 to vector<16xi1>
    %reduce_max3A_791 = arith.constant -2147483648 : i32
    %reduce_max3A_792 = vector.broadcast %reduce_max3A_791 : i32 to vector<16xi32>
    %reduce_max3A_793 = arith.xori %select_n3A_788, %reduce_max3A_792 : vector<16xi32>
    %reduce_max3A_794 = tpu.scan <max>, %reduce_max3A_793 masked %reduce_max3A_790 : vector<16xi32>, vector<16xi1> -> vector<16xi32>
    %reduce_max3A_795 = arith.xori %reduce_max3A_794, %reduce_max3A_792 : vector<16xi32>
    %reduce_max3A_796 = vector.extract %reduce_max3A_795[15] : i32 from vector<16xi32>
    %jit3A_797 = arith.constant 128 : i32
    %div3A_798 = arith.divsi %reduce_max3A_796, %jit3A_797 : i32
    %sign3A_799 = arith.constant 0 : i32
    %sign3A_800 = arith.cmpi sgt, %reduce_max3A_796, %sign3A_799 : i32
    %sign3A_801 = arith.extui %sign3A_800 : i1 to i32
    %sign3A_802 = arith.constant 0 : i32
    %sign3A_803 = arith.cmpi slt, %reduce_max3A_796, %sign3A_802 : i32
    %sign3A_804 = arith.extui %sign3A_803 : i1 to i32
    %sign3A_805 = arith.subi %sign3A_801, %sign3A_804 : i32
    %sign3A_806 = arith.constant 0 : i32
    %sign3A_807 = arith.cmpi sgt, %jit3A_797, %sign3A_806 : i32
    %sign3A_808 = arith.extui %sign3A_807 : i1 to i32
    %sign3A_809 = arith.constant 0 : i32
    %sign3A_810 = arith.cmpi slt, %jit3A_797, %sign3A_809 : i32
    %sign3A_811 = arith.extui %sign3A_810 : i1 to i32
    %sign3A_812 = arith.subi %sign3A_808, %sign3A_811 : i32
    %ne3A_813 = arith.cmpi ne, %sign3A_805, %sign3A_812 : i32
    %rem3A_814 = arith.remsi %reduce_max3A_796, %jit3A_797 : i32
    %ne3A_815 = arith.constant 0 : i32
    %ne3A_816 = arith.cmpi ne, %rem3A_814, %ne3A_815 : i32
    %and3A_817 = arith.andi %ne3A_813, %ne3A_816 : i1
    %sub3A_818 = arith.constant 1 : i32
    %sub3A_819 = arith.subi %div3A_798, %sub3A_818 : i32
    %select_n3A_820 = arith.select %and3A_817, %sub3A_819, %div3A_798 : i32
    %mul3A_821 = arith.constant 128 : i32
    %mul3A_822 = arith.muli %select_n3A_820, %mul3A_821 : i32
    %multiple_of3A_823 = tpu.assume_multiple %mul3A_822, 128 : i32
    %dma_start3A_824 = arith.constant 14 : i32
    %dma_start3A_825 = arith.constant 0 : i32
    %dma_start3A_826 = arith.constant 0 : i32
    %dma_start3A_827 = tpu.memref_slice %arg7[%dma_start3A_824, %dma_start3A_825, %dma_start3A_826] : memref<16x32x128xf32, #tpu.memory_space<vmem>> -> memref<1x32x128xf32, #tpu.memory_space<vmem>>
    %dma_start3A_828 = tpu.memref_squeeze %dma_start3A_827 : memref<1x32x128xf32, #tpu.memory_space<vmem>> -> memref<32x128xf32, #tpu.memory_space<vmem>>
    %dma_start3A_829 = arith.constant 0 : i32
    %dma_start3A_830 = tpu.memref_slice %arg2[%dma_start3A_829, %multiple_of3A_823] : memref<32x1000000xf32, #tpu.memory_space<hbm>> -> memref<32x128xf32, #tpu.memory_space<hbm>>
    %dma_start3A_831 = arith.constant 0 : i32
    %dma_start3A_832 = arith.constant 0 : i32
    %dma_start3A_833 = tpu.memref_slice %arg7[%dma_start3A_824, %dma_start3A_831, %dma_start3A_832] : memref<16x32x128xf32, #tpu.memory_space<vmem>> -> memref<1x32x128xf32, #tpu.memory_space<vmem>>
    %dma_start3A_834 = tpu.memref_squeeze %dma_start3A_833 : memref<1x32x128xf32, #tpu.memory_space<vmem>> -> memref<32x128xf32, #tpu.memory_space<vmem>>
    %dma_start3A_835 = arith.constant 0 : i32
    %dma_start3A_836 = tpu.memref_slice %arg2[%dma_start3A_835, %multiple_of3A_823] : memref<32x1000000xf32, #tpu.memory_space<hbm>> -> memref<32x128xf32, #tpu.memory_space<hbm>>
    tpu.enqueue_dma source(%dma_start3A_836 : memref<32x128xf32, #tpu.memory_space<hbm>>) target(%dma_start3A_834 : memref<32x128xf32, #tpu.memory_space<vmem>>) target_semaphore(%arg16 : memref<!tpu.dma_semaphore, #tpu.memory_space<semaphore_mem>>)
    %get3A_837 = arith.constant 0 : index
    %get3A_838 = tpu.vector_load %arg6[%get3A_837] {strides = array<i32>} : memref<512xi32, #tpu.memory_space<vmem>>, vector<16xi32>,
    %eq3A_839 = arith.constant 15 : i32
    %eq3A_840 = vector.broadcast %eq3A_839 : i32 to vector<16xi32>
    %eq3A_841 = arith.cmpi eq, %iota3A_9, %eq3A_840 : vector<16xi32>
    %broadcast_in_dim3A_842 = arith.constant 0 : i32
    %broadcast_in_dim3A_843 = vector.broadcast %broadcast_in_dim3A_842 : i32 to vector<16xi32>
    %select_n3A_844 = arith.select %eq3A_841, %get3A_838, %broadcast_in_dim3A_843 : vector<16xi1>, vector<16xi32>
    %reduce_max3A_845 = arith.constant true
    %reduce_max3A_846 = vector.broadcast %reduce_max3A_845 : i1 to vector<16xi1>
    %reduce_max3A_847 = arith.constant -2147483648 : i32
    %reduce_max3A_848 = vector.broadcast %reduce_max3A_847 : i32 to vector<16xi32>
    %reduce_max3A_849 = arith.xori %select_n3A_844, %reduce_max3A_848 : vector<16xi32>
    %reduce_max3A_850 = tpu.scan <max>, %reduce_max3A_849 masked %reduce_max3A_846 : vector<16xi32>, vector<16xi1> -> vector<16xi32>
    %reduce_max3A_851 = arith.xori %reduce_max3A_850, %reduce_max3A_848 : vector<16xi32>
    %reduce_max3A_852 = vector.extract %reduce_max3A_851[15] : i32 from vector<16xi32>
    %jit3A_853 = arith.constant 128 : i32
    %div3A_854 = arith.divsi %reduce_max3A_852, %jit3A_853 : i32
    %sign3A_855 = arith.constant 0 : i32
    %sign3A_856 = arith.cmpi sgt, %reduce_max3A_852, %sign3A_855 : i32
    %sign3A_857 = arith.extui %sign3A_856 : i1 to i32
    %sign3A_858 = arith.constant 0 : i32
    %sign3A_859 = arith.cmpi slt, %reduce_max3A_852, %sign3A_858 : i32
    %sign3A_860 = arith.extui %sign3A_859 : i1 to i32
    %sign3A_861 = arith.subi %sign3A_857, %sign3A_860 : i32
    %sign3A_862 = arith.constant 0 : i32
    %sign3A_863 = arith.cmpi sgt, %jit3A_853, %sign3A_862 : i32
    %sign3A_864 = arith.extui %sign3A_863 : i1 to i32
    %sign3A_865 = arith.constant 0 : i32
    %sign3A_866 = arith.cmpi slt, %jit3A_853, %sign3A_865 : i32
    %sign3A_867 = arith.extui %sign3A_866 : i1 to i32
    %sign3A_868 = arith.subi %sign3A_864, %sign3A_867 : i32
    %ne3A_869 = arith.cmpi ne, %sign3A_861, %sign3A_868 : i32
    %rem3A_870 = arith.remsi %reduce_max3A_852, %jit3A_853 : i32
    %ne3A_871 = arith.constant 0 : i32
    %ne3A_872 = arith.cmpi ne, %rem3A_870, %ne3A_871 : i32
    %and3A_873 = arith.andi %ne3A_869, %ne3A_872 : i1
    %sub3A_874 = arith.constant 1 : i32
    %sub3A_875 = arith.subi %div3A_854, %sub3A_874 : i32
    %select_n3A_876 = arith.select %and3A_873, %sub3A_875, %div3A_854 : i32
    %mul3A_877 = arith.constant 128 : i32
    %mul3A_878 = arith.muli %select_n3A_876, %mul3A_877 : i32
    %multiple_of3A_879 = tpu.assume_multiple %mul3A_878, 128 : i32
    %dma_start3A_880 = arith.constant 15 : i32
    %dma_start3A_881 = arith.constant 0 : i32
    %dma_start3A_882 = arith.constant 0 : i32
    %dma_start3A_883 = tpu.memref_slice %arg7[%dma_start3A_880, %dma_start3A_881, %dma_start3A_882] : memref<16x32x128xf32, #tpu.memory_space<vmem>> -> memref<1x32x128xf32, #tpu.memory_space<vmem>>
    %dma_start3A_884 = tpu.memref_squeeze %dma_start3A_883 : memref<1x32x128xf32, #tpu.memory_space<vmem>> -> memref<32x128xf32, #tpu.memory_space<vmem>>
    %dma_start3A_885 = arith.constant 0 : i32
    %dma_start3A_886 = tpu.memref_slice %arg2[%dma_start3A_885, %multiple_of3A_879] : memref<32x1000000xf32, #tpu.memory_space<hbm>> -> memref<32x128xf32, #tpu.memory_space<hbm>>
    %dma_start3A_887 = arith.constant 0 : i32
    %dma_start3A_888 = arith.constant 0 : i32
    %dma_start3A_889 = tpu.memref_slice %arg7[%dma_start3A_880, %dma_start3A_887, %dma_start3A_888] : memref<16x32x128xf32, #tpu.memory_space<vmem>> -> memref<1x32x128xf32, #tpu.memory_space<vmem>>
    %dma_start3A_890 = tpu.memref_squeeze %dma_start3A_889 : memref<1x32x128xf32, #tpu.memory_space<vmem>> -> memref<32x128xf32, #tpu.memory_space<vmem>>
    %dma_start3A_891 = arith.constant 0 : i32
    %dma_start3A_892 = tpu.memref_slice %arg2[%dma_start3A_891, %multiple_of3A_879] : memref<32x1000000xf32, #tpu.memory_space<hbm>> -> memref<32x128xf32, #tpu.memory_space<hbm>>
    tpu.enqueue_dma source(%dma_start3A_892 : memref<32x128xf32, #tpu.memory_space<hbm>>) target(%dma_start3A_890 : memref<32x128xf32, #tpu.memory_space<vmem>>) target_semaphore(%arg16 : memref<!tpu.dma_semaphore, #tpu.memory_space<semaphore_mem>>)
    %scan3A = arith.constant 0 : i32
    %scan3A_893 = arith.constant 32 : i32
    %scan3A_894 = arith.addi %scan3A, %scan3A_893 : i32
    %scan3A_895 = arith.constant 1 : i32
    scf.for %scan3A_900 = %scan3A to %scan3A_894 step %scan3A_895  : i32 {
      %mul3A_901 = arith.constant 1 : i32
      %mul3A_902 = arith.muli %scan3A_900, %mul3A_901 : i32
      %add3A_903 = arith.constant 0 : i32
      %add3A_904 = arith.addi %add3A_903, %mul3A_902 : i32
      %dma_wait3A_905 = arith.constant 0 : i32
      %dma_wait3A_906 = arith.constant 0 : i32
      %dma_wait3A_907 = arith.constant 0 : i32
      %dma_wait3A_908 = tpu.memref_slice %arg7[%dma_wait3A_905, %dma_wait3A_906, %dma_wait3A_907] : memref<16x32x128xf32, #tpu.memory_space<vmem>> -> memref<1x32x128xf32, #tpu.memory_space<vmem>>
      %dma_wait3A_909 = tpu.memref_squeeze %dma_wait3A_908 : memref<1x32x128xf32, #tpu.memory_space<vmem>> -> memref<32x128xf32, #tpu.memory_space<vmem>>
      %dma_wait3A_910 = arith.constant 0 : i32
      %dma_wait3A_911 = arith.constant 0 : i32
      %dma_wait3A_912 = tpu.memref_slice %arg2[%dma_wait3A_910, %dma_wait3A_911] : memref<32x1000000xf32, #tpu.memory_space<hbm>> -> memref<32x128xf32, #tpu.memory_space<hbm>>
      %dma_wait3A_913 = arith.constant 0 : i32
      %dma_wait3A_914 = arith.constant 0 : i32
      %dma_wait3A_915 = tpu.memref_slice %arg7[%dma_wait3A_905, %dma_wait3A_913, %dma_wait3A_914] : memref<16x32x128xf32, #tpu.memory_space<vmem>> -> memref<1x32x128xf32, #tpu.memory_space<vmem>>
      %dma_wait3A_916 = tpu.memref_squeeze %dma_wait3A_915 : memref<1x32x128xf32, #tpu.memory_space<vmem>> -> memref<32x128xf32, #tpu.memory_space<vmem>>
      %dma_wait3A_917 = arith.constant 0 : i32
      %dma_wait3A_918 = arith.constant 0 : i32
      %dma_wait3A_919 = tpu.memref_slice %arg2[%dma_wait3A_917, %dma_wait3A_918] : memref<32x1000000xf32, #tpu.memory_space<hbm>> -> memref<32x128xf32, #tpu.memory_space<hbm>>
      tpu.wait_dma2 semaphore(%arg9 : memref<!tpu.dma_semaphore, #tpu.memory_space<semaphore_mem>>) src(%dma_wait3A_919 : memref<32x128xf32, #tpu.memory_space<hbm>>) dst(%dma_wait3A_916 : memref<32x128xf32, #tpu.memory_space<vmem>>)
      %dma_wait3A_920 = arith.constant 0 : i32
      %dma_wait3A_921 = arith.constant 0 : i32
      %dma_wait3A_922 = arith.constant 0 : i32
      %dma_wait3A_923 = tpu.memref_slice %arg7[%dma_wait3A_920, %dma_wait3A_921, %dma_wait3A_922] : memref<16x32x128xf32, #tpu.memory_space<vmem>> -> memref<1x32x128xf32, #tpu.memory_space<vmem>>
      %dma_wait3A_924 = tpu.memref_squeeze %dma_wait3A_923 : memref<1x32x128xf32, #tpu.memory_space<vmem>> -> memref<32x128xf32, #tpu.memory_space<vmem>>
      %dma_wait3A_925 = arith.constant 0 : i32
      %dma_wait3A_926 = arith.constant 0 : i32
      %dma_wait3A_927 = tpu.memref_slice %arg2[%dma_wait3A_925, %dma_wait3A_926] : memref<32x1000000xf32, #tpu.memory_space<hbm>> -> memref<32x128xf32, #tpu.memory_space<hbm>>
      %dma_wait3A_928 = arith.constant 0 : i32
      %dma_wait3A_929 = arith.constant 0 : i32
      %dma_wait3A_930 = tpu.memref_slice %arg7[%dma_wait3A_920, %dma_wait3A_928, %dma_wait3A_929] : memref<16x32x128xf32, #tpu.memory_space<vmem>> -> memref<1x32x128xf32, #tpu.memory_space<vmem>>
      %dma_wait3A_931 = tpu.memref_squeeze %dma_wait3A_930 : memref<1x32x128xf32, #tpu.memory_space<vmem>> -> memref<32x128xf32, #tpu.memory_space<vmem>>
      %dma_wait3A_932 = arith.constant 0 : i32
      %dma_wait3A_933 = arith.constant 0 : i32
      %dma_wait3A_934 = tpu.memref_slice %arg2[%dma_wait3A_932, %dma_wait3A_933] : memref<32x1000000xf32, #tpu.memory_space<hbm>> -> memref<32x128xf32, #tpu.memory_space<hbm>>
      tpu.wait_dma2 semaphore(%arg9 : memref<!tpu.dma_semaphore, #tpu.memory_space<semaphore_mem>>) src(%dma_wait3A_934 : memref<32x128xf32, #tpu.memory_space<hbm>>) dst(%dma_wait3A_931 : memref<32x128xf32, #tpu.memory_space<vmem>>)
      %mul3A_935 = arith.constant 16 : i32
      %mul3A_936 = arith.muli %add3A_904, %mul3A_935 : i32
      %mul3A_937 = arith.constant 16 : i32
      %mul3A_938 = arith.muli %add3A_904, %mul3A_937 : i32
      %get3A_939 = arith.index_cast %mul3A_938 : i32 to index
      %get3A_940 = tpu.vector_load %arg6[%get3A_939] {strides = array<i32>} : memref<512xi32, #tpu.memory_space<vmem>>, vector<16xi32>,
      %eq3A_941 = arith.constant 0 : i32
      %eq3A_942 = vector.broadcast %eq3A_941 : i32 to vector<16xi32>
      %eq3A_943 = arith.cmpi eq, %iota3A_9, %eq3A_942 : vector<16xi32>
      %broadcast_in_dim3A_944 = arith.constant 0 : i32
      %broadcast_in_dim3A_945 = vector.broadcast %broadcast_in_dim3A_944 : i32 to vector<16xi32>
      %select_n3A_946 = arith.select %eq3A_943, %get3A_940, %broadcast_in_dim3A_945 : vector<16xi1>, vector<16xi32>
      %reduce_max3A_947 = arith.constant true
      %reduce_max3A_948 = vector.broadcast %reduce_max3A_947 : i1 to vector<16xi1>
      %reduce_max3A_949 = arith.constant -2147483648 : i32
      %reduce_max3A_950 = vector.broadcast %reduce_max3A_949 : i32 to vector<16xi32>
      %reduce_max3A_951 = arith.xori %select_n3A_946, %reduce_max3A_950 : vector<16xi32>
      %reduce_max3A_952 = tpu.scan <max>, %reduce_max3A_951 masked %reduce_max3A_948 : vector<16xi32>, vector<16xi1> -> vector<16xi32>
      %reduce_max3A_953 = arith.xori %reduce_max3A_952, %reduce_max3A_950 : vector<16xi32>
      %reduce_max3A_954 = vector.extract %reduce_max3A_953[15] : i32 from vector<16xi32>
      %jit3A_955 = arith.constant 128 : i32
      %eq3A_956 = arith.constant 0 : i32
      %eq3A_957 = arith.cmpi eq, %jit3A_955, %eq3A_956 : i32
      %jit3A_958 = arith.constant 1 : i32
      %select_n3A_959 = arith.select %eq3A_957, %jit3A_958, %jit3A_955 : i32
      %rem3A_960 = arith.remsi %reduce_max3A_954, %select_n3A_959 : i32
      %ne3A_961 = arith.constant 0 : i32
      %ne3A_962 = arith.cmpi ne, %rem3A_960, %ne3A_961 : i32
      %lt3A = arith.constant 0 : i32
      %lt3A_963 = arith.cmpi slt, %rem3A_960, %lt3A : i32
      %lt3A_964 = arith.constant 0 : i32
      %lt3A_965 = arith.cmpi slt, %select_n3A_959, %lt3A_964 : i32
      %ne3A_966 = arith.xori %lt3A_963, %lt3A_965 : i1
      %and3A_967 = arith.andi %ne3A_966, %ne3A_962 : i1
      %add3A_968 = arith.addi %rem3A_960, %select_n3A_959 : i32
      %select_n3A_969 = arith.select %and3A_967, %add3A_968, %rem3A_960 : i32
      %broadcast_in_dim3A_970 = vector.broadcast %select_n3A_969 : i32 to vector<16xi32>
      %add3A_971 = arith.constant 0 : i32
      %add3A_972 = arith.addi %mul3A_936, %add3A_971 : i32
      %broadcast_in_dim3A_973 = vector.broadcast %add3A_972 : i32 to vector<16xi32>
      %gather3A = arith.constant 0 : i32
      %gather3A_974 = arith.constant 0 : i32
      %gather3A_975 = arith.constant 0 : i32
      %gather3A_976 = tpu.memref_slice %arg7[%gather3A, %gather3A_974, %gather3A_975] : memref<16x32x128xf32, #tpu.memory_space<vmem>> -> memref<1x32x128xf32, #tpu.memory_space<vmem>>
      %gather3A_977 = tpu.memref_squeeze %gather3A_976 : memref<1x32x128xf32, #tpu.memory_space<vmem>> -> memref<32x128xf32, #tpu.memory_space<vmem>>
      %gather3A_978 = tpu.vector_load_idx %gather3A_977[%iota3A, %broadcast_in_dim3A_970] : memref<32x128xf32, #tpu.memory_space<vmem>>[vector<16xi32>, vector<16xi32>], vector<16xf32>,
      %gather3A_979 = arith.constant 0 : i32
      %gather3A_980 = arith.constant 0 : i32
      %gather3A_981 = arith.constant 0 : i32
      %gather3A_982 = tpu.memref_slice %arg7[%gather3A_979, %gather3A_980, %gather3A_981] : memref<16x32x128xf32, #tpu.memory_space<vmem>> -> memref<1x32x128xf32, #tpu.memory_space<vmem>>
      %gather3A_983 = tpu.memref_squeeze %gather3A_982 : memref<1x32x128xf32, #tpu.memory_space<vmem>> -> memref<32x128xf32, #tpu.memory_space<vmem>>
      %gather3A_984 = tpu.vector_load_idx %gather3A_983[%add3A_8, %broadcast_in_dim3A_970] : memref<32x128xf32, #tpu.memory_space<vmem>>[vector<16xi32>, vector<16xi32>], vector<16xf32>,
      tpu.vector_store_idx %arg8[%iota3A, %broadcast_in_dim3A_973], %gather3A_978 : memref<32x512xf32, #tpu.memory_space<vmem>>[vector<16xi32>, vector<16xi32>], vector<16xf32>,
      tpu.vector_store_idx %arg8[%add3A_8, %broadcast_in_dim3A_973], %gather3A_984 : memref<32x512xf32, #tpu.memory_space<vmem>>[vector<16xi32>, vector<16xi32>], vector<16xf32>,
      %mul3A_985 = arith.constant 16 : i32
      %mul3A_986 = arith.muli %add3A_904, %mul3A_985 : i32
      %get3A_987 = arith.index_cast %mul3A_986 : i32 to index
      %get3A_988 = tpu.vector_load %arg6[%get3A_987] {strides = array<i32>} : memref<512xi32, #tpu.memory_space<vmem>>, vector<16xi32>,
      %eq3A_989 = arith.constant 1 : i32
      %eq3A_990 = vector.broadcast %eq3A_989 : i32 to vector<16xi32>
      %eq3A_991 = arith.cmpi eq, %iota3A_9, %eq3A_990 : vector<16xi32>
      %broadcast_in_dim3A_992 = arith.constant 0 : i32
      %broadcast_in_dim3A_993 = vector.broadcast %broadcast_in_dim3A_992 : i32 to vector<16xi32>
      %select_n3A_994 = arith.select %eq3A_991, %get3A_988, %broadcast_in_dim3A_993 : vector<16xi1>, vector<16xi32>
      %reduce_max3A_995 = arith.constant true
      %reduce_max3A_996 = vector.broadcast %reduce_max3A_995 : i1 to vector<16xi1>
      %reduce_max3A_997 = arith.constant -2147483648 : i32
      %reduce_max3A_998 = vector.broadcast %reduce_max3A_997 : i32 to vector<16xi32>
      %reduce_max3A_999 = arith.xori %select_n3A_994, %reduce_max3A_998 : vector<16xi32>
      %reduce_max3A_1000 = tpu.scan <max>, %reduce_max3A_999 masked %reduce_max3A_996 : vector<16xi32>, vector<16xi1> -> vector<16xi32>
      %reduce_max3A_1001 = arith.xori %reduce_max3A_1000, %reduce_max3A_998 : vector<16xi32>
      %reduce_max3A_1002 = vector.extract %reduce_max3A_1001[15] : i32 from vector<16xi32>
      %jit3A_1003 = arith.constant 128 : i32
      %eq3A_1004 = arith.constant 0 : i32
      %eq3A_1005 = arith.cmpi eq, %jit3A_1003, %eq3A_1004 : i32
      %jit3A_1006 = arith.constant 1 : i32
      %select_n3A_1007 = arith.select %eq3A_1005, %jit3A_1006, %jit3A_1003 : i32
      %rem3A_1008 = arith.remsi %reduce_max3A_1002, %select_n3A_1007 : i32
      %ne3A_1009 = arith.constant 0 : i32
      %ne3A_1010 = arith.cmpi ne, %rem3A_1008, %ne3A_1009 : i32
      %lt3A_1011 = arith.constant 0 : i32
      %lt3A_1012 = arith.cmpi slt, %rem3A_1008, %lt3A_1011 : i32
      %lt3A_1013 = arith.constant 0 : i32
      %lt3A_1014 = arith.cmpi slt, %select_n3A_1007, %lt3A_1013 : i32
      %ne3A_1015 = arith.xori %lt3A_1012, %lt3A_1014 : i1
      %and3A_1016 = arith.andi %ne3A_1015, %ne3A_1010 : i1
      %add3A_1017 = arith.addi %rem3A_1008, %select_n3A_1007 : i32
      %select_n3A_1018 = arith.select %and3A_1016, %add3A_1017, %rem3A_1008 : i32
      %broadcast_in_dim3A_1019 = vector.broadcast %select_n3A_1018 : i32 to vector<16xi32>
      %add3A_1020 = arith.constant 1 : i32
      %add3A_1021 = arith.addi %mul3A_936, %add3A_1020 : i32
      %broadcast_in_dim3A_1022 = vector.broadcast %add3A_1021 : i32 to vector<16xi32>
      %gather3A_1023 = arith.constant 1 : i32
      %gather3A_1024 = arith.constant 0 : i32
      %gather3A_1025 = arith.constant 0 : i32
      %gather3A_1026 = tpu.memref_slice %arg7[%gather3A_1023, %gather3A_1024, %gather3A_1025] : memref<16x32x128xf32, #tpu.memory_space<vmem>> -> memref<1x32x128xf32, #tpu.memory_space<vmem>>
      %gather3A_1027 = tpu.memref_squeeze %gather3A_1026 : memref<1x32x128xf32, #tpu.memory_space<vmem>> -> memref<32x128xf32, #tpu.memory_space<vmem>>
      %gather3A_1028 = tpu.vector_load_idx %gather3A_1027[%iota3A, %broadcast_in_dim3A_1019] : memref<32x128xf32, #tpu.memory_space<vmem>>[vector<16xi32>, vector<16xi32>], vector<16xf32>,
      %gather3A_1029 = arith.constant 1 : i32
      %gather3A_1030 = arith.constant 0 : i32
      %gather3A_1031 = arith.constant 0 : i32
      %gather3A_1032 = tpu.memref_slice %arg7[%gather3A_1029, %gather3A_1030, %gather3A_1031] : memref<16x32x128xf32, #tpu.memory_space<vmem>> -> memref<1x32x128xf32, #tpu.memory_space<vmem>>
      %gather3A_1033 = tpu.memref_squeeze %gather3A_1032 : memref<1x32x128xf32, #tpu.memory_space<vmem>> -> memref<32x128xf32, #tpu.memory_space<vmem>>
      %gather3A_1034 = tpu.vector_load_idx %gather3A_1033[%add3A_8, %broadcast_in_dim3A_1019] : memref<32x128xf32, #tpu.memory_space<vmem>>[vector<16xi32>, vector<16xi32>], vector<16xf32>,
      tpu.vector_store_idx %arg8[%iota3A, %broadcast_in_dim3A_1022], %gather3A_1028 : memref<32x512xf32, #tpu.memory_space<vmem>>[vector<16xi32>, vector<16xi32>], vector<16xf32>,
      tpu.vector_store_idx %arg8[%add3A_8, %broadcast_in_dim3A_1022], %gather3A_1034 : memref<32x512xf32, #tpu.memory_space<vmem>>[vector<16xi32>, vector<16xi32>], vector<16xf32>,
      %add3A_1035 = arith.constant 1 : i32
      %add3A_1036 = arith.addi %add3A_904, %add3A_1035 : i32
      %lt3A_1037 = arith.constant 32 : i32
      %lt3A_1038 = arith.cmpi slt, %add3A_1036, %lt3A_1037 : i32
      %convert_element_type3A = arith.extui %lt3A_1038 : i1 to i32
      %cond3A = arith.constant 0 : i32
      %cond3A_1039 = arith.cmpi ne, %convert_element_type3A, %cond3A : i32
      scf.if %cond3A_1039 {
        %add3A_2013 = arith.constant 1 : i32
        %add3A_2014 = arith.addi %add3A_904, %add3A_2013 : i32
        %mul3A_2015 = arith.constant 16 : i32
        %mul3A_2016 = arith.muli %add3A_2014, %mul3A_2015 : i32
        %get3A_2017 = arith.index_cast %mul3A_2016 : i32 to index
        %get3A_2018 = tpu.vector_load %arg6[%get3A_2017] {strides = array<i32>} : memref<512xi32, #tpu.memory_space<vmem>>, vector<16xi32>,
        %eq3A_2019 = arith.constant 0 : i32
        %eq3A_2020 = vector.broadcast %eq3A_2019 : i32 to vector<16xi32>
        %eq3A_2021 = arith.cmpi eq, %iota3A_9, %eq3A_2020 : vector<16xi32>
        %broadcast_in_dim3A_2022 = arith.constant 0 : i32
        %broadcast_in_dim3A_2023 = vector.broadcast %broadcast_in_dim3A_2022 : i32 to vector<16xi32>
        %select_n3A_2024 = arith.select %eq3A_2021, %get3A_2018, %broadcast_in_dim3A_2023 : vector<16xi1>, vector<16xi32>
        %reduce_max3A_2025 = arith.constant true
        %reduce_max3A_2026 = vector.broadcast %reduce_max3A_2025 : i1 to vector<16xi1>
        %reduce_max3A_2027 = arith.constant -2147483648 : i32
        %reduce_max3A_2028 = vector.broadcast %reduce_max3A_2027 : i32 to vector<16xi32>
        %reduce_max3A_2029 = arith.xori %select_n3A_2024, %reduce_max3A_2028 : vector<16xi32>
        %reduce_max3A_2030 = tpu.scan <max>, %reduce_max3A_2029 masked %reduce_max3A_2026 : vector<16xi32>, vector<16xi1> -> vector<16xi32>
        %reduce_max3A_2031 = arith.xori %reduce_max3A_2030, %reduce_max3A_2028 : vector<16xi32>
        %reduce_max3A_2032 = vector.extract %reduce_max3A_2031[15] : i32 from vector<16xi32>
        %jit3A_2033 = arith.constant 128 : i32
        %div3A_2034 = arith.divsi %reduce_max3A_2032, %jit3A_2033 : i32
        %sign3A_2035 = arith.constant 0 : i32
        %sign3A_2036 = arith.cmpi sgt, %reduce_max3A_2032, %sign3A_2035 : i32
        %sign3A_2037 = arith.extui %sign3A_2036 : i1 to i32
        %sign3A_2038 = arith.constant 0 : i32
        %sign3A_2039 = arith.cmpi slt, %reduce_max3A_2032, %sign3A_2038 : i32
        %sign3A_2040 = arith.extui %sign3A_2039 : i1 to i32
        %sign3A_2041 = arith.subi %sign3A_2037, %sign3A_2040 : i32
        %sign3A_2042 = arith.constant 0 : i32
        %sign3A_2043 = arith.cmpi sgt, %jit3A_2033, %sign3A_2042 : i32
        %sign3A_2044 = arith.extui %sign3A_2043 : i1 to i32
        %sign3A_2045 = arith.constant 0 : i32
        %sign3A_2046 = arith.cmpi slt, %jit3A_2033, %sign3A_2045 : i32
        %sign3A_2047 = arith.extui %sign3A_2046 : i1 to i32
        %sign3A_2048 = arith.subi %sign3A_2044, %sign3A_2047 : i32
        %ne3A_2049 = arith.cmpi ne, %sign3A_2041, %sign3A_2048 : i32
        %rem3A_2050 = arith.remsi %reduce_max3A_2032, %jit3A_2033 : i32
        %ne3A_2051 = arith.constant 0 : i32
        %ne3A_2052 = arith.cmpi ne, %rem3A_2050, %ne3A_2051 : i32
        %and3A_2053 = arith.andi %ne3A_2049, %ne3A_2052 : i1
        %sub3A_2054 = arith.constant 1 : i32
        %sub3A_2055 = arith.subi %div3A_2034, %sub3A_2054 : i32
        %select_n3A_2056 = arith.select %and3A_2053, %sub3A_2055, %div3A_2034 : i32
        %mul3A_2057 = arith.constant 128 : i32
        %mul3A_2058 = arith.muli %select_n3A_2056, %mul3A_2057 : i32
        %multiple_of3A_2059 = tpu.assume_multiple %mul3A_2058, 128 : i32
        %dma_start3A_2060 = arith.constant 0 : i32
        %dma_start3A_2061 = arith.constant 0 : i32
        %dma_start3A_2062 = arith.constant 0 : i32
        %dma_start3A_2063 = tpu.memref_slice %arg7[%dma_start3A_2060, %dma_start3A_2061, %dma_start3A_2062] : memref<16x32x128xf32, #tpu.memory_space<vmem>> -> memref<1x32x128xf32, #tpu.memory_space<vmem>>
        %dma_start3A_2064 = tpu.memref_squeeze %dma_start3A_2063 : memref<1x32x128xf32, #tpu.memory_space<vmem>> -> memref<32x128xf32, #tpu.memory_space<vmem>>
        %dma_start3A_2065 = arith.constant 0 : i32
        %dma_start3A_2066 = tpu.memref_slice %arg2[%dma_start3A_2065, %multiple_of3A_2059] : memref<32x1000000xf32, #tpu.memory_space<hbm>> -> memref<32x128xf32, #tpu.memory_space<hbm>>
        %dma_start3A_2067 = arith.constant 0 : i32
        %dma_start3A_2068 = arith.constant 0 : i32
        %dma_start3A_2069 = tpu.memref_slice %arg7[%dma_start3A_2060, %dma_start3A_2067, %dma_start3A_2068] : memref<16x32x128xf32, #tpu.memory_space<vmem>> -> memref<1x32x128xf32, #tpu.memory_space<vmem>>
        %dma_start3A_2070 = tpu.memref_squeeze %dma_start3A_2069 : memref<1x32x128xf32, #tpu.memory_space<vmem>> -> memref<32x128xf32, #tpu.memory_space<vmem>>
        %dma_start3A_2071 = arith.constant 0 : i32
        %dma_start3A_2072 = tpu.memref_slice %arg2[%dma_start3A_2071, %multiple_of3A_2059] : memref<32x1000000xf32, #tpu.memory_space<hbm>> -> memref<32x128xf32, #tpu.memory_space<hbm>>
        tpu.enqueue_dma source(%dma_start3A_2072 : memref<32x128xf32, #tpu.memory_space<hbm>>) target(%dma_start3A_2070 : memref<32x128xf32, #tpu.memory_space<vmem>>) target_semaphore(%arg9 : memref<!tpu.dma_semaphore, #tpu.memory_space<semaphore_mem>>)
        %mul3A_2073 = arith.constant 16 : i32
        %mul3A_2074 = arith.muli %add3A_2014, %mul3A_2073 : i32
        %get3A_2075 = arith.index_cast %mul3A_2074 : i32 to index
        %get3A_2076 = tpu.vector_load %arg6[%get3A_2075] {strides = array<i32>} : memref<512xi32, #tpu.memory_space<vmem>>, vector<16xi32>,
        %eq3A_2077 = arith.constant 1 : i32
        %eq3A_2078 = vector.broadcast %eq3A_2077 : i32 to vector<16xi32>
        %eq3A_2079 = arith.cmpi eq, %iota3A_9, %eq3A_2078 : vector<16xi32>
        %broadcast_in_dim3A_2080 = arith.constant 0 : i32
        %broadcast_in_dim3A_2081 = vector.broadcast %broadcast_in_dim3A_2080 : i32 to vector<16xi32>
        %select_n3A_2082 = arith.select %eq3A_2079, %get3A_2076, %broadcast_in_dim3A_2081 : vector<16xi1>, vector<16xi32>
        %reduce_max3A_2083 = arith.constant true
        %reduce_max3A_2084 = vector.broadcast %reduce_max3A_2083 : i1 to vector<16xi1>
        %reduce_max3A_2085 = arith.constant -2147483648 : i32
        %reduce_max3A_2086 = vector.broadcast %reduce_max3A_2085 : i32 to vector<16xi32>
        %reduce_max3A_2087 = arith.xori %select_n3A_2082, %reduce_max3A_2086 : vector<16xi32>
        %reduce_max3A_2088 = tpu.scan <max>, %reduce_max3A_2087 masked %reduce_max3A_2084 : vector<16xi32>, vector<16xi1> -> vector<16xi32>
        %reduce_max3A_2089 = arith.xori %reduce_max3A_2088, %reduce_max3A_2086 : vector<16xi32>
        %reduce_max3A_2090 = vector.extract %reduce_max3A_2089[15] : i32 from vector<16xi32>
        %jit3A_2091 = arith.constant 128 : i32
        %div3A_2092 = arith.divsi %reduce_max3A_2090, %jit3A_2091 : i32
        %sign3A_2093 = arith.constant 0 : i32
        %sign3A_2094 = arith.cmpi sgt, %reduce_max3A_2090, %sign3A_2093 : i32
        %sign3A_2095 = arith.extui %sign3A_2094 : i1 to i32
        %sign3A_2096 = arith.constant 0 : i32
        %sign3A_2097 = arith.cmpi slt, %reduce_max3A_2090, %sign3A_2096 : i32
        %sign3A_2098 = arith.extui %sign3A_2097 : i1 to i32
        %sign3A_2099 = arith.subi %sign3A_2095, %sign3A_2098 : i32
        %sign3A_2100 = arith.constant 0 : i32
        %sign3A_2101 = arith.cmpi sgt, %jit3A_2091, %sign3A_2100 : i32
        %sign3A_2102 = arith.extui %sign3A_2101 : i1 to i32
        %sign3A_2103 = arith.constant 0 : i32
        %sign3A_2104 = arith.cmpi slt, %jit3A_2091, %sign3A_2103 : i32
        %sign3A_2105 = arith.extui %sign3A_2104 : i1 to i32
        %sign3A_2106 = arith.subi %sign3A_2102, %sign3A_2105 : i32
        %ne3A_2107 = arith.cmpi ne, %sign3A_2099, %sign3A_2106 : i32
        %rem3A_2108 = arith.remsi %reduce_max3A_2090, %jit3A_2091 : i32
        %ne3A_2109 = arith.constant 0 : i32
        %ne3A_2110 = arith.cmpi ne, %rem3A_2108, %ne3A_2109 : i32
        %and3A_2111 = arith.andi %ne3A_2107, %ne3A_2110 : i1
        %sub3A_2112 = arith.constant 1 : i32
        %sub3A_2113 = arith.subi %div3A_2092, %sub3A_2112 : i32
        %select_n3A_2114 = arith.select %and3A_2111, %sub3A_2113, %div3A_2092 : i32
        %mul3A_2115 = arith.constant 128 : i32
        %mul3A_2116 = arith.muli %select_n3A_2114, %mul3A_2115 : i32
        %multiple_of3A_2117 = tpu.assume_multiple %mul3A_2116, 128 : i32
        %dma_start3A_2118 = arith.constant 1 : i32
        %dma_start3A_2119 = arith.constant 0 : i32
        %dma_start3A_2120 = arith.constant 0 : i32
        %dma_start3A_2121 = tpu.memref_slice %arg7[%dma_start3A_2118, %dma_start3A_2119, %dma_start3A_2120] : memref<16x32x128xf32, #tpu.memory_space<vmem>> -> memref<1x32x128xf32, #tpu.memory_space<vmem>>
        %dma_start3A_2122 = tpu.memref_squeeze %dma_start3A_2121 : memref<1x32x128xf32, #tpu.memory_space<vmem>> -> memref<32x128xf32, #tpu.memory_space<vmem>>
        %dma_start3A_2123 = arith.constant 0 : i32
        %dma_start3A_2124 = tpu.memref_slice %arg2[%dma_start3A_2123, %multiple_of3A_2117] : memref<32x1000000xf32, #tpu.memory_space<hbm>> -> memref<32x128xf32, #tpu.memory_space<hbm>>
        %dma_start3A_2125 = arith.constant 0 : i32
        %dma_start3A_2126 = arith.constant 0 : i32
        %dma_start3A_2127 = tpu.memref_slice %arg7[%dma_start3A_2118, %dma_start3A_2125, %dma_start3A_2126] : memref<16x32x128xf32, #tpu.memory_space<vmem>> -> memref<1x32x128xf32, #tpu.memory_space<vmem>>
        %dma_start3A_2128 = tpu.memref_squeeze %dma_start3A_2127 : memref<1x32x128xf32, #tpu.memory_space<vmem>> -> memref<32x128xf32, #tpu.memory_space<vmem>>
        %dma_start3A_2129 = arith.constant 0 : i32
        %dma_start3A_2130 = tpu.memref_slice %arg2[%dma_start3A_2129, %multiple_of3A_2117] : memref<32x1000000xf32, #tpu.memory_space<hbm>> -> memref<32x128xf32, #tpu.memory_space<hbm>>
        tpu.enqueue_dma source(%dma_start3A_2130 : memref<32x128xf32, #tpu.memory_space<hbm>>) target(%dma_start3A_2128 : memref<32x128xf32, #tpu.memory_space<vmem>>) target_semaphore(%arg9 : memref<!tpu.dma_semaphore, #tpu.memory_space<semaphore_mem>>)
      } else {
      }
      %dma_wait3A_1040 = arith.constant 0 : i32
      %dma_wait3A_1041 = arith.constant 0 : i32
      %dma_wait3A_1042 = arith.constant 0 : i32
      %dma_wait3A_1043 = tpu.memref_slice %arg7[%dma_wait3A_1040, %dma_wait3A_1041, %dma_wait3A_1042] : memref<16x32x128xf32, #tpu.memory_space<vmem>> -> memref<1x32x128xf32, #tpu.memory_space<vmem>>
      %dma_wait3A_1044 = tpu.memref_squeeze %dma_wait3A_1043 : memref<1x32x128xf32, #tpu.memory_space<vmem>> -> memref<32x128xf32, #tpu.memory_space<vmem>>
      %dma_wait3A_1045 = arith.constant 0 : i32
      %dma_wait3A_1046 = arith.constant 0 : i32
      %dma_wait3A_1047 = tpu.memref_slice %arg2[%dma_wait3A_1045, %dma_wait3A_1046] : memref<32x1000000xf32, #tpu.memory_space<hbm>> -> memref<32x128xf32, #tpu.memory_space<hbm>>
      %dma_wait3A_1048 = arith.constant 0 : i32
      %dma_wait3A_1049 = arith.constant 0 : i32
      %dma_wait3A_1050 = tpu.memref_slice %arg7[%dma_wait3A_1040, %dma_wait3A_1048, %dma_wait3A_1049] : memref<16x32x128xf32, #tpu.memory_space<vmem>> -> memref<1x32x128xf32, #tpu.memory_space<vmem>>
      %dma_wait3A_1051 = tpu.memref_squeeze %dma_wait3A_1050 : memref<1x32x128xf32, #tpu.memory_space<vmem>> -> memref<32x128xf32, #tpu.memory_space<vmem>>
      %dma_wait3A_1052 = arith.constant 0 : i32
      %dma_wait3A_1053 = arith.constant 0 : i32
      %dma_wait3A_1054 = tpu.memref_slice %arg2[%dma_wait3A_1052, %dma_wait3A_1053] : memref<32x1000000xf32, #tpu.memory_space<hbm>> -> memref<32x128xf32, #tpu.memory_space<hbm>>
      tpu.wait_dma2 semaphore(%arg10 : memref<!tpu.dma_semaphore, #tpu.memory_space<semaphore_mem>>) src(%dma_wait3A_1054 : memref<32x128xf32, #tpu.memory_space<hbm>>) dst(%dma_wait3A_1051 : memref<32x128xf32, #tpu.memory_space<vmem>>)
      %dma_wait3A_1055 = arith.constant 0 : i32
      %dma_wait3A_1056 = arith.constant 0 : i32
      %dma_wait3A_1057 = arith.constant 0 : i32
      %dma_wait3A_1058 = tpu.memref_slice %arg7[%dma_wait3A_1055, %dma_wait3A_1056, %dma_wait3A_1057] : memref<16x32x128xf32, #tpu.memory_space<vmem>> -> memref<1x32x128xf32, #tpu.memory_space<vmem>>
      %dma_wait3A_1059 = tpu.memref_squeeze %dma_wait3A_1058 : memref<1x32x128xf32, #tpu.memory_space<vmem>> -> memref<32x128xf32, #tpu.memory_space<vmem>>
      %dma_wait3A_1060 = arith.constant 0 : i32
      %dma_wait3A_1061 = arith.constant 0 : i32
      %dma_wait3A_1062 = tpu.memref_slice %arg2[%dma_wait3A_1060, %dma_wait3A_1061] : memref<32x1000000xf32, #tpu.memory_space<hbm>> -> memref<32x128xf32, #tpu.memory_space<hbm>>
      %dma_wait3A_1063 = arith.constant 0 : i32
      %dma_wait3A_1064 = arith.constant 0 : i32
      %dma_wait3A_1065 = tpu.memref_slice %arg7[%dma_wait3A_1055, %dma_wait3A_1063, %dma_wait3A_1064] : memref<16x32x128xf32, #tpu.memory_space<vmem>> -> memref<1x32x128xf32, #tpu.memory_space<vmem>>
      %dma_wait3A_1066 = tpu.memref_squeeze %dma_wait3A_1065 : memref<1x32x128xf32, #tpu.memory_space<vmem>> -> memref<32x128xf32, #tpu.memory_space<vmem>>
      %dma_wait3A_1067 = arith.constant 0 : i32
      %dma_wait3A_1068 = arith.constant 0 : i32
      %dma_wait3A_1069 = tpu.memref_slice %arg2[%dma_wait3A_1067, %dma_wait3A_1068] : memref<32x1000000xf32, #tpu.memory_space<hbm>> -> memref<32x128xf32, #tpu.memory_space<hbm>>
      tpu.wait_dma2 semaphore(%arg10 : memref<!tpu.dma_semaphore, #tpu.memory_space<semaphore_mem>>) src(%dma_wait3A_1069 : memref<32x128xf32, #tpu.memory_space<hbm>>) dst(%dma_wait3A_1066 : memref<32x128xf32, #tpu.memory_space<vmem>>)
      %mul3A_1070 = arith.constant 16 : i32
      %mul3A_1071 = arith.muli %add3A_904, %mul3A_1070 : i32
      %mul3A_1072 = arith.constant 16 : i32
      %mul3A_1073 = arith.muli %add3A_904, %mul3A_1072 : i32
      %get3A_1074 = arith.index_cast %mul3A_1073 : i32 to index
      %get3A_1075 = tpu.vector_load %arg6[%get3A_1074] {strides = array<i32>} : memref<512xi32, #tpu.memory_space<vmem>>, vector<16xi32>,
      %eq3A_1076 = arith.constant 2 : i32
      %eq3A_1077 = vector.broadcast %eq3A_1076 : i32 to vector<16xi32>
      %eq3A_1078 = arith.cmpi eq, %iota3A_9, %eq3A_1077 : vector<16xi32>
      %broadcast_in_dim3A_1079 = arith.constant 0 : i32
      %broadcast_in_dim3A_1080 = vector.broadcast %broadcast_in_dim3A_1079 : i32 to vector<16xi32>
      %select_n3A_1081 = arith.select %eq3A_1078, %get3A_1075, %broadcast_in_dim3A_1080 : vector<16xi1>, vector<16xi32>
      %reduce_max3A_1082 = arith.constant true
      %reduce_max3A_1083 = vector.broadcast %reduce_max3A_1082 : i1 to vector<16xi1>
      %reduce_max3A_1084 = arith.constant -2147483648 : i32
      %reduce_max3A_1085 = vector.broadcast %reduce_max3A_1084 : i32 to vector<16xi32>
      %reduce_max3A_1086 = arith.xori %select_n3A_1081, %reduce_max3A_1085 : vector<16xi32>
      %reduce_max3A_1087 = tpu.scan <max>, %reduce_max3A_1086 masked %reduce_max3A_1083 : vector<16xi32>, vector<16xi1> -> vector<16xi32>
      %reduce_max3A_1088 = arith.xori %reduce_max3A_1087, %reduce_max3A_1085 : vector<16xi32>
      %reduce_max3A_1089 = vector.extract %reduce_max3A_1088[15] : i32 from vector<16xi32>
      %jit3A_1090 = arith.constant 128 : i32
      %eq3A_1091 = arith.constant 0 : i32
      %eq3A_1092 = arith.cmpi eq, %jit3A_1090, %eq3A_1091 : i32
      %jit3A_1093 = arith.constant 1 : i32
      %select_n3A_1094 = arith.select %eq3A_1092, %jit3A_1093, %jit3A_1090 : i32
      %rem3A_1095 = arith.remsi %reduce_max3A_1089, %select_n3A_1094 : i32
      %ne3A_1096 = arith.constant 0 : i32
      %ne3A_1097 = arith.cmpi ne, %rem3A_1095, %ne3A_1096 : i32
      %lt3A_1098 = arith.constant 0 : i32
      %lt3A_1099 = arith.cmpi slt, %rem3A_1095, %lt3A_1098 : i32
      %lt3A_1100 = arith.constant 0 : i32
      %lt3A_1101 = arith.cmpi slt, %select_n3A_1094, %lt3A_1100 : i32
      %ne3A_1102 = arith.xori %lt3A_1099, %lt3A_1101 : i1
      %and3A_1103 = arith.andi %ne3A_1102, %ne3A_1097 : i1
      %add3A_1104 = arith.addi %rem3A_1095, %select_n3A_1094 : i32
      %select_n3A_1105 = arith.select %and3A_1103, %add3A_1104, %rem3A_1095 : i32
      %broadcast_in_dim3A_1106 = vector.broadcast %select_n3A_1105 : i32 to vector<16xi32>
      %add3A_1107 = arith.constant 2 : i32
      %add3A_1108 = arith.addi %mul3A_1071, %add3A_1107 : i32
      %broadcast_in_dim3A_1109 = vector.broadcast %add3A_1108 : i32 to vector<16xi32>
      %gather3A_1110 = arith.constant 2 : i32
      %gather3A_1111 = arith.constant 0 : i32
      %gather3A_1112 = arith.constant 0 : i32
      %gather3A_1113 = tpu.memref_slice %arg7[%gather3A_1110, %gather3A_1111, %gather3A_1112] : memref<16x32x128xf32, #tpu.memory_space<vmem>> -> memref<1x32x128xf32, #tpu.memory_space<vmem>>
      %gather3A_1114 = tpu.memref_squeeze %gather3A_1113 : memref<1x32x128xf32, #tpu.memory_space<vmem>> -> memref<32x128xf32, #tpu.memory_space<vmem>>
      %gather3A_1115 = tpu.vector_load_idx %gather3A_1114[%iota3A, %broadcast_in_dim3A_1106] : memref<32x128xf32, #tpu.memory_space<vmem>>[vector<16xi32>, vector<16xi32>], vector<16xf32>,
      %gather3A_1116 = arith.constant 2 : i32
      %gather3A_1117 = arith.constant 0 : i32
      %gather3A_1118 = arith.constant 0 : i32
      %gather3A_1119 = tpu.memref_slice %arg7[%gather3A_1116, %gather3A_1117, %gather3A_1118] : memref<16x32x128xf32, #tpu.memory_space<vmem>> -> memref<1x32x128xf32, #tpu.memory_space<vmem>>
      %gather3A_1120 = tpu.memref_squeeze %gather3A_1119 : memref<1x32x128xf32, #tpu.memory_space<vmem>> -> memref<32x128xf32, #tpu.memory_space<vmem>>
      %gather3A_1121 = tpu.vector_load_idx %gather3A_1120[%add3A_8, %broadcast_in_dim3A_1106] : memref<32x128xf32, #tpu.memory_space<vmem>>[vector<16xi32>, vector<16xi32>], vector<16xf32>,
      tpu.vector_store_idx %arg8[%iota3A, %broadcast_in_dim3A_1109], %gather3A_1115 : memref<32x512xf32, #tpu.memory_space<vmem>>[vector<16xi32>, vector<16xi32>], vector<16xf32>,
      tpu.vector_store_idx %arg8[%add3A_8, %broadcast_in_dim3A_1109], %gather3A_1121 : memref<32x512xf32, #tpu.memory_space<vmem>>[vector<16xi32>, vector<16xi32>], vector<16xf32>,
      %mul3A_1122 = arith.constant 16 : i32
      %mul3A_1123 = arith.muli %add3A_904, %mul3A_1122 : i32
      %get3A_1124 = arith.index_cast %mul3A_1123 : i32 to index
      %get3A_1125 = tpu.vector_load %arg6[%get3A_1124] {strides = array<i32>} : memref<512xi32, #tpu.memory_space<vmem>>, vector<16xi32>,
      %eq3A_1126 = arith.constant 3 : i32
      %eq3A_1127 = vector.broadcast %eq3A_1126 : i32 to vector<16xi32>
      %eq3A_1128 = arith.cmpi eq, %iota3A_9, %eq3A_1127 : vector<16xi32>
      %broadcast_in_dim3A_1129 = arith.constant 0 : i32
      %broadcast_in_dim3A_1130 = vector.broadcast %broadcast_in_dim3A_1129 : i32 to vector<16xi32>
      %select_n3A_1131 = arith.select %eq3A_1128, %get3A_1125, %broadcast_in_dim3A_1130 : vector<16xi1>, vector<16xi32>
      %reduce_max3A_1132 = arith.constant true
      %reduce_max3A_1133 = vector.broadcast %reduce_max3A_1132 : i1 to vector<16xi1>
      %reduce_max3A_1134 = arith.constant -2147483648 : i32
      %reduce_max3A_1135 = vector.broadcast %reduce_max3A_1134 : i32 to vector<16xi32>
      %reduce_max3A_1136 = arith.xori %select_n3A_1131, %reduce_max3A_1135 : vector<16xi32>
      %reduce_max3A_1137 = tpu.scan <max>, %reduce_max3A_1136 masked %reduce_max3A_1133 : vector<16xi32>, vector<16xi1> -> vector<16xi32>
      %reduce_max3A_1138 = arith.xori %reduce_max3A_1137, %reduce_max3A_1135 : vector<16xi32>
      %reduce_max3A_1139 = vector.extract %reduce_max3A_1138[15] : i32 from vector<16xi32>
      %jit3A_1140 = arith.constant 128 : i32
      %eq3A_1141 = arith.constant 0 : i32
      %eq3A_1142 = arith.cmpi eq, %jit3A_1140, %eq3A_1141 : i32
      %jit3A_1143 = arith.constant 1 : i32
      %select_n3A_1144 = arith.select %eq3A_1142, %jit3A_1143, %jit3A_1140 : i32
      %rem3A_1145 = arith.remsi %reduce_max3A_1139, %select_n3A_1144 : i32
      %ne3A_1146 = arith.constant 0 : i32
      %ne3A_1147 = arith.cmpi ne, %rem3A_1145, %ne3A_1146 : i32
      %lt3A_1148 = arith.constant 0 : i32
      %lt3A_1149 = arith.cmpi slt, %rem3A_1145, %lt3A_1148 : i32
      %lt3A_1150 = arith.constant 0 : i32
      %lt3A_1151 = arith.cmpi slt, %select_n3A_1144, %lt3A_1150 : i32
      %ne3A_1152 = arith.xori %lt3A_1149, %lt3A_1151 : i1
      %and3A_1153 = arith.andi %ne3A_1152, %ne3A_1147 : i1
      %add3A_1154 = arith.addi %rem3A_1145, %select_n3A_1144 : i32
      %select_n3A_1155 = arith.select %and3A_1153, %add3A_1154, %rem3A_1145 : i32
      %broadcast_in_dim3A_1156 = vector.broadcast %select_n3A_1155 : i32 to vector<16xi32>
      %add3A_1157 = arith.constant 3 : i32
      %add3A_1158 = arith.addi %mul3A_1071, %add3A_1157 : i32
      %broadcast_in_dim3A_1159 = vector.broadcast %add3A_1158 : i32 to vector<16xi32>
      %gather3A_1160 = arith.constant 3 : i32
      %gather3A_1161 = arith.constant 0 : i32
      %gather3A_1162 = arith.constant 0 : i32
      %gather3A_1163 = tpu.memref_slice %arg7[%gather3A_1160, %gather3A_1161, %gather3A_1162] : memref<16x32x128xf32, #tpu.memory_space<vmem>> -> memref<1x32x128xf32, #tpu.memory_space<vmem>>
      %gather3A_1164 = tpu.memref_squeeze %gather3A_1163 : memref<1x32x128xf32, #tpu.memory_space<vmem>> -> memref<32x128xf32, #tpu.memory_space<vmem>>
      %gather3A_1165 = tpu.vector_load_idx %gather3A_1164[%iota3A, %broadcast_in_dim3A_1156] : memref<32x128xf32, #tpu.memory_space<vmem>>[vector<16xi32>, vector<16xi32>], vector<16xf32>,
      %gather3A_1166 = arith.constant 3 : i32
      %gather3A_1167 = arith.constant 0 : i32
      %gather3A_1168 = arith.constant 0 : i32
      %gather3A_1169 = tpu.memref_slice %arg7[%gather3A_1166, %gather3A_1167, %gather3A_1168] : memref<16x32x128xf32, #tpu.memory_space<vmem>> -> memref<1x32x128xf32, #tpu.memory_space<vmem>>
      %gather3A_1170 = tpu.memref_squeeze %gather3A_1169 : memref<1x32x128xf32, #tpu.memory_space<vmem>> -> memref<32x128xf32, #tpu.memory_space<vmem>>
      %gather3A_1171 = tpu.vector_load_idx %gather3A_1170[%add3A_8, %broadcast_in_dim3A_1156] : memref<32x128xf32, #tpu.memory_space<vmem>>[vector<16xi32>, vector<16xi32>], vector<16xf32>,
      tpu.vector_store_idx %arg8[%iota3A, %broadcast_in_dim3A_1159], %gather3A_1165 : memref<32x512xf32, #tpu.memory_space<vmem>>[vector<16xi32>, vector<16xi32>], vector<16xf32>,
      tpu.vector_store_idx %arg8[%add3A_8, %broadcast_in_dim3A_1159], %gather3A_1171 : memref<32x512xf32, #tpu.memory_space<vmem>>[vector<16xi32>, vector<16xi32>], vector<16xf32>,
      %add3A_1172 = arith.constant 1 : i32
      %add3A_1173 = arith.addi %add3A_904, %add3A_1172 : i32
      %lt3A_1174 = arith.constant 32 : i32
      %lt3A_1175 = arith.cmpi slt, %add3A_1173, %lt3A_1174 : i32
      %convert_element_type3A_1176 = arith.extui %lt3A_1175 : i1 to i32
      %cond3A_1177 = arith.constant 0 : i32
      %cond3A_1178 = arith.cmpi ne, %convert_element_type3A_1176, %cond3A_1177 : i32
      scf.if %cond3A_1178 {
        %add3A_2013 = arith.constant 1 : i32
        %add3A_2014 = arith.addi %add3A_904, %add3A_2013 : i32
        %mul3A_2015 = arith.constant 16 : i32
        %mul3A_2016 = arith.muli %add3A_2014, %mul3A_2015 : i32
        %get3A_2017 = arith.index_cast %mul3A_2016 : i32 to index
        %get3A_2018 = tpu.vector_load %arg6[%get3A_2017] {strides = array<i32>} : memref<512xi32, #tpu.memory_space<vmem>>, vector<16xi32>,
        %eq3A_2019 = arith.constant 2 : i32
        %eq3A_2020 = vector.broadcast %eq3A_2019 : i32 to vector<16xi32>
        %eq3A_2021 = arith.cmpi eq, %iota3A_9, %eq3A_2020 : vector<16xi32>
        %broadcast_in_dim3A_2022 = arith.constant 0 : i32
        %broadcast_in_dim3A_2023 = vector.broadcast %broadcast_in_dim3A_2022 : i32 to vector<16xi32>
        %select_n3A_2024 = arith.select %eq3A_2021, %get3A_2018, %broadcast_in_dim3A_2023 : vector<16xi1>, vector<16xi32>
        %reduce_max3A_2025 = arith.constant true
        %reduce_max3A_2026 = vector.broadcast %reduce_max3A_2025 : i1 to vector<16xi1>
        %reduce_max3A_2027 = arith.constant -2147483648 : i32
        %reduce_max3A_2028 = vector.broadcast %reduce_max3A_2027 : i32 to vector<16xi32>
        %reduce_max3A_2029 = arith.xori %select_n3A_2024, %reduce_max3A_2028 : vector<16xi32>
        %reduce_max3A_2030 = tpu.scan <max>, %reduce_max3A_2029 masked %reduce_max3A_2026 : vector<16xi32>, vector<16xi1> -> vector<16xi32>
        %reduce_max3A_2031 = arith.xori %reduce_max3A_2030, %reduce_max3A_2028 : vector<16xi32>
        %reduce_max3A_2032 = vector.extract %reduce_max3A_2031[15] : i32 from vector<16xi32>
        %jit3A_2033 = arith.constant 128 : i32
        %div3A_2034 = arith.divsi %reduce_max3A_2032, %jit3A_2033 : i32
        %sign3A_2035 = arith.constant 0 : i32
        %sign3A_2036 = arith.cmpi sgt, %reduce_max3A_2032, %sign3A_2035 : i32
        %sign3A_2037 = arith.extui %sign3A_2036 : i1 to i32
        %sign3A_2038 = arith.constant 0 : i32
        %sign3A_2039 = arith.cmpi slt, %reduce_max3A_2032, %sign3A_2038 : i32
        %sign3A_2040 = arith.extui %sign3A_2039 : i1 to i32
        %sign3A_2041 = arith.subi %sign3A_2037, %sign3A_2040 : i32
        %sign3A_2042 = arith.constant 0 : i32
        %sign3A_2043 = arith.cmpi sgt, %jit3A_2033, %sign3A_2042 : i32
        %sign3A_2044 = arith.extui %sign3A_2043 : i1 to i32
        %sign3A_2045 = arith.constant 0 : i32
        %sign3A_2046 = arith.cmpi slt, %jit3A_2033, %sign3A_2045 : i32
        %sign3A_2047 = arith.extui %sign3A_2046 : i1 to i32
        %sign3A_2048 = arith.subi %sign3A_2044, %sign3A_2047 : i32
        %ne3A_2049 = arith.cmpi ne, %sign3A_2041, %sign3A_2048 : i32
        %rem3A_2050 = arith.remsi %reduce_max3A_2032, %jit3A_2033 : i32
        %ne3A_2051 = arith.constant 0 : i32
        %ne3A_2052 = arith.cmpi ne, %rem3A_2050, %ne3A_2051 : i32
        %and3A_2053 = arith.andi %ne3A_2049, %ne3A_2052 : i1
        %sub3A_2054 = arith.constant 1 : i32
        %sub3A_2055 = arith.subi %div3A_2034, %sub3A_2054 : i32
        %select_n3A_2056 = arith.select %and3A_2053, %sub3A_2055, %div3A_2034 : i32
        %mul3A_2057 = arith.constant 128 : i32
        %mul3A_2058 = arith.muli %select_n3A_2056, %mul3A_2057 : i32
        %multiple_of3A_2059 = tpu.assume_multiple %mul3A_2058, 128 : i32
        %dma_start3A_2060 = arith.constant 2 : i32
        %dma_start3A_2061 = arith.constant 0 : i32
        %dma_start3A_2062 = arith.constant 0 : i32
        %dma_start3A_2063 = tpu.memref_slice %arg7[%dma_start3A_2060, %dma_start3A_2061, %dma_start3A_2062] : memref<16x32x128xf32, #tpu.memory_space<vmem>> -> memref<1x32x128xf32, #tpu.memory_space<vmem>>
        %dma_start3A_2064 = tpu.memref_squeeze %dma_start3A_2063 : memref<1x32x128xf32, #tpu.memory_space<vmem>> -> memref<32x128xf32, #tpu.memory_space<vmem>>
        %dma_start3A_2065 = arith.constant 0 : i32
        %dma_start3A_2066 = tpu.memref_slice %arg2[%dma_start3A_2065, %multiple_of3A_2059] : memref<32x1000000xf32, #tpu.memory_space<hbm>> -> memref<32x128xf32, #tpu.memory_space<hbm>>
        %dma_start3A_2067 = arith.constant 0 : i32
        %dma_start3A_2068 = arith.constant 0 : i32
        %dma_start3A_2069 = tpu.memref_slice %arg7[%dma_start3A_2060, %dma_start3A_2067, %dma_start3A_2068] : memref<16x32x128xf32, #tpu.memory_space<vmem>> -> memref<1x32x128xf32, #tpu.memory_space<vmem>>
        %dma_start3A_2070 = tpu.memref_squeeze %dma_start3A_2069 : memref<1x32x128xf32, #tpu.memory_space<vmem>> -> memref<32x128xf32, #tpu.memory_space<vmem>>
        %dma_start3A_2071 = arith.constant 0 : i32
        %dma_start3A_2072 = tpu.memref_slice %arg2[%dma_start3A_2071, %multiple_of3A_2059] : memref<32x1000000xf32, #tpu.memory_space<hbm>> -> memref<32x128xf32, #tpu.memory_space<hbm>>
        tpu.enqueue_dma source(%dma_start3A_2072 : memref<32x128xf32, #tpu.memory_space<hbm>>) target(%dma_start3A_2070 : memref<32x128xf32, #tpu.memory_space<vmem>>) target_semaphore(%arg10 : memref<!tpu.dma_semaphore, #tpu.memory_space<semaphore_mem>>)
        %mul3A_2073 = arith.constant 16 : i32
        %mul3A_2074 = arith.muli %add3A_2014, %mul3A_2073 : i32
        %get3A_2075 = arith.index_cast %mul3A_2074 : i32 to index
        %get3A_2076 = tpu.vector_load %arg6[%get3A_2075] {strides = array<i32>} : memref<512xi32, #tpu.memory_space<vmem>>, vector<16xi32>,
        %eq3A_2077 = arith.constant 3 : i32
        %eq3A_2078 = vector.broadcast %eq3A_2077 : i32 to vector<16xi32>
        %eq3A_2079 = arith.cmpi eq, %iota3A_9, %eq3A_2078 : vector<16xi32>
        %broadcast_in_dim3A_2080 = arith.constant 0 : i32
        %broadcast_in_dim3A_2081 = vector.broadcast %broadcast_in_dim3A_2080 : i32 to vector<16xi32>
        %select_n3A_2082 = arith.select %eq3A_2079, %get3A_2076, %broadcast_in_dim3A_2081 : vector<16xi1>, vector<16xi32>
        %reduce_max3A_2083 = arith.constant true
        %reduce_max3A_2084 = vector.broadcast %reduce_max3A_2083 : i1 to vector<16xi1>
        %reduce_max3A_2085 = arith.constant -2147483648 : i32
        %reduce_max3A_2086 = vector.broadcast %reduce_max3A_2085 : i32 to vector<16xi32>
        %reduce_max3A_2087 = arith.xori %select_n3A_2082, %reduce_max3A_2086 : vector<16xi32>
        %reduce_max3A_2088 = tpu.scan <max>, %reduce_max3A_2087 masked %reduce_max3A_2084 : vector<16xi32>, vector<16xi1> -> vector<16xi32>
        %reduce_max3A_2089 = arith.xori %reduce_max3A_2088, %reduce_max3A_2086 : vector<16xi32>
        %reduce_max3A_2090 = vector.extract %reduce_max3A_2089[15] : i32 from vector<16xi32>
        %jit3A_2091 = arith.constant 128 : i32
        %div3A_2092 = arith.divsi %reduce_max3A_2090, %jit3A_2091 : i32
        %sign3A_2093 = arith.constant 0 : i32
        %sign3A_2094 = arith.cmpi sgt, %reduce_max3A_2090, %sign3A_2093 : i32
        %sign3A_2095 = arith.extui %sign3A_2094 : i1 to i32
        %sign3A_2096 = arith.constant 0 : i32
        %sign3A_2097 = arith.cmpi slt, %reduce_max3A_2090, %sign3A_2096 : i32
        %sign3A_2098 = arith.extui %sign3A_2097 : i1 to i32
        %sign3A_2099 = arith.subi %sign3A_2095, %sign3A_2098 : i32
        %sign3A_2100 = arith.constant 0 : i32
        %sign3A_2101 = arith.cmpi sgt, %jit3A_2091, %sign3A_2100 : i32
        %sign3A_2102 = arith.extui %sign3A_2101 : i1 to i32
        %sign3A_2103 = arith.constant 0 : i32
        %sign3A_2104 = arith.cmpi slt, %jit3A_2091, %sign3A_2103 : i32
        %sign3A_2105 = arith.extui %sign3A_2104 : i1 to i32
        %sign3A_2106 = arith.subi %sign3A_2102, %sign3A_2105 : i32
        %ne3A_2107 = arith.cmpi ne, %sign3A_2099, %sign3A_2106 : i32
        %rem3A_2108 = arith.remsi %reduce_max3A_2090, %jit3A_2091 : i32
        %ne3A_2109 = arith.constant 0 : i32
        %ne3A_2110 = arith.cmpi ne, %rem3A_2108, %ne3A_2109 : i32
        %and3A_2111 = arith.andi %ne3A_2107, %ne3A_2110 : i1
        %sub3A_2112 = arith.constant 1 : i32
        %sub3A_2113 = arith.subi %div3A_2092, %sub3A_2112 : i32
        %select_n3A_2114 = arith.select %and3A_2111, %sub3A_2113, %div3A_2092 : i32
        %mul3A_2115 = arith.constant 128 : i32
        %mul3A_2116 = arith.muli %select_n3A_2114, %mul3A_2115 : i32
        %multiple_of3A_2117 = tpu.assume_multiple %mul3A_2116, 128 : i32
        %dma_start3A_2118 = arith.constant 3 : i32
        %dma_start3A_2119 = arith.constant 0 : i32
        %dma_start3A_2120 = arith.constant 0 : i32
        %dma_start3A_2121 = tpu.memref_slice %arg7[%dma_start3A_2118, %dma_start3A_2119, %dma_start3A_2120] : memref<16x32x128xf32, #tpu.memory_space<vmem>> -> memref<1x32x128xf32, #tpu.memory_space<vmem>>
        %dma_start3A_2122 = tpu.memref_squeeze %dma_start3A_2121 : memref<1x32x128xf32, #tpu.memory_space<vmem>> -> memref<32x128xf32, #tpu.memory_space<vmem>>
        %dma_start3A_2123 = arith.constant 0 : i32
        %dma_start3A_2124 = tpu.memref_slice %arg2[%dma_start3A_2123, %multiple_of3A_2117] : memref<32x1000000xf32, #tpu.memory_space<hbm>> -> memref<32x128xf32, #tpu.memory_space<hbm>>
        %dma_start3A_2125 = arith.constant 0 : i32
        %dma_start3A_2126 = arith.constant 0 : i32
        %dma_start3A_2127 = tpu.memref_slice %arg7[%dma_start3A_2118, %dma_start3A_2125, %dma_start3A_2126] : memref<16x32x128xf32, #tpu.memory_space<vmem>> -> memref<1x32x128xf32, #tpu.memory_space<vmem>>
        %dma_start3A_2128 = tpu.memref_squeeze %dma_start3A_2127 : memref<1x32x128xf32, #tpu.memory_space<vmem>> -> memref<32x128xf32, #tpu.memory_space<vmem>>
        %dma_start3A_2129 = arith.constant 0 : i32
        %dma_start3A_2130 = tpu.memref_slice %arg2[%dma_start3A_2129, %multiple_of3A_2117] : memref<32x1000000xf32, #tpu.memory_space<hbm>> -> memref<32x128xf32, #tpu.memory_space<hbm>>
        tpu.enqueue_dma source(%dma_start3A_2130 : memref<32x128xf32, #tpu.memory_space<hbm>>) target(%dma_start3A_2128 : memref<32x128xf32, #tpu.memory_space<vmem>>) target_semaphore(%arg10 : memref<!tpu.dma_semaphore, #tpu.memory_space<semaphore_mem>>)
      } else {
      }
      %dma_wait3A_1179 = arith.constant 0 : i32
      %dma_wait3A_1180 = arith.constant 0 : i32
      %dma_wait3A_1181 = arith.constant 0 : i32
      %dma_wait3A_1182 = tpu.memref_slice %arg7[%dma_wait3A_1179, %dma_wait3A_1180, %dma_wait3A_1181] : memref<16x32x128xf32, #tpu.memory_space<vmem>> -> memref<1x32x128xf32, #tpu.memory_space<vmem>>
      %dma_wait3A_1183 = tpu.memref_squeeze %dma_wait3A_1182 : memref<1x32x128xf32, #tpu.memory_space<vmem>> -> memref<32x128xf32, #tpu.memory_space<vmem>>
      %dma_wait3A_1184 = arith.constant 0 : i32
      %dma_wait3A_1185 = arith.constant 0 : i32
      %dma_wait3A_1186 = tpu.memref_slice %arg2[%dma_wait3A_1184, %dma_wait3A_1185] : memref<32x1000000xf32, #tpu.memory_space<hbm>> -> memref<32x128xf32, #tpu.memory_space<hbm>>
      %dma_wait3A_1187 = arith.constant 0 : i32
      %dma_wait3A_1188 = arith.constant 0 : i32
      %dma_wait3A_1189 = tpu.memref_slice %arg7[%dma_wait3A_1179, %dma_wait3A_1187, %dma_wait3A_1188] : memref<16x32x128xf32, #tpu.memory_space<vmem>> -> memref<1x32x128xf32, #tpu.memory_space<vmem>>
      %dma_wait3A_1190 = tpu.memref_squeeze %dma_wait3A_1189 : memref<1x32x128xf32, #tpu.memory_space<vmem>> -> memref<32x128xf32, #tpu.memory_space<vmem>>
      %dma_wait3A_1191 = arith.constant 0 : i32
      %dma_wait3A_1192 = arith.constant 0 : i32
      %dma_wait3A_1193 = tpu.memref_slice %arg2[%dma_wait3A_1191, %dma_wait3A_1192] : memref<32x1000000xf32, #tpu.memory_space<hbm>> -> memref<32x128xf32, #tpu.memory_space<hbm>>
      tpu.wait_dma2 semaphore(%arg11 : memref<!tpu.dma_semaphore, #tpu.memory_space<semaphore_mem>>) src(%dma_wait3A_1193 : memref<32x128xf32, #tpu.memory_space<hbm>>) dst(%dma_wait3A_1190 : memref<32x128xf32, #tpu.memory_space<vmem>>)
      %dma_wait3A_1194 = arith.constant 0 : i32
      %dma_wait3A_1195 = arith.constant 0 : i32
      %dma_wait3A_1196 = arith.constant 0 : i32
      %dma_wait3A_1197 = tpu.memref_slice %arg7[%dma_wait3A_1194, %dma_wait3A_1195, %dma_wait3A_1196] : memref<16x32x128xf32, #tpu.memory_space<vmem>> -> memref<1x32x128xf32, #tpu.memory_space<vmem>>
      %dma_wait3A_1198 = tpu.memref_squeeze %dma_wait3A_1197 : memref<1x32x128xf32, #tpu.memory_space<vmem>> -> memref<32x128xf32, #tpu.memory_space<vmem>>
      %dma_wait3A_1199 = arith.constant 0 : i32
      %dma_wait3A_1200 = arith.constant 0 : i32
      %dma_wait3A_1201 = tpu.memref_slice %arg2[%dma_wait3A_1199, %dma_wait3A_1200] : memref<32x1000000xf32, #tpu.memory_space<hbm>> -> memref<32x128xf32, #tpu.memory_space<hbm>>
      %dma_wait3A_1202 = arith.constant 0 : i32
      %dma_wait3A_1203 = arith.constant 0 : i32
      %dma_wait3A_1204 = tpu.memref_slice %arg7[%dma_wait3A_1194, %dma_wait3A_1202, %dma_wait3A_1203] : memref<16x32x128xf32, #tpu.memory_space<vmem>> -> memref<1x32x128xf32, #tpu.memory_space<vmem>>
      %dma_wait3A_1205 = tpu.memref_squeeze %dma_wait3A_1204 : memref<1x32x128xf32, #tpu.memory_space<vmem>> -> memref<32x128xf32, #tpu.memory_space<vmem>>
      %dma_wait3A_1206 = arith.constant 0 : i32
      %dma_wait3A_1207 = arith.constant 0 : i32
      %dma_wait3A_1208 = tpu.memref_slice %arg2[%dma_wait3A_1206, %dma_wait3A_1207] : memref<32x1000000xf32, #tpu.memory_space<hbm>> -> memref<32x128xf32, #tpu.memory_space<hbm>>
      tpu.wait_dma2 semaphore(%arg11 : memref<!tpu.dma_semaphore, #tpu.memory_space<semaphore_mem>>) src(%dma_wait3A_1208 : memref<32x128xf32, #tpu.memory_space<hbm>>) dst(%dma_wait3A_1205 : memref<32x128xf32, #tpu.memory_space<vmem>>)
      %mul3A_1209 = arith.constant 16 : i32
      %mul3A_1210 = arith.muli %add3A_904, %mul3A_1209 : i32
      %mul3A_1211 = arith.constant 16 : i32
      %mul3A_1212 = arith.muli %add3A_904, %mul3A_1211 : i32
      %get3A_1213 = arith.index_cast %mul3A_1212 : i32 to index
      %get3A_1214 = tpu.vector_load %arg6[%get3A_1213] {strides = array<i32>} : memref<512xi32, #tpu.memory_space<vmem>>, vector<16xi32>,
      %eq3A_1215 = arith.constant 4 : i32
      %eq3A_1216 = vector.broadcast %eq3A_1215 : i32 to vector<16xi32>
      %eq3A_1217 = arith.cmpi eq, %iota3A_9, %eq3A_1216 : vector<16xi32>
      %broadcast_in_dim3A_1218 = arith.constant 0 : i32
      %broadcast_in_dim3A_1219 = vector.broadcast %broadcast_in_dim3A_1218 : i32 to vector<16xi32>
      %select_n3A_1220 = arith.select %eq3A_1217, %get3A_1214, %broadcast_in_dim3A_1219 : vector<16xi1>, vector<16xi32>
      %reduce_max3A_1221 = arith.constant true
      %reduce_max3A_1222 = vector.broadcast %reduce_max3A_1221 : i1 to vector<16xi1>
      %reduce_max3A_1223 = arith.constant -2147483648 : i32
      %reduce_max3A_1224 = vector.broadcast %reduce_max3A_1223 : i32 to vector<16xi32>
      %reduce_max3A_1225 = arith.xori %select_n3A_1220, %reduce_max3A_1224 : vector<16xi32>
      %reduce_max3A_1226 = tpu.scan <max>, %reduce_max3A_1225 masked %reduce_max3A_1222 : vector<16xi32>, vector<16xi1> -> vector<16xi32>
      %reduce_max3A_1227 = arith.xori %reduce_max3A_1226, %reduce_max3A_1224 : vector<16xi32>
      %reduce_max3A_1228 = vector.extract %reduce_max3A_1227[15] : i32 from vector<16xi32>
      %jit3A_1229 = arith.constant 128 : i32
      %eq3A_1230 = arith.constant 0 : i32
      %eq3A_1231 = arith.cmpi eq, %jit3A_1229, %eq3A_1230 : i32
      %jit3A_1232 = arith.constant 1 : i32
      %select_n3A_1233 = arith.select %eq3A_1231, %jit3A_1232, %jit3A_1229 : i32
      %rem3A_1234 = arith.remsi %reduce_max3A_1228, %select_n3A_1233 : i32
      %ne3A_1235 = arith.constant 0 : i32
      %ne3A_1236 = arith.cmpi ne, %rem3A_1234, %ne3A_1235 : i32
      %lt3A_1237 = arith.constant 0 : i32
      %lt3A_1238 = arith.cmpi slt, %rem3A_1234, %lt3A_1237 : i32
      %lt3A_1239 = arith.constant 0 : i32
      %lt3A_1240 = arith.cmpi slt, %select_n3A_1233, %lt3A_1239 : i32
      %ne3A_1241 = arith.xori %lt3A_1238, %lt3A_1240 : i1
      %and3A_1242 = arith.andi %ne3A_1241, %ne3A_1236 : i1
      %add3A_1243 = arith.addi %rem3A_1234, %select_n3A_1233 : i32
      %select_n3A_1244 = arith.select %and3A_1242, %add3A_1243, %rem3A_1234 : i32
      %broadcast_in_dim3A_1245 = vector.broadcast %select_n3A_1244 : i32 to vector<16xi32>
      %add3A_1246 = arith.constant 4 : i32
      %add3A_1247 = arith.addi %mul3A_1210, %add3A_1246 : i32
      %broadcast_in_dim3A_1248 = vector.broadcast %add3A_1247 : i32 to vector<16xi32>
      %gather3A_1249 = arith.constant 4 : i32
      %gather3A_1250 = arith.constant 0 : i32
      %gather3A_1251 = arith.constant 0 : i32
      %gather3A_1252 = tpu.memref_slice %arg7[%gather3A_1249, %gather3A_1250, %gather3A_1251] : memref<16x32x128xf32, #tpu.memory_space<vmem>> -> memref<1x32x128xf32, #tpu.memory_space<vmem>>
      %gather3A_1253 = tpu.memref_squeeze %gather3A_1252 : memref<1x32x128xf32, #tpu.memory_space<vmem>> -> memref<32x128xf32, #tpu.memory_space<vmem>>
      %gather3A_1254 = tpu.vector_load_idx %gather3A_1253[%iota3A, %broadcast_in_dim3A_1245] : memref<32x128xf32, #tpu.memory_space<vmem>>[vector<16xi32>, vector<16xi32>], vector<16xf32>,
      %gather3A_1255 = arith.constant 4 : i32
      %gather3A_1256 = arith.constant 0 : i32
      %gather3A_1257 = arith.constant 0 : i32
      %gather3A_1258 = tpu.memref_slice %arg7[%gather3A_1255, %gather3A_1256, %gather3A_1257] : memref<16x32x128xf32, #tpu.memory_space<vmem>> -> memref<1x32x128xf32, #tpu.memory_space<vmem>>
      %gather3A_1259 = tpu.memref_squeeze %gather3A_1258 : memref<1x32x128xf32, #tpu.memory_space<vmem>> -> memref<32x128xf32, #tpu.memory_space<vmem>>
      %gather3A_1260 = tpu.vector_load_idx %gather3A_1259[%add3A_8, %broadcast_in_dim3A_1245] : memref<32x128xf32, #tpu.memory_space<vmem>>[vector<16xi32>, vector<16xi32>], vector<16xf32>,
      tpu.vector_store_idx %arg8[%iota3A, %broadcast_in_dim3A_1248], %gather3A_1254 : memref<32x512xf32, #tpu.memory_space<vmem>>[vector<16xi32>, vector<16xi32>], vector<16xf32>,
      tpu.vector_store_idx %arg8[%add3A_8, %broadcast_in_dim3A_1248], %gather3A_1260 : memref<32x512xf32, #tpu.memory_space<vmem>>[vector<16xi32>, vector<16xi32>], vector<16xf32>,
      %mul3A_1261 = arith.constant 16 : i32
      %mul3A_1262 = arith.muli %add3A_904, %mul3A_1261 : i32
      %get3A_1263 = arith.index_cast %mul3A_1262 : i32 to index
      %get3A_1264 = tpu.vector_load %arg6[%get3A_1263] {strides = array<i32>} : memref<512xi32, #tpu.memory_space<vmem>>, vector<16xi32>,
      %eq3A_1265 = arith.constant 5 : i32
      %eq3A_1266 = vector.broadcast %eq3A_1265 : i32 to vector<16xi32>
      %eq3A_1267 = arith.cmpi eq, %iota3A_9, %eq3A_1266 : vector<16xi32>
      %broadcast_in_dim3A_1268 = arith.constant 0 : i32
      %broadcast_in_dim3A_1269 = vector.broadcast %broadcast_in_dim3A_1268 : i32 to vector<16xi32>
      %select_n3A_1270 = arith.select %eq3A_1267, %get3A_1264, %broadcast_in_dim3A_1269 : vector<16xi1>, vector<16xi32>
      %reduce_max3A_1271 = arith.constant true
      %reduce_max3A_1272 = vector.broadcast %reduce_max3A_1271 : i1 to vector<16xi1>
      %reduce_max3A_1273 = arith.constant -2147483648 : i32
      %reduce_max3A_1274 = vector.broadcast %reduce_max3A_1273 : i32 to vector<16xi32>
      %reduce_max3A_1275 = arith.xori %select_n3A_1270, %reduce_max3A_1274 : vector<16xi32>
      %reduce_max3A_1276 = tpu.scan <max>, %reduce_max3A_1275 masked %reduce_max3A_1272 : vector<16xi32>, vector<16xi1> -> vector<16xi32>
      %reduce_max3A_1277 = arith.xori %reduce_max3A_1276, %reduce_max3A_1274 : vector<16xi32>
      %reduce_max3A_1278 = vector.extract %reduce_max3A_1277[15] : i32 from vector<16xi32>
      %jit3A_1279 = arith.constant 128 : i32
      %eq3A_1280 = arith.constant 0 : i32
      %eq3A_1281 = arith.cmpi eq, %jit3A_1279, %eq3A_1280 : i32
      %jit3A_1282 = arith.constant 1 : i32
      %select_n3A_1283 = arith.select %eq3A_1281, %jit3A_1282, %jit3A_1279 : i32
      %rem3A_1284 = arith.remsi %reduce_max3A_1278, %select_n3A_1283 : i32
      %ne3A_1285 = arith.constant 0 : i32
      %ne3A_1286 = arith.cmpi ne, %rem3A_1284, %ne3A_1285 : i32
      %lt3A_1287 = arith.constant 0 : i32
      %lt3A_1288 = arith.cmpi slt, %rem3A_1284, %lt3A_1287 : i32
      %lt3A_1289 = arith.constant 0 : i32
      %lt3A_1290 = arith.cmpi slt, %select_n3A_1283, %lt3A_1289 : i32
      %ne3A_1291 = arith.xori %lt3A_1288, %lt3A_1290 : i1
      %and3A_1292 = arith.andi %ne3A_1291, %ne3A_1286 : i1
      %add3A_1293 = arith.addi %rem3A_1284, %select_n3A_1283 : i32
      %select_n3A_1294 = arith.select %and3A_1292, %add3A_1293, %rem3A_1284 : i32
      %broadcast_in_dim3A_1295 = vector.broadcast %select_n3A_1294 : i32 to vector<16xi32>
      %add3A_1296 = arith.constant 5 : i32
      %add3A_1297 = arith.addi %mul3A_1210, %add3A_1296 : i32
      %broadcast_in_dim3A_1298 = vector.broadcast %add3A_1297 : i32 to vector<16xi32>
      %gather3A_1299 = arith.constant 5 : i32
      %gather3A_1300 = arith.constant 0 : i32
      %gather3A_1301 = arith.constant 0 : i32
      %gather3A_1302 = tpu.memref_slice %arg7[%gather3A_1299, %gather3A_1300, %gather3A_1301] : memref<16x32x128xf32, #tpu.memory_space<vmem>> -> memref<1x32x128xf32, #tpu.memory_space<vmem>>
      %gather3A_1303 = tpu.memref_squeeze %gather3A_1302 : memref<1x32x128xf32, #tpu.memory_space<vmem>> -> memref<32x128xf32, #tpu.memory_space<vmem>>
      %gather3A_1304 = tpu.vector_load_idx %gather3A_1303[%iota3A, %broadcast_in_dim3A_1295] : memref<32x128xf32, #tpu.memory_space<vmem>>[vector<16xi32>, vector<16xi32>], vector<16xf32>,
      %gather3A_1305 = arith.constant 5 : i32
      %gather3A_1306 = arith.constant 0 : i32
      %gather3A_1307 = arith.constant 0 : i32
      %gather3A_1308 = tpu.memref_slice %arg7[%gather3A_1305, %gather3A_1306, %gather3A_1307] : memref<16x32x128xf32, #tpu.memory_space<vmem>> -> memref<1x32x128xf32, #tpu.memory_space<vmem>>
      %gather3A_1309 = tpu.memref_squeeze %gather3A_1308 : memref<1x32x128xf32, #tpu.memory_space<vmem>> -> memref<32x128xf32, #tpu.memory_space<vmem>>
      %gather3A_1310 = tpu.vector_load_idx %gather3A_1309[%add3A_8, %broadcast_in_dim3A_1295] : memref<32x128xf32, #tpu.memory_space<vmem>>[vector<16xi32>, vector<16xi32>], vector<16xf32>,
      tpu.vector_store_idx %arg8[%iota3A, %broadcast_in_dim3A_1298], %gather3A_1304 : memref<32x512xf32, #tpu.memory_space<vmem>>[vector<16xi32>, vector<16xi32>], vector<16xf32>,
      tpu.vector_store_idx %arg8[%add3A_8, %broadcast_in_dim3A_1298], %gather3A_1310 : memref<32x512xf32, #tpu.memory_space<vmem>>[vector<16xi32>, vector<16xi32>], vector<16xf32>,
      %add3A_1311 = arith.constant 1 : i32
      %add3A_1312 = arith.addi %add3A_904, %add3A_1311 : i32
      %lt3A_1313 = arith.constant 32 : i32
      %lt3A_1314 = arith.cmpi slt, %add3A_1312, %lt3A_1313 : i32
      %convert_element_type3A_1315 = arith.extui %lt3A_1314 : i1 to i32
      %cond3A_1316 = arith.constant 0 : i32
      %cond3A_1317 = arith.cmpi ne, %convert_element_type3A_1315, %cond3A_1316 : i32
      scf.if %cond3A_1317 {
        %add3A_2013 = arith.constant 1 : i32
        %add3A_2014 = arith.addi %add3A_904, %add3A_2013 : i32
        %mul3A_2015 = arith.constant 16 : i32
        %mul3A_2016 = arith.muli %add3A_2014, %mul3A_2015 : i32
        %get3A_2017 = arith.index_cast %mul3A_2016 : i32 to index
        %get3A_2018 = tpu.vector_load %arg6[%get3A_2017] {strides = array<i32>} : memref<512xi32, #tpu.memory_space<vmem>>, vector<16xi32>,
        %eq3A_2019 = arith.constant 4 : i32
        %eq3A_2020 = vector.broadcast %eq3A_2019 : i32 to vector<16xi32>
        %eq3A_2021 = arith.cmpi eq, %iota3A_9, %eq3A_2020 : vector<16xi32>
        %broadcast_in_dim3A_2022 = arith.constant 0 : i32
        %broadcast_in_dim3A_2023 = vector.broadcast %broadcast_in_dim3A_2022 : i32 to vector<16xi32>
        %select_n3A_2024 = arith.select %eq3A_2021, %get3A_2018, %broadcast_in_dim3A_2023 : vector<16xi1>, vector<16xi32>
        %reduce_max3A_2025 = arith.constant true
        %reduce_max3A_2026 = vector.broadcast %reduce_max3A_2025 : i1 to vector<16xi1>
        %reduce_max3A_2027 = arith.constant -2147483648 : i32
        %reduce_max3A_2028 = vector.broadcast %reduce_max3A_2027 : i32 to vector<16xi32>
        %reduce_max3A_2029 = arith.xori %select_n3A_2024, %reduce_max3A_2028 : vector<16xi32>
        %reduce_max3A_2030 = tpu.scan <max>, %reduce_max3A_2029 masked %reduce_max3A_2026 : vector<16xi32>, vector<16xi1> -> vector<16xi32>
        %reduce_max3A_2031 = arith.xori %reduce_max3A_2030, %reduce_max3A_2028 : vector<16xi32>
        %reduce_max3A_2032 = vector.extract %reduce_max3A_2031[15] : i32 from vector<16xi32>
        %jit3A_2033 = arith.constant 128 : i32
        %div3A_2034 = arith.divsi %reduce_max3A_2032, %jit3A_2033 : i32
        %sign3A_2035 = arith.constant 0 : i32
        %sign3A_2036 = arith.cmpi sgt, %reduce_max3A_2032, %sign3A_2035 : i32
        %sign3A_2037 = arith.extui %sign3A_2036 : i1 to i32
        %sign3A_2038 = arith.constant 0 : i32
        %sign3A_2039 = arith.cmpi slt, %reduce_max3A_2032, %sign3A_2038 : i32
        %sign3A_2040 = arith.extui %sign3A_2039 : i1 to i32
        %sign3A_2041 = arith.subi %sign3A_2037, %sign3A_2040 : i32
        %sign3A_2042 = arith.constant 0 : i32
        %sign3A_2043 = arith.cmpi sgt, %jit3A_2033, %sign3A_2042 : i32
        %sign3A_2044 = arith.extui %sign3A_2043 : i1 to i32
        %sign3A_2045 = arith.constant 0 : i32
        %sign3A_2046 = arith.cmpi slt, %jit3A_2033, %sign3A_2045 : i32
        %sign3A_2047 = arith.extui %sign3A_2046 : i1 to i32
        %sign3A_2048 = arith.subi %sign3A_2044, %sign3A_2047 : i32
        %ne3A_2049 = arith.cmpi ne, %sign3A_2041, %sign3A_2048 : i32
        %rem3A_2050 = arith.remsi %reduce_max3A_2032, %jit3A_2033 : i32
        %ne3A_2051 = arith.constant 0 : i32
        %ne3A_2052 = arith.cmpi ne, %rem3A_2050, %ne3A_2051 : i32
        %and3A_2053 = arith.andi %ne3A_2049, %ne3A_2052 : i1
        %sub3A_2054 = arith.constant 1 : i32
        %sub3A_2055 = arith.subi %div3A_2034, %sub3A_2054 : i32
        %select_n3A_2056 = arith.select %and3A_2053, %sub3A_2055, %div3A_2034 : i32
        %mul3A_2057 = arith.constant 128 : i32
        %mul3A_2058 = arith.muli %select_n3A_2056, %mul3A_2057 : i32
        %multiple_of3A_2059 = tpu.assume_multiple %mul3A_2058, 128 : i32
        %dma_start3A_2060 = arith.constant 4 : i32
        %dma_start3A_2061 = arith.constant 0 : i32
        %dma_start3A_2062 = arith.constant 0 : i32
        %dma_start3A_2063 = tpu.memref_slice %arg7[%dma_start3A_2060, %dma_start3A_2061, %dma_start3A_2062] : memref<16x32x128xf32, #tpu.memory_space<vmem>> -> memref<1x32x128xf32, #tpu.memory_space<vmem>>
        %dma_start3A_2064 = tpu.memref_squeeze %dma_start3A_2063 : memref<1x32x128xf32, #tpu.memory_space<vmem>> -> memref<32x128xf32, #tpu.memory_space<vmem>>
        %dma_start3A_2065 = arith.constant 0 : i32
        %dma_start3A_2066 = tpu.memref_slice %arg2[%dma_start3A_2065, %multiple_of3A_2059] : memref<32x1000000xf32, #tpu.memory_space<hbm>> -> memref<32x128xf32, #tpu.memory_space<hbm>>
        %dma_start3A_2067 = arith.constant 0 : i32
        %dma_start3A_2068 = arith.constant 0 : i32
        %dma_start3A_2069 = tpu.memref_slice %arg7[%dma_start3A_2060, %dma_start3A_2067, %dma_start3A_2068] : memref<16x32x128xf32, #tpu.memory_space<vmem>> -> memref<1x32x128xf32, #tpu.memory_space<vmem>>
        %dma_start3A_2070 = tpu.memref_squeeze %dma_start3A_2069 : memref<1x32x128xf32, #tpu.memory_space<vmem>> -> memref<32x128xf32, #tpu.memory_space<vmem>>
        %dma_start3A_2071 = arith.constant 0 : i32
        %dma_start3A_2072 = tpu.memref_slice %arg2[%dma_start3A_2071, %multiple_of3A_2059] : memref<32x1000000xf32, #tpu.memory_space<hbm>> -> memref<32x128xf32, #tpu.memory_space<hbm>>
        tpu.enqueue_dma source(%dma_start3A_2072 : memref<32x128xf32, #tpu.memory_space<hbm>>) target(%dma_start3A_2070 : memref<32x128xf32, #tpu.memory_space<vmem>>) target_semaphore(%arg11 : memref<!tpu.dma_semaphore, #tpu.memory_space<semaphore_mem>>)
        %mul3A_2073 = arith.constant 16 : i32
        %mul3A_2074 = arith.muli %add3A_2014, %mul3A_2073 : i32
        %get3A_2075 = arith.index_cast %mul3A_2074 : i32 to index
        %get3A_2076 = tpu.vector_load %arg6[%get3A_2075] {strides = array<i32>} : memref<512xi32, #tpu.memory_space<vmem>>, vector<16xi32>,
        %eq3A_2077 = arith.constant 5 : i32
        %eq3A_2078 = vector.broadcast %eq3A_2077 : i32 to vector<16xi32>
        %eq3A_2079 = arith.cmpi eq, %iota3A_9, %eq3A_2078 : vector<16xi32>
        %broadcast_in_dim3A_2080 = arith.constant 0 : i32
        %broadcast_in_dim3A_2081 = vector.broadcast %broadcast_in_dim3A_2080 : i32 to vector<16xi32>
        %select_n3A_2082 = arith.select %eq3A_2079, %get3A_2076, %broadcast_in_dim3A_2081 : vector<16xi1>, vector<16xi32>
        %reduce_max3A_2083 = arith.constant true
        %reduce_max3A_2084 = vector.broadcast %reduce_max3A_2083 : i1 to vector<16xi1>
        %reduce_max3A_2085 = arith.constant -2147483648 : i32
        %reduce_max3A_2086 = vector.broadcast %reduce_max3A_2085 : i32 to vector<16xi32>
        %reduce_max3A_2087 = arith.xori %select_n3A_2082, %reduce_max3A_2086 : vector<16xi32>
        %reduce_max3A_2088 = tpu.scan <max>, %reduce_max3A_2087 masked %reduce_max3A_2084 : vector<16xi32>, vector<16xi1> -> vector<16xi32>
        %reduce_max3A_2089 = arith.xori %reduce_max3A_2088, %reduce_max3A_2086 : vector<16xi32>
        %reduce_max3A_2090 = vector.extract %reduce_max3A_2089[15] : i32 from vector<16xi32>
        %jit3A_2091 = arith.constant 128 : i32
        %div3A_2092 = arith.divsi %reduce_max3A_2090, %jit3A_2091 : i32
        %sign3A_2093 = arith.constant 0 : i32
        %sign3A_2094 = arith.cmpi sgt, %reduce_max3A_2090, %sign3A_2093 : i32
        %sign3A_2095 = arith.extui %sign3A_2094 : i1 to i32
        %sign3A_2096 = arith.constant 0 : i32
        %sign3A_2097 = arith.cmpi slt, %reduce_max3A_2090, %sign3A_2096 : i32
        %sign3A_2098 = arith.extui %sign3A_2097 : i1 to i32
        %sign3A_2099 = arith.subi %sign3A_2095, %sign3A_2098 : i32
        %sign3A_2100 = arith.constant 0 : i32
        %sign3A_2101 = arith.cmpi sgt, %jit3A_2091, %sign3A_2100 : i32
        %sign3A_2102 = arith.extui %sign3A_2101 : i1 to i32
        %sign3A_2103 = arith.constant 0 : i32
        %sign3A_2104 = arith.cmpi slt, %jit3A_2091, %sign3A_2103 : i32
        %sign3A_2105 = arith.extui %sign3A_2104 : i1 to i32
        %sign3A_2106 = arith.subi %sign3A_2102, %sign3A_2105 : i32
        %ne3A_2107 = arith.cmpi ne, %sign3A_2099, %sign3A_2106 : i32
        %rem3A_2108 = arith.remsi %reduce_max3A_2090, %jit3A_2091 : i32
        %ne3A_2109 = arith.constant 0 : i32
        %ne3A_2110 = arith.cmpi ne, %rem3A_2108, %ne3A_2109 : i32
        %and3A_2111 = arith.andi %ne3A_2107, %ne3A_2110 : i1
        %sub3A_2112 = arith.constant 1 : i32
        %sub3A_2113 = arith.subi %div3A_2092, %sub3A_2112 : i32
        %select_n3A_2114 = arith.select %and3A_2111, %sub3A_2113, %div3A_2092 : i32
        %mul3A_2115 = arith.constant 128 : i32
        %mul3A_2116 = arith.muli %select_n3A_2114, %mul3A_2115 : i32
        %multiple_of3A_2117 = tpu.assume_multiple %mul3A_2116, 128 : i32
        %dma_start3A_2118 = arith.constant 5 : i32
        %dma_start3A_2119 = arith.constant 0 : i32
        %dma_start3A_2120 = arith.constant 0 : i32
        %dma_start3A_2121 = tpu.memref_slice %arg7[%dma_start3A_2118, %dma_start3A_2119, %dma_start3A_2120] : memref<16x32x128xf32, #tpu.memory_space<vmem>> -> memref<1x32x128xf32, #tpu.memory_space<vmem>>
        %dma_start3A_2122 = tpu.memref_squeeze %dma_start3A_2121 : memref<1x32x128xf32, #tpu.memory_space<vmem>> -> memref<32x128xf32, #tpu.memory_space<vmem>>
        %dma_start3A_2123 = arith.constant 0 : i32
        %dma_start3A_2124 = tpu.memref_slice %arg2[%dma_start3A_2123, %multiple_of3A_2117] : memref<32x1000000xf32, #tpu.memory_space<hbm>> -> memref<32x128xf32, #tpu.memory_space<hbm>>
        %dma_start3A_2125 = arith.constant 0 : i32
        %dma_start3A_2126 = arith.constant 0 : i32
        %dma_start3A_2127 = tpu.memref_slice %arg7[%dma_start3A_2118, %dma_start3A_2125, %dma_start3A_2126] : memref<16x32x128xf32, #tpu.memory_space<vmem>> -> memref<1x32x128xf32, #tpu.memory_space<vmem>>
        %dma_start3A_2128 = tpu.memref_squeeze %dma_start3A_2127 : memref<1x32x128xf32, #tpu.memory_space<vmem>> -> memref<32x128xf32, #tpu.memory_space<vmem>>
        %dma_start3A_2129 = arith.constant 0 : i32
        %dma_start3A_2130 = tpu.memref_slice %arg2[%dma_start3A_2129, %multiple_of3A_2117] : memref<32x1000000xf32, #tpu.memory_space<hbm>> -> memref<32x128xf32, #tpu.memory_space<hbm>>
        tpu.enqueue_dma source(%dma_start3A_2130 : memref<32x128xf32, #tpu.memory_space<hbm>>) target(%dma_start3A_2128 : memref<32x128xf32, #tpu.memory_space<vmem>>) target_semaphore(%arg11 : memref<!tpu.dma_semaphore, #tpu.memory_space<semaphore_mem>>)
      } else {
      }
      %dma_wait3A_1318 = arith.constant 0 : i32
      %dma_wait3A_1319 = arith.constant 0 : i32
      %dma_wait3A_1320 = arith.constant 0 : i32
      %dma_wait3A_1321 = tpu.memref_slice %arg7[%dma_wait3A_1318, %dma_wait3A_1319, %dma_wait3A_1320] : memref<16x32x128xf32, #tpu.memory_space<vmem>> -> memref<1x32x128xf32, #tpu.memory_space<vmem>>
      %dma_wait3A_1322 = tpu.memref_squeeze %dma_wait3A_1321 : memref<1x32x128xf32, #tpu.memory_space<vmem>> -> memref<32x128xf32, #tpu.memory_space<vmem>>
      %dma_wait3A_1323 = arith.constant 0 : i32
      %dma_wait3A_1324 = arith.constant 0 : i32
      %dma_wait3A_1325 = tpu.memref_slice %arg2[%dma_wait3A_1323, %dma_wait3A_1324] : memref<32x1000000xf32, #tpu.memory_space<hbm>> -> memref<32x128xf32, #tpu.memory_space<hbm>>
      %dma_wait3A_1326 = arith.constant 0 : i32
      %dma_wait3A_1327 = arith.constant 0 : i32
      %dma_wait3A_1328 = tpu.memref_slice %arg7[%dma_wait3A_1318, %dma_wait3A_1326, %dma_wait3A_1327] : memref<16x32x128xf32, #tpu.memory_space<vmem>> -> memref<1x32x128xf32, #tpu.memory_space<vmem>>
      %dma_wait3A_1329 = tpu.memref_squeeze %dma_wait3A_1328 : memref<1x32x128xf32, #tpu.memory_space<vmem>> -> memref<32x128xf32, #tpu.memory_space<vmem>>
      %dma_wait3A_1330 = arith.constant 0 : i32
      %dma_wait3A_1331 = arith.constant 0 : i32
      %dma_wait3A_1332 = tpu.memref_slice %arg2[%dma_wait3A_1330, %dma_wait3A_1331] : memref<32x1000000xf32, #tpu.memory_space<hbm>> -> memref<32x128xf32, #tpu.memory_space<hbm>>
      tpu.wait_dma2 semaphore(%arg12 : memref<!tpu.dma_semaphore, #tpu.memory_space<semaphore_mem>>) src(%dma_wait3A_1332 : memref<32x128xf32, #tpu.memory_space<hbm>>) dst(%dma_wait3A_1329 : memref<32x128xf32, #tpu.memory_space<vmem>>)
      %dma_wait3A_1333 = arith.constant 0 : i32
      %dma_wait3A_1334 = arith.constant 0 : i32
      %dma_wait3A_1335 = arith.constant 0 : i32
      %dma_wait3A_1336 = tpu.memref_slice %arg7[%dma_wait3A_1333, %dma_wait3A_1334, %dma_wait3A_1335] : memref<16x32x128xf32, #tpu.memory_space<vmem>> -> memref<1x32x128xf32, #tpu.memory_space<vmem>>
      %dma_wait3A_1337 = tpu.memref_squeeze %dma_wait3A_1336 : memref<1x32x128xf32, #tpu.memory_space<vmem>> -> memref<32x128xf32, #tpu.memory_space<vmem>>
      %dma_wait3A_1338 = arith.constant 0 : i32
      %dma_wait3A_1339 = arith.constant 0 : i32
      %dma_wait3A_1340 = tpu.memref_slice %arg2[%dma_wait3A_1338, %dma_wait3A_1339] : memref<32x1000000xf32, #tpu.memory_space<hbm>> -> memref<32x128xf32, #tpu.memory_space<hbm>>
      %dma_wait3A_1341 = arith.constant 0 : i32
      %dma_wait3A_1342 = arith.constant 0 : i32
      %dma_wait3A_1343 = tpu.memref_slice %arg7[%dma_wait3A_1333, %dma_wait3A_1341, %dma_wait3A_1342] : memref<16x32x128xf32, #tpu.memory_space<vmem>> -> memref<1x32x128xf32, #tpu.memory_space<vmem>>
      %dma_wait3A_1344 = tpu.memref_squeeze %dma_wait3A_1343 : memref<1x32x128xf32, #tpu.memory_space<vmem>> -> memref<32x128xf32, #tpu.memory_space<vmem>>
      %dma_wait3A_1345 = arith.constant 0 : i32
      %dma_wait3A_1346 = arith.constant 0 : i32
      %dma_wait3A_1347 = tpu.memref_slice %arg2[%dma_wait3A_1345, %dma_wait3A_1346] : memref<32x1000000xf32, #tpu.memory_space<hbm>> -> memref<32x128xf32, #tpu.memory_space<hbm>>
      tpu.wait_dma2 semaphore(%arg12 : memref<!tpu.dma_semaphore, #tpu.memory_space<semaphore_mem>>) src(%dma_wait3A_1347 : memref<32x128xf32, #tpu.memory_space<hbm>>) dst(%dma_wait3A_1344 : memref<32x128xf32, #tpu.memory_space<vmem>>)
      %mul3A_1348 = arith.constant 16 : i32
      %mul3A_1349 = arith.muli %add3A_904, %mul3A_1348 : i32
      %mul3A_1350 = arith.constant 16 : i32
      %mul3A_1351 = arith.muli %add3A_904, %mul3A_1350 : i32
      %get3A_1352 = arith.index_cast %mul3A_1351 : i32 to index
      %get3A_1353 = tpu.vector_load %arg6[%get3A_1352] {strides = array<i32>} : memref<512xi32, #tpu.memory_space<vmem>>, vector<16xi32>,
      %eq3A_1354 = arith.constant 6 : i32
      %eq3A_1355 = vector.broadcast %eq3A_1354 : i32 to vector<16xi32>
      %eq3A_1356 = arith.cmpi eq, %iota3A_9, %eq3A_1355 : vector<16xi32>
      %broadcast_in_dim3A_1357 = arith.constant 0 : i32
      %broadcast_in_dim3A_1358 = vector.broadcast %broadcast_in_dim3A_1357 : i32 to vector<16xi32>
      %select_n3A_1359 = arith.select %eq3A_1356, %get3A_1353, %broadcast_in_dim3A_1358 : vector<16xi1>, vector<16xi32>
      %reduce_max3A_1360 = arith.constant true
      %reduce_max3A_1361 = vector.broadcast %reduce_max3A_1360 : i1 to vector<16xi1>
      %reduce_max3A_1362 = arith.constant -2147483648 : i32
      %reduce_max3A_1363 = vector.broadcast %reduce_max3A_1362 : i32 to vector<16xi32>
      %reduce_max3A_1364 = arith.xori %select_n3A_1359, %reduce_max3A_1363 : vector<16xi32>
      %reduce_max3A_1365 = tpu.scan <max>, %reduce_max3A_1364 masked %reduce_max3A_1361 : vector<16xi32>, vector<16xi1> -> vector<16xi32>
      %reduce_max3A_1366 = arith.xori %reduce_max3A_1365, %reduce_max3A_1363 : vector<16xi32>
      %reduce_max3A_1367 = vector.extract %reduce_max3A_1366[15] : i32 from vector<16xi32>
      %jit3A_1368 = arith.constant 128 : i32
      %eq3A_1369 = arith.constant 0 : i32
      %eq3A_1370 = arith.cmpi eq, %jit3A_1368, %eq3A_1369 : i32
      %jit3A_1371 = arith.constant 1 : i32
      %select_n3A_1372 = arith.select %eq3A_1370, %jit3A_1371, %jit3A_1368 : i32
      %rem3A_1373 = arith.remsi %reduce_max3A_1367, %select_n3A_1372 : i32
      %ne3A_1374 = arith.constant 0 : i32
      %ne3A_1375 = arith.cmpi ne, %rem3A_1373, %ne3A_1374 : i32
      %lt3A_1376 = arith.constant 0 : i32
      %lt3A_1377 = arith.cmpi slt, %rem3A_1373, %lt3A_1376 : i32
      %lt3A_1378 = arith.constant 0 : i32
      %lt3A_1379 = arith.cmpi slt, %select_n3A_1372, %lt3A_1378 : i32
      %ne3A_1380 = arith.xori %lt3A_1377, %lt3A_1379 : i1
      %and3A_1381 = arith.andi %ne3A_1380, %ne3A_1375 : i1
      %add3A_1382 = arith.addi %rem3A_1373, %select_n3A_1372 : i32
      %select_n3A_1383 = arith.select %and3A_1381, %add3A_1382, %rem3A_1373 : i32
      %broadcast_in_dim3A_1384 = vector.broadcast %select_n3A_1383 : i32 to vector<16xi32>
      %add3A_1385 = arith.constant 6 : i32
      %add3A_1386 = arith.addi %mul3A_1349, %add3A_1385 : i32
      %broadcast_in_dim3A_1387 = vector.broadcast %add3A_1386 : i32 to vector<16xi32>
      %gather3A_1388 = arith.constant 6 : i32
      %gather3A_1389 = arith.constant 0 : i32
      %gather3A_1390 = arith.constant 0 : i32
      %gather3A_1391 = tpu.memref_slice %arg7[%gather3A_1388, %gather3A_1389, %gather3A_1390] : memref<16x32x128xf32, #tpu.memory_space<vmem>> -> memref<1x32x128xf32, #tpu.memory_space<vmem>>
      %gather3A_1392 = tpu.memref_squeeze %gather3A_1391 : memref<1x32x128xf32, #tpu.memory_space<vmem>> -> memref<32x128xf32, #tpu.memory_space<vmem>>
      %gather3A_1393 = tpu.vector_load_idx %gather3A_1392[%iota3A, %broadcast_in_dim3A_1384] : memref<32x128xf32, #tpu.memory_space<vmem>>[vector<16xi32>, vector<16xi32>], vector<16xf32>,
      %gather3A_1394 = arith.constant 6 : i32
      %gather3A_1395 = arith.constant 0 : i32
      %gather3A_1396 = arith.constant 0 : i32
      %gather3A_1397 = tpu.memref_slice %arg7[%gather3A_1394, %gather3A_1395, %gather3A_1396] : memref<16x32x128xf32, #tpu.memory_space<vmem>> -> memref<1x32x128xf32, #tpu.memory_space<vmem>>
      %gather3A_1398 = tpu.memref_squeeze %gather3A_1397 : memref<1x32x128xf32, #tpu.memory_space<vmem>> -> memref<32x128xf32, #tpu.memory_space<vmem>>
      %gather3A_1399 = tpu.vector_load_idx %gather3A_1398[%add3A_8, %broadcast_in_dim3A_1384] : memref<32x128xf32, #tpu.memory_space<vmem>>[vector<16xi32>, vector<16xi32>], vector<16xf32>,
      tpu.vector_store_idx %arg8[%iota3A, %broadcast_in_dim3A_1387], %gather3A_1393 : memref<32x512xf32, #tpu.memory_space<vmem>>[vector<16xi32>, vector<16xi32>], vector<16xf32>,
      tpu.vector_store_idx %arg8[%add3A_8, %broadcast_in_dim3A_1387], %gather3A_1399 : memref<32x512xf32, #tpu.memory_space<vmem>>[vector<16xi32>, vector<16xi32>], vector<16xf32>,
      %mul3A_1400 = arith.constant 16 : i32
      %mul3A_1401 = arith.muli %add3A_904, %mul3A_1400 : i32
      %get3A_1402 = arith.index_cast %mul3A_1401 : i32 to index
      %get3A_1403 = tpu.vector_load %arg6[%get3A_1402] {strides = array<i32>} : memref<512xi32, #tpu.memory_space<vmem>>, vector<16xi32>,
      %eq3A_1404 = arith.constant 7 : i32
      %eq3A_1405 = vector.broadcast %eq3A_1404 : i32 to vector<16xi32>
      %eq3A_1406 = arith.cmpi eq, %iota3A_9, %eq3A_1405 : vector<16xi32>
      %broadcast_in_dim3A_1407 = arith.constant 0 : i32
      %broadcast_in_dim3A_1408 = vector.broadcast %broadcast_in_dim3A_1407 : i32 to vector<16xi32>
      %select_n3A_1409 = arith.select %eq3A_1406, %get3A_1403, %broadcast_in_dim3A_1408 : vector<16xi1>, vector<16xi32>
      %reduce_max3A_1410 = arith.constant true
      %reduce_max3A_1411 = vector.broadcast %reduce_max3A_1410 : i1 to vector<16xi1>
      %reduce_max3A_1412 = arith.constant -2147483648 : i32
      %reduce_max3A_1413 = vector.broadcast %reduce_max3A_1412 : i32 to vector<16xi32>
      %reduce_max3A_1414 = arith.xori %select_n3A_1409, %reduce_max3A_1413 : vector<16xi32>
      %reduce_max3A_1415 = tpu.scan <max>, %reduce_max3A_1414 masked %reduce_max3A_1411 : vector<16xi32>, vector<16xi1> -> vector<16xi32>
      %reduce_max3A_1416 = arith.xori %reduce_max3A_1415, %reduce_max3A_1413 : vector<16xi32>
      %reduce_max3A_1417 = vector.extract %reduce_max3A_1416[15] : i32 from vector<16xi32>
      %jit3A_1418 = arith.constant 128 : i32
      %eq3A_1419 = arith.constant 0 : i32
      %eq3A_1420 = arith.cmpi eq, %jit3A_1418, %eq3A_1419 : i32
      %jit3A_1421 = arith.constant 1 : i32
      %select_n3A_1422 = arith.select %eq3A_1420, %jit3A_1421, %jit3A_1418 : i32
      %rem3A_1423 = arith.remsi %reduce_max3A_1417, %select_n3A_1422 : i32
      %ne3A_1424 = arith.constant 0 : i32
      %ne3A_1425 = arith.cmpi ne, %rem3A_1423, %ne3A_1424 : i32
      %lt3A_1426 = arith.constant 0 : i32
      %lt3A_1427 = arith.cmpi slt, %rem3A_1423, %lt3A_1426 : i32
      %lt3A_1428 = arith.constant 0 : i32
      %lt3A_1429 = arith.cmpi slt, %select_n3A_1422, %lt3A_1428 : i32
      %ne3A_1430 = arith.xori %lt3A_1427, %lt3A_1429 : i1
      %and3A_1431 = arith.andi %ne3A_1430, %ne3A_1425 : i1
      %add3A_1432 = arith.addi %rem3A_1423, %select_n3A_1422 : i32
      %select_n3A_1433 = arith.select %and3A_1431, %add3A_1432, %rem3A_1423 : i32
      %broadcast_in_dim3A_1434 = vector.broadcast %select_n3A_1433 : i32 to vector<16xi32>
      %add3A_1435 = arith.constant 7 : i32
      %add3A_1436 = arith.addi %mul3A_1349, %add3A_1435 : i32
      %broadcast_in_dim3A_1437 = vector.broadcast %add3A_1436 : i32 to vector<16xi32>
      %gather3A_1438 = arith.constant 7 : i32
      %gather3A_1439 = arith.constant 0 : i32
      %gather3A_1440 = arith.constant 0 : i32
      %gather3A_1441 = tpu.memref_slice %arg7[%gather3A_1438, %gather3A_1439, %gather3A_1440] : memref<16x32x128xf32, #tpu.memory_space<vmem>> -> memref<1x32x128xf32, #tpu.memory_space<vmem>>
      %gather3A_1442 = tpu.memref_squeeze %gather3A_1441 : memref<1x32x128xf32, #tpu.memory_space<vmem>> -> memref<32x128xf32, #tpu.memory_space<vmem>>
      %gather3A_1443 = tpu.vector_load_idx %gather3A_1442[%iota3A, %broadcast_in_dim3A_1434] : memref<32x128xf32, #tpu.memory_space<vmem>>[vector<16xi32>, vector<16xi32>], vector<16xf32>,
      %gather3A_1444 = arith.constant 7 : i32
      %gather3A_1445 = arith.constant 0 : i32
      %gather3A_1446 = arith.constant 0 : i32
      %gather3A_1447 = tpu.memref_slice %arg7[%gather3A_1444, %gather3A_1445, %gather3A_1446] : memref<16x32x128xf32, #tpu.memory_space<vmem>> -> memref<1x32x128xf32, #tpu.memory_space<vmem>>
      %gather3A_1448 = tpu.memref_squeeze %gather3A_1447 : memref<1x32x128xf32, #tpu.memory_space<vmem>> -> memref<32x128xf32, #tpu.memory_space<vmem>>
      %gather3A_1449 = tpu.vector_load_idx %gather3A_1448[%add3A_8, %broadcast_in_dim3A_1434] : memref<32x128xf32, #tpu.memory_space<vmem>>[vector<16xi32>, vector<16xi32>], vector<16xf32>,
      tpu.vector_store_idx %arg8[%iota3A, %broadcast_in_dim3A_1437], %gather3A_1443 : memref<32x512xf32, #tpu.memory_space<vmem>>[vector<16xi32>, vector<16xi32>], vector<16xf32>,
      tpu.vector_store_idx %arg8[%add3A_8, %broadcast_in_dim3A_1437], %gather3A_1449 : memref<32x512xf32, #tpu.memory_space<vmem>>[vector<16xi32>, vector<16xi32>], vector<16xf32>,
      %add3A_1450 = arith.constant 1 : i32
      %add3A_1451 = arith.addi %add3A_904, %add3A_1450 : i32
      %lt3A_1452 = arith.constant 32 : i32
      %lt3A_1453 = arith.cmpi slt, %add3A_1451, %lt3A_1452 : i32
      %convert_element_type3A_1454 = arith.extui %lt3A_1453 : i1 to i32
      %cond3A_1455 = arith.constant 0 : i32
      %cond3A_1456 = arith.cmpi ne, %convert_element_type3A_1454, %cond3A_1455 : i32
      scf.if %cond3A_1456 {
        %add3A_2013 = arith.constant 1 : i32
        %add3A_2014 = arith.addi %add3A_904, %add3A_2013 : i32
        %mul3A_2015 = arith.constant 16 : i32
        %mul3A_2016 = arith.muli %add3A_2014, %mul3A_2015 : i32
        %get3A_2017 = arith.index_cast %mul3A_2016 : i32 to index
        %get3A_2018 = tpu.vector_load %arg6[%get3A_2017] {strides = array<i32>} : memref<512xi32, #tpu.memory_space<vmem>>, vector<16xi32>,
        %eq3A_2019 = arith.constant 6 : i32
        %eq3A_2020 = vector.broadcast %eq3A_2019 : i32 to vector<16xi32>
        %eq3A_2021 = arith.cmpi eq, %iota3A_9, %eq3A_2020 : vector<16xi32>
        %broadcast_in_dim3A_2022 = arith.constant 0 : i32
        %broadcast_in_dim3A_2023 = vector.broadcast %broadcast_in_dim3A_2022 : i32 to vector<16xi32>
        %select_n3A_2024 = arith.select %eq3A_2021, %get3A_2018, %broadcast_in_dim3A_2023 : vector<16xi1>, vector<16xi32>
        %reduce_max3A_2025 = arith.constant true
        %reduce_max3A_2026 = vector.broadcast %reduce_max3A_2025 : i1 to vector<16xi1>
        %reduce_max3A_2027 = arith.constant -2147483648 : i32
        %reduce_max3A_2028 = vector.broadcast %reduce_max3A_2027 : i32 to vector<16xi32>
        %reduce_max3A_2029 = arith.xori %select_n3A_2024, %reduce_max3A_2028 : vector<16xi32>
        %reduce_max3A_2030 = tpu.scan <max>, %reduce_max3A_2029 masked %reduce_max3A_2026 : vector<16xi32>, vector<16xi1> -> vector<16xi32>
        %reduce_max3A_2031 = arith.xori %reduce_max3A_2030, %reduce_max3A_2028 : vector<16xi32>
        %reduce_max3A_2032 = vector.extract %reduce_max3A_2031[15] : i32 from vector<16xi32>
        %jit3A_2033 = arith.constant 128 : i32
        %div3A_2034 = arith.divsi %reduce_max3A_2032, %jit3A_2033 : i32
        %sign3A_2035 = arith.constant 0 : i32
        %sign3A_2036 = arith.cmpi sgt, %reduce_max3A_2032, %sign3A_2035 : i32
        %sign3A_2037 = arith.extui %sign3A_2036 : i1 to i32
        %sign3A_2038 = arith.constant 0 : i32
        %sign3A_2039 = arith.cmpi slt, %reduce_max3A_2032, %sign3A_2038 : i32
        %sign3A_2040 = arith.extui %sign3A_2039 : i1 to i32
        %sign3A_2041 = arith.subi %sign3A_2037, %sign3A_2040 : i32
        %sign3A_2042 = arith.constant 0 : i32
        %sign3A_2043 = arith.cmpi sgt, %jit3A_2033, %sign3A_2042 : i32
        %sign3A_2044 = arith.extui %sign3A_2043 : i1 to i32
        %sign3A_2045 = arith.constant 0 : i32
        %sign3A_2046 = arith.cmpi slt, %jit3A_2033, %sign3A_2045 : i32
        %sign3A_2047 = arith.extui %sign3A_2046 : i1 to i32
        %sign3A_2048 = arith.subi %sign3A_2044, %sign3A_2047 : i32
        %ne3A_2049 = arith.cmpi ne, %sign3A_2041, %sign3A_2048 : i32
        %rem3A_2050 = arith.remsi %reduce_max3A_2032, %jit3A_2033 : i32
        %ne3A_2051 = arith.constant 0 : i32
        %ne3A_2052 = arith.cmpi ne, %rem3A_2050, %ne3A_2051 : i32
        %and3A_2053 = arith.andi %ne3A_2049, %ne3A_2052 : i1
        %sub3A_2054 = arith.constant 1 : i32
        %sub3A_2055 = arith.subi %div3A_2034, %sub3A_2054 : i32
        %select_n3A_2056 = arith.select %and3A_2053, %sub3A_2055, %div3A_2034 : i32
        %mul3A_2057 = arith.constant 128 : i32
        %mul3A_2058 = arith.muli %select_n3A_2056, %mul3A_2057 : i32
        %multiple_of3A_2059 = tpu.assume_multiple %mul3A_2058, 128 : i32
        %dma_start3A_2060 = arith.constant 6 : i32
        %dma_start3A_2061 = arith.constant 0 : i32
        %dma_start3A_2062 = arith.constant 0 : i32
        %dma_start3A_2063 = tpu.memref_slice %arg7[%dma_start3A_2060, %dma_start3A_2061, %dma_start3A_2062] : memref<16x32x128xf32, #tpu.memory_space<vmem>> -> memref<1x32x128xf32, #tpu.memory_space<vmem>>
        %dma_start3A_2064 = tpu.memref_squeeze %dma_start3A_2063 : memref<1x32x128xf32, #tpu.memory_space<vmem>> -> memref<32x128xf32, #tpu.memory_space<vmem>>
        %dma_start3A_2065 = arith.constant 0 : i32
        %dma_start3A_2066 = tpu.memref_slice %arg2[%dma_start3A_2065, %multiple_of3A_2059] : memref<32x1000000xf32, #tpu.memory_space<hbm>> -> memref<32x128xf32, #tpu.memory_space<hbm>>
        %dma_start3A_2067 = arith.constant 0 : i32
        %dma_start3A_2068 = arith.constant 0 : i32
        %dma_start3A_2069 = tpu.memref_slice %arg7[%dma_start3A_2060, %dma_start3A_2067, %dma_start3A_2068] : memref<16x32x128xf32, #tpu.memory_space<vmem>> -> memref<1x32x128xf32, #tpu.memory_space<vmem>>
        %dma_start3A_2070 = tpu.memref_squeeze %dma_start3A_2069 : memref<1x32x128xf32, #tpu.memory_space<vmem>> -> memref<32x128xf32, #tpu.memory_space<vmem>>
        %dma_start3A_2071 = arith.constant 0 : i32
        %dma_start3A_2072 = tpu.memref_slice %arg2[%dma_start3A_2071, %multiple_of3A_2059] : memref<32x1000000xf32, #tpu.memory_space<hbm>> -> memref<32x128xf32, #tpu.memory_space<hbm>>
        tpu.enqueue_dma source(%dma_start3A_2072 : memref<32x128xf32, #tpu.memory_space<hbm>>) target(%dma_start3A_2070 : memref<32x128xf32, #tpu.memory_space<vmem>>) target_semaphore(%arg12 : memref<!tpu.dma_semaphore, #tpu.memory_space<semaphore_mem>>)
        %mul3A_2073 = arith.constant 16 : i32
        %mul3A_2074 = arith.muli %add3A_2014, %mul3A_2073 : i32
        %get3A_2075 = arith.index_cast %mul3A_2074 : i32 to index
        %get3A_2076 = tpu.vector_load %arg6[%get3A_2075] {strides = array<i32>} : memref<512xi32, #tpu.memory_space<vmem>>, vector<16xi32>,
        %eq3A_2077 = arith.constant 7 : i32
        %eq3A_2078 = vector.broadcast %eq3A_2077 : i32 to vector<16xi32>
        %eq3A_2079 = arith.cmpi eq, %iota3A_9, %eq3A_2078 : vector<16xi32>
        %broadcast_in_dim3A_2080 = arith.constant 0 : i32
        %broadcast_in_dim3A_2081 = vector.broadcast %broadcast_in_dim3A_2080 : i32 to vector<16xi32>
        %select_n3A_2082 = arith.select %eq3A_2079, %get3A_2076, %broadcast_in_dim3A_2081 : vector<16xi1>, vector<16xi32>
        %reduce_max3A_2083 = arith.constant true
        %reduce_max3A_2084 = vector.broadcast %reduce_max3A_2083 : i1 to vector<16xi1>
        %reduce_max3A_2085 = arith.constant -2147483648 : i32
        %reduce_max3A_2086 = vector.broadcast %reduce_max3A_2085 : i32 to vector<16xi32>
        %reduce_max3A_2087 = arith.xori %select_n3A_2082, %reduce_max3A_2086 : vector<16xi32>
        %reduce_max3A_2088 = tpu.scan <max>, %reduce_max3A_2087 masked %reduce_max3A_2084 : vector<16xi32>, vector<16xi1> -> vector<16xi32>
        %reduce_max3A_2089 = arith.xori %reduce_max3A_2088, %reduce_max3A_2086 : vector<16xi32>
        %reduce_max3A_2090 = vector.extract %reduce_max3A_2089[15] : i32 from vector<16xi32>
        %jit3A_2091 = arith.constant 128 : i32
        %div3A_2092 = arith.divsi %reduce_max3A_2090, %jit3A_2091 : i32
        %sign3A_2093 = arith.constant 0 : i32
        %sign3A_2094 = arith.cmpi sgt, %reduce_max3A_2090, %sign3A_2093 : i32
        %sign3A_2095 = arith.extui %sign3A_2094 : i1 to i32
        %sign3A_2096 = arith.constant 0 : i32
        %sign3A_2097 = arith.cmpi slt, %reduce_max3A_2090, %sign3A_2096 : i32
        %sign3A_2098 = arith.extui %sign3A_2097 : i1 to i32
        %sign3A_2099 = arith.subi %sign3A_2095, %sign3A_2098 : i32
        %sign3A_2100 = arith.constant 0 : i32
        %sign3A_2101 = arith.cmpi sgt, %jit3A_2091, %sign3A_2100 : i32
        %sign3A_2102 = arith.extui %sign3A_2101 : i1 to i32
        %sign3A_2103 = arith.constant 0 : i32
        %sign3A_2104 = arith.cmpi slt, %jit3A_2091, %sign3A_2103 : i32
        %sign3A_2105 = arith.extui %sign3A_2104 : i1 to i32
        %sign3A_2106 = arith.subi %sign3A_2102, %sign3A_2105 : i32
        %ne3A_2107 = arith.cmpi ne, %sign3A_2099, %sign3A_2106 : i32
        %rem3A_2108 = arith.remsi %reduce_max3A_2090, %jit3A_2091 : i32
        %ne3A_2109 = arith.constant 0 : i32
        %ne3A_2110 = arith.cmpi ne, %rem3A_2108, %ne3A_2109 : i32
        %and3A_2111 = arith.andi %ne3A_2107, %ne3A_2110 : i1
        %sub3A_2112 = arith.constant 1 : i32
        %sub3A_2113 = arith.subi %div3A_2092, %sub3A_2112 : i32
        %select_n3A_2114 = arith.select %and3A_2111, %sub3A_2113, %div3A_2092 : i32
        %mul3A_2115 = arith.constant 128 : i32
        %mul3A_2116 = arith.muli %select_n3A_2114, %mul3A_2115 : i32
        %multiple_of3A_2117 = tpu.assume_multiple %mul3A_2116, 128 : i32
        %dma_start3A_2118 = arith.constant 7 : i32
        %dma_start3A_2119 = arith.constant 0 : i32
        %dma_start3A_2120 = arith.constant 0 : i32
        %dma_start3A_2121 = tpu.memref_slice %arg7[%dma_start3A_2118, %dma_start3A_2119, %dma_start3A_2120] : memref<16x32x128xf32, #tpu.memory_space<vmem>> -> memref<1x32x128xf32, #tpu.memory_space<vmem>>
        %dma_start3A_2122 = tpu.memref_squeeze %dma_start3A_2121 : memref<1x32x128xf32, #tpu.memory_space<vmem>> -> memref<32x128xf32, #tpu.memory_space<vmem>>
        %dma_start3A_2123 = arith.constant 0 : i32
        %dma_start3A_2124 = tpu.memref_slice %arg2[%dma_start3A_2123, %multiple_of3A_2117] : memref<32x1000000xf32, #tpu.memory_space<hbm>> -> memref<32x128xf32, #tpu.memory_space<hbm>>
        %dma_start3A_2125 = arith.constant 0 : i32
        %dma_start3A_2126 = arith.constant 0 : i32
        %dma_start3A_2127 = tpu.memref_slice %arg7[%dma_start3A_2118, %dma_start3A_2125, %dma_start3A_2126] : memref<16x32x128xf32, #tpu.memory_space<vmem>> -> memref<1x32x128xf32, #tpu.memory_space<vmem>>
        %dma_start3A_2128 = tpu.memref_squeeze %dma_start3A_2127 : memref<1x32x128xf32, #tpu.memory_space<vmem>> -> memref<32x128xf32, #tpu.memory_space<vmem>>
        %dma_start3A_2129 = arith.constant 0 : i32
        %dma_start3A_2130 = tpu.memref_slice %arg2[%dma_start3A_2129, %multiple_of3A_2117] : memref<32x1000000xf32, #tpu.memory_space<hbm>> -> memref<32x128xf32, #tpu.memory_space<hbm>>
        tpu.enqueue_dma source(%dma_start3A_2130 : memref<32x128xf32, #tpu.memory_space<hbm>>) target(%dma_start3A_2128 : memref<32x128xf32, #tpu.memory_space<vmem>>) target_semaphore(%arg12 : memref<!tpu.dma_semaphore, #tpu.memory_space<semaphore_mem>>)
      } else {
      }
      %dma_wait3A_1457 = arith.constant 0 : i32
      %dma_wait3A_1458 = arith.constant 0 : i32
      %dma_wait3A_1459 = arith.constant 0 : i32
      %dma_wait3A_1460 = tpu.memref_slice %arg7[%dma_wait3A_1457, %dma_wait3A_1458, %dma_wait3A_1459] : memref<16x32x128xf32, #tpu.memory_space<vmem>> -> memref<1x32x128xf32, #tpu.memory_space<vmem>>
      %dma_wait3A_1461 = tpu.memref_squeeze %dma_wait3A_1460 : memref<1x32x128xf32, #tpu.memory_space<vmem>> -> memref<32x128xf32, #tpu.memory_space<vmem>>
      %dma_wait3A_1462 = arith.constant 0 : i32
      %dma_wait3A_1463 = arith.constant 0 : i32
      %dma_wait3A_1464 = tpu.memref_slice %arg2[%dma_wait3A_1462, %dma_wait3A_1463] : memref<32x1000000xf32, #tpu.memory_space<hbm>> -> memref<32x128xf32, #tpu.memory_space<hbm>>
      %dma_wait3A_1465 = arith.constant 0 : i32
      %dma_wait3A_1466 = arith.constant 0 : i32
      %dma_wait3A_1467 = tpu.memref_slice %arg7[%dma_wait3A_1457, %dma_wait3A_1465, %dma_wait3A_1466] : memref<16x32x128xf32, #tpu.memory_space<vmem>> -> memref<1x32x128xf32, #tpu.memory_space<vmem>>
      %dma_wait3A_1468 = tpu.memref_squeeze %dma_wait3A_1467 : memref<1x32x128xf32, #tpu.memory_space<vmem>> -> memref<32x128xf32, #tpu.memory_space<vmem>>
      %dma_wait3A_1469 = arith.constant 0 : i32
      %dma_wait3A_1470 = arith.constant 0 : i32
      %dma_wait3A_1471 = tpu.memref_slice %arg2[%dma_wait3A_1469, %dma_wait3A_1470] : memref<32x1000000xf32, #tpu.memory_space<hbm>> -> memref<32x128xf32, #tpu.memory_space<hbm>>
      tpu.wait_dma2 semaphore(%arg13 : memref<!tpu.dma_semaphore, #tpu.memory_space<semaphore_mem>>) src(%dma_wait3A_1471 : memref<32x128xf32, #tpu.memory_space<hbm>>) dst(%dma_wait3A_1468 : memref<32x128xf32, #tpu.memory_space<vmem>>)
      %dma_wait3A_1472 = arith.constant 0 : i32
      %dma_wait3A_1473 = arith.constant 0 : i32
      %dma_wait3A_1474 = arith.constant 0 : i32
      %dma_wait3A_1475 = tpu.memref_slice %arg7[%dma_wait3A_1472, %dma_wait3A_1473, %dma_wait3A_1474] : memref<16x32x128xf32, #tpu.memory_space<vmem>> -> memref<1x32x128xf32, #tpu.memory_space<vmem>>
      %dma_wait3A_1476 = tpu.memref_squeeze %dma_wait3A_1475 : memref<1x32x128xf32, #tpu.memory_space<vmem>> -> memref<32x128xf32, #tpu.memory_space<vmem>>
      %dma_wait3A_1477 = arith.constant 0 : i32
      %dma_wait3A_1478 = arith.constant 0 : i32
      %dma_wait3A_1479 = tpu.memref_slice %arg2[%dma_wait3A_1477, %dma_wait3A_1478] : memref<32x1000000xf32, #tpu.memory_space<hbm>> -> memref<32x128xf32, #tpu.memory_space<hbm>>
      %dma_wait3A_1480 = arith.constant 0 : i32
      %dma_wait3A_1481 = arith.constant 0 : i32
      %dma_wait3A_1482 = tpu.memref_slice %arg7[%dma_wait3A_1472, %dma_wait3A_1480, %dma_wait3A_1481] : memref<16x32x128xf32, #tpu.memory_space<vmem>> -> memref<1x32x128xf32, #tpu.memory_space<vmem>>
      %dma_wait3A_1483 = tpu.memref_squeeze %dma_wait3A_1482 : memref<1x32x128xf32, #tpu.memory_space<vmem>> -> memref<32x128xf32, #tpu.memory_space<vmem>>
      %dma_wait3A_1484 = arith.constant 0 : i32
      %dma_wait3A_1485 = arith.constant 0 : i32
      %dma_wait3A_1486 = tpu.memref_slice %arg2[%dma_wait3A_1484, %dma_wait3A_1485] : memref<32x1000000xf32, #tpu.memory_space<hbm>> -> memref<32x128xf32, #tpu.memory_space<hbm>>
      tpu.wait_dma2 semaphore(%arg13 : memref<!tpu.dma_semaphore, #tpu.memory_space<semaphore_mem>>) src(%dma_wait3A_1486 : memref<32x128xf32, #tpu.memory_space<hbm>>) dst(%dma_wait3A_1483 : memref<32x128xf32, #tpu.memory_space<vmem>>)
      %mul3A_1487 = arith.constant 16 : i32
      %mul3A_1488 = arith.muli %add3A_904, %mul3A_1487 : i32
      %mul3A_1489 = arith.constant 16 : i32
      %mul3A_1490 = arith.muli %add3A_904, %mul3A_1489 : i32
      %get3A_1491 = arith.index_cast %mul3A_1490 : i32 to index
      %get3A_1492 = tpu.vector_load %arg6[%get3A_1491] {strides = array<i32>} : memref<512xi32, #tpu.memory_space<vmem>>, vector<16xi32>,
      %eq3A_1493 = arith.constant 8 : i32
      %eq3A_1494 = vector.broadcast %eq3A_1493 : i32 to vector<16xi32>
      %eq3A_1495 = arith.cmpi eq, %iota3A_9, %eq3A_1494 : vector<16xi32>
      %broadcast_in_dim3A_1496 = arith.constant 0 : i32
      %broadcast_in_dim3A_1497 = vector.broadcast %broadcast_in_dim3A_1496 : i32 to vector<16xi32>
      %select_n3A_1498 = arith.select %eq3A_1495, %get3A_1492, %broadcast_in_dim3A_1497 : vector<16xi1>, vector<16xi32>
      %reduce_max3A_1499 = arith.constant true
      %reduce_max3A_1500 = vector.broadcast %reduce_max3A_1499 : i1 to vector<16xi1>
      %reduce_max3A_1501 = arith.constant -2147483648 : i32
      %reduce_max3A_1502 = vector.broadcast %reduce_max3A_1501 : i32 to vector<16xi32>
      %reduce_max3A_1503 = arith.xori %select_n3A_1498, %reduce_max3A_1502 : vector<16xi32>
      %reduce_max3A_1504 = tpu.scan <max>, %reduce_max3A_1503 masked %reduce_max3A_1500 : vector<16xi32>, vector<16xi1> -> vector<16xi32>
      %reduce_max3A_1505 = arith.xori %reduce_max3A_1504, %reduce_max3A_1502 : vector<16xi32>
      %reduce_max3A_1506 = vector.extract %reduce_max3A_1505[15] : i32 from vector<16xi32>
      %jit3A_1507 = arith.constant 128 : i32
      %eq3A_1508 = arith.constant 0 : i32
      %eq3A_1509 = arith.cmpi eq, %jit3A_1507, %eq3A_1508 : i32
      %jit3A_1510 = arith.constant 1 : i32
      %select_n3A_1511 = arith.select %eq3A_1509, %jit3A_1510, %jit3A_1507 : i32
      %rem3A_1512 = arith.remsi %reduce_max3A_1506, %select_n3A_1511 : i32
      %ne3A_1513 = arith.constant 0 : i32
      %ne3A_1514 = arith.cmpi ne, %rem3A_1512, %ne3A_1513 : i32
      %lt3A_1515 = arith.constant 0 : i32
      %lt3A_1516 = arith.cmpi slt, %rem3A_1512, %lt3A_1515 : i32
      %lt3A_1517 = arith.constant 0 : i32
      %lt3A_1518 = arith.cmpi slt, %select_n3A_1511, %lt3A_1517 : i32
      %ne3A_1519 = arith.xori %lt3A_1516, %lt3A_1518 : i1
      %and3A_1520 = arith.andi %ne3A_1519, %ne3A_1514 : i1
      %add3A_1521 = arith.addi %rem3A_1512, %select_n3A_1511 : i32
      %select_n3A_1522 = arith.select %and3A_1520, %add3A_1521, %rem3A_1512 : i32
      %broadcast_in_dim3A_1523 = vector.broadcast %select_n3A_1522 : i32 to vector<16xi32>
      %add3A_1524 = arith.constant 8 : i32
      %add3A_1525 = arith.addi %mul3A_1488, %add3A_1524 : i32
      %broadcast_in_dim3A_1526 = vector.broadcast %add3A_1525 : i32 to vector<16xi32>
      %gather3A_1527 = arith.constant 8 : i32
      %gather3A_1528 = arith.constant 0 : i32
      %gather3A_1529 = arith.constant 0 : i32
      %gather3A_1530 = tpu.memref_slice %arg7[%gather3A_1527, %gather3A_1528, %gather3A_1529] : memref<16x32x128xf32, #tpu.memory_space<vmem>> -> memref<1x32x128xf32, #tpu.memory_space<vmem>>
      %gather3A_1531 = tpu.memref_squeeze %gather3A_1530 : memref<1x32x128xf32, #tpu.memory_space<vmem>> -> memref<32x128xf32, #tpu.memory_space<vmem>>
      %gather3A_1532 = tpu.vector_load_idx %gather3A_1531[%iota3A, %broadcast_in_dim3A_1523] : memref<32x128xf32, #tpu.memory_space<vmem>>[vector<16xi32>, vector<16xi32>], vector<16xf32>,
      %gather3A_1533 = arith.constant 8 : i32
      %gather3A_1534 = arith.constant 0 : i32
      %gather3A_1535 = arith.constant 0 : i32
      %gather3A_1536 = tpu.memref_slice %arg7[%gather3A_1533, %gather3A_1534, %gather3A_1535] : memref<16x32x128xf32, #tpu.memory_space<vmem>> -> memref<1x32x128xf32, #tpu.memory_space<vmem>>
      %gather3A_1537 = tpu.memref_squeeze %gather3A_1536 : memref<1x32x128xf32, #tpu.memory_space<vmem>> -> memref<32x128xf32, #tpu.memory_space<vmem>>
      %gather3A_1538 = tpu.vector_load_idx %gather3A_1537[%add3A_8, %broadcast_in_dim3A_1523] : memref<32x128xf32, #tpu.memory_space<vmem>>[vector<16xi32>, vector<16xi32>], vector<16xf32>,
      tpu.vector_store_idx %arg8[%iota3A, %broadcast_in_dim3A_1526], %gather3A_1532 : memref<32x512xf32, #tpu.memory_space<vmem>>[vector<16xi32>, vector<16xi32>], vector<16xf32>,
      tpu.vector_store_idx %arg8[%add3A_8, %broadcast_in_dim3A_1526], %gather3A_1538 : memref<32x512xf32, #tpu.memory_space<vmem>>[vector<16xi32>, vector<16xi32>], vector<16xf32>,
      %mul3A_1539 = arith.constant 16 : i32
      %mul3A_1540 = arith.muli %add3A_904, %mul3A_1539 : i32
      %get3A_1541 = arith.index_cast %mul3A_1540 : i32 to index
      %get3A_1542 = tpu.vector_load %arg6[%get3A_1541] {strides = array<i32>} : memref<512xi32, #tpu.memory_space<vmem>>, vector<16xi32>,
      %eq3A_1543 = arith.constant 9 : i32
      %eq3A_1544 = vector.broadcast %eq3A_1543 : i32 to vector<16xi32>
      %eq3A_1545 = arith.cmpi eq, %iota3A_9, %eq3A_1544 : vector<16xi32>
      %broadcast_in_dim3A_1546 = arith.constant 0 : i32
      %broadcast_in_dim3A_1547 = vector.broadcast %broadcast_in_dim3A_1546 : i32 to vector<16xi32>
      %select_n3A_1548 = arith.select %eq3A_1545, %get3A_1542, %broadcast_in_dim3A_1547 : vector<16xi1>, vector<16xi32>
      %reduce_max3A_1549 = arith.constant true
      %reduce_max3A_1550 = vector.broadcast %reduce_max3A_1549 : i1 to vector<16xi1>
      %reduce_max3A_1551 = arith.constant -2147483648 : i32
      %reduce_max3A_1552 = vector.broadcast %reduce_max3A_1551 : i32 to vector<16xi32>
      %reduce_max3A_1553 = arith.xori %select_n3A_1548, %reduce_max3A_1552 : vector<16xi32>
      %reduce_max3A_1554 = tpu.scan <max>, %reduce_max3A_1553 masked %reduce_max3A_1550 : vector<16xi32>, vector<16xi1> -> vector<16xi32>
      %reduce_max3A_1555 = arith.xori %reduce_max3A_1554, %reduce_max3A_1552 : vector<16xi32>
      %reduce_max3A_1556 = vector.extract %reduce_max3A_1555[15] : i32 from vector<16xi32>
      %jit3A_1557 = arith.constant 128 : i32
      %eq3A_1558 = arith.constant 0 : i32
      %eq3A_1559 = arith.cmpi eq, %jit3A_1557, %eq3A_1558 : i32
      %jit3A_1560 = arith.constant 1 : i32
      %select_n3A_1561 = arith.select %eq3A_1559, %jit3A_1560, %jit3A_1557 : i32
      %rem3A_1562 = arith.remsi %reduce_max3A_1556, %select_n3A_1561 : i32
      %ne3A_1563 = arith.constant 0 : i32
      %ne3A_1564 = arith.cmpi ne, %rem3A_1562, %ne3A_1563 : i32
      %lt3A_1565 = arith.constant 0 : i32
      %lt3A_1566 = arith.cmpi slt, %rem3A_1562, %lt3A_1565 : i32
      %lt3A_1567 = arith.constant 0 : i32
      %lt3A_1568 = arith.cmpi slt, %select_n3A_1561, %lt3A_1567 : i32
      %ne3A_1569 = arith.xori %lt3A_1566, %lt3A_1568 : i1
      %and3A_1570 = arith.andi %ne3A_1569, %ne3A_1564 : i1
      %add3A_1571 = arith.addi %rem3A_1562, %select_n3A_1561 : i32
      %select_n3A_1572 = arith.select %and3A_1570, %add3A_1571, %rem3A_1562 : i32
      %broadcast_in_dim3A_1573 = vector.broadcast %select_n3A_1572 : i32 to vector<16xi32>
      %add3A_1574 = arith.constant 9 : i32
      %add3A_1575 = arith.addi %mul3A_1488, %add3A_1574 : i32
      %broadcast_in_dim3A_1576 = vector.broadcast %add3A_1575 : i32 to vector<16xi32>
      %gather3A_1577 = arith.constant 9 : i32
      %gather3A_1578 = arith.constant 0 : i32
      %gather3A_1579 = arith.constant 0 : i32
      %gather3A_1580 = tpu.memref_slice %arg7[%gather3A_1577, %gather3A_1578, %gather3A_1579] : memref<16x32x128xf32, #tpu.memory_space<vmem>> -> memref<1x32x128xf32, #tpu.memory_space<vmem>>
      %gather3A_1581 = tpu.memref_squeeze %gather3A_1580 : memref<1x32x128xf32, #tpu.memory_space<vmem>> -> memref<32x128xf32, #tpu.memory_space<vmem>>
      %gather3A_1582 = tpu.vector_load_idx %gather3A_1581[%iota3A, %broadcast_in_dim3A_1573] : memref<32x128xf32, #tpu.memory_space<vmem>>[vector<16xi32>, vector<16xi32>], vector<16xf32>,
      %gather3A_1583 = arith.constant 9 : i32
      %gather3A_1584 = arith.constant 0 : i32
      %gather3A_1585 = arith.constant 0 : i32
      %gather3A_1586 = tpu.memref_slice %arg7[%gather3A_1583, %gather3A_1584, %gather3A_1585] : memref<16x32x128xf32, #tpu.memory_space<vmem>> -> memref<1x32x128xf32, #tpu.memory_space<vmem>>
      %gather3A_1587 = tpu.memref_squeeze %gather3A_1586 : memref<1x32x128xf32, #tpu.memory_space<vmem>> -> memref<32x128xf32, #tpu.memory_space<vmem>>
      %gather3A_1588 = tpu.vector_load_idx %gather3A_1587[%add3A_8, %broadcast_in_dim3A_1573] : memref<32x128xf32, #tpu.memory_space<vmem>>[vector<16xi32>, vector<16xi32>], vector<16xf32>,
      tpu.vector_store_idx %arg8[%iota3A, %broadcast_in_dim3A_1576], %gather3A_1582 : memref<32x512xf32, #tpu.memory_space<vmem>>[vector<16xi32>, vector<16xi32>], vector<16xf32>,
      tpu.vector_store_idx %arg8[%add3A_8, %broadcast_in_dim3A_1576], %gather3A_1588 : memref<32x512xf32, #tpu.memory_space<vmem>>[vector<16xi32>, vector<16xi32>], vector<16xf32>,
      %add3A_1589 = arith.constant 1 : i32
      %add3A_1590 = arith.addi %add3A_904, %add3A_1589 : i32
      %lt3A_1591 = arith.constant 32 : i32
      %lt3A_1592 = arith.cmpi slt, %add3A_1590, %lt3A_1591 : i32
      %convert_element_type3A_1593 = arith.extui %lt3A_1592 : i1 to i32
      %cond3A_1594 = arith.constant 0 : i32
      %cond3A_1595 = arith.cmpi ne, %convert_element_type3A_1593, %cond3A_1594 : i32
      scf.if %cond3A_1595 {
        %add3A_2013 = arith.constant 1 : i32
        %add3A_2014 = arith.addi %add3A_904, %add3A_2013 : i32
        %mul3A_2015 = arith.constant 16 : i32
        %mul3A_2016 = arith.muli %add3A_2014, %mul3A_2015 : i32
        %get3A_2017 = arith.index_cast %mul3A_2016 : i32 to index
        %get3A_2018 = tpu.vector_load %arg6[%get3A_2017] {strides = array<i32>} : memref<512xi32, #tpu.memory_space<vmem>>, vector<16xi32>,
        %eq3A_2019 = arith.constant 8 : i32
        %eq3A_2020 = vector.broadcast %eq3A_2019 : i32 to vector<16xi32>
        %eq3A_2021 = arith.cmpi eq, %iota3A_9, %eq3A_2020 : vector<16xi32>
        %broadcast_in_dim3A_2022 = arith.constant 0 : i32
        %broadcast_in_dim3A_2023 = vector.broadcast %broadcast_in_dim3A_2022 : i32 to vector<16xi32>
        %select_n3A_2024 = arith.select %eq3A_2021, %get3A_2018, %broadcast_in_dim3A_2023 : vector<16xi1>, vector<16xi32>
        %reduce_max3A_2025 = arith.constant true
        %reduce_max3A_2026 = vector.broadcast %reduce_max3A_2025 : i1 to vector<16xi1>
        %reduce_max3A_2027 = arith.constant -2147483648 : i32
        %reduce_max3A_2028 = vector.broadcast %reduce_max3A_2027 : i32 to vector<16xi32>
        %reduce_max3A_2029 = arith.xori %select_n3A_2024, %reduce_max3A_2028 : vector<16xi32>
        %reduce_max3A_2030 = tpu.scan <max>, %reduce_max3A_2029 masked %reduce_max3A_2026 : vector<16xi32>, vector<16xi1> -> vector<16xi32>
        %reduce_max3A_2031 = arith.xori %reduce_max3A_2030, %reduce_max3A_2028 : vector<16xi32>
        %reduce_max3A_2032 = vector.extract %reduce_max3A_2031[15] : i32 from vector<16xi32>
        %jit3A_2033 = arith.constant 128 : i32
        %div3A_2034 = arith.divsi %reduce_max3A_2032, %jit3A_2033 : i32
        %sign3A_2035 = arith.constant 0 : i32
        %sign3A_2036 = arith.cmpi sgt, %reduce_max3A_2032, %sign3A_2035 : i32
        %sign3A_2037 = arith.extui %sign3A_2036 : i1 to i32
        %sign3A_2038 = arith.constant 0 : i32
        %sign3A_2039 = arith.cmpi slt, %reduce_max3A_2032, %sign3A_2038 : i32
        %sign3A_2040 = arith.extui %sign3A_2039 : i1 to i32
        %sign3A_2041 = arith.subi %sign3A_2037, %sign3A_2040 : i32
        %sign3A_2042 = arith.constant 0 : i32
        %sign3A_2043 = arith.cmpi sgt, %jit3A_2033, %sign3A_2042 : i32
        %sign3A_2044 = arith.extui %sign3A_2043 : i1 to i32
        %sign3A_2045 = arith.constant 0 : i32
        %sign3A_2046 = arith.cmpi slt, %jit3A_2033, %sign3A_2045 : i32
        %sign3A_2047 = arith.extui %sign3A_2046 : i1 to i32
        %sign3A_2048 = arith.subi %sign3A_2044, %sign3A_2047 : i32
        %ne3A_2049 = arith.cmpi ne, %sign3A_2041, %sign3A_2048 : i32
        %rem3A_2050 = arith.remsi %reduce_max3A_2032, %jit3A_2033 : i32
        %ne3A_2051 = arith.constant 0 : i32
        %ne3A_2052 = arith.cmpi ne, %rem3A_2050, %ne3A_2051 : i32
        %and3A_2053 = arith.andi %ne3A_2049, %ne3A_2052 : i1
        %sub3A_2054 = arith.constant 1 : i32
        %sub3A_2055 = arith.subi %div3A_2034, %sub3A_2054 : i32
        %select_n3A_2056 = arith.select %and3A_2053, %sub3A_2055, %div3A_2034 : i32
        %mul3A_2057 = arith.constant 128 : i32
        %mul3A_2058 = arith.muli %select_n3A_2056, %mul3A_2057 : i32
        %multiple_of3A_2059 = tpu.assume_multiple %mul3A_2058, 128 : i32
        %dma_start3A_2060 = arith.constant 8 : i32
        %dma_start3A_2061 = arith.constant 0 : i32
        %dma_start3A_2062 = arith.constant 0 : i32
        %dma_start3A_2063 = tpu.memref_slice %arg7[%dma_start3A_2060, %dma_start3A_2061, %dma_start3A_2062] : memref<16x32x128xf32, #tpu.memory_space<vmem>> -> memref<1x32x128xf32, #tpu.memory_space<vmem>>
        %dma_start3A_2064 = tpu.memref_squeeze %dma_start3A_2063 : memref<1x32x128xf32, #tpu.memory_space<vmem>> -> memref<32x128xf32, #tpu.memory_space<vmem>>
        %dma_start3A_2065 = arith.constant 0 : i32
        %dma_start3A_2066 = tpu.memref_slice %arg2[%dma_start3A_2065, %multiple_of3A_2059] : memref<32x1000000xf32, #tpu.memory_space<hbm>> -> memref<32x128xf32, #tpu.memory_space<hbm>>
        %dma_start3A_2067 = arith.constant 0 : i32
        %dma_start3A_2068 = arith.constant 0 : i32
        %dma_start3A_2069 = tpu.memref_slice %arg7[%dma_start3A_2060, %dma_start3A_2067, %dma_start3A_2068] : memref<16x32x128xf32, #tpu.memory_space<vmem>> -> memref<1x32x128xf32, #tpu.memory_space<vmem>>
        %dma_start3A_2070 = tpu.memref_squeeze %dma_start3A_2069 : memref<1x32x128xf32, #tpu.memory_space<vmem>> -> memref<32x128xf32, #tpu.memory_space<vmem>>
        %dma_start3A_2071 = arith.constant 0 : i32
        %dma_start3A_2072 = tpu.memref_slice %arg2[%dma_start3A_2071, %multiple_of3A_2059] : memref<32x1000000xf32, #tpu.memory_space<hbm>> -> memref<32x128xf32, #tpu.memory_space<hbm>>
        tpu.enqueue_dma source(%dma_start3A_2072 : memref<32x128xf32, #tpu.memory_space<hbm>>) target(%dma_start3A_2070 : memref<32x128xf32, #tpu.memory_space<vmem>>) target_semaphore(%arg13 : memref<!tpu.dma_semaphore, #tpu.memory_space<semaphore_mem>>)
        %mul3A_2073 = arith.constant 16 : i32
        %mul3A_2074 = arith.muli %add3A_2014, %mul3A_2073 : i32
        %get3A_2075 = arith.index_cast %mul3A_2074 : i32 to index
        %get3A_2076 = tpu.vector_load %arg6[%get3A_2075] {strides = array<i32>} : memref<512xi32, #tpu.memory_space<vmem>>, vector<16xi32>,
        %eq3A_2077 = arith.constant 9 : i32
        %eq3A_2078 = vector.broadcast %eq3A_2077 : i32 to vector<16xi32>
        %eq3A_2079 = arith.cmpi eq, %iota3A_9, %eq3A_2078 : vector<16xi32>
        %broadcast_in_dim3A_2080 = arith.constant 0 : i32
        %broadcast_in_dim3A_2081 = vector.broadcast %broadcast_in_dim3A_2080 : i32 to vector<16xi32>
        %select_n3A_2082 = arith.select %eq3A_2079, %get3A_2076, %broadcast_in_dim3A_2081 : vector<16xi1>, vector<16xi32>
        %reduce_max3A_2083 = arith.constant true
        %reduce_max3A_2084 = vector.broadcast %reduce_max3A_2083 : i1 to vector<16xi1>
        %reduce_max3A_2085 = arith.constant -2147483648 : i32
        %reduce_max3A_2086 = vector.broadcast %reduce_max3A_2085 : i32 to vector<16xi32>
        %reduce_max3A_2087 = arith.xori %select_n3A_2082, %reduce_max3A_2086 : vector<16xi32>
        %reduce_max3A_2088 = tpu.scan <max>, %reduce_max3A_2087 masked %reduce_max3A_2084 : vector<16xi32>, vector<16xi1> -> vector<16xi32>
        %reduce_max3A_2089 = arith.xori %reduce_max3A_2088, %reduce_max3A_2086 : vector<16xi32>
        %reduce_max3A_2090 = vector.extract %reduce_max3A_2089[15] : i32 from vector<16xi32>
        %jit3A_2091 = arith.constant 128 : i32
        %div3A_2092 = arith.divsi %reduce_max3A_2090, %jit3A_2091 : i32
        %sign3A_2093 = arith.constant 0 : i32
        %sign3A_2094 = arith.cmpi sgt, %reduce_max3A_2090, %sign3A_2093 : i32
        %sign3A_2095 = arith.extui %sign3A_2094 : i1 to i32
        %sign3A_2096 = arith.constant 0 : i32
        %sign3A_2097 = arith.cmpi slt, %reduce_max3A_2090, %sign3A_2096 : i32
        %sign3A_2098 = arith.extui %sign3A_2097 : i1 to i32
        %sign3A_2099 = arith.subi %sign3A_2095, %sign3A_2098 : i32
        %sign3A_2100 = arith.constant 0 : i32
        %sign3A_2101 = arith.cmpi sgt, %jit3A_2091, %sign3A_2100 : i32
        %sign3A_2102 = arith.extui %sign3A_2101 : i1 to i32
        %sign3A_2103 = arith.constant 0 : i32
        %sign3A_2104 = arith.cmpi slt, %jit3A_2091, %sign3A_2103 : i32
        %sign3A_2105 = arith.extui %sign3A_2104 : i1 to i32
        %sign3A_2106 = arith.subi %sign3A_2102, %sign3A_2105 : i32
        %ne3A_2107 = arith.cmpi ne, %sign3A_2099, %sign3A_2106 : i32
        %rem3A_2108 = arith.remsi %reduce_max3A_2090, %jit3A_2091 : i32
        %ne3A_2109 = arith.constant 0 : i32
        %ne3A_2110 = arith.cmpi ne, %rem3A_2108, %ne3A_2109 : i32
        %and3A_2111 = arith.andi %ne3A_2107, %ne3A_2110 : i1
        %sub3A_2112 = arith.constant 1 : i32
        %sub3A_2113 = arith.subi %div3A_2092, %sub3A_2112 : i32
        %select_n3A_2114 = arith.select %and3A_2111, %sub3A_2113, %div3A_2092 : i32
        %mul3A_2115 = arith.constant 128 : i32
        %mul3A_2116 = arith.muli %select_n3A_2114, %mul3A_2115 : i32
        %multiple_of3A_2117 = tpu.assume_multiple %mul3A_2116, 128 : i32
        %dma_start3A_2118 = arith.constant 9 : i32
        %dma_start3A_2119 = arith.constant 0 : i32
        %dma_start3A_2120 = arith.constant 0 : i32
        %dma_start3A_2121 = tpu.memref_slice %arg7[%dma_start3A_2118, %dma_start3A_2119, %dma_start3A_2120] : memref<16x32x128xf32, #tpu.memory_space<vmem>> -> memref<1x32x128xf32, #tpu.memory_space<vmem>>
        %dma_start3A_2122 = tpu.memref_squeeze %dma_start3A_2121 : memref<1x32x128xf32, #tpu.memory_space<vmem>> -> memref<32x128xf32, #tpu.memory_space<vmem>>
        %dma_start3A_2123 = arith.constant 0 : i32
        %dma_start3A_2124 = tpu.memref_slice %arg2[%dma_start3A_2123, %multiple_of3A_2117] : memref<32x1000000xf32, #tpu.memory_space<hbm>> -> memref<32x128xf32, #tpu.memory_space<hbm>>
        %dma_start3A_2125 = arith.constant 0 : i32
        %dma_start3A_2126 = arith.constant 0 : i32
        %dma_start3A_2127 = tpu.memref_slice %arg7[%dma_start3A_2118, %dma_start3A_2125, %dma_start3A_2126] : memref<16x32x128xf32, #tpu.memory_space<vmem>> -> memref<1x32x128xf32, #tpu.memory_space<vmem>>
        %dma_start3A_2128 = tpu.memref_squeeze %dma_start3A_2127 : memref<1x32x128xf32, #tpu.memory_space<vmem>> -> memref<32x128xf32, #tpu.memory_space<vmem>>
        %dma_start3A_2129 = arith.constant 0 : i32
        %dma_start3A_2130 = tpu.memref_slice %arg2[%dma_start3A_2129, %multiple_of3A_2117] : memref<32x1000000xf32, #tpu.memory_space<hbm>> -> memref<32x128xf32, #tpu.memory_space<hbm>>
        tpu.enqueue_dma source(%dma_start3A_2130 : memref<32x128xf32, #tpu.memory_space<hbm>>) target(%dma_start3A_2128 : memref<32x128xf32, #tpu.memory_space<vmem>>) target_semaphore(%arg13 : memref<!tpu.dma_semaphore, #tpu.memory_space<semaphore_mem>>)
      } else {
      }
      %dma_wait3A_1596 = arith.constant 0 : i32
      %dma_wait3A_1597 = arith.constant 0 : i32
      %dma_wait3A_1598 = arith.constant 0 : i32
      %dma_wait3A_1599 = tpu.memref_slice %arg7[%dma_wait3A_1596, %dma_wait3A_1597, %dma_wait3A_1598] : memref<16x32x128xf32, #tpu.memory_space<vmem>> -> memref<1x32x128xf32, #tpu.memory_space<vmem>>
      %dma_wait3A_1600 = tpu.memref_squeeze %dma_wait3A_1599 : memref<1x32x128xf32, #tpu.memory_space<vmem>> -> memref<32x128xf32, #tpu.memory_space<vmem>>
      %dma_wait3A_1601 = arith.constant 0 : i32
      %dma_wait3A_1602 = arith.constant 0 : i32
      %dma_wait3A_1603 = tpu.memref_slice %arg2[%dma_wait3A_1601, %dma_wait3A_1602] : memref<32x1000000xf32, #tpu.memory_space<hbm>> -> memref<32x128xf32, #tpu.memory_space<hbm>>
      %dma_wait3A_1604 = arith.constant 0 : i32
      %dma_wait3A_1605 = arith.constant 0 : i32
      %dma_wait3A_1606 = tpu.memref_slice %arg7[%dma_wait3A_1596, %dma_wait3A_1604, %dma_wait3A_1605] : memref<16x32x128xf32, #tpu.memory_space<vmem>> -> memref<1x32x128xf32, #tpu.memory_space<vmem>>
      %dma_wait3A_1607 = tpu.memref_squeeze %dma_wait3A_1606 : memref<1x32x128xf32, #tpu.memory_space<vmem>> -> memref<32x128xf32, #tpu.memory_space<vmem>>
      %dma_wait3A_1608 = arith.constant 0 : i32
      %dma_wait3A_1609 = arith.constant 0 : i32
      %dma_wait3A_1610 = tpu.memref_slice %arg2[%dma_wait3A_1608, %dma_wait3A_1609] : memref<32x1000000xf32, #tpu.memory_space<hbm>> -> memref<32x128xf32, #tpu.memory_space<hbm>>
      tpu.wait_dma2 semaphore(%arg14 : memref<!tpu.dma_semaphore, #tpu.memory_space<semaphore_mem>>) src(%dma_wait3A_1610 : memref<32x128xf32, #tpu.memory_space<hbm>>) dst(%dma_wait3A_1607 : memref<32x128xf32, #tpu.memory_space<vmem>>)
      %dma_wait3A_1611 = arith.constant 0 : i32
      %dma_wait3A_1612 = arith.constant 0 : i32
      %dma_wait3A_1613 = arith.constant 0 : i32
      %dma_wait3A_1614 = tpu.memref_slice %arg7[%dma_wait3A_1611, %dma_wait3A_1612, %dma_wait3A_1613] : memref<16x32x128xf32, #tpu.memory_space<vmem>> -> memref<1x32x128xf32, #tpu.memory_space<vmem>>
      %dma_wait3A_1615 = tpu.memref_squeeze %dma_wait3A_1614 : memref<1x32x128xf32, #tpu.memory_space<vmem>> -> memref<32x128xf32, #tpu.memory_space<vmem>>
      %dma_wait3A_1616 = arith.constant 0 : i32
      %dma_wait3A_1617 = arith.constant 0 : i32
      %dma_wait3A_1618 = tpu.memref_slice %arg2[%dma_wait3A_1616, %dma_wait3A_1617] : memref<32x1000000xf32, #tpu.memory_space<hbm>> -> memref<32x128xf32, #tpu.memory_space<hbm>>
      %dma_wait3A_1619 = arith.constant 0 : i32
      %dma_wait3A_1620 = arith.constant 0 : i32
      %dma_wait3A_1621 = tpu.memref_slice %arg7[%dma_wait3A_1611, %dma_wait3A_1619, %dma_wait3A_1620] : memref<16x32x128xf32, #tpu.memory_space<vmem>> -> memref<1x32x128xf32, #tpu.memory_space<vmem>>
      %dma_wait3A_1622 = tpu.memref_squeeze %dma_wait3A_1621 : memref<1x32x128xf32, #tpu.memory_space<vmem>> -> memref<32x128xf32, #tpu.memory_space<vmem>>
      %dma_wait3A_1623 = arith.constant 0 : i32
      %dma_wait3A_1624 = arith.constant 0 : i32
      %dma_wait3A_1625 = tpu.memref_slice %arg2[%dma_wait3A_1623, %dma_wait3A_1624] : memref<32x1000000xf32, #tpu.memory_space<hbm>> -> memref<32x128xf32, #tpu.memory_space<hbm>>
      tpu.wait_dma2 semaphore(%arg14 : memref<!tpu.dma_semaphore, #tpu.memory_space<semaphore_mem>>) src(%dma_wait3A_1625 : memref<32x128xf32, #tpu.memory_space<hbm>>) dst(%dma_wait3A_1622 : memref<32x128xf32, #tpu.memory_space<vmem>>)
      %mul3A_1626 = arith.constant 16 : i32
      %mul3A_1627 = arith.muli %add3A_904, %mul3A_1626 : i32
      %mul3A_1628 = arith.constant 16 : i32
      %mul3A_1629 = arith.muli %add3A_904, %mul3A_1628 : i32
      %get3A_1630 = arith.index_cast %mul3A_1629 : i32 to index
      %get3A_1631 = tpu.vector_load %arg6[%get3A_1630] {strides = array<i32>} : memref<512xi32, #tpu.memory_space<vmem>>, vector<16xi32>,
      %eq3A_1632 = arith.constant 10 : i32
      %eq3A_1633 = vector.broadcast %eq3A_1632 : i32 to vector<16xi32>
      %eq3A_1634 = arith.cmpi eq, %iota3A_9, %eq3A_1633 : vector<16xi32>
      %broadcast_in_dim3A_1635 = arith.constant 0 : i32
      %broadcast_in_dim3A_1636 = vector.broadcast %broadcast_in_dim3A_1635 : i32 to vector<16xi32>
      %select_n3A_1637 = arith.select %eq3A_1634, %get3A_1631, %broadcast_in_dim3A_1636 : vector<16xi1>, vector<16xi32>
      %reduce_max3A_1638 = arith.constant true
      %reduce_max3A_1639 = vector.broadcast %reduce_max3A_1638 : i1 to vector<16xi1>
      %reduce_max3A_1640 = arith.constant -2147483648 : i32
      %reduce_max3A_1641 = vector.broadcast %reduce_max3A_1640 : i32 to vector<16xi32>
      %reduce_max3A_1642 = arith.xori %select_n3A_1637, %reduce_max3A_1641 : vector<16xi32>
      %reduce_max3A_1643 = tpu.scan <max>, %reduce_max3A_1642 masked %reduce_max3A_1639 : vector<16xi32>, vector<16xi1> -> vector<16xi32>
      %reduce_max3A_1644 = arith.xori %reduce_max3A_1643, %reduce_max3A_1641 : vector<16xi32>
      %reduce_max3A_1645 = vector.extract %reduce_max3A_1644[15] : i32 from vector<16xi32>
      %jit3A_1646 = arith.constant 128 : i32
      %eq3A_1647 = arith.constant 0 : i32
      %eq3A_1648 = arith.cmpi eq, %jit3A_1646, %eq3A_1647 : i32
      %jit3A_1649 = arith.constant 1 : i32
      %select_n3A_1650 = arith.select %eq3A_1648, %jit3A_1649, %jit3A_1646 : i32
      %rem3A_1651 = arith.remsi %reduce_max3A_1645, %select_n3A_1650 : i32
      %ne3A_1652 = arith.constant 0 : i32
      %ne3A_1653 = arith.cmpi ne, %rem3A_1651, %ne3A_1652 : i32
      %lt3A_1654 = arith.constant 0 : i32
      %lt3A_1655 = arith.cmpi slt, %rem3A_1651, %lt3A_1654 : i32
      %lt3A_1656 = arith.constant 0 : i32
      %lt3A_1657 = arith.cmpi slt, %select_n3A_1650, %lt3A_1656 : i32
      %ne3A_1658 = arith.xori %lt3A_1655, %lt3A_1657 : i1
      %and3A_1659 = arith.andi %ne3A_1658, %ne3A_1653 : i1
      %add3A_1660 = arith.addi %rem3A_1651, %select_n3A_1650 : i32
      %select_n3A_1661 = arith.select %and3A_1659, %add3A_1660, %rem3A_1651 : i32
      %broadcast_in_dim3A_1662 = vector.broadcast %select_n3A_1661 : i32 to vector<16xi32>
      %add3A_1663 = arith.constant 10 : i32
      %add3A_1664 = arith.addi %mul3A_1627, %add3A_1663 : i32
      %broadcast_in_dim3A_1665 = vector.broadcast %add3A_1664 : i32 to vector<16xi32>
      %gather3A_1666 = arith.constant 10 : i32
      %gather3A_1667 = arith.constant 0 : i32
      %gather3A_1668 = arith.constant 0 : i32
      %gather3A_1669 = tpu.memref_slice %arg7[%gather3A_1666, %gather3A_1667, %gather3A_1668] : memref<16x32x128xf32, #tpu.memory_space<vmem>> -> memref<1x32x128xf32, #tpu.memory_space<vmem>>
      %gather3A_1670 = tpu.memref_squeeze %gather3A_1669 : memref<1x32x128xf32, #tpu.memory_space<vmem>> -> memref<32x128xf32, #tpu.memory_space<vmem>>
      %gather3A_1671 = tpu.vector_load_idx %gather3A_1670[%iota3A, %broadcast_in_dim3A_1662] : memref<32x128xf32, #tpu.memory_space<vmem>>[vector<16xi32>, vector<16xi32>], vector<16xf32>,
      %gather3A_1672 = arith.constant 10 : i32
      %gather3A_1673 = arith.constant 0 : i32
      %gather3A_1674 = arith.constant 0 : i32
      %gather3A_1675 = tpu.memref_slice %arg7[%gather3A_1672, %gather3A_1673, %gather3A_1674] : memref<16x32x128xf32, #tpu.memory_space<vmem>> -> memref<1x32x128xf32, #tpu.memory_space<vmem>>
      %gather3A_1676 = tpu.memref_squeeze %gather3A_1675 : memref<1x32x128xf32, #tpu.memory_space<vmem>> -> memref<32x128xf32, #tpu.memory_space<vmem>>
      %gather3A_1677 = tpu.vector_load_idx %gather3A_1676[%add3A_8, %broadcast_in_dim3A_1662] : memref<32x128xf32, #tpu.memory_space<vmem>>[vector<16xi32>, vector<16xi32>], vector<16xf32>,
      tpu.vector_store_idx %arg8[%iota3A, %broadcast_in_dim3A_1665], %gather3A_1671 : memref<32x512xf32, #tpu.memory_space<vmem>>[vector<16xi32>, vector<16xi32>], vector<16xf32>,
      tpu.vector_store_idx %arg8[%add3A_8, %broadcast_in_dim3A_1665], %gather3A_1677 : memref<32x512xf32, #tpu.memory_space<vmem>>[vector<16xi32>, vector<16xi32>], vector<16xf32>,
      %mul3A_1678 = arith.constant 16 : i32
      %mul3A_1679 = arith.muli %add3A_904, %mul3A_1678 : i32
      %get3A_1680 = arith.index_cast %mul3A_1679 : i32 to index
      %get3A_1681 = tpu.vector_load %arg6[%get3A_1680] {strides = array<i32>} : memref<512xi32, #tpu.memory_space<vmem>>, vector<16xi32>,
      %eq3A_1682 = arith.constant 11 : i32
      %eq3A_1683 = vector.broadcast %eq3A_1682 : i32 to vector<16xi32>
      %eq3A_1684 = arith.cmpi eq, %iota3A_9, %eq3A_1683 : vector<16xi32>
      %broadcast_in_dim3A_1685 = arith.constant 0 : i32
      %broadcast_in_dim3A_1686 = vector.broadcast %broadcast_in_dim3A_1685 : i32 to vector<16xi32>
      %select_n3A_1687 = arith.select %eq3A_1684, %get3A_1681, %broadcast_in_dim3A_1686 : vector<16xi1>, vector<16xi32>
      %reduce_max3A_1688 = arith.constant true
      %reduce_max3A_1689 = vector.broadcast %reduce_max3A_1688 : i1 to vector<16xi1>
      %reduce_max3A_1690 = arith.constant -2147483648 : i32
      %reduce_max3A_1691 = vector.broadcast %reduce_max3A_1690 : i32 to vector<16xi32>
      %reduce_max3A_1692 = arith.xori %select_n3A_1687, %reduce_max3A_1691 : vector<16xi32>
      %reduce_max3A_1693 = tpu.scan <max>, %reduce_max3A_1692 masked %reduce_max3A_1689 : vector<16xi32>, vector<16xi1> -> vector<16xi32>
      %reduce_max3A_1694 = arith.xori %reduce_max3A_1693, %reduce_max3A_1691 : vector<16xi32>
      %reduce_max3A_1695 = vector.extract %reduce_max3A_1694[15] : i32 from vector<16xi32>
      %jit3A_1696 = arith.constant 128 : i32
      %eq3A_1697 = arith.constant 0 : i32
      %eq3A_1698 = arith.cmpi eq, %jit3A_1696, %eq3A_1697 : i32
      %jit3A_1699 = arith.constant 1 : i32
      %select_n3A_1700 = arith.select %eq3A_1698, %jit3A_1699, %jit3A_1696 : i32
      %rem3A_1701 = arith.remsi %reduce_max3A_1695, %select_n3A_1700 : i32
      %ne3A_1702 = arith.constant 0 : i32
      %ne3A_1703 = arith.cmpi ne, %rem3A_1701, %ne3A_1702 : i32
      %lt3A_1704 = arith.constant 0 : i32
      %lt3A_1705 = arith.cmpi slt, %rem3A_1701, %lt3A_1704 : i32
      %lt3A_1706 = arith.constant 0 : i32
      %lt3A_1707 = arith.cmpi slt, %select_n3A_1700, %lt3A_1706 : i32
      %ne3A_1708 = arith.xori %lt3A_1705, %lt3A_1707 : i1
      %and3A_1709 = arith.andi %ne3A_1708, %ne3A_1703 : i1
      %add3A_1710 = arith.addi %rem3A_1701, %select_n3A_1700 : i32
      %select_n3A_1711 = arith.select %and3A_1709, %add3A_1710, %rem3A_1701 : i32
      %broadcast_in_dim3A_1712 = vector.broadcast %select_n3A_1711 : i32 to vector<16xi32>
      %add3A_1713 = arith.constant 11 : i32
      %add3A_1714 = arith.addi %mul3A_1627, %add3A_1713 : i32
      %broadcast_in_dim3A_1715 = vector.broadcast %add3A_1714 : i32 to vector<16xi32>
      %gather3A_1716 = arith.constant 11 : i32
      %gather3A_1717 = arith.constant 0 : i32
      %gather3A_1718 = arith.constant 0 : i32
      %gather3A_1719 = tpu.memref_slice %arg7[%gather3A_1716, %gather3A_1717, %gather3A_1718] : memref<16x32x128xf32, #tpu.memory_space<vmem>> -> memref<1x32x128xf32, #tpu.memory_space<vmem>>
      %gather3A_1720 = tpu.memref_squeeze %gather3A_1719 : memref<1x32x128xf32, #tpu.memory_space<vmem>> -> memref<32x128xf32, #tpu.memory_space<vmem>>
      %gather3A_1721 = tpu.vector_load_idx %gather3A_1720[%iota3A, %broadcast_in_dim3A_1712] : memref<32x128xf32, #tpu.memory_space<vmem>>[vector<16xi32>, vector<16xi32>], vector<16xf32>,
      %gather3A_1722 = arith.constant 11 : i32
      %gather3A_1723 = arith.constant 0 : i32
      %gather3A_1724 = arith.constant 0 : i32
      %gather3A_1725 = tpu.memref_slice %arg7[%gather3A_1722, %gather3A_1723, %gather3A_1724] : memref<16x32x128xf32, #tpu.memory_space<vmem>> -> memref<1x32x128xf32, #tpu.memory_space<vmem>>
      %gather3A_1726 = tpu.memref_squeeze %gather3A_1725 : memref<1x32x128xf32, #tpu.memory_space<vmem>> -> memref<32x128xf32, #tpu.memory_space<vmem>>
      %gather3A_1727 = tpu.vector_load_idx %gather3A_1726[%add3A_8, %broadcast_in_dim3A_1712] : memref<32x128xf32, #tpu.memory_space<vmem>>[vector<16xi32>, vector<16xi32>], vector<16xf32>,
      tpu.vector_store_idx %arg8[%iota3A, %broadcast_in_dim3A_1715], %gather3A_1721 : memref<32x512xf32, #tpu.memory_space<vmem>>[vector<16xi32>, vector<16xi32>], vector<16xf32>,
      tpu.vector_store_idx %arg8[%add3A_8, %broadcast_in_dim3A_1715], %gather3A_1727 : memref<32x512xf32, #tpu.memory_space<vmem>>[vector<16xi32>, vector<16xi32>], vector<16xf32>,
      %add3A_1728 = arith.constant 1 : i32
      %add3A_1729 = arith.addi %add3A_904, %add3A_1728 : i32
      %lt3A_1730 = arith.constant 32 : i32
      %lt3A_1731 = arith.cmpi slt, %add3A_1729, %lt3A_1730 : i32
      %convert_element_type3A_1732 = arith.extui %lt3A_1731 : i1 to i32
      %cond3A_1733 = arith.constant 0 : i32
      %cond3A_1734 = arith.cmpi ne, %convert_element_type3A_1732, %cond3A_1733 : i32
      scf.if %cond3A_1734 {
        %add3A_2013 = arith.constant 1 : i32
        %add3A_2014 = arith.addi %add3A_904, %add3A_2013 : i32
        %mul3A_2015 = arith.constant 16 : i32
        %mul3A_2016 = arith.muli %add3A_2014, %mul3A_2015 : i32
        %get3A_2017 = arith.index_cast %mul3A_2016 : i32 to index
        %get3A_2018 = tpu.vector_load %arg6[%get3A_2017] {strides = array<i32>} : memref<512xi32, #tpu.memory_space<vmem>>, vector<16xi32>,
        %eq3A_2019 = arith.constant 10 : i32
        %eq3A_2020 = vector.broadcast %eq3A_2019 : i32 to vector<16xi32>
        %eq3A_2021 = arith.cmpi eq, %iota3A_9, %eq3A_2020 : vector<16xi32>
        %broadcast_in_dim3A_2022 = arith.constant 0 : i32
        %broadcast_in_dim3A_2023 = vector.broadcast %broadcast_in_dim3A_2022 : i32 to vector<16xi32>
        %select_n3A_2024 = arith.select %eq3A_2021, %get3A_2018, %broadcast_in_dim3A_2023 : vector<16xi1>, vector<16xi32>
        %reduce_max3A_2025 = arith.constant true
        %reduce_max3A_2026 = vector.broadcast %reduce_max3A_2025 : i1 to vector<16xi1>
        %reduce_max3A_2027 = arith.constant -2147483648 : i32
        %reduce_max3A_2028 = vector.broadcast %reduce_max3A_2027 : i32 to vector<16xi32>
        %reduce_max3A_2029 = arith.xori %select_n3A_2024, %reduce_max3A_2028 : vector<16xi32>
        %reduce_max3A_2030 = tpu.scan <max>, %reduce_max3A_2029 masked %reduce_max3A_2026 : vector<16xi32>, vector<16xi1> -> vector<16xi32>
        %reduce_max3A_2031 = arith.xori %reduce_max3A_2030, %reduce_max3A_2028 : vector<16xi32>
        %reduce_max3A_2032 = vector.extract %reduce_max3A_2031[15] : i32 from vector<16xi32>
        %jit3A_2033 = arith.constant 128 : i32
        %div3A_2034 = arith.divsi %reduce_max3A_2032, %jit3A_2033 : i32
        %sign3A_2035 = arith.constant 0 : i32
        %sign3A_2036 = arith.cmpi sgt, %reduce_max3A_2032, %sign3A_2035 : i32
        %sign3A_2037 = arith.extui %sign3A_2036 : i1 to i32
        %sign3A_2038 = arith.constant 0 : i32
        %sign3A_2039 = arith.cmpi slt, %reduce_max3A_2032, %sign3A_2038 : i32
        %sign3A_2040 = arith.extui %sign3A_2039 : i1 to i32
        %sign3A_2041 = arith.subi %sign3A_2037, %sign3A_2040 : i32
        %sign3A_2042 = arith.constant 0 : i32
        %sign3A_2043 = arith.cmpi sgt, %jit3A_2033, %sign3A_2042 : i32
        %sign3A_2044 = arith.extui %sign3A_2043 : i1 to i32
        %sign3A_2045 = arith.constant 0 : i32
        %sign3A_2046 = arith.cmpi slt, %jit3A_2033, %sign3A_2045 : i32
        %sign3A_2047 = arith.extui %sign3A_2046 : i1 to i32
        %sign3A_2048 = arith.subi %sign3A_2044, %sign3A_2047 : i32
        %ne3A_2049 = arith.cmpi ne, %sign3A_2041, %sign3A_2048 : i32
        %rem3A_2050 = arith.remsi %reduce_max3A_2032, %jit3A_2033 : i32
        %ne3A_2051 = arith.constant 0 : i32
        %ne3A_2052 = arith.cmpi ne, %rem3A_2050, %ne3A_2051 : i32
        %and3A_2053 = arith.andi %ne3A_2049, %ne3A_2052 : i1
        %sub3A_2054 = arith.constant 1 : i32
        %sub3A_2055 = arith.subi %div3A_2034, %sub3A_2054 : i32
        %select_n3A_2056 = arith.select %and3A_2053, %sub3A_2055, %div3A_2034 : i32
        %mul3A_2057 = arith.constant 128 : i32
        %mul3A_2058 = arith.muli %select_n3A_2056, %mul3A_2057 : i32
        %multiple_of3A_2059 = tpu.assume_multiple %mul3A_2058, 128 : i32
        %dma_start3A_2060 = arith.constant 10 : i32
        %dma_start3A_2061 = arith.constant 0 : i32
        %dma_start3A_2062 = arith.constant 0 : i32
        %dma_start3A_2063 = tpu.memref_slice %arg7[%dma_start3A_2060, %dma_start3A_2061, %dma_start3A_2062] : memref<16x32x128xf32, #tpu.memory_space<vmem>> -> memref<1x32x128xf32, #tpu.memory_space<vmem>>
        %dma_start3A_2064 = tpu.memref_squeeze %dma_start3A_2063 : memref<1x32x128xf32, #tpu.memory_space<vmem>> -> memref<32x128xf32, #tpu.memory_space<vmem>>
        %dma_start3A_2065 = arith.constant 0 : i32
        %dma_start3A_2066 = tpu.memref_slice %arg2[%dma_start3A_2065, %multiple_of3A_2059] : memref<32x1000000xf32, #tpu.memory_space<hbm>> -> memref<32x128xf32, #tpu.memory_space<hbm>>
        %dma_start3A_2067 = arith.constant 0 : i32
        %dma_start3A_2068 = arith.constant 0 : i32
        %dma_start3A_2069 = tpu.memref_slice %arg7[%dma_start3A_2060, %dma_start3A_2067, %dma_start3A_2068] : memref<16x32x128xf32, #tpu.memory_space<vmem>> -> memref<1x32x128xf32, #tpu.memory_space<vmem>>
        %dma_start3A_2070 = tpu.memref_squeeze %dma_start3A_2069 : memref<1x32x128xf32, #tpu.memory_space<vmem>> -> memref<32x128xf32, #tpu.memory_space<vmem>>
        %dma_start3A_2071 = arith.constant 0 : i32
        %dma_start3A_2072 = tpu.memref_slice %arg2[%dma_start3A_2071, %multiple_of3A_2059] : memref<32x1000000xf32, #tpu.memory_space<hbm>> -> memref<32x128xf32, #tpu.memory_space<hbm>>
        tpu.enqueue_dma source(%dma_start3A_2072 : memref<32x128xf32, #tpu.memory_space<hbm>>) target(%dma_start3A_2070 : memref<32x128xf32, #tpu.memory_space<vmem>>) target_semaphore(%arg14 : memref<!tpu.dma_semaphore, #tpu.memory_space<semaphore_mem>>)
        %mul3A_2073 = arith.constant 16 : i32
        %mul3A_2074 = arith.muli %add3A_2014, %mul3A_2073 : i32
        %get3A_2075 = arith.index_cast %mul3A_2074 : i32 to index
        %get3A_2076 = tpu.vector_load %arg6[%get3A_2075] {strides = array<i32>} : memref<512xi32, #tpu.memory_space<vmem>>, vector<16xi32>,
        %eq3A_2077 = arith.constant 11 : i32
        %eq3A_2078 = vector.broadcast %eq3A_2077 : i32 to vector<16xi32>
        %eq3A_2079 = arith.cmpi eq, %iota3A_9, %eq3A_2078 : vector<16xi32>
        %broadcast_in_dim3A_2080 = arith.constant 0 : i32
        %broadcast_in_dim3A_2081 = vector.broadcast %broadcast_in_dim3A_2080 : i32 to vector<16xi32>
        %select_n3A_2082 = arith.select %eq3A_2079, %get3A_2076, %broadcast_in_dim3A_2081 : vector<16xi1>, vector<16xi32>
        %reduce_max3A_2083 = arith.constant true
        %reduce_max3A_2084 = vector.broadcast %reduce_max3A_2083 : i1 to vector<16xi1>
        %reduce_max3A_2085 = arith.constant -2147483648 : i32
        %reduce_max3A_2086 = vector.broadcast %reduce_max3A_2085 : i32 to vector<16xi32>
        %reduce_max3A_2087 = arith.xori %select_n3A_2082, %reduce_max3A_2086 : vector<16xi32>
        %reduce_max3A_2088 = tpu.scan <max>, %reduce_max3A_2087 masked %reduce_max3A_2084 : vector<16xi32>, vector<16xi1> -> vector<16xi32>
        %reduce_max3A_2089 = arith.xori %reduce_max3A_2088, %reduce_max3A_2086 : vector<16xi32>
        %reduce_max3A_2090 = vector.extract %reduce_max3A_2089[15] : i32 from vector<16xi32>
        %jit3A_2091 = arith.constant 128 : i32
        %div3A_2092 = arith.divsi %reduce_max3A_2090, %jit3A_2091 : i32
        %sign3A_2093 = arith.constant 0 : i32
        %sign3A_2094 = arith.cmpi sgt, %reduce_max3A_2090, %sign3A_2093 : i32
        %sign3A_2095 = arith.extui %sign3A_2094 : i1 to i32
        %sign3A_2096 = arith.constant 0 : i32
        %sign3A_2097 = arith.cmpi slt, %reduce_max3A_2090, %sign3A_2096 : i32
        %sign3A_2098 = arith.extui %sign3A_2097 : i1 to i32
        %sign3A_2099 = arith.subi %sign3A_2095, %sign3A_2098 : i32
        %sign3A_2100 = arith.constant 0 : i32
        %sign3A_2101 = arith.cmpi sgt, %jit3A_2091, %sign3A_2100 : i32
        %sign3A_2102 = arith.extui %sign3A_2101 : i1 to i32
        %sign3A_2103 = arith.constant 0 : i32
        %sign3A_2104 = arith.cmpi slt, %jit3A_2091, %sign3A_2103 : i32
        %sign3A_2105 = arith.extui %sign3A_2104 : i1 to i32
        %sign3A_2106 = arith.subi %sign3A_2102, %sign3A_2105 : i32
        %ne3A_2107 = arith.cmpi ne, %sign3A_2099, %sign3A_2106 : i32
        %rem3A_2108 = arith.remsi %reduce_max3A_2090, %jit3A_2091 : i32
        %ne3A_2109 = arith.constant 0 : i32
        %ne3A_2110 = arith.cmpi ne, %rem3A_2108, %ne3A_2109 : i32
        %and3A_2111 = arith.andi %ne3A_2107, %ne3A_2110 : i1
        %sub3A_2112 = arith.constant 1 : i32
        %sub3A_2113 = arith.subi %div3A_2092, %sub3A_2112 : i32
        %select_n3A_2114 = arith.select %and3A_2111, %sub3A_2113, %div3A_2092 : i32
        %mul3A_2115 = arith.constant 128 : i32
        %mul3A_2116 = arith.muli %select_n3A_2114, %mul3A_2115 : i32
        %multiple_of3A_2117 = tpu.assume_multiple %mul3A_2116, 128 : i32
        %dma_start3A_2118 = arith.constant 11 : i32
        %dma_start3A_2119 = arith.constant 0 : i32
        %dma_start3A_2120 = arith.constant 0 : i32
        %dma_start3A_2121 = tpu.memref_slice %arg7[%dma_start3A_2118, %dma_start3A_2119, %dma_start3A_2120] : memref<16x32x128xf32, #tpu.memory_space<vmem>> -> memref<1x32x128xf32, #tpu.memory_space<vmem>>
        %dma_start3A_2122 = tpu.memref_squeeze %dma_start3A_2121 : memref<1x32x128xf32, #tpu.memory_space<vmem>> -> memref<32x128xf32, #tpu.memory_space<vmem>>
        %dma_start3A_2123 = arith.constant 0 : i32
        %dma_start3A_2124 = tpu.memref_slice %arg2[%dma_start3A_2123, %multiple_of3A_2117] : memref<32x1000000xf32, #tpu.memory_space<hbm>> -> memref<32x128xf32, #tpu.memory_space<hbm>>
        %dma_start3A_2125 = arith.constant 0 : i32
        %dma_start3A_2126 = arith.constant 0 : i32
        %dma_start3A_2127 = tpu.memref_slice %arg7[%dma_start3A_2118, %dma_start3A_2125, %dma_start3A_2126] : memref<16x32x128xf32, #tpu.memory_space<vmem>> -> memref<1x32x128xf32, #tpu.memory_space<vmem>>
        %dma_start3A_2128 = tpu.memref_squeeze %dma_start3A_2127 : memref<1x32x128xf32, #tpu.memory_space<vmem>> -> memref<32x128xf32, #tpu.memory_space<vmem>>
        %dma_start3A_2129 = arith.constant 0 : i32
        %dma_start3A_2130 = tpu.memref_slice %arg2[%dma_start3A_2129, %multiple_of3A_2117] : memref<32x1000000xf32, #tpu.memory_space<hbm>> -> memref<32x128xf32, #tpu.memory_space<hbm>>
        tpu.enqueue_dma source(%dma_start3A_2130 : memref<32x128xf32, #tpu.memory_space<hbm>>) target(%dma_start3A_2128 : memref<32x128xf32, #tpu.memory_space<vmem>>) target_semaphore(%arg14 : memref<!tpu.dma_semaphore, #tpu.memory_space<semaphore_mem>>)
      } else {
      }
      %dma_wait3A_1735 = arith.constant 0 : i32
      %dma_wait3A_1736 = arith.constant 0 : i32
      %dma_wait3A_1737 = arith.constant 0 : i32
      %dma_wait3A_1738 = tpu.memref_slice %arg7[%dma_wait3A_1735, %dma_wait3A_1736, %dma_wait3A_1737] : memref<16x32x128xf32, #tpu.memory_space<vmem>> -> memref<1x32x128xf32, #tpu.memory_space<vmem>>
      %dma_wait3A_1739 = tpu.memref_squeeze %dma_wait3A_1738 : memref<1x32x128xf32, #tpu.memory_space<vmem>> -> memref<32x128xf32, #tpu.memory_space<vmem>>
      %dma_wait3A_1740 = arith.constant 0 : i32
      %dma_wait3A_1741 = arith.constant 0 : i32
      %dma_wait3A_1742 = tpu.memref_slice %arg2[%dma_wait3A_1740, %dma_wait3A_1741] : memref<32x1000000xf32, #tpu.memory_space<hbm>> -> memref<32x128xf32, #tpu.memory_space<hbm>>
      %dma_wait3A_1743 = arith.constant 0 : i32
      %dma_wait3A_1744 = arith.constant 0 : i32
      %dma_wait3A_1745 = tpu.memref_slice %arg7[%dma_wait3A_1735, %dma_wait3A_1743, %dma_wait3A_1744] : memref<16x32x128xf32, #tpu.memory_space<vmem>> -> memref<1x32x128xf32, #tpu.memory_space<vmem>>
      %dma_wait3A_1746 = tpu.memref_squeeze %dma_wait3A_1745 : memref<1x32x128xf32, #tpu.memory_space<vmem>> -> memref<32x128xf32, #tpu.memory_space<vmem>>
      %dma_wait3A_1747 = arith.constant 0 : i32
      %dma_wait3A_1748 = arith.constant 0 : i32
      %dma_wait3A_1749 = tpu.memref_slice %arg2[%dma_wait3A_1747, %dma_wait3A_1748] : memref<32x1000000xf32, #tpu.memory_space<hbm>> -> memref<32x128xf32, #tpu.memory_space<hbm>>
      tpu.wait_dma2 semaphore(%arg15 : memref<!tpu.dma_semaphore, #tpu.memory_space<semaphore_mem>>) src(%dma_wait3A_1749 : memref<32x128xf32, #tpu.memory_space<hbm>>) dst(%dma_wait3A_1746 : memref<32x128xf32, #tpu.memory_space<vmem>>)
      %dma_wait3A_1750 = arith.constant 0 : i32
      %dma_wait3A_1751 = arith.constant 0 : i32
      %dma_wait3A_1752 = arith.constant 0 : i32
      %dma_wait3A_1753 = tpu.memref_slice %arg7[%dma_wait3A_1750, %dma_wait3A_1751, %dma_wait3A_1752] : memref<16x32x128xf32, #tpu.memory_space<vmem>> -> memref<1x32x128xf32, #tpu.memory_space<vmem>>
      %dma_wait3A_1754 = tpu.memref_squeeze %dma_wait3A_1753 : memref<1x32x128xf32, #tpu.memory_space<vmem>> -> memref<32x128xf32, #tpu.memory_space<vmem>>
      %dma_wait3A_1755 = arith.constant 0 : i32
      %dma_wait3A_1756 = arith.constant 0 : i32
      %dma_wait3A_1757 = tpu.memref_slice %arg2[%dma_wait3A_1755, %dma_wait3A_1756] : memref<32x1000000xf32, #tpu.memory_space<hbm>> -> memref<32x128xf32, #tpu.memory_space<hbm>>
      %dma_wait3A_1758 = arith.constant 0 : i32
      %dma_wait3A_1759 = arith.constant 0 : i32
      %dma_wait3A_1760 = tpu.memref_slice %arg7[%dma_wait3A_1750, %dma_wait3A_1758, %dma_wait3A_1759] : memref<16x32x128xf32, #tpu.memory_space<vmem>> -> memref<1x32x128xf32, #tpu.memory_space<vmem>>
      %dma_wait3A_1761 = tpu.memref_squeeze %dma_wait3A_1760 : memref<1x32x128xf32, #tpu.memory_space<vmem>> -> memref<32x128xf32, #tpu.memory_space<vmem>>
      %dma_wait3A_1762 = arith.constant 0 : i32
      %dma_wait3A_1763 = arith.constant 0 : i32
      %dma_wait3A_1764 = tpu.memref_slice %arg2[%dma_wait3A_1762, %dma_wait3A_1763] : memref<32x1000000xf32, #tpu.memory_space<hbm>> -> memref<32x128xf32, #tpu.memory_space<hbm>>
      tpu.wait_dma2 semaphore(%arg15 : memref<!tpu.dma_semaphore, #tpu.memory_space<semaphore_mem>>) src(%dma_wait3A_1764 : memref<32x128xf32, #tpu.memory_space<hbm>>) dst(%dma_wait3A_1761 : memref<32x128xf32, #tpu.memory_space<vmem>>)
      %mul3A_1765 = arith.constant 16 : i32
      %mul3A_1766 = arith.muli %add3A_904, %mul3A_1765 : i32
      %mul3A_1767 = arith.constant 16 : i32
      %mul3A_1768 = arith.muli %add3A_904, %mul3A_1767 : i32
      %get3A_1769 = arith.index_cast %mul3A_1768 : i32 to index
      %get3A_1770 = tpu.vector_load %arg6[%get3A_1769] {strides = array<i32>} : memref<512xi32, #tpu.memory_space<vmem>>, vector<16xi32>,
      %eq3A_1771 = arith.constant 12 : i32
      %eq3A_1772 = vector.broadcast %eq3A_1771 : i32 to vector<16xi32>
      %eq3A_1773 = arith.cmpi eq, %iota3A_9, %eq3A_1772 : vector<16xi32>
      %broadcast_in_dim3A_1774 = arith.constant 0 : i32
      %broadcast_in_dim3A_1775 = vector.broadcast %broadcast_in_dim3A_1774 : i32 to vector<16xi32>
      %select_n3A_1776 = arith.select %eq3A_1773, %get3A_1770, %broadcast_in_dim3A_1775 : vector<16xi1>, vector<16xi32>
      %reduce_max3A_1777 = arith.constant true
      %reduce_max3A_1778 = vector.broadcast %reduce_max3A_1777 : i1 to vector<16xi1>
      %reduce_max3A_1779 = arith.constant -2147483648 : i32
      %reduce_max3A_1780 = vector.broadcast %reduce_max3A_1779 : i32 to vector<16xi32>
      %reduce_max3A_1781 = arith.xori %select_n3A_1776, %reduce_max3A_1780 : vector<16xi32>
      %reduce_max3A_1782 = tpu.scan <max>, %reduce_max3A_1781 masked %reduce_max3A_1778 : vector<16xi32>, vector<16xi1> -> vector<16xi32>
      %reduce_max3A_1783 = arith.xori %reduce_max3A_1782, %reduce_max3A_1780 : vector<16xi32>
      %reduce_max3A_1784 = vector.extract %reduce_max3A_1783[15] : i32 from vector<16xi32>
      %jit3A_1785 = arith.constant 128 : i32
      %eq3A_1786 = arith.constant 0 : i32
      %eq3A_1787 = arith.cmpi eq, %jit3A_1785, %eq3A_1786 : i32
      %jit3A_1788 = arith.constant 1 : i32
      %select_n3A_1789 = arith.select %eq3A_1787, %jit3A_1788, %jit3A_1785 : i32
      %rem3A_1790 = arith.remsi %reduce_max3A_1784, %select_n3A_1789 : i32
      %ne3A_1791 = arith.constant 0 : i32
      %ne3A_1792 = arith.cmpi ne, %rem3A_1790, %ne3A_1791 : i32
      %lt3A_1793 = arith.constant 0 : i32
      %lt3A_1794 = arith.cmpi slt, %rem3A_1790, %lt3A_1793 : i32
      %lt3A_1795 = arith.constant 0 : i32
      %lt3A_1796 = arith.cmpi slt, %select_n3A_1789, %lt3A_1795 : i32
      %ne3A_1797 = arith.xori %lt3A_1794, %lt3A_1796 : i1
      %and3A_1798 = arith.andi %ne3A_1797, %ne3A_1792 : i1
      %add3A_1799 = arith.addi %rem3A_1790, %select_n3A_1789 : i32
      %select_n3A_1800 = arith.select %and3A_1798, %add3A_1799, %rem3A_1790 : i32
      %broadcast_in_dim3A_1801 = vector.broadcast %select_n3A_1800 : i32 to vector<16xi32>
      %add3A_1802 = arith.constant 12 : i32
      %add3A_1803 = arith.addi %mul3A_1766, %add3A_1802 : i32
      %broadcast_in_dim3A_1804 = vector.broadcast %add3A_1803 : i32 to vector<16xi32>
      %gather3A_1805 = arith.constant 12 : i32
      %gather3A_1806 = arith.constant 0 : i32
      %gather3A_1807 = arith.constant 0 : i32
      %gather3A_1808 = tpu.memref_slice %arg7[%gather3A_1805, %gather3A_1806, %gather3A_1807] : memref<16x32x128xf32, #tpu.memory_space<vmem>> -> memref<1x32x128xf32, #tpu.memory_space<vmem>>
      %gather3A_1809 = tpu.memref_squeeze %gather3A_1808 : memref<1x32x128xf32, #tpu.memory_space<vmem>> -> memref<32x128xf32, #tpu.memory_space<vmem>>
      %gather3A_1810 = tpu.vector_load_idx %gather3A_1809[%iota3A, %broadcast_in_dim3A_1801] : memref<32x128xf32, #tpu.memory_space<vmem>>[vector<16xi32>, vector<16xi32>], vector<16xf32>,
      %gather3A_1811 = arith.constant 12 : i32
      %gather3A_1812 = arith.constant 0 : i32
      %gather3A_1813 = arith.constant 0 : i32
      %gather3A_1814 = tpu.memref_slice %arg7[%gather3A_1811, %gather3A_1812, %gather3A_1813] : memref<16x32x128xf32, #tpu.memory_space<vmem>> -> memref<1x32x128xf32, #tpu.memory_space<vmem>>
      %gather3A_1815 = tpu.memref_squeeze %gather3A_1814 : memref<1x32x128xf32, #tpu.memory_space<vmem>> -> memref<32x128xf32, #tpu.memory_space<vmem>>
      %gather3A_1816 = tpu.vector_load_idx %gather3A_1815[%add3A_8, %broadcast_in_dim3A_1801] : memref<32x128xf32, #tpu.memory_space<vmem>>[vector<16xi32>, vector<16xi32>], vector<16xf32>,
      tpu.vector_store_idx %arg8[%iota3A, %broadcast_in_dim3A_1804], %gather3A_1810 : memref<32x512xf32, #tpu.memory_space<vmem>>[vector<16xi32>, vector<16xi32>], vector<16xf32>,
      tpu.vector_store_idx %arg8[%add3A_8, %broadcast_in_dim3A_1804], %gather3A_1816 : memref<32x512xf32, #tpu.memory_space<vmem>>[vector<16xi32>, vector<16xi32>], vector<16xf32>,
      %mul3A_1817 = arith.constant 16 : i32
      %mul3A_1818 = arith.muli %add3A_904, %mul3A_1817 : i32
      %get3A_1819 = arith.index_cast %mul3A_1818 : i32 to index
      %get3A_1820 = tpu.vector_load %arg6[%get3A_1819] {strides = array<i32>} : memref<512xi32, #tpu.memory_space<vmem>>, vector<16xi32>,
      %eq3A_1821 = arith.constant 13 : i32
      %eq3A_1822 = vector.broadcast %eq3A_1821 : i32 to vector<16xi32>
      %eq3A_1823 = arith.cmpi eq, %iota3A_9, %eq3A_1822 : vector<16xi32>
      %broadcast_in_dim3A_1824 = arith.constant 0 : i32
      %broadcast_in_dim3A_1825 = vector.broadcast %broadcast_in_dim3A_1824 : i32 to vector<16xi32>
      %select_n3A_1826 = arith.select %eq3A_1823, %get3A_1820, %broadcast_in_dim3A_1825 : vector<16xi1>, vector<16xi32>
      %reduce_max3A_1827 = arith.constant true
      %reduce_max3A_1828 = vector.broadcast %reduce_max3A_1827 : i1 to vector<16xi1>
      %reduce_max3A_1829 = arith.constant -2147483648 : i32
      %reduce_max3A_1830 = vector.broadcast %reduce_max3A_1829 : i32 to vector<16xi32>
      %reduce_max3A_1831 = arith.xori %select_n3A_1826, %reduce_max3A_1830 : vector<16xi32>
      %reduce_max3A_1832 = tpu.scan <max>, %reduce_max3A_1831 masked %reduce_max3A_1828 : vector<16xi32>, vector<16xi1> -> vector<16xi32>
      %reduce_max3A_1833 = arith.xori %reduce_max3A_1832, %reduce_max3A_1830 : vector<16xi32>
      %reduce_max3A_1834 = vector.extract %reduce_max3A_1833[15] : i32 from vector<16xi32>
      %jit3A_1835 = arith.constant 128 : i32
      %eq3A_1836 = arith.constant 0 : i32
      %eq3A_1837 = arith.cmpi eq, %jit3A_1835, %eq3A_1836 : i32
      %jit3A_1838 = arith.constant 1 : i32
      %select_n3A_1839 = arith.select %eq3A_1837, %jit3A_1838, %jit3A_1835 : i32
      %rem3A_1840 = arith.remsi %reduce_max3A_1834, %select_n3A_1839 : i32
      %ne3A_1841 = arith.constant 0 : i32
      %ne3A_1842 = arith.cmpi ne, %rem3A_1840, %ne3A_1841 : i32
      %lt3A_1843 = arith.constant 0 : i32
      %lt3A_1844 = arith.cmpi slt, %rem3A_1840, %lt3A_1843 : i32
      %lt3A_1845 = arith.constant 0 : i32
      %lt3A_1846 = arith.cmpi slt, %select_n3A_1839, %lt3A_1845 : i32
      %ne3A_1847 = arith.xori %lt3A_1844, %lt3A_1846 : i1
      %and3A_1848 = arith.andi %ne3A_1847, %ne3A_1842 : i1
      %add3A_1849 = arith.addi %rem3A_1840, %select_n3A_1839 : i32
      %select_n3A_1850 = arith.select %and3A_1848, %add3A_1849, %rem3A_1840 : i32
      %broadcast_in_dim3A_1851 = vector.broadcast %select_n3A_1850 : i32 to vector<16xi32>
      %add3A_1852 = arith.constant 13 : i32
      %add3A_1853 = arith.addi %mul3A_1766, %add3A_1852 : i32
      %broadcast_in_dim3A_1854 = vector.broadcast %add3A_1853 : i32 to vector<16xi32>
      %gather3A_1855 = arith.constant 13 : i32
      %gather3A_1856 = arith.constant 0 : i32
      %gather3A_1857 = arith.constant 0 : i32
      %gather3A_1858 = tpu.memref_slice %arg7[%gather3A_1855, %gather3A_1856, %gather3A_1857] : memref<16x32x128xf32, #tpu.memory_space<vmem>> -> memref<1x32x128xf32, #tpu.memory_space<vmem>>
      %gather3A_1859 = tpu.memref_squeeze %gather3A_1858 : memref<1x32x128xf32, #tpu.memory_space<vmem>> -> memref<32x128xf32, #tpu.memory_space<vmem>>
      %gather3A_1860 = tpu.vector_load_idx %gather3A_1859[%iota3A, %broadcast_in_dim3A_1851] : memref<32x128xf32, #tpu.memory_space<vmem>>[vector<16xi32>, vector<16xi32>], vector<16xf32>,
      %gather3A_1861 = arith.constant 13 : i32
      %gather3A_1862 = arith.constant 0 : i32
      %gather3A_1863 = arith.constant 0 : i32
      %gather3A_1864 = tpu.memref_slice %arg7[%gather3A_1861, %gather3A_1862, %gather3A_1863] : memref<16x32x128xf32, #tpu.memory_space<vmem>> -> memref<1x32x128xf32, #tpu.memory_space<vmem>>
      %gather3A_1865 = tpu.memref_squeeze %gather3A_1864 : memref<1x32x128xf32, #tpu.memory_space<vmem>> -> memref<32x128xf32, #tpu.memory_space<vmem>>
      %gather3A_1866 = tpu.vector_load_idx %gather3A_1865[%add3A_8, %broadcast_in_dim3A_1851] : memref<32x128xf32, #tpu.memory_space<vmem>>[vector<16xi32>, vector<16xi32>], vector<16xf32>,
      tpu.vector_store_idx %arg8[%iota3A, %broadcast_in_dim3A_1854], %gather3A_1860 : memref<32x512xf32, #tpu.memory_space<vmem>>[vector<16xi32>, vector<16xi32>], vector<16xf32>,
      tpu.vector_store_idx %arg8[%add3A_8, %broadcast_in_dim3A_1854], %gather3A_1866 : memref<32x512xf32, #tpu.memory_space<vmem>>[vector<16xi32>, vector<16xi32>], vector<16xf32>,
      %add3A_1867 = arith.constant 1 : i32
      %add3A_1868 = arith.addi %add3A_904, %add3A_1867 : i32
      %lt3A_1869 = arith.constant 32 : i32
      %lt3A_1870 = arith.cmpi slt, %add3A_1868, %lt3A_1869 : i32
      %convert_element_type3A_1871 = arith.extui %lt3A_1870 : i1 to i32
      %cond3A_1872 = arith.constant 0 : i32
      %cond3A_1873 = arith.cmpi ne, %convert_element_type3A_1871, %cond3A_1872 : i32
      scf.if %cond3A_1873 {
        %add3A_2013 = arith.constant 1 : i32
        %add3A_2014 = arith.addi %add3A_904, %add3A_2013 : i32
        %mul3A_2015 = arith.constant 16 : i32
        %mul3A_2016 = arith.muli %add3A_2014, %mul3A_2015 : i32
        %get3A_2017 = arith.index_cast %mul3A_2016 : i32 to index
        %get3A_2018 = tpu.vector_load %arg6[%get3A_2017] {strides = array<i32>} : memref<512xi32, #tpu.memory_space<vmem>>, vector<16xi32>,
        %eq3A_2019 = arith.constant 12 : i32
        %eq3A_2020 = vector.broadcast %eq3A_2019 : i32 to vector<16xi32>
        %eq3A_2021 = arith.cmpi eq, %iota3A_9, %eq3A_2020 : vector<16xi32>
        %broadcast_in_dim3A_2022 = arith.constant 0 : i32
        %broadcast_in_dim3A_2023 = vector.broadcast %broadcast_in_dim3A_2022 : i32 to vector<16xi32>
        %select_n3A_2024 = arith.select %eq3A_2021, %get3A_2018, %broadcast_in_dim3A_2023 : vector<16xi1>, vector<16xi32>
        %reduce_max3A_2025 = arith.constant true
        %reduce_max3A_2026 = vector.broadcast %reduce_max3A_2025 : i1 to vector<16xi1>
        %reduce_max3A_2027 = arith.constant -2147483648 : i32
        %reduce_max3A_2028 = vector.broadcast %reduce_max3A_2027 : i32 to vector<16xi32>
        %reduce_max3A_2029 = arith.xori %select_n3A_2024, %reduce_max3A_2028 : vector<16xi32>
        %reduce_max3A_2030 = tpu.scan <max>, %reduce_max3A_2029 masked %reduce_max3A_2026 : vector<16xi32>, vector<16xi1> -> vector<16xi32>
        %reduce_max3A_2031 = arith.xori %reduce_max3A_2030, %reduce_max3A_2028 : vector<16xi32>
        %reduce_max3A_2032 = vector.extract %reduce_max3A_2031[15] : i32 from vector<16xi32>
        %jit3A_2033 = arith.constant 128 : i32
        %div3A_2034 = arith.divsi %reduce_max3A_2032, %jit3A_2033 : i32
        %sign3A_2035 = arith.constant 0 : i32
        %sign3A_2036 = arith.cmpi sgt, %reduce_max3A_2032, %sign3A_2035 : i32
        %sign3A_2037 = arith.extui %sign3A_2036 : i1 to i32
        %sign3A_2038 = arith.constant 0 : i32
        %sign3A_2039 = arith.cmpi slt, %reduce_max3A_2032, %sign3A_2038 : i32
        %sign3A_2040 = arith.extui %sign3A_2039 : i1 to i32
        %sign3A_2041 = arith.subi %sign3A_2037, %sign3A_2040 : i32
        %sign3A_2042 = arith.constant 0 : i32
        %sign3A_2043 = arith.cmpi sgt, %jit3A_2033, %sign3A_2042 : i32
        %sign3A_2044 = arith.extui %sign3A_2043 : i1 to i32
        %sign3A_2045 = arith.constant 0 : i32
        %sign3A_2046 = arith.cmpi slt, %jit3A_2033, %sign3A_2045 : i32
        %sign3A_2047 = arith.extui %sign3A_2046 : i1 to i32
        %sign3A_2048 = arith.subi %sign3A_2044, %sign3A_2047 : i32
        %ne3A_2049 = arith.cmpi ne, %sign3A_2041, %sign3A_2048 : i32
        %rem3A_2050 = arith.remsi %reduce_max3A_2032, %jit3A_2033 : i32
        %ne3A_2051 = arith.constant 0 : i32
        %ne3A_2052 = arith.cmpi ne, %rem3A_2050, %ne3A_2051 : i32
        %and3A_2053 = arith.andi %ne3A_2049, %ne3A_2052 : i1
        %sub3A_2054 = arith.constant 1 : i32
        %sub3A_2055 = arith.subi %div3A_2034, %sub3A_2054 : i32
        %select_n3A_2056 = arith.select %and3A_2053, %sub3A_2055, %div3A_2034 : i32
        %mul3A_2057 = arith.constant 128 : i32
        %mul3A_2058 = arith.muli %select_n3A_2056, %mul3A_2057 : i32
        %multiple_of3A_2059 = tpu.assume_multiple %mul3A_2058, 128 : i32
        %dma_start3A_2060 = arith.constant 12 : i32
        %dma_start3A_2061 = arith.constant 0 : i32
        %dma_start3A_2062 = arith.constant 0 : i32
        %dma_start3A_2063 = tpu.memref_slice %arg7[%dma_start3A_2060, %dma_start3A_2061, %dma_start3A_2062] : memref<16x32x128xf32, #tpu.memory_space<vmem>> -> memref<1x32x128xf32, #tpu.memory_space<vmem>>
        %dma_start3A_2064 = tpu.memref_squeeze %dma_start3A_2063 : memref<1x32x128xf32, #tpu.memory_space<vmem>> -> memref<32x128xf32, #tpu.memory_space<vmem>>
        %dma_start3A_2065 = arith.constant 0 : i32
        %dma_start3A_2066 = tpu.memref_slice %arg2[%dma_start3A_2065, %multiple_of3A_2059] : memref<32x1000000xf32, #tpu.memory_space<hbm>> -> memref<32x128xf32, #tpu.memory_space<hbm>>
        %dma_start3A_2067 = arith.constant 0 : i32
        %dma_start3A_2068 = arith.constant 0 : i32
        %dma_start3A_2069 = tpu.memref_slice %arg7[%dma_start3A_2060, %dma_start3A_2067, %dma_start3A_2068] : memref<16x32x128xf32, #tpu.memory_space<vmem>> -> memref<1x32x128xf32, #tpu.memory_space<vmem>>
        %dma_start3A_2070 = tpu.memref_squeeze %dma_start3A_2069 : memref<1x32x128xf32, #tpu.memory_space<vmem>> -> memref<32x128xf32, #tpu.memory_space<vmem>>
        %dma_start3A_2071 = arith.constant 0 : i32
        %dma_start3A_2072 = tpu.memref_slice %arg2[%dma_start3A_2071, %multiple_of3A_2059] : memref<32x1000000xf32, #tpu.memory_space<hbm>> -> memref<32x128xf32, #tpu.memory_space<hbm>>
        tpu.enqueue_dma source(%dma_start3A_2072 : memref<32x128xf32, #tpu.memory_space<hbm>>) target(%dma_start3A_2070 : memref<32x128xf32, #tpu.memory_space<vmem>>) target_semaphore(%arg15 : memref<!tpu.dma_semaphore, #tpu.memory_space<semaphore_mem>>)
        %mul3A_2073 = arith.constant 16 : i32
        %mul3A_2074 = arith.muli %add3A_2014, %mul3A_2073 : i32
        %get3A_2075 = arith.index_cast %mul3A_2074 : i32 to index
        %get3A_2076 = tpu.vector_load %arg6[%get3A_2075] {strides = array<i32>} : memref<512xi32, #tpu.memory_space<vmem>>, vector<16xi32>,
        %eq3A_2077 = arith.constant 13 : i32
        %eq3A_2078 = vector.broadcast %eq3A_2077 : i32 to vector<16xi32>
        %eq3A_2079 = arith.cmpi eq, %iota3A_9, %eq3A_2078 : vector<16xi32>
        %broadcast_in_dim3A_2080 = arith.constant 0 : i32
        %broadcast_in_dim3A_2081 = vector.broadcast %broadcast_in_dim3A_2080 : i32 to vector<16xi32>
        %select_n3A_2082 = arith.select %eq3A_2079, %get3A_2076, %broadcast_in_dim3A_2081 : vector<16xi1>, vector<16xi32>
        %reduce_max3A_2083 = arith.constant true
        %reduce_max3A_2084 = vector.broadcast %reduce_max3A_2083 : i1 to vector<16xi1>
        %reduce_max3A_2085 = arith.constant -2147483648 : i32
        %reduce_max3A_2086 = vector.broadcast %reduce_max3A_2085 : i32 to vector<16xi32>
        %reduce_max3A_2087 = arith.xori %select_n3A_2082, %reduce_max3A_2086 : vector<16xi32>
        %reduce_max3A_2088 = tpu.scan <max>, %reduce_max3A_2087 masked %reduce_max3A_2084 : vector<16xi32>, vector<16xi1> -> vector<16xi32>
        %reduce_max3A_2089 = arith.xori %reduce_max3A_2088, %reduce_max3A_2086 : vector<16xi32>
        %reduce_max3A_2090 = vector.extract %reduce_max3A_2089[15] : i32 from vector<16xi32>
        %jit3A_2091 = arith.constant 128 : i32
        %div3A_2092 = arith.divsi %reduce_max3A_2090, %jit3A_2091 : i32
        %sign3A_2093 = arith.constant 0 : i32
        %sign3A_2094 = arith.cmpi sgt, %reduce_max3A_2090, %sign3A_2093 : i32
        %sign3A_2095 = arith.extui %sign3A_2094 : i1 to i32
        %sign3A_2096 = arith.constant 0 : i32
        %sign3A_2097 = arith.cmpi slt, %reduce_max3A_2090, %sign3A_2096 : i32
        %sign3A_2098 = arith.extui %sign3A_2097 : i1 to i32
        %sign3A_2099 = arith.subi %sign3A_2095, %sign3A_2098 : i32
        %sign3A_2100 = arith.constant 0 : i32
        %sign3A_2101 = arith.cmpi sgt, %jit3A_2091, %sign3A_2100 : i32
        %sign3A_2102 = arith.extui %sign3A_2101 : i1 to i32
        %sign3A_2103 = arith.constant 0 : i32
        %sign3A_2104 = arith.cmpi slt, %jit3A_2091, %sign3A_2103 : i32
        %sign3A_2105 = arith.extui %sign3A_2104 : i1 to i32
        %sign3A_2106 = arith.subi %sign3A_2102, %sign3A_2105 : i32
        %ne3A_2107 = arith.cmpi ne, %sign3A_2099, %sign3A_2106 : i32
        %rem3A_2108 = arith.remsi %reduce_max3A_2090, %jit3A_2091 : i32
        %ne3A_2109 = arith.constant 0 : i32
        %ne3A_2110 = arith.cmpi ne, %rem3A_2108, %ne3A_2109 : i32
        %and3A_2111 = arith.andi %ne3A_2107, %ne3A_2110 : i1
        %sub3A_2112 = arith.constant 1 : i32
        %sub3A_2113 = arith.subi %div3A_2092, %sub3A_2112 : i32
        %select_n3A_2114 = arith.select %and3A_2111, %sub3A_2113, %div3A_2092 : i32
        %mul3A_2115 = arith.constant 128 : i32
        %mul3A_2116 = arith.muli %select_n3A_2114, %mul3A_2115 : i32
        %multiple_of3A_2117 = tpu.assume_multiple %mul3A_2116, 128 : i32
        %dma_start3A_2118 = arith.constant 13 : i32
        %dma_start3A_2119 = arith.constant 0 : i32
        %dma_start3A_2120 = arith.constant 0 : i32
        %dma_start3A_2121 = tpu.memref_slice %arg7[%dma_start3A_2118, %dma_start3A_2119, %dma_start3A_2120] : memref<16x32x128xf32, #tpu.memory_space<vmem>> -> memref<1x32x128xf32, #tpu.memory_space<vmem>>
        %dma_start3A_2122 = tpu.memref_squeeze %dma_start3A_2121 : memref<1x32x128xf32, #tpu.memory_space<vmem>> -> memref<32x128xf32, #tpu.memory_space<vmem>>
        %dma_start3A_2123 = arith.constant 0 : i32
        %dma_start3A_2124 = tpu.memref_slice %arg2[%dma_start3A_2123, %multiple_of3A_2117] : memref<32x1000000xf32, #tpu.memory_space<hbm>> -> memref<32x128xf32, #tpu.memory_space<hbm>>
        %dma_start3A_2125 = arith.constant 0 : i32
        %dma_start3A_2126 = arith.constant 0 : i32
        %dma_start3A_2127 = tpu.memref_slice %arg7[%dma_start3A_2118, %dma_start3A_2125, %dma_start3A_2126] : memref<16x32x128xf32, #tpu.memory_space<vmem>> -> memref<1x32x128xf32, #tpu.memory_space<vmem>>
        %dma_start3A_2128 = tpu.memref_squeeze %dma_start3A_2127 : memref<1x32x128xf32, #tpu.memory_space<vmem>> -> memref<32x128xf32, #tpu.memory_space<vmem>>
        %dma_start3A_2129 = arith.constant 0 : i32
        %dma_start3A_2130 = tpu.memref_slice %arg2[%dma_start3A_2129, %multiple_of3A_2117] : memref<32x1000000xf32, #tpu.memory_space<hbm>> -> memref<32x128xf32, #tpu.memory_space<hbm>>
        tpu.enqueue_dma source(%dma_start3A_2130 : memref<32x128xf32, #tpu.memory_space<hbm>>) target(%dma_start3A_2128 : memref<32x128xf32, #tpu.memory_space<vmem>>) target_semaphore(%arg15 : memref<!tpu.dma_semaphore, #tpu.memory_space<semaphore_mem>>)
      } else {
      }
      %dma_wait3A_1874 = arith.constant 0 : i32
      %dma_wait3A_1875 = arith.constant 0 : i32
      %dma_wait3A_1876 = arith.constant 0 : i32
      %dma_wait3A_1877 = tpu.memref_slice %arg7[%dma_wait3A_1874, %dma_wait3A_1875, %dma_wait3A_1876] : memref<16x32x128xf32, #tpu.memory_space<vmem>> -> memref<1x32x128xf32, #tpu.memory_space<vmem>>
      %dma_wait3A_1878 = tpu.memref_squeeze %dma_wait3A_1877 : memref<1x32x128xf32, #tpu.memory_space<vmem>> -> memref<32x128xf32, #tpu.memory_space<vmem>>
      %dma_wait3A_1879 = arith.constant 0 : i32
      %dma_wait3A_1880 = arith.constant 0 : i32
      %dma_wait3A_1881 = tpu.memref_slice %arg2[%dma_wait3A_1879, %dma_wait3A_1880] : memref<32x1000000xf32, #tpu.memory_space<hbm>> -> memref<32x128xf32, #tpu.memory_space<hbm>>
      %dma_wait3A_1882 = arith.constant 0 : i32
      %dma_wait3A_1883 = arith.constant 0 : i32
      %dma_wait3A_1884 = tpu.memref_slice %arg7[%dma_wait3A_1874, %dma_wait3A_1882, %dma_wait3A_1883] : memref<16x32x128xf32, #tpu.memory_space<vmem>> -> memref<1x32x128xf32, #tpu.memory_space<vmem>>
      %dma_wait3A_1885 = tpu.memref_squeeze %dma_wait3A_1884 : memref<1x32x128xf32, #tpu.memory_space<vmem>> -> memref<32x128xf32, #tpu.memory_space<vmem>>
      %dma_wait3A_1886 = arith.constant 0 : i32
      %dma_wait3A_1887 = arith.constant 0 : i32
      %dma_wait3A_1888 = tpu.memref_slice %arg2[%dma_wait3A_1886, %dma_wait3A_1887] : memref<32x1000000xf32, #tpu.memory_space<hbm>> -> memref<32x128xf32, #tpu.memory_space<hbm>>
      tpu.wait_dma2 semaphore(%arg16 : memref<!tpu.dma_semaphore, #tpu.memory_space<semaphore_mem>>) src(%dma_wait3A_1888 : memref<32x128xf32, #tpu.memory_space<hbm>>) dst(%dma_wait3A_1885 : memref<32x128xf32, #tpu.memory_space<vmem>>)
      %dma_wait3A_1889 = arith.constant 0 : i32
      %dma_wait3A_1890 = arith.constant 0 : i32
      %dma_wait3A_1891 = arith.constant 0 : i32
      %dma_wait3A_1892 = tpu.memref_slice %arg7[%dma_wait3A_1889, %dma_wait3A_1890, %dma_wait3A_1891] : memref<16x32x128xf32, #tpu.memory_space<vmem>> -> memref<1x32x128xf32, #tpu.memory_space<vmem>>
      %dma_wait3A_1893 = tpu.memref_squeeze %dma_wait3A_1892 : memref<1x32x128xf32, #tpu.memory_space<vmem>> -> memref<32x128xf32, #tpu.memory_space<vmem>>
      %dma_wait3A_1894 = arith.constant 0 : i32
      %dma_wait3A_1895 = arith.constant 0 : i32
      %dma_wait3A_1896 = tpu.memref_slice %arg2[%dma_wait3A_1894, %dma_wait3A_1895] : memref<32x1000000xf32, #tpu.memory_space<hbm>> -> memref<32x128xf32, #tpu.memory_space<hbm>>
      %dma_wait3A_1897 = arith.constant 0 : i32
      %dma_wait3A_1898 = arith.constant 0 : i32
      %dma_wait3A_1899 = tpu.memref_slice %arg7[%dma_wait3A_1889, %dma_wait3A_1897, %dma_wait3A_1898] : memref<16x32x128xf32, #tpu.memory_space<vmem>> -> memref<1x32x128xf32, #tpu.memory_space<vmem>>
      %dma_wait3A_1900 = tpu.memref_squeeze %dma_wait3A_1899 : memref<1x32x128xf32, #tpu.memory_space<vmem>> -> memref<32x128xf32, #tpu.memory_space<vmem>>
      %dma_wait3A_1901 = arith.constant 0 : i32
      %dma_wait3A_1902 = arith.constant 0 : i32
      %dma_wait3A_1903 = tpu.memref_slice %arg2[%dma_wait3A_1901, %dma_wait3A_1902] : memref<32x1000000xf32, #tpu.memory_space<hbm>> -> memref<32x128xf32, #tpu.memory_space<hbm>>
      tpu.wait_dma2 semaphore(%arg16 : memref<!tpu.dma_semaphore, #tpu.memory_space<semaphore_mem>>) src(%dma_wait3A_1903 : memref<32x128xf32, #tpu.memory_space<hbm>>) dst(%dma_wait3A_1900 : memref<32x128xf32, #tpu.memory_space<vmem>>)
      %mul3A_1904 = arith.constant 16 : i32
      %mul3A_1905 = arith.muli %add3A_904, %mul3A_1904 : i32
      %mul3A_1906 = arith.constant 16 : i32
      %mul3A_1907 = arith.muli %add3A_904, %mul3A_1906 : i32
      %get3A_1908 = arith.index_cast %mul3A_1907 : i32 to index
      %get3A_1909 = tpu.vector_load %arg6[%get3A_1908] {strides = array<i32>} : memref<512xi32, #tpu.memory_space<vmem>>, vector<16xi32>,
      %eq3A_1910 = arith.constant 14 : i32
      %eq3A_1911 = vector.broadcast %eq3A_1910 : i32 to vector<16xi32>
      %eq3A_1912 = arith.cmpi eq, %iota3A_9, %eq3A_1911 : vector<16xi32>
      %broadcast_in_dim3A_1913 = arith.constant 0 : i32
      %broadcast_in_dim3A_1914 = vector.broadcast %broadcast_in_dim3A_1913 : i32 to vector<16xi32>
      %select_n3A_1915 = arith.select %eq3A_1912, %get3A_1909, %broadcast_in_dim3A_1914 : vector<16xi1>, vector<16xi32>
      %reduce_max3A_1916 = arith.constant true
      %reduce_max3A_1917 = vector.broadcast %reduce_max3A_1916 : i1 to vector<16xi1>
      %reduce_max3A_1918 = arith.constant -2147483648 : i32
      %reduce_max3A_1919 = vector.broadcast %reduce_max3A_1918 : i32 to vector<16xi32>
      %reduce_max3A_1920 = arith.xori %select_n3A_1915, %reduce_max3A_1919 : vector<16xi32>
      %reduce_max3A_1921 = tpu.scan <max>, %reduce_max3A_1920 masked %reduce_max3A_1917 : vector<16xi32>, vector<16xi1> -> vector<16xi32>
      %reduce_max3A_1922 = arith.xori %reduce_max3A_1921, %reduce_max3A_1919 : vector<16xi32>
      %reduce_max3A_1923 = vector.extract %reduce_max3A_1922[15] : i32 from vector<16xi32>
      %jit3A_1924 = arith.constant 128 : i32
      %eq3A_1925 = arith.constant 0 : i32
      %eq3A_1926 = arith.cmpi eq, %jit3A_1924, %eq3A_1925 : i32
      %jit3A_1927 = arith.constant 1 : i32
      %select_n3A_1928 = arith.select %eq3A_1926, %jit3A_1927, %jit3A_1924 : i32
      %rem3A_1929 = arith.remsi %reduce_max3A_1923, %select_n3A_1928 : i32
      %ne3A_1930 = arith.constant 0 : i32
      %ne3A_1931 = arith.cmpi ne, %rem3A_1929, %ne3A_1930 : i32
      %lt3A_1932 = arith.constant 0 : i32
      %lt3A_1933 = arith.cmpi slt, %rem3A_1929, %lt3A_1932 : i32
      %lt3A_1934 = arith.constant 0 : i32
      %lt3A_1935 = arith.cmpi slt, %select_n3A_1928, %lt3A_1934 : i32
      %ne3A_1936 = arith.xori %lt3A_1933, %lt3A_1935 : i1
      %and3A_1937 = arith.andi %ne3A_1936, %ne3A_1931 : i1
      %add3A_1938 = arith.addi %rem3A_1929, %select_n3A_1928 : i32
      %select_n3A_1939 = arith.select %and3A_1937, %add3A_1938, %rem3A_1929 : i32
      %broadcast_in_dim3A_1940 = vector.broadcast %select_n3A_1939 : i32 to vector<16xi32>
      %add3A_1941 = arith.constant 14 : i32
      %add3A_1942 = arith.addi %mul3A_1905, %add3A_1941 : i32
      %broadcast_in_dim3A_1943 = vector.broadcast %add3A_1942 : i32 to vector<16xi32>
      %gather3A_1944 = arith.constant 14 : i32
      %gather3A_1945 = arith.constant 0 : i32
      %gather3A_1946 = arith.constant 0 : i32
      %gather3A_1947 = tpu.memref_slice %arg7[%gather3A_1944, %gather3A_1945, %gather3A_1946] : memref<16x32x128xf32, #tpu.memory_space<vmem>> -> memref<1x32x128xf32, #tpu.memory_space<vmem>>
      %gather3A_1948 = tpu.memref_squeeze %gather3A_1947 : memref<1x32x128xf32, #tpu.memory_space<vmem>> -> memref<32x128xf32, #tpu.memory_space<vmem>>
      %gather3A_1949 = tpu.vector_load_idx %gather3A_1948[%iota3A, %broadcast_in_dim3A_1940] : memref<32x128xf32, #tpu.memory_space<vmem>>[vector<16xi32>, vector<16xi32>], vector<16xf32>,
      %gather3A_1950 = arith.constant 14 : i32
      %gather3A_1951 = arith.constant 0 : i32
      %gather3A_1952 = arith.constant 0 : i32
      %gather3A_1953 = tpu.memref_slice %arg7[%gather3A_1950, %gather3A_1951, %gather3A_1952] : memref<16x32x128xf32, #tpu.memory_space<vmem>> -> memref<1x32x128xf32, #tpu.memory_space<vmem>>
      %gather3A_1954 = tpu.memref_squeeze %gather3A_1953 : memref<1x32x128xf32, #tpu.memory_space<vmem>> -> memref<32x128xf32, #tpu.memory_space<vmem>>
      %gather3A_1955 = tpu.vector_load_idx %gather3A_1954[%add3A_8, %broadcast_in_dim3A_1940] : memref<32x128xf32, #tpu.memory_space<vmem>>[vector<16xi32>, vector<16xi32>], vector<16xf32>,
      tpu.vector_store_idx %arg8[%iota3A, %broadcast_in_dim3A_1943], %gather3A_1949 : memref<32x512xf32, #tpu.memory_space<vmem>>[vector<16xi32>, vector<16xi32>], vector<16xf32>,
      tpu.vector_store_idx %arg8[%add3A_8, %broadcast_in_dim3A_1943], %gather3A_1955 : memref<32x512xf32, #tpu.memory_space<vmem>>[vector<16xi32>, vector<16xi32>], vector<16xf32>,
      %mul3A_1956 = arith.constant 16 : i32
      %mul3A_1957 = arith.muli %add3A_904, %mul3A_1956 : i32
      %get3A_1958 = arith.index_cast %mul3A_1957 : i32 to index
      %get3A_1959 = tpu.vector_load %arg6[%get3A_1958] {strides = array<i32>} : memref<512xi32, #tpu.memory_space<vmem>>, vector<16xi32>,
      %eq3A_1960 = arith.constant 15 : i32
      %eq3A_1961 = vector.broadcast %eq3A_1960 : i32 to vector<16xi32>
      %eq3A_1962 = arith.cmpi eq, %iota3A_9, %eq3A_1961 : vector<16xi32>
      %broadcast_in_dim3A_1963 = arith.constant 0 : i32
      %broadcast_in_dim3A_1964 = vector.broadcast %broadcast_in_dim3A_1963 : i32 to vector<16xi32>
      %select_n3A_1965 = arith.select %eq3A_1962, %get3A_1959, %broadcast_in_dim3A_1964 : vector<16xi1>, vector<16xi32>
      %reduce_max3A_1966 = arith.constant true
      %reduce_max3A_1967 = vector.broadcast %reduce_max3A_1966 : i1 to vector<16xi1>
      %reduce_max3A_1968 = arith.constant -2147483648 : i32
      %reduce_max3A_1969 = vector.broadcast %reduce_max3A_1968 : i32 to vector<16xi32>
      %reduce_max3A_1970 = arith.xori %select_n3A_1965, %reduce_max3A_1969 : vector<16xi32>
      %reduce_max3A_1971 = tpu.scan <max>, %reduce_max3A_1970 masked %reduce_max3A_1967 : vector<16xi32>, vector<16xi1> -> vector<16xi32>
      %reduce_max3A_1972 = arith.xori %reduce_max3A_1971, %reduce_max3A_1969 : vector<16xi32>
      %reduce_max3A_1973 = vector.extract %reduce_max3A_1972[15] : i32 from vector<16xi32>
      %jit3A_1974 = arith.constant 128 : i32
      %eq3A_1975 = arith.constant 0 : i32
      %eq3A_1976 = arith.cmpi eq, %jit3A_1974, %eq3A_1975 : i32
      %jit3A_1977 = arith.constant 1 : i32
      %select_n3A_1978 = arith.select %eq3A_1976, %jit3A_1977, %jit3A_1974 : i32
      %rem3A_1979 = arith.remsi %reduce_max3A_1973, %select_n3A_1978 : i32
      %ne3A_1980 = arith.constant 0 : i32
      %ne3A_1981 = arith.cmpi ne, %rem3A_1979, %ne3A_1980 : i32
      %lt3A_1982 = arith.constant 0 : i32
      %lt3A_1983 = arith.cmpi slt, %rem3A_1979, %lt3A_1982 : i32
      %lt3A_1984 = arith.constant 0 : i32
      %lt3A_1985 = arith.cmpi slt, %select_n3A_1978, %lt3A_1984 : i32
      %ne3A_1986 = arith.xori %lt3A_1983, %lt3A_1985 : i1
      %and3A_1987 = arith.andi %ne3A_1986, %ne3A_1981 : i1
      %add3A_1988 = arith.addi %rem3A_1979, %select_n3A_1978 : i32
      %select_n3A_1989 = arith.select %and3A_1987, %add3A_1988, %rem3A_1979 : i32
      %broadcast_in_dim3A_1990 = vector.broadcast %select_n3A_1989 : i32 to vector<16xi32>
      %add3A_1991 = arith.constant 15 : i32
      %add3A_1992 = arith.addi %mul3A_1905, %add3A_1991 : i32
      %broadcast_in_dim3A_1993 = vector.broadcast %add3A_1992 : i32 to vector<16xi32>
      %gather3A_1994 = arith.constant 15 : i32
      %gather3A_1995 = arith.constant 0 : i32
      %gather3A_1996 = arith.constant 0 : i32
      %gather3A_1997 = tpu.memref_slice %arg7[%gather3A_1994, %gather3A_1995, %gather3A_1996] : memref<16x32x128xf32, #tpu.memory_space<vmem>> -> memref<1x32x128xf32, #tpu.memory_space<vmem>>
      %gather3A_1998 = tpu.memref_squeeze %gather3A_1997 : memref<1x32x128xf32, #tpu.memory_space<vmem>> -> memref<32x128xf32, #tpu.memory_space<vmem>>
      %gather3A_1999 = tpu.vector_load_idx %gather3A_1998[%iota3A, %broadcast_in_dim3A_1990] : memref<32x128xf32, #tpu.memory_space<vmem>>[vector<16xi32>, vector<16xi32>], vector<16xf32>,
      %gather3A_2000 = arith.constant 15 : i32
      %gather3A_2001 = arith.constant 0 : i32
      %gather3A_2002 = arith.constant 0 : i32
      %gather3A_2003 = tpu.memref_slice %arg7[%gather3A_2000, %gather3A_2001, %gather3A_2002] : memref<16x32x128xf32, #tpu.memory_space<vmem>> -> memref<1x32x128xf32, #tpu.memory_space<vmem>>
      %gather3A_2004 = tpu.memref_squeeze %gather3A_2003 : memref<1x32x128xf32, #tpu.memory_space<vmem>> -> memref<32x128xf32, #tpu.memory_space<vmem>>
      %gather3A_2005 = tpu.vector_load_idx %gather3A_2004[%add3A_8, %broadcast_in_dim3A_1990] : memref<32x128xf32, #tpu.memory_space<vmem>>[vector<16xi32>, vector<16xi32>], vector<16xf32>,
      tpu.vector_store_idx %arg8[%iota3A, %broadcast_in_dim3A_1993], %gather3A_1999 : memref<32x512xf32, #tpu.memory_space<vmem>>[vector<16xi32>, vector<16xi32>], vector<16xf32>,
      tpu.vector_store_idx %arg8[%add3A_8, %broadcast_in_dim3A_1993], %gather3A_2005 : memref<32x512xf32, #tpu.memory_space<vmem>>[vector<16xi32>, vector<16xi32>], vector<16xf32>,
      %add3A_2006 = arith.constant 1 : i32
      %add3A_2007 = arith.addi %add3A_904, %add3A_2006 : i32
      %lt3A_2008 = arith.constant 32 : i32
      %lt3A_2009 = arith.cmpi slt, %add3A_2007, %lt3A_2008 : i32
      %convert_element_type3A_2010 = arith.extui %lt3A_2009 : i1 to i32
      %cond3A_2011 = arith.constant 0 : i32
      %cond3A_2012 = arith.cmpi ne, %convert_element_type3A_2010, %cond3A_2011 : i32
      scf.if %cond3A_2012 {
        %add3A_2013 = arith.constant 1 : i32
        %add3A_2014 = arith.addi %add3A_904, %add3A_2013 : i32
        %mul3A_2015 = arith.constant 16 : i32
        %mul3A_2016 = arith.muli %add3A_2014, %mul3A_2015 : i32
        %get3A_2017 = arith.index_cast %mul3A_2016 : i32 to index
        %get3A_2018 = tpu.vector_load %arg6[%get3A_2017] {strides = array<i32>} : memref<512xi32, #tpu.memory_space<vmem>>, vector<16xi32>,
        %eq3A_2019 = arith.constant 14 : i32
        %eq3A_2020 = vector.broadcast %eq3A_2019 : i32 to vector<16xi32>
        %eq3A_2021 = arith.cmpi eq, %iota3A_9, %eq3A_2020 : vector<16xi32>
        %broadcast_in_dim3A_2022 = arith.constant 0 : i32
        %broadcast_in_dim3A_2023 = vector.broadcast %broadcast_in_dim3A_2022 : i32 to vector<16xi32>
        %select_n3A_2024 = arith.select %eq3A_2021, %get3A_2018, %broadcast_in_dim3A_2023 : vector<16xi1>, vector<16xi32>
        %reduce_max3A_2025 = arith.constant true
        %reduce_max3A_2026 = vector.broadcast %reduce_max3A_2025 : i1 to vector<16xi1>
        %reduce_max3A_2027 = arith.constant -2147483648 : i32
        %reduce_max3A_2028 = vector.broadcast %reduce_max3A_2027 : i32 to vector<16xi32>
        %reduce_max3A_2029 = arith.xori %select_n3A_2024, %reduce_max3A_2028 : vector<16xi32>
        %reduce_max3A_2030 = tpu.scan <max>, %reduce_max3A_2029 masked %reduce_max3A_2026 : vector<16xi32>, vector<16xi1> -> vector<16xi32>
        %reduce_max3A_2031 = arith.xori %reduce_max3A_2030, %reduce_max3A_2028 : vector<16xi32>
        %reduce_max3A_2032 = vector.extract %reduce_max3A_2031[15] : i32 from vector<16xi32>
        %jit3A_2033 = arith.constant 128 : i32
        %div3A_2034 = arith.divsi %reduce_max3A_2032, %jit3A_2033 : i32
        %sign3A_2035 = arith.constant 0 : i32
        %sign3A_2036 = arith.cmpi sgt, %reduce_max3A_2032, %sign3A_2035 : i32
        %sign3A_2037 = arith.extui %sign3A_2036 : i1 to i32
        %sign3A_2038 = arith.constant 0 : i32
        %sign3A_2039 = arith.cmpi slt, %reduce_max3A_2032, %sign3A_2038 : i32
        %sign3A_2040 = arith.extui %sign3A_2039 : i1 to i32
        %sign3A_2041 = arith.subi %sign3A_2037, %sign3A_2040 : i32
        %sign3A_2042 = arith.constant 0 : i32
        %sign3A_2043 = arith.cmpi sgt, %jit3A_2033, %sign3A_2042 : i32
        %sign3A_2044 = arith.extui %sign3A_2043 : i1 to i32
        %sign3A_2045 = arith.constant 0 : i32
        %sign3A_2046 = arith.cmpi slt, %jit3A_2033, %sign3A_2045 : i32
        %sign3A_2047 = arith.extui %sign3A_2046 : i1 to i32
        %sign3A_2048 = arith.subi %sign3A_2044, %sign3A_2047 : i32
        %ne3A_2049 = arith.cmpi ne, %sign3A_2041, %sign3A_2048 : i32
        %rem3A_2050 = arith.remsi %reduce_max3A_2032, %jit3A_2033 : i32
        %ne3A_2051 = arith.constant 0 : i32
        %ne3A_2052 = arith.cmpi ne, %rem3A_2050, %ne3A_2051 : i32
        %and3A_2053 = arith.andi %ne3A_2049, %ne3A_2052 : i1
        %sub3A_2054 = arith.constant 1 : i32
        %sub3A_2055 = arith.subi %div3A_2034, %sub3A_2054 : i32
        %select_n3A_2056 = arith.select %and3A_2053, %sub3A_2055, %div3A_2034 : i32
        %mul3A_2057 = arith.constant 128 : i32
        %mul3A_2058 = arith.muli %select_n3A_2056, %mul3A_2057 : i32
        %multiple_of3A_2059 = tpu.assume_multiple %mul3A_2058, 128 : i32
        %dma_start3A_2060 = arith.constant 14 : i32
        %dma_start3A_2061 = arith.constant 0 : i32
        %dma_start3A_2062 = arith.constant 0 : i32
        %dma_start3A_2063 = tpu.memref_slice %arg7[%dma_start3A_2060, %dma_start3A_2061, %dma_start3A_2062] : memref<16x32x128xf32, #tpu.memory_space<vmem>> -> memref<1x32x128xf32, #tpu.memory_space<vmem>>
        %dma_start3A_2064 = tpu.memref_squeeze %dma_start3A_2063 : memref<1x32x128xf32, #tpu.memory_space<vmem>> -> memref<32x128xf32, #tpu.memory_space<vmem>>
        %dma_start3A_2065 = arith.constant 0 : i32
        %dma_start3A_2066 = tpu.memref_slice %arg2[%dma_start3A_2065, %multiple_of3A_2059] : memref<32x1000000xf32, #tpu.memory_space<hbm>> -> memref<32x128xf32, #tpu.memory_space<hbm>>
        %dma_start3A_2067 = arith.constant 0 : i32
        %dma_start3A_2068 = arith.constant 0 : i32
        %dma_start3A_2069 = tpu.memref_slice %arg7[%dma_start3A_2060, %dma_start3A_2067, %dma_start3A_2068] : memref<16x32x128xf32, #tpu.memory_space<vmem>> -> memref<1x32x128xf32, #tpu.memory_space<vmem>>
        %dma_start3A_2070 = tpu.memref_squeeze %dma_start3A_2069 : memref<1x32x128xf32, #tpu.memory_space<vmem>> -> memref<32x128xf32, #tpu.memory_space<vmem>>
        %dma_start3A_2071 = arith.constant 0 : i32
        %dma_start3A_2072 = tpu.memref_slice %arg2[%dma_start3A_2071, %multiple_of3A_2059] : memref<32x1000000xf32, #tpu.memory_space<hbm>> -> memref<32x128xf32, #tpu.memory_space<hbm>>
        tpu.enqueue_dma source(%dma_start3A_2072 : memref<32x128xf32, #tpu.memory_space<hbm>>) target(%dma_start3A_2070 : memref<32x128xf32, #tpu.memory_space<vmem>>) target_semaphore(%arg16 : memref<!tpu.dma_semaphore, #tpu.memory_space<semaphore_mem>>)
        %mul3A_2073 = arith.constant 16 : i32
        %mul3A_2074 = arith.muli %add3A_2014, %mul3A_2073 : i32
        %get3A_2075 = arith.index_cast %mul3A_2074 : i32 to index
        %get3A_2076 = tpu.vector_load %arg6[%get3A_2075] {strides = array<i32>} : memref<512xi32, #tpu.memory_space<vmem>>, vector<16xi32>,
        %eq3A_2077 = arith.constant 15 : i32
        %eq3A_2078 = vector.broadcast %eq3A_2077 : i32 to vector<16xi32>
        %eq3A_2079 = arith.cmpi eq, %iota3A_9, %eq3A_2078 : vector<16xi32>
        %broadcast_in_dim3A_2080 = arith.constant 0 : i32
        %broadcast_in_dim3A_2081 = vector.broadcast %broadcast_in_dim3A_2080 : i32 to vector<16xi32>
        %select_n3A_2082 = arith.select %eq3A_2079, %get3A_2076, %broadcast_in_dim3A_2081 : vector<16xi1>, vector<16xi32>
        %reduce_max3A_2083 = arith.constant true
        %reduce_max3A_2084 = vector.broadcast %reduce_max3A_2083 : i1 to vector<16xi1>
        %reduce_max3A_2085 = arith.constant -2147483648 : i32
        %reduce_max3A_2086 = vector.broadcast %reduce_max3A_2085 : i32 to vector<16xi32>
        %reduce_max3A_2087 = arith.xori %select_n3A_2082, %reduce_max3A_2086 : vector<16xi32>
        %reduce_max3A_2088 = tpu.scan <max>, %reduce_max3A_2087 masked %reduce_max3A_2084 : vector<16xi32>, vector<16xi1> -> vector<16xi32>
        %reduce_max3A_2089 = arith.xori %reduce_max3A_2088, %reduce_max3A_2086 : vector<16xi32>
        %reduce_max3A_2090 = vector.extract %reduce_max3A_2089[15] : i32 from vector<16xi32>
        %jit3A_2091 = arith.constant 128 : i32
        %div3A_2092 = arith.divsi %reduce_max3A_2090, %jit3A_2091 : i32
        %sign3A_2093 = arith.constant 0 : i32
        %sign3A_2094 = arith.cmpi sgt, %reduce_max3A_2090, %sign3A_2093 : i32
        %sign3A_2095 = arith.extui %sign3A_2094 : i1 to i32
        %sign3A_2096 = arith.constant 0 : i32
        %sign3A_2097 = arith.cmpi slt, %reduce_max3A_2090, %sign3A_2096 : i32
        %sign3A_2098 = arith.extui %sign3A_2097 : i1 to i32
        %sign3A_2099 = arith.subi %sign3A_2095, %sign3A_2098 : i32
        %sign3A_2100 = arith.constant 0 : i32
        %sign3A_2101 = arith.cmpi sgt, %jit3A_2091, %sign3A_2100 : i32
        %sign3A_2102 = arith.extui %sign3A_2101 : i1 to i32
        %sign3A_2103 = arith.constant 0 : i32
        %sign3A_2104 = arith.cmpi slt, %jit3A_2091, %sign3A_2103 : i32
        %sign3A_2105 = arith.extui %sign3A_2104 : i1 to i32
        %sign3A_2106 = arith.subi %sign3A_2102, %sign3A_2105 : i32
        %ne3A_2107 = arith.cmpi ne, %sign3A_2099, %sign3A_2106 : i32
        %rem3A_2108 = arith.remsi %reduce_max3A_2090, %jit3A_2091 : i32
        %ne3A_2109 = arith.constant 0 : i32
        %ne3A_2110 = arith.cmpi ne, %rem3A_2108, %ne3A_2109 : i32
        %and3A_2111 = arith.andi %ne3A_2107, %ne3A_2110 : i1
        %sub3A_2112 = arith.constant 1 : i32
        %sub3A_2113 = arith.subi %div3A_2092, %sub3A_2112 : i32
        %select_n3A_2114 = arith.select %and3A_2111, %sub3A_2113, %div3A_2092 : i32
        %mul3A_2115 = arith.constant 128 : i32
        %mul3A_2116 = arith.muli %select_n3A_2114, %mul3A_2115 : i32
        %multiple_of3A_2117 = tpu.assume_multiple %mul3A_2116, 128 : i32
        %dma_start3A_2118 = arith.constant 15 : i32
        %dma_start3A_2119 = arith.constant 0 : i32
        %dma_start3A_2120 = arith.constant 0 : i32
        %dma_start3A_2121 = tpu.memref_slice %arg7[%dma_start3A_2118, %dma_start3A_2119, %dma_start3A_2120] : memref<16x32x128xf32, #tpu.memory_space<vmem>> -> memref<1x32x128xf32, #tpu.memory_space<vmem>>
        %dma_start3A_2122 = tpu.memref_squeeze %dma_start3A_2121 : memref<1x32x128xf32, #tpu.memory_space<vmem>> -> memref<32x128xf32, #tpu.memory_space<vmem>>
        %dma_start3A_2123 = arith.constant 0 : i32
        %dma_start3A_2124 = tpu.memref_slice %arg2[%dma_start3A_2123, %multiple_of3A_2117] : memref<32x1000000xf32, #tpu.memory_space<hbm>> -> memref<32x128xf32, #tpu.memory_space<hbm>>
        %dma_start3A_2125 = arith.constant 0 : i32
        %dma_start3A_2126 = arith.constant 0 : i32
        %dma_start3A_2127 = tpu.memref_slice %arg7[%dma_start3A_2118, %dma_start3A_2125, %dma_start3A_2126] : memref<16x32x128xf32, #tpu.memory_space<vmem>> -> memref<1x32x128xf32, #tpu.memory_space<vmem>>
        %dma_start3A_2128 = tpu.memref_squeeze %dma_start3A_2127 : memref<1x32x128xf32, #tpu.memory_space<vmem>> -> memref<32x128xf32, #tpu.memory_space<vmem>>
        %dma_start3A_2129 = arith.constant 0 : i32
        %dma_start3A_2130 = tpu.memref_slice %arg2[%dma_start3A_2129, %multiple_of3A_2117] : memref<32x1000000xf32, #tpu.memory_space<hbm>> -> memref<32x128xf32, #tpu.memory_space<hbm>>
        tpu.enqueue_dma source(%dma_start3A_2130 : memref<32x128xf32, #tpu.memory_space<hbm>>) target(%dma_start3A_2128 : memref<32x128xf32, #tpu.memory_space<vmem>>) target_semaphore(%arg16 : memref<!tpu.dma_semaphore, #tpu.memory_space<semaphore_mem>>)
      } else {
      }
    }
    %scan3A_896 = arith.constant 32 : i32
    %dma_wait3A = arith.constant 0 : i32
    %dma_wait3A_897 = tpu.memref_slice %arg5[%dma_wait3A, %mul3A_2] : memref<64x16384xf32, #tpu.memory_space<hbm>> -> memref<32x512xf32, #tpu.memory_space<hbm>>
    %dma_wait3A_898 = arith.constant 0 : i32
    %dma_wait3A_899 = tpu.memref_slice %arg4[%dma_wait3A_898, %mul3A_2] : memref<32x16384xf32, #tpu.memory_space<hbm>> -> memref<32x512xf32, #tpu.memory_space<hbm>>
    tpu.wait_dma2 semaphore(%arg17 : memref<!tpu.dma_semaphore, #tpu.memory_space<semaphore_mem>>) src(%dma_wait3A_899 : memref<32x512xf32, #tpu.memory_space<hbm>>) dst(%dma_wait3A_897 : memref<32x512xf32, #tpu.memory_space<hbm>>)
    "tpu.region"() ({
      %run_scoped3A = tpu.sem_alloc : memref<!tpu.dma_semaphore, #tpu.memory_space<semaphore_mem>>
      %dma_start3A_900 = arith.constant 32 : i32
      %dma_start3A_901 = tpu.memref_slice %arg5[%dma_start3A_900, %mul3A_2] : memref<64x16384xf32, #tpu.memory_space<hbm>> -> memref<32x512xf32, #tpu.memory_space<hbm>>
      %dma_start3A_902 = arith.constant 32 : i32
      %dma_start3A_903 = tpu.memref_slice %arg5[%dma_start3A_902, %mul3A_2] : memref<64x16384xf32, #tpu.memory_space<hbm>> -> memref<32x512xf32, #tpu.memory_space<hbm>>
      tpu.enqueue_dma source(%arg8 : memref<32x512xf32, #tpu.memory_space<vmem>>) target(%dma_start3A_903 : memref<32x512xf32, #tpu.memory_space<hbm>>) target_semaphore(%run_scoped3A : memref<!tpu.dma_semaphore, #tpu.memory_space<semaphore_mem>>)
      %dma_wait3A_904 = arith.constant 32 : i32
      %dma_wait3A_905 = tpu.memref_slice %arg5[%dma_wait3A_904, %mul3A_2] : memref<64x16384xf32, #tpu.memory_space<hbm>> -> memref<32x512xf32, #tpu.memory_space<hbm>>
      %dma_wait3A_906 = arith.constant 32 : i32
      %dma_wait3A_907 = tpu.memref_slice %arg5[%dma_wait3A_906, %mul3A_2] : memref<64x16384xf32, #tpu.memory_space<hbm>> -> memref<32x512xf32, #tpu.memory_space<hbm>>
      tpu.wait_dma2 semaphore(%run_scoped3A : memref<!tpu.dma_semaphore, #tpu.memory_space<semaphore_mem>>) src(%arg8 : memref<32x512xf32, #tpu.memory_space<vmem>>) dst(%dma_wait3A_907 : memref<32x512xf32, #tpu.memory_space<hbm>>)
      tpu.yield
    }) : () -> ()
    return
  }
}

module attributes {stable_mosaic.version = 14 : i64} {
  func.func @_mm_body(%arg0: i32, %arg1: memref<16x32xf32, #tpu.memory_space<vmem>>, %arg2: memref<16x2048xf32, #tpu.memory_space<vmem>>, %arg3: memref<32x1xf32, #tpu.memory_space<vmem>>, %arg4: memref<32x2048xf32, #tpu.memory_space<vmem>>) attributes {dimension_semantics = [#tpu.dimension_semantics<arbitrary>], iteration_bounds = array<i64: 8>, scalar_prefetch = 0 : i64, scratch_operands = 0 : i64, tpu.core_type = #tpu.core_type<tc>, window_params = [{pipeline_mode = #tpu.pipeline_mode<synchronous>, transform_indices = @transform_0, window_bounds = array<i64: 16, 32>}, {transform_indices = @transform_1, window_bounds = array<i64: 16, 2048>}, {pipeline_mode = #tpu.pipeline_mode<synchronous>, transform_indices = @transform_2, window_bounds = array<i64: 32, 1>}, {transform_indices = @transform_3, window_bounds = array<i64: 32, 2048>}]} {
    %get3A = arith.constant 0 : index
    %get3A_0 = arith.constant 0 : index
    %get3A_1 = vector.load %arg1[%get3A, %get3A_0] : memref<16x32xf32, #tpu.memory_space<vmem>>, vector<16x32xf32>
    %get3A_2 = arith.constant 0 : index
    %get3A_3 = arith.constant 0 : index
    %get3A_4 = vector.load %arg2[%get3A_2, %get3A_3] : memref<16x2048xf32, #tpu.memory_space<vmem>>, vector<16x2048xf32>
    %dot_general3A = arith.constant dense<0.000000e+00> : vector<32x2048xf32>
    %dot_general3A_5 = tpu.matmul %get3A_1, %get3A_4, %dot_general3A {dimension_numbers = #tpu.dot_dimension_numbers<[0], [0], [1], [1], [0, 1, 1, 1], [], []>, precision = #tpu.contract_precision<fp32>, transpose_lhs_hint = false} : vector<16x32xf32>, vector<16x2048xf32>, vector<32x2048xf32> -> vector<32x2048xf32>
    %get3A_6 = arith.constant 0 : index
    %get3A_7 = arith.constant 0 : index
    %get3A_8 = vector.load %arg3[%get3A_6, %get3A_7] : memref<32x1xf32, #tpu.memory_space<vmem>>, vector<32x1xf32>
    %add3A = vector.broadcast %get3A_8 : vector<32x1xf32> to vector<32x2048xf32>
    %add3A_9 = arith.addf %dot_general3A_5, %add3A : vector<32x2048xf32>
    %swap3A = arith.constant 0 : index
    %swap3A_10 = arith.constant 0 : index
    %swap3A_11 = vector.load %arg4[%swap3A, %swap3A_10] : memref<32x2048xf32, #tpu.memory_space<vmem>>, vector<32x2048xf32>
    tpu.vector_store %arg4[%swap3A, %swap3A_10], %add3A_9 {strides = array<i32>} : memref<32x2048xf32, #tpu.memory_space<vmem>>, vector<32x2048xf32>,
    return
  }
  func.func @transform_0(%arg0: i32) -> (i32, i32) {
    %c0_i32 = arith.constant 0 : i32
    %c0_i32_0 = arith.constant 0 : i32
    %c0_i32_1 = arith.constant 0 : i32
    return %c0_i32, %c0_i32_0 : i32, i32
  }
  func.func @transform_1(%arg0: i32) -> (i32, i32) {
    %c0_i32 = arith.constant 0 : i32
    %c0_i32_0 = arith.constant 0 : i32
    return %c0_i32, %arg0 : i32, i32
  }
  func.func @transform_2(%arg0: i32) -> (i32, i32) {
    %c0_i32 = arith.constant 0 : i32
    %c0_i32_0 = arith.constant 0 : i32
    %c0_i32_1 = arith.constant 0 : i32
    return %c0_i32, %c0_i32_0 : i32, i32
  }
  func.func @transform_3(%arg0: i32) -> (i32, i32) {
    %c0_i32 = arith.constant 0 : i32
    %c0_i32_0 = arith.constant 0 : i32
    return %c0_i32, %arg0 : i32, i32
  }
}

</mosaic_0001>

<sc_bundles>
// kernel: kernel.4.cloned.1.call-start
scs
__scs_entry_jumppad:
0x0: {  	(pc) =	sbr.rel $0x88, $3  }
0x1: {  	(tag) =	ssettag $0x0;
	lr =	simm.s32 $0x1  }
0x2: {  	[smem:$0x3F9C] =	sst lr;
	_ =	strace $0xD0000000  }
0x3: {  	_ = 	snop  }
0x4: {  	_ = 	snop  }
0x5: {  	_ = 	snop  }
0x6: {  	_ = 	snop  }
0x7: {  	_ = 	snop  }
__scs_overlays_trampoline_lowered:
0x8: {  	[smem:$0x3FAB] =	sst s0  }
0x9: {  	[smem:$0x3FAC] =	sst s1  }
0xa: {  	[smem:$0x3FAD] =	sst s2  }
0xb: {  	[smem:$0x3FAE] =	sst s3  }
0xc: {  	[smem:$0x3FAF] =	sst s4  }
0xd: {  	[smem:$0x3FB0] =	sst s5  }
0xe: {  	[smem:$0x3FB1] =	sst s6  }
0xf: {  	[smem:$0x3FB2] =	sst s7  }
0x10: {  	[smem:$0x3FB3] =	sst s8  }
0x11: {  	[smem:$0x3FB4] =	sst s9;
	s0 =	simm.s32 @!p0 $0x0  }
0x12: {  	s1 =	sld [smem:$0x3F9A];
	s0 =	simm.s32 @p0 $0x1  }
0x13: {  	[smem:$0x3FB5] =	sst s0;
	s0 =	simm.s32 @!p1 $0x0  }
0x14: {  	s2 =	sld [smem:$0x3F99];
	s0 =	simm.s32 @p1 $0x1  }
0x15: {  	[smem:$0x3FB6] =	sst s0;
	s0 =	simm.s32 @!p2 $0x0  }
0x16: {  	s3 =	sld [smem:$0x3FDB];
	s0 =	simm.s32 @p2 $0x1  }
0x17: {  	s4 =	simm.s32 $0x1BF5;
	[smem:$0x3FB8] =	sst s0  }
0x18: {  	s0 =	sld [smem:$0x3F9B];
	_ =	swait.ge [sflag:s4], $0x0  }
0x19: {  	s7 =	sld [smem:$0x3F9C]  }
0x1a: {  	s8 =	sadd.s32 $0xFFFFE003, lr  }
0x1b: {  	s9 =	sadd.s32 $0xFFFFFEF7, lr;
	s5 =	simm.s32 $0xFFFFFFFF;
	p2 =	slt.u32 s8, $0xFFFFF086  }
0x1c: {  	p1 =	slt.u32 s9, $0xF7A;
	s5 =	simm.s32 @!p2 $0x0  }
0x1d: {  	s5 =	simm.s32 @p1 $0x1;
	p0 =	seq.s32 s7, s2  }
0x1e: {  	s7 =	smul.u32 @!p0 $0xF7A, s2;
	p2 =	seq.s32 @!p0 s5, $0x0  }
0x1f: {  	s9 =	smul.u32 $0xF7A, s1;
	s8 =	simm.s32 @!p0 $0x1BF5;
	p2 =	por !p2, p0  }
0x20: {  	[sflag:s8] =	ssyncset.s32 @!p0 $0xFFFFF086;
	s6 =	sadd.s32 @!p0 s3, s7;
	s7 =	simm.s32 @!p0 $0x108  }
0x21: {  	s3 =	sadd.s32 s3, s9;
	s6 =	sadd.s32 @!p0 $0x88, s6;
	s7 =	simm.s32 @p2 $0x1082  }
0x22: {  	[simem:s7], [sflag:s8] =	dma.local @!p0 [hbm:s6], $0xF7A  }
0x23: {  	s9 =	sor.u32 $0xD0000000, s2;
	s6 =	simm.s32 $0x108;
	_ =	swait.ge @!p0 [sflag:s8], $0x0  }
0x24: {  	s3 =	sadd.s32 $0x88, s3;
	s6 =	simm.s32 @!p1 $0x1082;
	[sflag:s4] =	ssyncset.s32 $0xFFFFF086  }
0x25: {  	[simem:s6], [sflag:s4] =	dma.local [hbm:s3], $0xF7A  }
0x26: {  	[smem:$0x3F9C] =	sst s1;
	(tag) =	ssettag s2;
	_ =	strace s9  }
0x27: {  	s1 =	sld [smem:$0x3FAC]  }
0x28: {  	s2 =	sld [smem:$0x3FAD]  }
0x29: {  	s4 =	sld [smem:$0x3FAF]  }
0x2a: {  	p0 =	seq.s32 s5, $0x0;
	s5 =	sld [smem:$0x3FB0]  }
0x2b: {  	s6 =	sld [smem:$0x3FB1]  }
0x2c: {  	s7 =	sld [smem:$0x3FB2]  }
0x2d: {  	s3 =	simm.s32 $0x108;
	s8 =	sld [smem:$0x3FB3]  }
0x2e: {  	s3 =	simm.s32 @!p0 $0x1082;
	s9 =	sld [smem:$0x3FB4]  }
0x2f: {  	lr =	sadd.s32 s0, s3;
	s0 =	sld [smem:$0x3FAB]  }
0x30: {  	s3 =	sld [smem:$0x3FAE]  }
0x31: {  	[smem:$0x3FB7] =	sst s10  }
0x32: {  	s10 =	sld [smem:$0x3FB5];
	_ =	sdelay $0x3  }
0x33: {  	p0 =	seq.s32 s10, $0x1;
	s10 =	sld [smem:$0x3FB7];
	_ =	sdelay $0x3  }
0x34: {  	[smem:$0x3FB7] =	sst s10  }
0x35: {  	s10 =	sld [smem:$0x3FB6];
	_ =	sdelay $0x3  }
0x36: {  	p1 =	seq.s32 s10, $0x1;
	s10 =	sld [smem:$0x3FB7];
	_ =	sdelay $0x3  }
0x37: {  	[smem:$0x3FB7] =	sst s10  }
0x38: {  	s10 =	sld [smem:$0x3FB8]  }
0x39: {  	_ = 	snop;
	(pc) =	sbr.ind lr, $3  }
0x3a: {  	_ = 	snop  }
0x3b: {  	_ = 	snop  }
0x3c: {  	p2 =	seq.s32 s10, $0x1;
	s10 =	sld [smem:$0x3FB7]  }
0x3d: {  	_ =	shalt  }
0x3e: {  	_ =	shalt  }
0x3f: {  	_ =	shalt  }
0x40: {  	_ =	shalt  }
0x41: {  	_ =	shalt  }
0x42: {  	_ =	shalt  }
0x43: {  	_ =	shalt  }
0x44: {  	_ =	shalt  }
0x45: {  	_ =	shalt  }
0x46: {  	_ =	shalt  }
0x47: {  	_ =	shalt  }
0x48: {  	_ =	shalt  }
0x49: {  	_ =	shalt  }
0x4a: {  	_ =	shalt  }
0x4b: {  	_ =	shalt  }
0x4c: {  	_ =	shalt  }
0x4d: {  	_ =	shalt  }
0x4e: {  	_ =	shalt  }
0x4f: {  	_ =	shalt  }
0x50: {  	_ =	shalt  }
0x51: {  	_ =	shalt  }
0x52: {  	_ =	shalt  }
0x53: {  	_ =	shalt  }
0x54: {  	_ =	shalt  }
0x55: {  	_ =	shalt  }
0x56: {  	_ =	shalt  }
0x57: {  	_ =	shalt  }
0x58: {  	_ =	shalt  }
0x59: {  	_ =	shalt  }
0x5a: {  	_ =	shalt  }
0x5b: {  	_ =	shalt  }
0x5c: {  	_ =	shalt  }
0x5d: {  	_ =	shalt  }
0x5e: {  	_ =	shalt  }
0x5f: {  	_ =	shalt  }
0x60: {  	_ =	shalt  }
0x61: {  	_ =	shalt  }
0x62: {  	_ =	shalt  }
0x63: {  	_ =	shalt  }
0x64: {  	_ =	shalt  }
0x65: {  	_ =	shalt  }
0x66: {  	_ =	shalt  }
0x67: {  	_ =	shalt  }
0x68: {  	_ =	shalt  }
0x69: {  	_ =	shalt  }
0x6a: {  	_ =	shalt  }
0x6b: {  	_ =	shalt  }
0x6c: {  	_ =	shalt  }
0x6d: {  	_ =	shalt  }
0x6e: {  	_ =	shalt  }
0x6f: {  	_ =	shalt  }
0x70: {  	_ =	shalt  }
0x71: {  	_ =	shalt  }
0x72: {  	_ =	shalt  }
0x73: {  	_ =	shalt  }
0x74: {  	_ =	shalt  }
0x75: {  	_ =	shalt  }
0x76: {  	_ =	shalt  }
0x77: {  	_ =	shalt  }
0x78: {  	_ =	shalt  }
0x79: {  	_ =	shalt  }
0x7a: {  	_ =	shalt  }
0x7b: {  	_ =	shalt  }
0x7c: {  	_ =	shalt  }
0x7d: {  	_ =	shalt  }
0x7e: {  	_ =	shalt  }
0x7f: {  	_ =	shalt  }
0x80: {  	_ =	shalt  }
0x81: {  	_ =	shalt  }
0x82: {  	_ =	shalt  }
0x83: {  	_ =	shalt  }
0x84: {  	_ =	shalt  }
0x85: {  	_ =	shalt  }
0x86: {  	_ =	shalt  }
0x87: {  	_ =	shalt  }
.Lfunc_end0:
.L_simem_size_0:
called_computation_lowered:
.L_overlay_start_0:
0x88: {  	s2 =	sld [smem:$0x3FD9]  }
0x89: {  	s3 =	sld [smem:$0x3FFE];
	_ =	sdelay $0x1  }
0x8a: {  	s1 =	srdreg.scid  }
0x8b: {  	s0 =	sand.u32 $0x1, s1  }
0x8c: {  	s17 =	sshll.u32 s0, $0xA;
	s2 =	sadd.s32 s3, s2  }
0x8d: {  	s2 =	sadd.s32 s2, s17  }
0x8e: {  	[smem:$0x3FC3] =	sst s2  }
0x8f: {  	_ = 	snop  }
0x90: {  	s2 =	sld [smem:$0x3FC8]  }
0x91: {  	s18 =	sld [smem:$0x3FC5]  }
0x92: {  	s4 =	sld [smem:$0x3FD0];
	(tm) =	ssettm $0x1  }
0x93: {  	s5 =	sld [smem:$0x3FFB];
	_ =	sdelay $0x3  }
0x94: {  	_ =	strace s5  }
0x95: {  	s5 =	sld [smem:$0x3FFC];
	_ =	sdelay $0x3  }
0x96: {  	_ =	strace s5  }
0x97: {  	s5 =	sld [smem:$0x3FFD];
	_ =	sdelay $0x3  }
0x98: {  	_ =	strace s5  }
0x99: {  	_ =	strace $0x8FFFFFFF  }
0x9a: {  	s19 =	sld [smem:$0x3FDB];
	_ =	sdelay $0x1  }
0x9b: {  	s6 =	simm.s32 $_scs_section_size  }
0x9c: {  	s7 =	simm.s32 $_size__tile_overlayer_lowered;
	s8 =	simm.s32 $_tile_overlayer_lowered  }
0x9d: {  	s22 =	simm.s32 $0x1BFF;
	s21 =	sshll.u32 s8, $0x1;
	s5 =	sadd.s32 s6, s19  }
0x9e: {  	s9 =	simm.s32 $0x0;
	s20 =	sshll.u32 s7, $0x1;
	s7 =	sadd.s32 s21, s5  }
0x9f: {  	[timem:s9], [sflag:s22] =	dma.local [hbm:s7], s20  }
0xa0: {  	_ =	swait.ge [sflag:s22], s20  }
0xa1: {  	s6 =	ssub.s32 $0x0, s20;
	[sflag:s22] =	ssyncset.done $0x0  }
0xa2: {  	[sflag:s22] =	ssyncadd.s32 s6;
	_ =	sdelay $0x1  }
0xa3: {  	s23 =	simm.s32 $0x1B8B  }
0xa4: {  	_ =	swait.ge [sflag:s23], $0x1  }
0xa5: {  	[sflag:s23] =	ssyncset.done $0x0  }
0xa6: {  	s25 =	simm.s32 $0x1B8E;
	s24 =	sld [smem:$0x3FFE];
	[sflag:s23] =	ssyncadd.s32 $0xFFFFFFFF  }
0xa7: {  	s26 =	simm.s32 $execute0_lowered;
	[smem:$0x3FD2] =	sst s25  }
0xa8: {  	s7 =	sshll.u32 s26, $0x1;
	_ =	strace $0x80000046;
	[dreg:$0x1] =	wrdreg $0xFFFFFFFF  }
0xa9: {  	s28 =	simm.s32 $_size_execute0_lowered;
	s5 =	sadd.s32 s5, s7;
	[dreg:$0x0] =	wrdreg $0x0  }
0xaa: {  	s7 =	sshll.u32 s28, $0x1;
	[dreg:$0x2] =	wrdreg s5  }
0xab: {  	[dreg:$0x3] =	wrdreg s7  }
0xac: {  	[dreg:$0x4] =	wrdreg $0xC0  }
0xad: {  	_ =	task [dreg:s9], $0x5FFFF  }
0xae: {  	[dreg:$0x1] =	wrdreg $0xFFFFFFFF  }
0xaf: {  	[dreg:$0x0] =	wrdreg $0x60  }
0xb0: {  	[dreg:$0x2] =	wrdreg s18  }
0xb1: {  	[dreg:$0x3] =	wrdreg s2  }
0xb2: {  	[dreg:$0x4] =	wrdreg s24  }
0xb3: {  	[dreg:$0x5] =	wrdreg s4  }
0xb4: {  	[dreg:$0x6] =	wrdreg $0x9  }
0xb5: {  	_ =	task.clear_ibuf [dreg:s9], $0x7FFFF;
	_ =	strace $0x90000046  }
0xb6: {  	s29 =	simm.s32 $0x9;
	_ =	strace $0x80000048  }
0xb7: {  	_ =	swait.ge [sflag:s29], $0x1  }
0xb8: {  	[sflag:s29] =	ssyncadd.s32 $0xFFFFFFFF  }
0xb9: {  	_ =	strace $0x90000048  }
0xba: {  	_ =	sfence  }
0xbb: {  	s30 =	sld [smem:$0x0];
	_ =	sdelay $0x2  }
0xbc: {  	s31 =	sshll.u32 s1, $0xD;
	s1 =	sshrl.u32 s1, $0x2  }
0xbd: {  	s3 =	sand.u32 $0x4000, s31;
	s1 =	sadd.s32 s1, s30  }
0xbe: {  	s0 =	sor.u32 s3, s0;
	s1 =	sshll.u32 s1, $0x11  }
0xbf: {  	s0 =	sor.u32 s1, s0  }
0xc0: {  	s0 =	sadd.s32 $0x8F2B, s0  }
0xc1: {  	[sflag:s0] =	ssyncadd.remote.s32 $0x1  }
0xc2: {  	_ =	sfence.sel $0xFFFF  }
0xc3: {  	[dreg:$0x0] =	wrdreg $0xFFFFFFFF;
	(pc) =	sbr.abs _section_cstart, $3  }
0xc4: {  	[dreg:$0x1] =	wrdreg $0xFFFFFFFF  }
0xc5: {  	_ =	task.clear_ibuf [dreg:s9], $0x2FFFF;
	_ =	strace $0x9FFFFFFF  }
0xc6: {  	(tm) =	ssettm $0x7FFFFFFF  }
0xc7: {  	_ =	shalt  }
tec
execute0_lowered:
.L_overlay_start_1:
0x0: {  	(tag) =	ssettag $0x1  }
0x1: {  	vm0 =	vmmov $0x1;
	v0 =	vimm.s32 $0x0  }
0x2: {  	s0 =	rddreg [dreg:$0x0];
	vm2 =	vcmask $0x308;
	vm3 =	vcmask $0x70C;
	vm4 =	vcmask $0xB10  }
0x3: {  	s1 =	rddreg [dreg:$0x1];
	vm5 =	vcmask $0xF14;
	vm6 =	vcmask $0x1318;
	vm7 =	vcmask $0x171C  }
0x4: {  	s2 =	rddreg [dreg:$0x2];
	vm8 =	vcmask $0x1B20;
	vm9 =	vcmask $0x1F24;
	vm10 =	vcmask $0x2328  }
0x5: {  	s3 =	rddreg [dreg:$0x3];
	vm11 =	vcmask $0x272C;
	vm12 =	vcmask $0x2B30;
	vm13 =	vcmask $0x2F34  }
0x6: {  	s4 =	srdreg.scid;
	s5 =	simm.s32 $0x0;
	s8 =	stileid.u32;
	vm1 =	vcmask $0x3338;
	v1 =	vimm.s32 $0x1380;
	vm14 =	vcmask $0x300  }
0x7: {  	vm15 =	vcmask $0x704;
	v2 =	vimm.s32 $0x3380;
	s10 =	simm.s32 $0xA;
	s14 =	simm.s32 $0x1;
	s16 =	simm.s32 $0x200;
	v0 =	vsel vm0, $0xFFFFFFFF, v0  }
0x8: {  	s17 =	simm.s32 $0x1200;
	s18 =	simm.s32 $0x2200;
	s19 =	simm.s32 $0x3200;
	v1 =	vsel vm14, $0x0, v1;
	v2 =	vsel vm14, $0x2000, v2;
	vm14 =	vcmask $0xB08  }
0x9: {  	s20 =	simm.s32 $0x4200;
	s21 =	simm.s32 $0x5200;
	s28 =	simm.s32 $0xB200;
	vm0 =	vcmask $0x373C;
	[tilespmem:$0x1FFF0] =	vst v0;
	v0 =	vlaneseq.u32;
	v1 =	vsel vm15, $0x80, v1  }
0xa: {  	s29 =	simm.s32 $0xC200;
	s30 =	simm.s32 $0xD200;
	s31 =	simm.s32 $0xE200;
	v2 =	vsel vm15, $0x2080, v2;
	vm15 =	vcmask $0xF0C;
	v0 =	vmul.u32 $0x80, v0  }
0xb: {  	s11 =	simm.s32 $0x2;
	s12 =	simm.s32 $0x4;
	s9 =	simm.s32 $0x0;
	v1 =	vsel vm14, $0x100, v1;
	v2 =	vsel vm14, $0x2100, v2;
	vm14 =	vcmask $0x1310  }
0xc: {  	s4 =	sand.u32 $0x1, s4;
	[smem:$0x7FF] =	sst s5;
	s22 =	sshll.u32 s8, $0xA;
	v1 =	vsel vm15, $0x180, v1;
	v2 =	vsel vm15, $0x2180, v2;
	vm15 =	vcmask $0x1714  }
0xd: {  	s25 =	sshll.u32 s8, $0x6;
	s8 =	simm.s32 $0x8;
	s6 =	sshll.u32 s4, $0x9;
	v1 =	vsel vm14, $0x200, v1;
	v2 =	vsel vm14, $0x2200, v2;
	vm14 =	vcmask $0x1B18  }
0xe: {  	s4 =	ssub.s32 $0x2, s4;
	_ =	strace $0x80000047;
	s5 =	sor.u32 s6, s22;
	v3 =	vor.u32 $0x800, v0;
	v1 =	vsel vm15, $0x280, v1;
	v2 =	vsel vm15, $0x2280, v2  }
0xf: {  	s23 =	sshrl.u32 s4, $0x1;
	s22 =	simm.s32 $0x6200;
	s6 =	simm.s32 $0x6;
	vm15 =	vcmask $0x1F1C;
	v1 =	vsel vm14, $0x300, v1;
	v2 =	vsel vm14, $0x2300, v2  }
0x10: {  	s2 =	sadd.s32 s5, s2;
	s7 =	sshrl.u32 s5, $0x3;
	s4 =	ssub.s32 s4, s23;
	vm14 =	vcmask $0x2320;
	v1 =	vsel vm15, $0x380, v1;
	v2 =	vsel vm15, $0x2380, v2  }
0x11: {  	s24 =	sadd.s32 s3, s5;
	s23 =	simm.s32 $0x7200;
	s3 =	simm.s32 $0x3;
	vm15 =	vcmask $0x2724;
	v1 =	vsel vm14, $0x1000, v1;
	v2 =	vsel vm14, $0x3000, v2  }
0x12: {  	s1 =	sadd.s32 s1, s7;
	s2 =	sadd.s32 $0xA00, s2;
	[dreg:$0x6] =	wrdreg s24;
	vm14 =	vcmask $0x2B28;
	v1 =	vsel vm15, $0x1080, v1;
	v2 =	vsel vm15, $0x3080, v2  }
0x13: {  	s26 =	smax.u32 s4, $0x1;
	s4 =	simm.s32 $0x5;
	[dreg:$0x5] =	wrdreg s1;
	vm15 =	vcmask $0x2F2C;
	v1 =	vsel vm14, $0x1100, v1;
	v2 =	vsel vm14, $0x3100, v2  }
0x14: {  	s7 =	simm.s32 $0x7;
	[dreg:$0x7] =	wrdreg s2;
	s1 =	sadd.s32 $0x10000, s24;
	vm14 =	vcmask $0x3330;
	v1 =	vsel vm15, $0x1180, v1;
	v2 =	vsel vm15, $0x3180, v2  }
0x15: {  	[dreg:$0x9] =	wrdreg s26;
	s24 =	simm.s32 $0x8200;
	s26 =	simm.s32 $0xA200;
	vm15 =	vcmask $0x3734;
	v1 =	vsel vm14, $0x1200, v1;
	v2 =	vsel vm14, $0x3200, v2  }
0x16: {  	s2 =	simm.s32 $0x10200;
	[dreg:$0x8] =	wrdreg s1;
	s1 =	sor.u32 $0x1C09, s25;
	vm14 =	vcmask $0x3B38;
	v1 =	vsel vm15, $0x1280, v1;
	v2 =	vsel vm15, $0x3280, v2  }
0x17: {  	s25 =	simm.s32 $0x9200;
	[dreg:$0xa] =	wrdreg s1;
	s1 =	simm.s32 $0xF200;
	vm15 =	vmmov $0x7fff;
	v1 =	vsel vm14, $0x1300, v1;
	v2 =	vsel vm14, $0x3300, v2  }
.LBB2_1:
0x18: {  	[dreg:$0xb] =	wrdreg s9  }
0x19: {  	s5 =	simm.s32 $0x0;
	s15 =	rddreg [dreg:$0x5]  }
0x1a: {  	[tilespmem:s5], [sflag:$0xA] =	stream.linear.gather [hbm4b:s15+s5], $0x200, $0x38;
	[tilespmem:$0x14200] =	vst v63  }
0x1b: {  	_ =	swait.ge [sflag:s10], $0x200  }
0x1c: {  	s5 =	rddreg [dreg:$0x6]  }
0x1d: {  	s13 =	simm.s32 $0x20;
	[sflag:s10] =	ssyncset.done $0x0;
	s9 =	rddreg [dreg:$0x7]  }
0x1e: {  	s15 =	simm.s32 $0x4000;
	[sflag:s10] =	ssyncadd.s32 $0xFFFFFE00;
	s10 =	rddreg [dreg:$0xa]  }
0x1f: {  	[hbm:s5@s15], [sflag:s10] =	dma.strided [hbm:s9@s15], $0x800, s13, $0x10   }
0x20: {  	v5 =	vld [tilespmem:$0x1FFF0]  }
0x21: {  	v4 =	vld [tilespmem:$0x0];
	_ =	sdelay $0x3  }
0x22: {  	vm14 =	vnez.u8 v5  }
0x23: {  	v4 =	vnsel vm14, $0x0, v4  }
0x24: {  	v4 =	vxor.u32 $0x80000000, v4  }
0x25: {  	(xrf0) =	vmax.scan.msk.u32 $0xffff, v4;
	_ =	sdelay $0x5  }
0x26: {  	v4, _, _ =	vpop (xrf0)  }
0x27: {  	(v2sf) =	vpush v4, $0xF;
	_ =	sdelay $0xe  }
0x28: {  	s5 =	spop (v2sf)  }
0x29: {  	s13 =	sxor.u32 $0x80000000, s5  }
0x2a: {  	p0 =	sgt.s32 s5, $0xFFFFFFFF;
	s15 =	sand.u32 $0x7F, s5;
	p1 =	slt.s32 s13, $0x1  }
0x2b: {  	s9 =	sshra.s32 s13, $0x1F;
	p3 =	sne.s32 s15, $0x0;
	p0 =	por p0, p1  }
0x2c: {  	s9 =	sshrl.u32 s9, $0x19;
	p0 =	por !p3, !p0  }
0x2d: {  	s5 =	sadd.s32 s9, s5;
	s9 =	simm.s32 $0x1;
	p0 =	por !p0, !p0  }
0x2e: {  	s5 =	sshrl.u32 s5, $0x7;
	s9 =	simm.s32 @!p0 $0x0  }
0x2f: {  	s5 =	ssub.s32 s5, s9  }
0x30: {  	s5 =	sshll.u32 s5, $0x7  }
0x31: {  	s5 =	sand.u32 $0x1FFFFF80, s5  }
0x32: {  	s13 =	simm.s32 $0x400;
	s15 =	simm.s32 $0x7A1400;
	s5 =	sadd.s32 s0, s5  }
0x33: {  	[tilespmem:s16], [sflag:$0x1] =	stream.strided.gather [hbm4b:s5+s13], $0x1000, s15, s13, $0x38;
	[tilespmem:$0x14200] =	vst v63  }
0x34: {  	v4 =	vld [tilespmem:$0x0];
	_ =	sdelay $0x4  }
0x35: {  	v4 =	vsel vm2, $0x0, v4  }
0x36: {  	v4 =	vxor.u32 $0x80000000, v4  }
0x37: {  	(xrf0) =	vmax.scan.msk.u32 $0xffff, v4;
	_ =	sdelay $0x5  }
0x38: {  	v4, _, _ =	vpop (xrf0)  }
0x39: {  	(v2sf) =	vpush v4, $0xF;
	_ =	sdelay $0xe  }
0x3a: {  	s5 =	spop (v2sf)  }
0x3b: {  	s9 =	sxor.u32 $0x80000000, s5  }
0x3c: {  	p4 =	sgt.s32 s5, $0xFFFFFFFF;
	s10 =	sand.u32 $0x7F, s5;
	p5 =	slt.s32 s9, $0x1  }
0x3d: {  	s9 =	sshra.s32 s9, $0x1F;
	p6 =	sne.s32 s10, $0x0;
	p0 =	por p4, p5  }
0x3e: {  	s9 =	sshrl.u32 s9, $0x19;
	p0 =	por !p6, !p0  }
0x3f: {  	s5 =	sadd.s32 s9, s5;
	s9 =	simm.s32 $0x1;
	p0 =	por !p0, !p0  }
0x40: {  	s5 =	sshrl.u32 s5, $0x7;
	s9 =	simm.s32 @!p0 $0x0  }
0x41: {  	s5 =	ssub.s32 s5, s9  }
0x42: {  	s5 =	sshll.u32 s5, $0x7  }
0x43: {  	s5 =	sand.u32 $0x1FFFFF80, s5  }
0x44: {  	s5 =	sadd.s32 s0, s5  }
0x45: {  	[tilespmem:s17], [sflag:$0x1] =	stream.strided.gather [hbm4b:s5+s13], $0x1000, s15, s13, $0x38;
	[tilespmem:$0x14200] =	vst v63  }
0x46: {  	v4 =	vld [tilespmem:$0x0];
	_ =	sdelay $0x4  }
0x47: {  	v4 =	vsel vm3, $0x0, v4  }
0x48: {  	v4 =	vxor.u32 $0x80000000, v4  }
0x49: {  	(xrf0) =	vmax.scan.msk.u32 $0xffff, v4;
	_ =	sdelay $0x5  }
0x4a: {  	v4, _, _ =	vpop (xrf0)  }
0x4b: {  	(v2sf) =	vpush v4, $0xF;
	_ =	sdelay $0xe  }
0x4c: {  	s5 =	spop (v2sf)  }
0x4d: {  	s9 =	sxor.u32 $0x80000000, s5  }
0x4e: {  	p1 =	sgt.s32 s5, $0xFFFFFFFF;
	s10 =	sand.u32 $0x7F, s5;
	p2 =	slt.s32 s9, $0x1  }
0x4f: {  	s9 =	sshra.s32 s9, $0x1F;
	p3 =	sne.s32 s10, $0x0;
	p0 =	por p1, p2  }
0x50: {  	s9 =	sshrl.u32 s9, $0x19;
	p0 =	por !p3, !p0  }
0x51: {  	s5 =	sadd.s32 s9, s5;
	s9 =	simm.s32 $0x1;
	p0 =	por !p0, !p0  }
0x52: {  	s5 =	sshrl.u32 s5, $0x7;
	s9 =	simm.s32 @!p0 $0x0  }
0x53: {  	s5 =	ssub.s32 s5, s9  }
0x54: {  	s5 =	sshll.u32 s5, $0x7  }
0x55: {  	s5 =	sand.u32 $0x1FFFFF80, s5  }
0x56: {  	s5 =	sadd.s32 s0, s5  }
0x57: {  	[tilespmem:s18], [sflag:$0x2] =	stream.strided.gather [hbm4b:s5+s13], $0x1000, s15, s13, $0x38;
	[tilespmem:$0x14200] =	vst v63  }
0x58: {  	v4 =	vld [tilespmem:$0x0];
	_ =	sdelay $0x4  }
0x59: {  	v4 =	vsel vm4, $0x0, v4  }
0x5a: {  	v4 =	vxor.u32 $0x80000000, v4  }
0x5b: {  	(xrf0) =	vmax.scan.msk.u32 $0xffff, v4;
	_ =	sdelay $0x5  }
0x5c: {  	v4, _, _ =	vpop (xrf0)  }
0x5d: {  	(v2sf) =	vpush v4, $0xF;
	_ =	sdelay $0xe  }
0x5e: {  	s5 =	spop (v2sf)  }
0x5f: {  	s9 =	sxor.u32 $0x80000000, s5  }
0x60: {  	p4 =	sgt.s32 s5, $0xFFFFFFFF;
	s10 =	sand.u32 $0x7F, s5;
	p5 =	slt.s32 s9, $0x1  }
0x61: {  	s9 =	sshra.s32 s9, $0x1F;
	p6 =	sne.s32 s10, $0x0;
	p0 =	por p4, p5  }
0x62: {  	s9 =	sshrl.u32 s9, $0x19;
	p0 =	por !p6, !p0  }
0x63: {  	s5 =	sadd.s32 s9, s5;
	s9 =	simm.s32 $0x1;
	p0 =	por !p0, !p0  }
0x64: {  	s5 =	sshrl.u32 s5, $0x7;
	s9 =	simm.s32 @!p0 $0x0  }
0x65: {  	s5 =	ssub.s32 s5, s9  }
0x66: {  	s5 =	sshll.u32 s5, $0x7  }
0x67: {  	s5 =	sand.u32 $0x1FFFFF80, s5  }
0x68: {  	s5 =	sadd.s32 s0, s5  }
0x69: {  	[tilespmem:s19], [sflag:$0x2] =	stream.strided.gather [hbm4b:s5+s13], $0x1000, s15, s13, $0x38;
	[tilespmem:$0x14200] =	vst v63  }
0x6a: {  	v4 =	vld [tilespmem:$0x0];
	_ =	sdelay $0x4  }
0x6b: {  	v4 =	vsel vm5, $0x0, v4  }
0x6c: {  	v4 =	vxor.u32 $0x80000000, v4  }
0x6d: {  	(xrf0) =	vmax.scan.msk.u32 $0xffff, v4;
	_ =	sdelay $0x5  }
0x6e: {  	v4, _, _ =	vpop (xrf0)  }
0x6f: {  	(v2sf) =	vpush v4, $0xF;
	_ =	sdelay $0xe  }
0x70: {  	s5 =	spop (v2sf)  }
0x71: {  	s9 =	sxor.u32 $0x80000000, s5  }
0x72: {  	p1 =	sgt.s32 s5, $0xFFFFFFFF;
	s10 =	sand.u32 $0x7F, s5;
	p2 =	slt.s32 s9, $0x1  }
0x73: {  	s9 =	sshra.s32 s9, $0x1F;
	p3 =	sne.s32 s10, $0x0;
	p0 =	por p1, p2  }
0x74: {  	s9 =	sshrl.u32 s9, $0x19;
	p0 =	por !p3, !p0  }
0x75: {  	s5 =	sadd.s32 s9, s5;
	s9 =	simm.s32 $0x1;
	p0 =	por !p0, !p0  }
0x76: {  	s5 =	sshrl.u32 s5, $0x7;
	s9 =	simm.s32 @!p0 $0x0  }
0x77: {  	s5 =	ssub.s32 s5, s9  }
0x78: {  	s5 =	sshll.u32 s5, $0x7  }
0x79: {  	s5 =	sand.u32 $0x1FFFFF80, s5  }
0x7a: {  	s5 =	sadd.s32 s0, s5  }
0x7b: {  	[tilespmem:s20], [sflag:$0x3] =	stream.strided.gather [hbm4b:s5+s13], $0x1000, s15, s13, $0x38;
	[tilespmem:$0x14200] =	vst v63  }
0x7c: {  	v4 =	vld [tilespmem:$0x0];
	_ =	sdelay $0x4  }
0x7d: {  	v4 =	vsel vm6, $0x0, v4  }
0x7e: {  	v4 =	vxor.u32 $0x80000000, v4  }
0x7f: {  	(xrf0) =	vmax.scan.msk.u32 $0xffff, v4;
	_ =	sdelay $0x5  }
0x80: {  	v4, _, _ =	vpop (xrf0)  }
0x81: {  	(v2sf) =	vpush v4, $0xF;
	_ =	sdelay $0xe  }
0x82: {  	s5 =	spop (v2sf)  }
0x83: {  	s9 =	sxor.u32 $0x80000000, s5  }
0x84: {  	p4 =	sgt.s32 s5, $0xFFFFFFFF;
	s10 =	sand.u32 $0x7F, s5;
	p5 =	slt.s32 s9, $0x1  }
0x85: {  	s9 =	sshra.s32 s9, $0x1F;
	p6 =	sne.s32 s10, $0x0;
	p0 =	por p4, p5  }
0x86: {  	s9 =	sshrl.u32 s9, $0x19;
	p0 =	por !p6, !p0  }
0x87: {  	s5 =	sadd.s32 s9, s5;
	s9 =	simm.s32 $0x1;
	p0 =	por !p0, !p0  }
0x88: {  	s5 =	sshrl.u32 s5, $0x7;
	s9 =	simm.s32 @!p0 $0x0  }
0x89: {  	s5 =	ssub.s32 s5, s9  }
0x8a: {  	s5 =	sshll.u32 s5, $0x7  }
0x8b: {  	s5 =	sand.u32 $0x1FFFFF80, s5  }
0x8c: {  	s5 =	sadd.s32 s0, s5  }
0x8d: {  	[tilespmem:s21], [sflag:$0x3] =	stream.strided.gather [hbm4b:s5+s13], $0x1000, s15, s13, $0x38;
	[tilespmem:$0x14200] =	vst v63  }
0x8e: {  	v4 =	vld [tilespmem:$0x0];
	_ =	sdelay $0x4  }
0x8f: {  	v4 =	vsel vm7, $0x0, v4  }
0x90: {  	v4 =	vxor.u32 $0x80000000, v4  }
0x91: {  	(xrf0) =	vmax.scan.msk.u32 $0xffff, v4;
	_ =	sdelay $0x5  }
0x92: {  	v4, _, _ =	vpop (xrf0)  }
0x93: {  	(v2sf) =	vpush v4, $0xF;
	_ =	sdelay $0xe  }
0x94: {  	s5 =	spop (v2sf)  }
0x95: {  	s9 =	sxor.u32 $0x80000000, s5  }
0x96: {  	p1 =	sgt.s32 s5, $0xFFFFFFFF;
	s10 =	sand.u32 $0x7F, s5;
	p2 =	slt.s32 s9, $0x1  }
0x97: {  	s9 =	sshra.s32 s9, $0x1F;
	p3 =	sne.s32 s10, $0x0;
	p0 =	por p1, p2  }
0x98: {  	s9 =	sshrl.u32 s9, $0x19;
	p0 =	por !p3, !p0  }
0x99: {  	s5 =	sadd.s32 s9, s5;
	s9 =	simm.s32 $0x1;
	p0 =	por !p0, !p0  }
0x9a: {  	s5 =	sshrl.u32 s5, $0x7;
	s9 =	simm.s32 @!p0 $0x0  }
0x9b: {  	s5 =	ssub.s32 s5, s9  }
0x9c: {  	s5 =	sshll.u32 s5, $0x7  }
0x9d: {  	s5 =	sand.u32 $0x1FFFFF80, s5  }
0x9e: {  	s5 =	sadd.s32 s0, s5  }
0x9f: {  	[tilespmem:s22], [sflag:$0x4] =	stream.strided.gather [hbm4b:s5+s13], $0x1000, s15, s13, $0x38;
	[tilespmem:$0x14200] =	vst v63  }
0xa0: {  	v4 =	vld [tilespmem:$0x0];
	_ =	sdelay $0x4  }
0xa1: {  	v4 =	vsel vm8, $0x0, v4  }
0xa2: {  	v4 =	vxor.u32 $0x80000000, v4  }
0xa3: {  	(xrf0) =	vmax.scan.msk.u32 $0xffff, v4;
	_ =	sdelay $0x5  }
0xa4: {  	v4, _, _ =	vpop (xrf0)  }
0xa5: {  	(v2sf) =	vpush v4, $0xF;
	_ =	sdelay $0xe  }
0xa6: {  	s5 =	spop (v2sf)  }
0xa7: {  	s9 =	sxor.u32 $0x80000000, s5  }
0xa8: {  	p4 =	sgt.s32 s5, $0xFFFFFFFF;
	s10 =	sand.u32 $0x7F, s5;
	p5 =	slt.s32 s9, $0x1  }
0xa9: {  	s9 =	sshra.s32 s9, $0x1F;
	p6 =	sne.s32 s10, $0x0;
	p0 =	por p4, p5  }
0xaa: {  	s9 =	sshrl.u32 s9, $0x19;
	p0 =	por !p6, !p0  }
0xab: {  	s5 =	sadd.s32 s9, s5;
	s9 =	simm.s32 $0x1;
	p0 =	por !p0, !p0  }
0xac: {  	s5 =	sshrl.u32 s5, $0x7;
	s9 =	simm.s32 @!p0 $0x0  }
0xad: {  	s5 =	ssub.s32 s5, s9  }
0xae: {  	s5 =	sshll.u32 s5, $0x7  }
0xaf: {  	s5 =	sand.u32 $0x1FFFFF80, s5  }
0xb0: {  	s5 =	sadd.s32 s0, s5  }
0xb1: {  	[tilespmem:s23], [sflag:$0x4] =	stream.strided.gather [hbm4b:s5+s13], $0x1000, s15, s13, $0x38;
	[tilespmem:$0x14200] =	vst v63  }
0xb2: {  	v4 =	vld [tilespmem:$0x0];
	_ =	sdelay $0x4  }
0xb3: {  	v4 =	vsel vm9, $0x0, v4  }
0xb4: {  	v4 =	vxor.u32 $0x80000000, v4  }
0xb5: {  	(xrf0) =	vmax.scan.msk.u32 $0xffff, v4;
	_ =	sdelay $0x5  }
0xb6: {  	v4, _, _ =	vpop (xrf0)  }
0xb7: {  	(v2sf) =	vpush v4, $0xF;
	_ =	sdelay $0xe  }
0xb8: {  	s5 =	spop (v2sf)  }
0xb9: {  	s9 =	sxor.u32 $0x80000000, s5  }
0xba: {  	p1 =	sgt.s32 s5, $0xFFFFFFFF;
	s10 =	sand.u32 $0x7F, s5;
	p2 =	slt.s32 s9, $0x1  }
0xbb: {  	s9 =	sshra.s32 s9, $0x1F;
	p3 =	sne.s32 s10, $0x0;
	p0 =	por p1, p2  }
0xbc: {  	s9 =	sshrl.u32 s9, $0x19;
	p0 =	por !p3, !p0  }
0xbd: {  	s5 =	sadd.s32 s9, s5;
	s9 =	simm.s32 $0x1;
	p0 =	por !p0, !p0  }
0xbe: {  	s5 =	sshrl.u32 s5, $0x7;
	s9 =	simm.s32 @!p0 $0x0  }
0xbf: {  	s5 =	ssub.s32 s5, s9  }
0xc0: {  	s5 =	sshll.u32 s5, $0x7  }
0xc1: {  	s5 =	sand.u32 $0x1FFFFF80, s5  }
0xc2: {  	s5 =	sadd.s32 s0, s5  }
0xc3: {  	[tilespmem:s24], [sflag:$0x5] =	stream.strided.gather [hbm4b:s5+s13], $0x1000, s15, s13, $0x38;
	[tilespmem:$0x14200] =	vst v63  }
0xc4: {  	v4 =	vld [tilespmem:$0x0];
	_ =	sdelay $0x4  }
0xc5: {  	v4 =	vsel vm10, $0x0, v4  }
0xc6: {  	v4 =	vxor.u32 $0x80000000, v4  }
0xc7: {  	(xrf0) =	vmax.scan.msk.u32 $0xffff, v4;
	_ =	sdelay $0x5  }
0xc8: {  	v4, _, _ =	vpop (xrf0)  }
0xc9: {  	(v2sf) =	vpush v4, $0xF;
	_ =	sdelay $0xe  }
0xca: {  	s5 =	spop (v2sf)  }
0xcb: {  	s9 =	sxor.u32 $0x80000000, s5  }
0xcc: {  	p4 =	sgt.s32 s5, $0xFFFFFFFF;
	s10 =	sand.u32 $0x7F, s5;
	p5 =	slt.s32 s9, $0x1  }
0xcd: {  	s9 =	sshra.s32 s9, $0x1F;
	p6 =	sne.s32 s10, $0x0;
	p0 =	por p4, p5  }
0xce: {  	s9 =	sshrl.u32 s9, $0x19;
	p0 =	por !p6, !p0  }
0xcf: {  	s5 =	sadd.s32 s9, s5;
	s9 =	simm.s32 $0x1;
	p0 =	por !p0, !p0  }
0xd0: {  	s5 =	sshrl.u32 s5, $0x7;
	s9 =	simm.s32 @!p0 $0x0  }
0xd1: {  	s5 =	ssub.s32 s5, s9  }
0xd2: {  	s5 =	sshll.u32 s5, $0x7  }
0xd3: {  	s5 =	sand.u32 $0x1FFFFF80, s5  }
0xd4: {  	s5 =	sadd.s32 s0, s5  }
0xd5: {  	[tilespmem:s25], [sflag:$0x5] =	stream.strided.gather [hbm4b:s5+s13], $0x1000, s15, s13, $0x38;
	[tilespmem:$0x14200] =	vst v63  }
0xd6: {  	v4 =	vld [tilespmem:$0x0];
	_ =	sdelay $0x4  }
0xd7: {  	v4 =	vsel vm11, $0x0, v4  }
0xd8: {  	v4 =	vxor.u32 $0x80000000, v4  }
0xd9: {  	(xrf0) =	vmax.scan.msk.u32 $0xffff, v4;
	_ =	sdelay $0x5  }
0xda: {  	v4, _, _ =	vpop (xrf0)  }
0xdb: {  	(v2sf) =	vpush v4, $0xF;
	_ =	sdelay $0xe  }
0xdc: {  	s5 =	spop (v2sf)  }
0xdd: {  	s9 =	sxor.u32 $0x80000000, s5  }
0xde: {  	p1 =	sgt.s32 s5, $0xFFFFFFFF;
	s10 =	sand.u32 $0x7F, s5;
	p2 =	slt.s32 s9, $0x1  }
0xdf: {  	s9 =	sshra.s32 s9, $0x1F;
	p3 =	sne.s32 s10, $0x0;
	p0 =	por p1, p2  }
0xe0: {  	s9 =	sshrl.u32 s9, $0x19;
	p0 =	por !p3, !p0  }
0xe1: {  	s5 =	sadd.s32 s9, s5;
	s9 =	simm.s32 $0x1;
	p0 =	por !p0, !p0  }
0xe2: {  	s5 =	sshrl.u32 s5, $0x7;
	s9 =	simm.s32 @!p0 $0x0  }
0xe3: {  	s5 =	ssub.s32 s5, s9  }
0xe4: {  	s5 =	sshll.u32 s5, $0x7  }
0xe5: {  	s5 =	sand.u32 $0x1FFFFF80, s5  }
0xe6: {  	s5 =	sadd.s32 s0, s5  }
0xe7: {  	[tilespmem:s26], [sflag:$0x6] =	stream.strided.gather [hbm4b:s5+s13], $0x1000, s15, s13, $0x38;
	[tilespmem:$0x14200] =	vst v63  }
0xe8: {  	v4 =	vld [tilespmem:$0x0];
	_ =	sdelay $0x4  }
0xe9: {  	v4 =	vsel vm12, $0x0, v4  }
0xea: {  	v4 =	vxor.u32 $0x80000000, v4  }
0xeb: {  	(xrf0) =	vmax.scan.msk.u32 $0xffff, v4;
	_ =	sdelay $0x5  }
0xec: {  	v4, _, _ =	vpop (xrf0)  }
0xed: {  	(v2sf) =	vpush v4, $0xF;
	_ =	sdelay $0xe  }
0xee: {  	s5 =	spop (v2sf)  }
0xef: {  	s9 =	sxor.u32 $0x80000000, s5  }
0xf0: {  	p4 =	sgt.s32 s5, $0xFFFFFFFF;
	s10 =	sand.u32 $0x7F, s5;
	p5 =	slt.s32 s9, $0x1  }
0xf1: {  	s9 =	sshra.s32 s9, $0x1F;
	p6 =	sne.s32 s10, $0x0;
	p0 =	por p4, p5  }
0xf2: {  	s9 =	sshrl.u32 s9, $0x19;
	p0 =	por !p6, !p0  }
0xf3: {  	s5 =	sadd.s32 s9, s5;
	s9 =	simm.s32 $0x1;
	p0 =	por !p0, !p0  }
0xf4: {  	s5 =	sshrl.u32 s5, $0x7;
	s9 =	simm.s32 @!p0 $0x0  }
0xf5: {  	s5 =	ssub.s32 s5, s9  }
0xf6: {  	s5 =	sshll.u32 s5, $0x7  }
0xf7: {  	s5 =	sand.u32 $0x1FFFFF80, s5  }
0xf8: {  	s5 =	sadd.s32 s0, s5  }
0xf9: {  	[tilespmem:s28], [sflag:$0x6] =	stream.strided.gather [hbm4b:s5+s13], $0x1000, s15, s13, $0x38;
	[tilespmem:$0x14200] =	vst v63  }
0xfa: {  	v4 =	vld [tilespmem:$0x0];
	_ =	sdelay $0x4  }
0xfb: {  	v4 =	vsel vm13, $0x0, v4  }
0xfc: {  	v4 =	vxor.u32 $0x80000000, v4  }
0xfd: {  	(xrf0) =	vmax.scan.msk.u32 $0xffff, v4;
	_ =	sdelay $0x5  }
0xfe: {  	v4, _, _ =	vpop (xrf0)  }
0xff: {  	(v2sf) =	vpush v4, $0xF;
	_ =	sdelay $0xe  }
0x100: {  	s5 =	spop (v2sf)  }
0x101: {  	s9 =	sxor.u32 $0x80000000, s5  }
0x102: {  	p1 =	sgt.s32 s5, $0xFFFFFFFF;
	s10 =	sand.u32 $0x7F, s5;
	p2 =	slt.s32 s9, $0x1  }
0x103: {  	s9 =	sshra.s32 s9, $0x1F;
	p3 =	sne.s32 s10, $0x0;
	p0 =	por p1, p2  }
0x104: {  	s9 =	sshrl.u32 s9, $0x19;
	p0 =	por !p3, !p0  }
0x105: {  	s5 =	sadd.s32 s9, s5;
	s9 =	simm.s32 $0x1;
	p0 =	por !p0, !p0  }
0x106: {  	s5 =	sshrl.u32 s5, $0x7;
	s9 =	simm.s32 @!p0 $0x0  }
0x107: {  	s5 =	ssub.s32 s5, s9  }
0x108: {  	s5 =	sshll.u32 s5, $0x7  }
0x109: {  	s5 =	sand.u32 $0x1FFFFF80, s5  }
0x10a: {  	s5 =	sadd.s32 s0, s5  }
0x10b: {  	[tilespmem:s29], [sflag:$0x7] =	stream.strided.gather [hbm4b:s5+s13], $0x1000, s15, s13, $0x38;
	[tilespmem:$0x14200] =	vst v63  }
0x10c: {  	v4 =	vld [tilespmem:$0x0];
	_ =	sdelay $0x4  }
0x10d: {  	v4 =	vsel vm1, $0x0, v4  }
0x10e: {  	v4 =	vxor.u32 $0x80000000, v4  }
0x10f: {  	(xrf0) =	vmax.scan.msk.u32 $0xffff, v4;
	_ =	sdelay $0x5  }
0x110: {  	v4, _, _ =	vpop (xrf0)  }
0x111: {  	(v2sf) =	vpush v4, $0xF;
	_ =	sdelay $0xe  }
0x112: {  	s5 =	spop (v2sf)  }
0x113: {  	s9 =	sxor.u32 $0x80000000, s5  }
0x114: {  	p4 =	sgt.s32 s5, $0xFFFFFFFF;
	s10 =	sand.u32 $0x7F, s5;
	p5 =	slt.s32 s9, $0x1  }
0x115: {  	s9 =	sshra.s32 s9, $0x1F;
	p6 =	sne.s32 s10, $0x0;
	p0 =	por p4, p5  }
0x116: {  	s9 =	sshrl.u32 s9, $0x19;
	p0 =	por !p6, !p0  }
0x117: {  	s5 =	sadd.s32 s9, s5;
	s9 =	simm.s32 $0x1;
	p0 =	por !p0, !p0  }
0x118: {  	s5 =	sshrl.u32 s5, $0x7;
	s9 =	simm.s32 @!p0 $0x0  }
0x119: {  	s5 =	ssub.s32 s5, s9  }
0x11a: {  	s5 =	sshll.u32 s5, $0x7  }
0x11b: {  	s5 =	sand.u32 $0x1FFFFF80, s5  }
0x11c: {  	s5 =	sadd.s32 s0, s5  }
0x11d: {  	[tilespmem:s30], [sflag:$0x7] =	stream.strided.gather [hbm4b:s5+s13], $0x1000, s15, s13, $0x38;
	[tilespmem:$0x14200] =	vst v63  }
0x11e: {  	v4 =	vld [tilespmem:$0x0];
	_ =	sdelay $0x4  }
0x11f: {  	v4 =	vsel vm0, $0x0, v4  }
0x120: {  	v4 =	vxor.u32 $0x80000000, v4  }
0x121: {  	(xrf0) =	vmax.scan.msk.u32 $0xffff, v4;
	_ =	sdelay $0x5  }
0x122: {  	v4, _, _ =	vpop (xrf0)  }
0x123: {  	(v2sf) =	vpush v4, $0xF;
	_ =	sdelay $0xe  }
0x124: {  	s5 =	spop (v2sf)  }
0x125: {  	s9 =	sxor.u32 $0x80000000, s5  }
0x126: {  	p2 =	sgt.s32 s5, $0xFFFFFFFF;
	s10 =	sand.u32 $0x7F, s5;
	p3 =	slt.s32 s9, $0x1  }
0x127: {  	s9 =	sshra.s32 s9, $0x1F;
	p4 =	sne.s32 s10, $0x0;
	p0 =	por p2, p3  }
0x128: {  	s9 =	sshrl.u32 s9, $0x19;
	p0 =	por !p4, !p0  }
0x129: {  	s5 =	sadd.s32 s9, s5;
	s9 =	simm.s32 $0x1;
	p0 =	por !p0, !p0  }
0x12a: {  	s5 =	sshrl.u32 s5, $0x7;
	s9 =	simm.s32 @!p0 $0x0  }
0x12b: {  	s5 =	ssub.s32 s5, s9  }
0x12c: {  	s5 =	sshll.u32 s5, $0x7  }
0x12d: {  	s5 =	sand.u32 $0x1FFFFF80, s5  }
0x12e: {  	s5 =	sadd.s32 s0, s5  }
0x12f: {  	[tilespmem:s31], [sflag:$0x8] =	stream.strided.gather [hbm4b:s5+s13], $0x1000, s15, s13, $0x38;
	[tilespmem:$0x14200] =	vst v63  }
0x130: {  	v4 =	vld [tilespmem:$0x0];
	_ =	sdelay $0x4  }
0x131: {  	v4 =	vsel vm15, $0x0, v4  }
0x132: {  	v4 =	vxor.u32 $0x80000000, v4  }
0x133: {  	(xrf0) =	vmax.scan.msk.u32 $0xffff, v4;
	_ =	sdelay $0x5  }
0x134: {  	v4, _, _ =	vpop (xrf0)  }
0x135: {  	(v2sf) =	vpush v4, $0xF;
	_ =	sdelay $0xe  }
0x136: {  	s5 =	spop (v2sf)  }
0x137: {  	s9 =	sxor.u32 $0x80000000, s5  }
0x138: {  	p5 =	sgt.s32 s5, $0xFFFFFFFF;
	s10 =	sand.u32 $0x7F, s5;
	p6 =	slt.s32 s9, $0x1  }
0x139: {  	p2 =	sne.s32 s10, $0x0;
	s9 =	sshra.s32 s9, $0x1F;
	p0 =	por p5, p6  }
0x13a: {  	s9 =	sshrl.u32 s9, $0x19;
	p0 =	por !p2, !p0  }
0x13b: {  	s5 =	sadd.s32 s9, s5;
	s9 =	simm.s32 $0x1;
	p0 =	por !p0, !p0  }
0x13c: {  	s5 =	sshrl.u32 s5, $0x7;
	s9 =	simm.s32 @!p0 $0x0  }
0x13d: {  	s5 =	ssub.s32 s5, s9  }
0x13e: {  	s5 =	sshll.u32 s5, $0x7  }
0x13f: {  	s5 =	sand.u32 $0x1FFFFF80, s5  }
0x140: {  	s10 =	simm.s32 $0xF;
	s9 =	simm.s32 $0x10;
	s5 =	sadd.s32 s0, s5  }
0x141: {  	vm14 =	vmmov vm1;
	[tilespmem:s1], [sflag:$0x8] =	stream.strided.gather [hbm4b:s5+s13], $0x1000, s15, s13, $0x38;
	[tilespmem:$0x14200] =	vst v63  }
.LBB2_2:
0x142: {  	_ =	swait.ge [sflag:s14], $0x1000  }
0x143: {  	[sflag:s14] =	ssyncset.done $0x0  }
0x144: {  	[sflag:s14] =	ssyncadd.s32 $0xFFFFF000  }
0x145: {  	_ =	swait.ge [sflag:s14], $0x1000  }
0x146: {  	[sflag:s14] =	ssyncset.done $0x0  }
0x147: {  	v5 =	vld [tilespmem:$0x1FFF0];
	[sflag:s14] =	ssyncadd.s32 $0xFFFFF000  }
0x148: {  	v4 =	vld [tilespmem:s9+$0xFFFFFFF0];
	_ =	sdelay $0x3  }
0x149: {  	vm1 =	vnez.u8 v5  }
0x14a: {  	v4 =	vnsel vm1, $0x0, v4  }
0x14b: {  	v4 =	vxor.u32 $0x80000000, v4  }
0x14c: {  	(xrf0) =	vmax.scan.msk.u32 $0xffff, v4;
	_ =	sdelay $0x5  }
0x14d: {  	v4, _, _ =	vpop (xrf0)  }
0x14e: {  	(v2sf) =	vpush v4, $0xF;
	_ =	sdelay $0xe  }
0x14f: {  	s5 =	spop (v2sf)  }
0x150: {  	s5 =	sand.u32 $0x7F, s5  }
0x151: {  	s13 =	sadd.s32 $0xFFFFFFF1, s10;
	v4 =	vor.u32 s5, v0  }
0x152: {  	v5 =	vmov s13;
	v6 =	vor.u32 s5, v3  }
0x153: {  	v7 =	vshll.u32 v5, $0x3  }
0x154: {  	v5 =	vand.u32 $0x70, v5;
	v7 =	vand.u32 $0xC00, v7  }
0x155: {  	v5 =	vor.u32 v5, v7  }
0x156: {  	v7 =	vor.u32 v1, v5;
	v4 =	vld.idx.msk [tilespmem:v4+s16+$0x0], $0xffff  }
0x157: {  	v5 =	vor.u32 v2, v5;
	v6 =	vld.idx.msk [tilespmem:v6+s16+$0x0], $0xffff;
	_ =	sdelay $0x3  }
0x158: {  	[tilespmem:v7+s2+$0x0] =	vst.idx.msk $0xffff, v4  }
0x159: {  	[tilespmem:v5+s2+$0x0] =	vst.idx.msk $0xffff, v6  }
0x15a: {  	v4 =	vld [tilespmem:s9+$0xFFFFFFF0];
	_ =	sdelay $0x4  }
0x15b: {  	v4 =	vsel vm2, $0x0, v4  }
0x15c: {  	v4 =	vxor.u32 $0x80000000, v4  }
0x15d: {  	(xrf0) =	vmax.scan.msk.u32 $0xffff, v4;
	_ =	sdelay $0x5  }
0x15e: {  	v4, _, _ =	vpop (xrf0)  }
0x15f: {  	(v2sf) =	vpush v4, $0xF;
	_ =	sdelay $0xe  }
0x160: {  	s13 =	spop (v2sf)  }
0x161: {  	s5 =	sand.u32 $0x7F, s13  }
0x162: {  	s15 =	sadd.s32 $0xFFFFFFF2, s10;
	v4 =	vor.u32 s5, v0  }
0x163: {  	v5 =	vmov s15;
	v34 =	vor.u32 s5, v3  }
0x164: {  	v35 =	vshll.u32 v5, $0x3  }
0x165: {  	v5 =	vand.u32 $0x71, v5;
	v7 =	vand.u32 $0xC00, v35  }
0x166: {  	v5 =	vor.u32 v5, v7  }
0x167: {  	v7 =	vor.u32 v1, v5;
	v4 =	vld.idx.msk [tilespmem:v4+s17+$0x0], $0xffff  }
0x168: {  	v5 =	vor.u32 v2, v5;
	v6 =	vld.idx.msk [tilespmem:v34+s17+$0x0], $0xffff;
	_ =	sdelay $0x3  }
0x169: {  	[tilespmem:v7+s2+$0x0] =	vst.idx.msk $0xffff, v4  }
0x16a: {  	p0 =	seq.s32 s10, $0x1FF;
	[tilespmem:v5+s2+$0x0] =	vst.idx.msk $0xffff, v6  }
0x16b: {  	v4 =	vld @!p0 [tilespmem:s9+$0x0];
	_ =	sdelay $0x3  }
0x16c: {  	vm1 =	vmmov @!p0 $0x1  }
0x16d: {  	v4 =	vnsel @!p0 vm1, $0x0, v4  }
0x16e: {  	v4 =	vxor.u32 @!p0 $0x80000000, v4  }
0x16f: {  	(xrf0) =	vmax.scan.msk.u32 @!p0 $0xffff, v4;
	_ =	sdelay $0x5  }
0x170: {  	v4, _, _ =	vpop @!p0 (xrf0)  }
0x171: {  	(v2sf) =	vpush @!p0 v4, $0xF;
	_ =	sdelay $0xe  }
0x172: {  	s5 =	spop @!p0 (v2sf)  }
0x173: {  	s13 =	sxor.u32 @!p0 $0x80000000, s5  }
0x174: {  	p1 =	sgt.s32 @!p0 s5, $0xFFFFFFFF;
	s15 =	sand.u32 @!p0 $0x7F, s5;
	p2 =	slt.s32 @!p0 s13, $0x1  }
0x175: {  	p1 =	por @!p0 p1, p2;
	p2 =	sne.s32 @!p0 s15, $0x0  }
0x176: {  	s13 =	sshra.s32 @!p0 s13, $0x1F;
	p1 =	por @!p0 !p2, !p1  }
0x177: {  	s13 =	sshrl.u32 @!p0 s13, $0x19;
	p1 =	por @!p0 !p1, !p1  }
0x178: {  	s5 =	sadd.s32 @!p0 s13, s5;
	s13 =	simm.s32 @!p0 $0x1;
	p1 =	por !p1, p0  }
0x179: {  	s5 =	sshrl.u32 @!p0 s5, $0x7;
	s13 =	simm.s32 @p1 $0x0  }
0x17a: {  	s5 =	ssub.s32 @!p0 s5, s13  }
0x17b: {  	s5 =	sshll.u32 @!p0 s5, $0x7  }
0x17c: {  	s16 =	simm.s32 @!p0 $0x200;
	s5 =	sand.u32 @!p0 $0x1FFFFF80, s5  }
0x17d: {  	s13 =	simm.s32 @!p0 $0x7A1400;
	s15 =	sadd.s32 @!p0 s0, s5;
	s5 =	simm.s32 @!p0 $0x400  }
0x17e: {  	[tilespmem:s16], [sflag:$0x1] =	stream.strided.gather @!p0 [hbm4b:s15+s5], $0x1000, s13, s5, $0x38;
	[tilespmem:$0x14200] =	vst v63  }
0x17f: {  	v4 =	vld @!p0 [tilespmem:s9+$0x0];
	_ =	sdelay $0x3  }
0x180: {  	vm1 =	vcmask @!p0 $0x308  }
0x181: {  	v4 =	vsel @!p0 vm1, $0x0, v4  }
0x182: {  	v4 =	vxor.u32 @!p0 $0x80000000, v4  }
0x183: {  	(xrf0) =	vmax.scan.msk.u32 @!p0 $0xffff, v4;
	_ =	sdelay $0x5  }
0x184: {  	v4, _, _ =	vpop @!p0 (xrf0)  }
0x185: {  	(v2sf) =	vpush @!p0 v4, $0xF;
	_ =	sdelay $0xe  }
0x186: {  	s15 =	spop @!p0 (v2sf)  }
0x187: {  	s16 =	sxor.u32 @!p0 $0x80000000, s15  }
0x188: {  	p1 =	sgt.s32 @!p0 s15, $0xFFFFFFFF;
	s17 =	sand.u32 @!p0 $0x7F, s15;
	p2 =	slt.s32 @!p0 s16, $0x1  }
0x189: {  	p1 =	por @!p0 p1, p2;
	p2 =	sne.s32 @!p0 s17, $0x0  }
0x18a: {  	s16 =	sshra.s32 @!p0 s16, $0x1F;
	p1 =	por @!p0 !p2, !p1  }
0x18b: {  	s16 =	sshrl.u32 @!p0 s16, $0x19;
	p1 =	por @!p0 !p1, !p1  }
0x18c: {  	s15 =	sadd.s32 @!p0 s16, s15;
	s16 =	simm.s32 @!p0 $0x1;
	p1 =	por !p1, p0  }
0x18d: {  	s15 =	sshrl.u32 @!p0 s15, $0x7;
	s16 =	simm.s32 @p1 $0x0  }
0x18e: {  	s15 =	ssub.s32 @!p0 s15, s16  }
0x18f: {  	s15 =	sshll.u32 @!p0 s15, $0x7  }
0x190: {  	s15 =	sand.u32 @!p0 $0x1FFFFF80, s15  }
0x191: {  	s16 =	simm.s32 @!p0 $0x1200;
	s15 =	sadd.s32 @!p0 s0, s15  }
0x192: {  	[tilespmem:s16], [sflag:$0x1] =	stream.strided.gather @!p0 [hbm4b:s15+s5], $0x1000, s13, s5, $0x38;
	[tilespmem:$0x14200] =	vst v63  }
0x193: {  	_ =	swait.ge [sflag:s11], $0x1000  }
0x194: {  	[sflag:s11] =	ssyncset.done $0x0  }
0x195: {  	[sflag:s11] =	ssyncadd.s32 $0xFFFFF000  }
0x196: {  	_ =	swait.ge [sflag:s11], $0x1000  }
0x197: {  	[sflag:s11] =	ssyncset.done $0x0  }
0x198: {  	[sflag:s11] =	ssyncadd.s32 $0xFFFFF000  }
0x199: {  	v4 =	vld [tilespmem:s9+$0xFFFFFFF0];
	_ =	sdelay $0x4  }
0x19a: {  	v4 =	vsel vm3, $0x0, v4  }
0x19b: {  	v4 =	vxor.u32 $0x80000000, v4  }
0x19c: {  	(xrf0) =	vmax.scan.msk.u32 $0xffff, v4;
	_ =	sdelay $0x5  }
0x19d: {  	v4, _, _ =	vpop (xrf0)  }
0x19e: {  	(v2sf) =	vpush v4, $0xF;
	_ =	sdelay $0xe  }
0x19f: {  	s16 =	spop (v2sf)  }
0x1a0: {  	s15 =	sand.u32 $0x7F, s16  }
0x1a1: {  	s17 =	sadd.s32 $0xFFFFFFF3, s10;
	v4 =	vor.u32 s15, v0  }
0x1a2: {  	v5 =	vmov s17;
	v36 =	vor.u32 s15, v3  }
0x1a3: {  	v37 =	vshll.u32 v5, $0x3  }
0x1a4: {  	v5 =	vand.u32 $0x72, v5;
	v7 =	vand.u32 $0xC00, v37  }
0x1a5: {  	v5 =	vor.u32 v5, v7  }
0x1a6: {  	v7 =	vor.u32 v1, v5;
	v4 =	vld.idx.msk [tilespmem:v4+s18+$0x0], $0xffff  }
0x1a7: {  	v5 =	vor.u32 v2, v5;
	v6 =	vld.idx.msk [tilespmem:v36+s18+$0x0], $0xffff;
	_ =	sdelay $0x3  }
0x1a8: {  	[tilespmem:v7+s2+$0x0] =	vst.idx.msk $0xffff, v4  }
0x1a9: {  	[tilespmem:v5+s2+$0x0] =	vst.idx.msk $0xffff, v6  }
0x1aa: {  	v4 =	vld [tilespmem:s9+$0xFFFFFFF0];
	_ =	sdelay $0x4  }
0x1ab: {  	v4 =	vsel vm4, $0x0, v4  }
0x1ac: {  	v4 =	vxor.u32 $0x80000000, v4  }
0x1ad: {  	(xrf0) =	vmax.scan.msk.u32 $0xffff, v4;
	_ =	sdelay $0x5  }
0x1ae: {  	v4, _, _ =	vpop (xrf0)  }
0x1af: {  	(v2sf) =	vpush v4, $0xF;
	_ =	sdelay $0xe  }
0x1b0: {  	s16 =	spop (v2sf)  }
0x1b1: {  	s15 =	sand.u32 $0x7F, s16  }
0x1b2: {  	s17 =	sadd.s32 $0xFFFFFFF4, s10;
	v4 =	vor.u32 s15, v0  }
0x1b3: {  	v5 =	vmov s17;
	v38 =	vor.u32 s15, v3  }
0x1b4: {  	v39 =	vshll.u32 v5, $0x3  }
0x1b5: {  	v5 =	vand.u32 $0x73, v5;
	v7 =	vand.u32 $0xC00, v39  }
0x1b6: {  	v5 =	vor.u32 v5, v7  }
0x1b7: {  	v7 =	vor.u32 v1, v5;
	v4 =	vld.idx.msk [tilespmem:v4+s19+$0x0], $0xffff  }
0x1b8: {  	v5 =	vor.u32 v2, v5;
	v6 =	vld.idx.msk [tilespmem:v38+s19+$0x0], $0xffff;
	_ =	sdelay $0x3  }
0x1b9: {  	[tilespmem:v7+s2+$0x0] =	vst.idx.msk $0xffff, v4  }
0x1ba: {  	[tilespmem:v5+s2+$0x0] =	vst.idx.msk $0xffff, v6  }
0x1bb: {  	v4 =	vld @!p0 [tilespmem:s9+$0x0];
	_ =	sdelay $0x3  }
0x1bc: {  	vm1 =	vcmask @!p0 $0x70C  }
0x1bd: {  	v4 =	vsel @!p0 vm1, $0x0, v4  }
0x1be: {  	v4 =	vxor.u32 @!p0 $0x80000000, v4  }
0x1bf: {  	(xrf0) =	vmax.scan.msk.u32 @!p0 $0xffff, v4;
	_ =	sdelay $0x5  }
0x1c0: {  	v4, _, _ =	vpop @!p0 (xrf0)  }
0x1c1: {  	(v2sf) =	vpush @!p0 v4, $0xF;
	_ =	sdelay $0xe  }
0x1c2: {  	s15 =	spop @!p0 (v2sf)  }
0x1c3: {  	s16 =	sxor.u32 @!p0 $0x80000000, s15  }
0x1c4: {  	p1 =	sgt.s32 @!p0 s15, $0xFFFFFFFF;
	s17 =	sand.u32 @!p0 $0x7F, s15;
	p2 =	slt.s32 @!p0 s16, $0x1  }
0x1c5: {  	p1 =	por @!p0 p1, p2;
	p2 =	sne.s32 @!p0 s17, $0x0  }
0x1c6: {  	s16 =	sshra.s32 @!p0 s16, $0x1F;
	p1 =	por @!p0 !p2, !p1  }
0x1c7: {  	s16 =	sshrl.u32 @!p0 s16, $0x19;
	p1 =	por @!p0 !p1, !p1  }
0x1c8: {  	s15 =	sadd.s32 @!p0 s16, s15;
	s16 =	simm.s32 @!p0 $0x1;
	p1 =	por !p1, p0  }
0x1c9: {  	s15 =	sshrl.u32 @!p0 s15, $0x7;
	s16 =	simm.s32 @p1 $0x0  }
0x1ca: {  	s15 =	ssub.s32 @!p0 s15, s16  }
0x1cb: {  	s15 =	sshll.u32 @!p0 s15, $0x7  }
0x1cc: {  	s15 =	sand.u32 @!p0 $0x1FFFFF80, s15  }
0x1cd: {  	s16 =	simm.s32 @!p0 $0x2200;
	s15 =	sadd.s32 @!p0 s0, s15  }
0x1ce: {  	[tilespmem:s16], [sflag:$0x2] =	stream.strided.gather @!p0 [hbm4b:s15+s5], $0x1000, s13, s5, $0x38;
	[tilespmem:$0x14200] =	vst v63  }
0x1cf: {  	v4 =	vld @!p0 [tilespmem:s9+$0x0];
	_ =	sdelay $0x3  }
0x1d0: {  	vm1 =	vcmask @!p0 $0xB10  }
0x1d1: {  	v4 =	vsel @!p0 vm1, $0x0, v4  }
0x1d2: {  	v4 =	vxor.u32 @!p0 $0x80000000, v4  }
0x1d3: {  	(xrf0) =	vmax.scan.msk.u32 @!p0 $0xffff, v4;
	_ =	sdelay $0x5  }
0x1d4: {  	v4, _, _ =	vpop @!p0 (xrf0)  }
0x1d5: {  	(v2sf) =	vpush @!p0 v4, $0xF;
	_ =	sdelay $0xe  }
0x1d6: {  	s15 =	spop @!p0 (v2sf)  }
0x1d7: {  	s16 =	sxor.u32 @!p0 $0x80000000, s15  }
0x1d8: {  	p1 =	sgt.s32 @!p0 s15, $0xFFFFFFFF;
	s17 =	sand.u32 @!p0 $0x7F, s15;
	p2 =	slt.s32 @!p0 s16, $0x1  }
0x1d9: {  	p1 =	por @!p0 p1, p2;
	p2 =	sne.s32 @!p0 s17, $0x0  }
0x1da: {  	s16 =	sshra.s32 @!p0 s16, $0x1F;
	p1 =	por @!p0 !p2, !p1  }
0x1db: {  	s16 =	sshrl.u32 @!p0 s16, $0x19;
	p1 =	por @!p0 !p1, !p1  }
0x1dc: {  	s15 =	sadd.s32 @!p0 s16, s15;
	s16 =	simm.s32 @!p0 $0x1;
	p1 =	por !p1, p0  }
0x1dd: {  	s15 =	sshrl.u32 @!p0 s15, $0x7;
	s16 =	simm.s32 @p1 $0x0  }
0x1de: {  	s15 =	ssub.s32 @!p0 s15, s16  }
0x1df: {  	s15 =	sshll.u32 @!p0 s15, $0x7  }
0x1e0: {  	s15 =	sand.u32 @!p0 $0x1FFFFF80, s15  }
0x1e1: {  	s16 =	simm.s32 @!p0 $0x3200;
	s15 =	sadd.s32 @!p0 s0, s15  }
0x1e2: {  	[tilespmem:s16], [sflag:$0x2] =	stream.strided.gather @!p0 [hbm4b:s15+s5], $0x1000, s13, s5, $0x38;
	[tilespmem:$0x14200] =	vst v63  }
0x1e3: {  	_ =	swait.ge [sflag:s3], $0x1000  }
0x1e4: {  	[sflag:s3] =	ssyncset.done $0x0  }
0x1e5: {  	[sflag:s3] =	ssyncadd.s32 $0xFFFFF000  }
0x1e6: {  	_ =	swait.ge [sflag:s3], $0x1000  }
0x1e7: {  	[sflag:s3] =	ssyncset.done $0x0  }
0x1e8: {  	[sflag:s3] =	ssyncadd.s32 $0xFFFFF000  }
0x1e9: {  	v4 =	vld [tilespmem:s9+$0xFFFFFFF0];
	_ =	sdelay $0x4  }
0x1ea: {  	v4 =	vsel vm5, $0x0, v4  }
0x1eb: {  	v4 =	vxor.u32 $0x80000000, v4  }
0x1ec: {  	(xrf0) =	vmax.scan.msk.u32 $0xffff, v4;
	_ =	sdelay $0x5  }
0x1ed: {  	v4, _, _ =	vpop (xrf0)  }
0x1ee: {  	(v2sf) =	vpush v4, $0xF;
	_ =	sdelay $0xe  }
0x1ef: {  	s16 =	spop (v2sf)  }
0x1f0: {  	s15 =	sand.u32 $0x7F, s16  }
0x1f1: {  	s17 =	sadd.s32 $0xFFFFFFF5, s10;
	v4 =	vor.u32 s15, v0  }
0x1f2: {  	v5 =	vmov s17;
	v40 =	vor.u32 s15, v3  }
0x1f3: {  	v41 =	vshll.u32 v5, $0x3  }
0x1f4: {  	v5 =	vand.u32 $0x74, v5;
	v7 =	vand.u32 $0xC00, v41  }
0x1f5: {  	v5 =	vor.u32 v5, v7  }
0x1f6: {  	v7 =	vor.u32 v1, v5;
	v4 =	vld.idx.msk [tilespmem:v4+s20+$0x0], $0xffff  }
0x1f7: {  	v5 =	vor.u32 v2, v5;
	v6 =	vld.idx.msk [tilespmem:v40+s20+$0x0], $0xffff;
	_ =	sdelay $0x3  }
0x1f8: {  	[tilespmem:v7+s2+$0x0] =	vst.idx.msk $0xffff, v4  }
0x1f9: {  	[tilespmem:v5+s2+$0x0] =	vst.idx.msk $0xffff, v6  }
0x1fa: {  	v4 =	vld [tilespmem:s9+$0xFFFFFFF0];
	_ =	sdelay $0x4  }
0x1fb: {  	v4 =	vsel vm6, $0x0, v4  }
0x1fc: {  	v4 =	vxor.u32 $0x80000000, v4  }
0x1fd: {  	(xrf0) =	vmax.scan.msk.u32 $0xffff, v4;
	_ =	sdelay $0x5  }
0x1fe: {  	v4, _, _ =	vpop (xrf0)  }
0x1ff: {  	(v2sf) =	vpush v4, $0xF;
	_ =	sdelay $0xe  }
0x200: {  	s16 =	spop (v2sf)  }
0x201: {  	s15 =	sand.u32 $0x7F, s16  }
0x202: {  	s17 =	sadd.s32 $0xFFFFFFF6, s10;
	v4 =	vor.u32 s15, v0  }
0x203: {  	v5 =	vmov s17;
	v42 =	vor.u32 s15, v3  }
0x204: {  	v43 =	vshll.u32 v5, $0x3  }
0x205: {  	v5 =	vand.u32 $0x75, v5;
	v7 =	vand.u32 $0xC00, v43  }
0x206: {  	v5 =	vor.u32 v5, v7  }
0x207: {  	v7 =	vor.u32 v1, v5;
	v4 =	vld.idx.msk [tilespmem:v4+s21+$0x0], $0xffff  }
0x208: {  	v5 =	vor.u32 v2, v5;
	v6 =	vld.idx.msk [tilespmem:v42+s21+$0x0], $0xffff;
	_ =	sdelay $0x3  }
0x209: {  	[tilespmem:v7+s2+$0x0] =	vst.idx.msk $0xffff, v4  }
0x20a: {  	[tilespmem:v5+s2+$0x0] =	vst.idx.msk $0xffff, v6  }
0x20b: {  	v4 =	vld @!p0 [tilespmem:s9+$0x0];
	_ =	sdelay $0x3  }
0x20c: {  	vm1 =	vcmask @!p0 $0xF14  }
0x20d: {  	v4 =	vsel @!p0 vm1, $0x0, v4  }
0x20e: {  	v4 =	vxor.u32 @!p0 $0x80000000, v4  }
0x20f: {  	(xrf0) =	vmax.scan.msk.u32 @!p0 $0xffff, v4;
	_ =	sdelay $0x5  }
0x210: {  	v4, _, _ =	vpop @!p0 (xrf0)  }
0x211: {  	(v2sf) =	vpush @!p0 v4, $0xF;
	_ =	sdelay $0xe  }
0x212: {  	s15 =	spop @!p0 (v2sf)  }
0x213: {  	s16 =	sxor.u32 @!p0 $0x80000000, s15  }
0x214: {  	p1 =	sgt.s32 @!p0 s15, $0xFFFFFFFF;
	s17 =	sand.u32 @!p0 $0x7F, s15;
	p2 =	slt.s32 @!p0 s16, $0x1  }
0x215: {  	p1 =	por @!p0 p1, p2;
	p2 =	sne.s32 @!p0 s17, $0x0  }
0x216: {  	s16 =	sshra.s32 @!p0 s16, $0x1F;
	p1 =	por @!p0 !p2, !p1  }
0x217: {  	s16 =	sshrl.u32 @!p0 s16, $0x19;
	p1 =	por @!p0 !p1, !p1  }
0x218: {  	s15 =	sadd.s32 @!p0 s16, s15;
	s16 =	simm.s32 @!p0 $0x1;
	p1 =	por !p1, p0  }
0x219: {  	s15 =	sshrl.u32 @!p0 s15, $0x7;
	s16 =	simm.s32 @p1 $0x0  }
0x21a: {  	s15 =	ssub.s32 @!p0 s15, s16  }
0x21b: {  	s15 =	sshll.u32 @!p0 s15, $0x7  }
0x21c: {  	s15 =	sand.u32 @!p0 $0x1FFFFF80, s15  }
0x21d: {  	s16 =	simm.s32 @!p0 $0x4200;
	s15 =	sadd.s32 @!p0 s0, s15  }
0x21e: {  	[tilespmem:s16], [sflag:$0x3] =	stream.strided.gather @!p0 [hbm4b:s15+s5], $0x1000, s13, s5, $0x38;
	[tilespmem:$0x14200] =	vst v63  }
0x21f: {  	v4 =	vld @!p0 [tilespmem:s9+$0x0];
	_ =	sdelay $0x3  }
0x220: {  	vm1 =	vcmask @!p0 $0x1318  }
0x221: {  	v4 =	vsel @!p0 vm1, $0x0, v4  }
0x222: {  	v4 =	vxor.u32 @!p0 $0x80000000, v4  }
0x223: {  	(xrf0) =	vmax.scan.msk.u32 @!p0 $0xffff, v4;
	_ =	sdelay $0x5  }
0x224: {  	v4, _, _ =	vpop @!p0 (xrf0)  }
0x225: {  	(v2sf) =	vpush @!p0 v4, $0xF;
	_ =	sdelay $0xe  }
0x226: {  	s15 =	spop @!p0 (v2sf)  }
0x227: {  	s16 =	sxor.u32 @!p0 $0x80000000, s15  }
0x228: {  	p1 =	sgt.s32 @!p0 s15, $0xFFFFFFFF;
	s17 =	sand.u32 @!p0 $0x7F, s15;
	p2 =	slt.s32 @!p0 s16, $0x1  }
0x229: {  	p1 =	por @!p0 p1, p2;
	p2 =	sne.s32 @!p0 s17, $0x0  }
0x22a: {  	s16 =	sshra.s32 @!p0 s16, $0x1F;
	p1 =	por @!p0 !p2, !p1  }
0x22b: {  	s16 =	sshrl.u32 @!p0 s16, $0x19;
	p1 =	por @!p0 !p1, !p1  }
0x22c: {  	s15 =	sadd.s32 @!p0 s16, s15;
	s16 =	simm.s32 @!p0 $0x1;
	p1 =	por !p1, p0  }
0x22d: {  	s15 =	sshrl.u32 @!p0 s15, $0x7;
	s16 =	simm.s32 @p1 $0x0  }
0x22e: {  	s15 =	ssub.s32 @!p0 s15, s16  }
0x22f: {  	s15 =	sshll.u32 @!p0 s15, $0x7  }
0x230: {  	s15 =	sand.u32 @!p0 $0x1FFFFF80, s15  }
0x231: {  	s16 =	simm.s32 @!p0 $0x5200;
	s15 =	sadd.s32 @!p0 s0, s15  }
0x232: {  	[tilespmem:s16], [sflag:$0x3] =	stream.strided.gather @!p0 [hbm4b:s15+s5], $0x1000, s13, s5, $0x38;
	[tilespmem:$0x14200] =	vst v63  }
0x233: {  	_ =	swait.ge [sflag:s12], $0x1000  }
0x234: {  	[sflag:s12] =	ssyncset.done $0x0  }
0x235: {  	[sflag:s12] =	ssyncadd.s32 $0xFFFFF000  }
0x236: {  	_ =	swait.ge [sflag:s12], $0x1000  }
0x237: {  	[sflag:s12] =	ssyncset.done $0x0  }
0x238: {  	[sflag:s12] =	ssyncadd.s32 $0xFFFFF000  }
0x239: {  	v4 =	vld [tilespmem:s9+$0xFFFFFFF0];
	_ =	sdelay $0x4  }
0x23a: {  	v4 =	vsel vm7, $0x0, v4  }
0x23b: {  	v4 =	vxor.u32 $0x80000000, v4  }
0x23c: {  	(xrf0) =	vmax.scan.msk.u32 $0xffff, v4;
	_ =	sdelay $0x5  }
0x23d: {  	v4, _, _ =	vpop (xrf0)  }
0x23e: {  	(v2sf) =	vpush v4, $0xF;
	_ =	sdelay $0xe  }
0x23f: {  	s16 =	spop (v2sf)  }
0x240: {  	s15 =	sand.u32 $0x7F, s16  }
0x241: {  	s17 =	sadd.s32 $0xFFFFFFF7, s10;
	v4 =	vor.u32 s15, v0  }
0x242: {  	v5 =	vmov s17;
	v44 =	vor.u32 s15, v3  }
0x243: {  	v45 =	vshll.u32 v5, $0x3  }
0x244: {  	v5 =	vand.u32 $0x76, v5;
	v7 =	vand.u32 $0xC00, v45  }
0x245: {  	v5 =	vor.u32 v5, v7  }
0x246: {  	v7 =	vor.u32 v1, v5;
	v4 =	vld.idx.msk [tilespmem:v4+s22+$0x0], $0xffff  }
0x247: {  	v5 =	vor.u32 v2, v5;
	v6 =	vld.idx.msk [tilespmem:v44+s22+$0x0], $0xffff;
	_ =	sdelay $0x3  }
0x248: {  	[tilespmem:v7+s2+$0x0] =	vst.idx.msk $0xffff, v4  }
0x249: {  	[tilespmem:v5+s2+$0x0] =	vst.idx.msk $0xffff, v6  }
0x24a: {  	v4 =	vld [tilespmem:s9+$0xFFFFFFF0];
	_ =	sdelay $0x4  }
0x24b: {  	v4 =	vsel vm8, $0x0, v4  }
0x24c: {  	v4 =	vxor.u32 $0x80000000, v4  }
0x24d: {  	(xrf0) =	vmax.scan.msk.u32 $0xffff, v4;
	_ =	sdelay $0x5  }
0x24e: {  	v4, _, _ =	vpop (xrf0)  }
0x24f: {  	(v2sf) =	vpush v4, $0xF;
	_ =	sdelay $0xe  }
0x250: {  	s16 =	spop (v2sf)  }
0x251: {  	s15 =	sand.u32 $0x7F, s16  }
0x252: {  	s17 =	sadd.s32 $0xFFFFFFF8, s10;
	v4 =	vor.u32 s15, v0  }
0x253: {  	v5 =	vmov s17;
	v46 =	vor.u32 s15, v3  }
0x254: {  	v47 =	vshll.u32 v5, $0x3  }
0x255: {  	v5 =	vand.u32 $0x77, v5;
	v7 =	vand.u32 $0xC00, v47  }
0x256: {  	v5 =	vor.u32 v5, v7  }
0x257: {  	v7 =	vor.u32 v1, v5;
	v4 =	vld.idx.msk [tilespmem:v4+s23+$0x0], $0xffff  }
0x258: {  	v5 =	vor.u32 v2, v5;
	v6 =	vld.idx.msk [tilespmem:v46+s23+$0x0], $0xffff;
	_ =	sdelay $0x3  }
0x259: {  	[tilespmem:v7+s2+$0x0] =	vst.idx.msk $0xffff, v4  }
0x25a: {  	[tilespmem:v5+s2+$0x0] =	vst.idx.msk $0xffff, v6  }
0x25b: {  	v4 =	vld @!p0 [tilespmem:s9+$0x0];
	_ =	sdelay $0x3  }
0x25c: {  	vm1 =	vcmask @!p0 $0x171C  }
0x25d: {  	v4 =	vsel @!p0 vm1, $0x0, v4  }
0x25e: {  	v4 =	vxor.u32 @!p0 $0x80000000, v4  }
0x25f: {  	(xrf0) =	vmax.scan.msk.u32 @!p0 $0xffff, v4;
	_ =	sdelay $0x5  }
0x260: {  	v4, _, _ =	vpop @!p0 (xrf0)  }
0x261: {  	(v2sf) =	vpush @!p0 v4, $0xF;
	_ =	sdelay $0xe  }
0x262: {  	s15 =	spop @!p0 (v2sf)  }
0x263: {  	s16 =	sxor.u32 @!p0 $0x80000000, s15  }
0x264: {  	p1 =	sgt.s32 @!p0 s15, $0xFFFFFFFF;
	s17 =	sand.u32 @!p0 $0x7F, s15;
	p2 =	slt.s32 @!p0 s16, $0x1  }
0x265: {  	p1 =	por @!p0 p1, p2;
	p2 =	sne.s32 @!p0 s17, $0x0  }
0x266: {  	s16 =	sshra.s32 @!p0 s16, $0x1F;
	p1 =	por @!p0 !p2, !p1  }
0x267: {  	s16 =	sshrl.u32 @!p0 s16, $0x19;
	p1 =	por @!p0 !p1, !p1  }
0x268: {  	s15 =	sadd.s32 @!p0 s16, s15;
	s16 =	simm.s32 @!p0 $0x1;
	p1 =	por !p1, p0  }
0x269: {  	s15 =	sshrl.u32 @!p0 s15, $0x7;
	s16 =	simm.s32 @p1 $0x0  }
0x26a: {  	s15 =	ssub.s32 @!p0 s15, s16  }
0x26b: {  	s15 =	sshll.u32 @!p0 s15, $0x7  }
0x26c: {  	s15 =	sand.u32 @!p0 $0x1FFFFF80, s15  }
0x26d: {  	s16 =	simm.s32 @!p0 $0x6200;
	s15 =	sadd.s32 @!p0 s0, s15  }
0x26e: {  	[tilespmem:s16], [sflag:$0x4] =	stream.strided.gather @!p0 [hbm4b:s15+s5], $0x1000, s13, s5, $0x38;
	[tilespmem:$0x14200] =	vst v63  }
0x26f: {  	v4 =	vld @!p0 [tilespmem:s9+$0x0];
	_ =	sdelay $0x3  }
0x270: {  	vm1 =	vcmask @!p0 $0x1B20  }
0x271: {  	v4 =	vsel @!p0 vm1, $0x0, v4  }
0x272: {  	v4 =	vxor.u32 @!p0 $0x80000000, v4  }
0x273: {  	(xrf0) =	vmax.scan.msk.u32 @!p0 $0xffff, v4;
	_ =	sdelay $0x5  }
0x274: {  	v4, _, _ =	vpop @!p0 (xrf0)  }
0x275: {  	(v2sf) =	vpush @!p0 v4, $0xF;
	_ =	sdelay $0xe  }
0x276: {  	s15 =	spop @!p0 (v2sf)  }
0x277: {  	s16 =	sxor.u32 @!p0 $0x80000000, s15  }
0x278: {  	p1 =	sgt.s32 @!p0 s15, $0xFFFFFFFF;
	s17 =	sand.u32 @!p0 $0x7F, s15;
	p2 =	slt.s32 @!p0 s16, $0x1  }
0x279: {  	p1 =	por @!p0 p1, p2;
	p2 =	sne.s32 @!p0 s17, $0x0  }
0x27a: {  	s16 =	sshra.s32 @!p0 s16, $0x1F;
	p1 =	por @!p0 !p2, !p1  }
0x27b: {  	s16 =	sshrl.u32 @!p0 s16, $0x19;
	p1 =	por @!p0 !p1, !p1  }
0x27c: {  	s15 =	sadd.s32 @!p0 s16, s15;
	s16 =	simm.s32 @!p0 $0x1;
	p1 =	por !p1, p0  }
0x27d: {  	s15 =	sshrl.u32 @!p0 s15, $0x7;
	s16 =	simm.s32 @p1 $0x0  }
0x27e: {  	s15 =	ssub.s32 @!p0 s15, s16  }
0x27f: {  	s15 =	sshll.u32 @!p0 s15, $0x7  }
0x280: {  	s15 =	sand.u32 @!p0 $0x1FFFFF80, s15  }
0x281: {  	s16 =	simm.s32 @!p0 $0x7200;
	s15 =	sadd.s32 @!p0 s0, s15  }
0x282: {  	[tilespmem:s16], [sflag:$0x4] =	stream.strided.gather @!p0 [hbm4b:s15+s5], $0x1000, s13, s5, $0x38;
	[tilespmem:$0x14200] =	vst v63  }
0x283: {  	_ =	swait.ge [sflag:s4], $0x1000  }
0x284: {  	[sflag:s4] =	ssyncset.done $0x0  }
0x285: {  	[sflag:s4] =	ssyncadd.s32 $0xFFFFF000  }
0x286: {  	_ =	swait.ge [sflag:s4], $0x1000  }
0x287: {  	[sflag:s4] =	ssyncset.done $0x0  }
0x288: {  	[sflag:s4] =	ssyncadd.s32 $0xFFFFF000  }
0x289: {  	v4 =	vld [tilespmem:s9+$0xFFFFFFF0];
	_ =	sdelay $0x4  }
0x28a: {  	v4 =	vsel vm9, $0x0, v4  }
0x28b: {  	v4 =	vxor.u32 $0x80000000, v4  }
0x28c: {  	(xrf0) =	vmax.scan.msk.u32 $0xffff, v4;
	_ =	sdelay $0x5  }
0x28d: {  	v4, _, _ =	vpop (xrf0)  }
0x28e: {  	(v2sf) =	vpush v4, $0xF;
	_ =	sdelay $0xe  }
0x28f: {  	s16 =	spop (v2sf)  }
0x290: {  	s15 =	sand.u32 $0x7F, s16  }
0x291: {  	s17 =	sadd.s32 $0xFFFFFFF9, s10;
	v4 =	vor.u32 s15, v0  }
0x292: {  	v5 =	vmov s17;
	v48 =	vor.u32 s15, v3  }
0x293: {  	v49 =	vshll.u32 v5, $0x3  }
0x294: {  	v5 =	vand.u32 $0x78, v5;
	v7 =	vand.u32 $0xC00, v49  }
0x295: {  	v5 =	vor.u32 v5, v7  }
0x296: {  	v7 =	vor.u32 v1, v5;
	v4 =	vld.idx.msk [tilespmem:v4+s24+$0x0], $0xffff  }
0x297: {  	v5 =	vor.u32 v2, v5;
	v6 =	vld.idx.msk [tilespmem:v48+s24+$0x0], $0xffff;
	_ =	sdelay $0x3  }
0x298: {  	[tilespmem:v7+s2+$0x0] =	vst.idx.msk $0xffff, v4  }
0x299: {  	[tilespmem:v5+s2+$0x0] =	vst.idx.msk $0xffff, v6  }
0x29a: {  	v4 =	vld [tilespmem:s9+$0xFFFFFFF0];
	_ =	sdelay $0x4  }
0x29b: {  	v4 =	vsel vm10, $0x0, v4  }
0x29c: {  	v4 =	vxor.u32 $0x80000000, v4  }
0x29d: {  	(xrf0) =	vmax.scan.msk.u32 $0xffff, v4;
	_ =	sdelay $0x5  }
0x29e: {  	v4, _, _ =	vpop (xrf0)  }
0x29f: {  	(v2sf) =	vpush v4, $0xF;
	_ =	sdelay $0xe  }
0x2a0: {  	s16 =	spop (v2sf)  }
0x2a1: {  	s15 =	sand.u32 $0x7F, s16  }
0x2a2: {  	s17 =	sadd.s32 $0xFFFFFFFA, s10;
	v4 =	vor.u32 s15, v0  }
0x2a3: {  	v5 =	vmov s17;
	v50 =	vor.u32 s15, v3  }
0x2a4: {  	v51 =	vshll.u32 v5, $0x3  }
0x2a5: {  	v5 =	vand.u32 $0x79, v5;
	v7 =	vand.u32 $0xC00, v51  }
0x2a6: {  	v5 =	vor.u32 v5, v7  }
0x2a7: {  	v7 =	vor.u32 v1, v5;
	v4 =	vld.idx.msk [tilespmem:v4+s25+$0x0], $0xffff  }
0x2a8: {  	v5 =	vor.u32 v2, v5;
	v6 =	vld.idx.msk [tilespmem:v50+s25+$0x0], $0xffff;
	_ =	sdelay $0x3  }
0x2a9: {  	[tilespmem:v7+s2+$0x0] =	vst.idx.msk $0xffff, v4  }
0x2aa: {  	[tilespmem:v5+s2+$0x0] =	vst.idx.msk $0xffff, v6  }
0x2ab: {  	v4 =	vld @!p0 [tilespmem:s9+$0x0];
	_ =	sdelay $0x3  }
0x2ac: {  	vm1 =	vcmask @!p0 $0x1F24  }
0x2ad: {  	v4 =	vsel @!p0 vm1, $0x0, v4  }
0x2ae: {  	v4 =	vxor.u32 @!p0 $0x80000000, v4  }
0x2af: {  	(xrf0) =	vmax.scan.msk.u32 @!p0 $0xffff, v4;
	_ =	sdelay $0x5  }
0x2b0: {  	v4, _, _ =	vpop @!p0 (xrf0)  }
0x2b1: {  	(v2sf) =	vpush @!p0 v4, $0xF;
	_ =	sdelay $0xe  }
0x2b2: {  	s15 =	spop @!p0 (v2sf)  }
0x2b3: {  	s16 =	sxor.u32 @!p0 $0x80000000, s15  }
0x2b4: {  	p1 =	sgt.s32 @!p0 s15, $0xFFFFFFFF;
	s17 =	sand.u32 @!p0 $0x7F, s15;
	p2 =	slt.s32 @!p0 s16, $0x1  }
0x2b5: {  	p1 =	por @!p0 p1, p2;
	p2 =	sne.s32 @!p0 s17, $0x0  }
0x2b6: {  	s16 =	sshra.s32 @!p0 s16, $0x1F;
	p1 =	por @!p0 !p2, !p1  }
0x2b7: {  	s16 =	sshrl.u32 @!p0 s16, $0x19;
	p1 =	por @!p0 !p1, !p1  }
0x2b8: {  	s15 =	sadd.s32 @!p0 s16, s15;
	s16 =	simm.s32 @!p0 $0x1;
	p1 =	por !p1, p0  }
0x2b9: {  	s15 =	sshrl.u32 @!p0 s15, $0x7;
	s16 =	simm.s32 @p1 $0x0  }
0x2ba: {  	s15 =	ssub.s32 @!p0 s15, s16  }
0x2bb: {  	s15 =	sshll.u32 @!p0 s15, $0x7  }
0x2bc: {  	s15 =	sand.u32 @!p0 $0x1FFFFF80, s15  }
0x2bd: {  	s16 =	simm.s32 @!p0 $0x8200;
	s15 =	sadd.s32 @!p0 s0, s15  }
0x2be: {  	[tilespmem:s16], [sflag:$0x5] =	stream.strided.gather @!p0 [hbm4b:s15+s5], $0x1000, s13, s5, $0x38;
	[tilespmem:$0x14200] =	vst v63  }
0x2bf: {  	v4 =	vld @!p0 [tilespmem:s9+$0x0];
	_ =	sdelay $0x3  }
0x2c0: {  	vm1 =	vcmask @!p0 $0x2328  }
0x2c1: {  	v4 =	vsel @!p0 vm1, $0x0, v4  }
0x2c2: {  	v4 =	vxor.u32 @!p0 $0x80000000, v4  }
0x2c3: {  	(xrf0) =	vmax.scan.msk.u32 @!p0 $0xffff, v4;
	_ =	sdelay $0x5  }
0x2c4: {  	v4, _, _ =	vpop @!p0 (xrf0)  }
0x2c5: {  	(v2sf) =	vpush @!p0 v4, $0xF;
	_ =	sdelay $0xe  }
0x2c6: {  	s15 =	spop @!p0 (v2sf)  }
0x2c7: {  	s16 =	sxor.u32 @!p0 $0x80000000, s15  }
0x2c8: {  	p1 =	sgt.s32 @!p0 s15, $0xFFFFFFFF;
	s17 =	sand.u32 @!p0 $0x7F, s15;
	p2 =	slt.s32 @!p0 s16, $0x1  }
0x2c9: {  	p1 =	por @!p0 p1, p2;
	p2 =	sne.s32 @!p0 s17, $0x0  }
0x2ca: {  	s16 =	sshra.s32 @!p0 s16, $0x1F;
	p1 =	por @!p0 !p2, !p1  }
0x2cb: {  	s16 =	sshrl.u32 @!p0 s16, $0x19;
	p1 =	por @!p0 !p1, !p1  }
0x2cc: {  	s15 =	sadd.s32 @!p0 s16, s15;
	s16 =	simm.s32 @!p0 $0x1;
	p1 =	por !p1, p0  }
0x2cd: {  	s15 =	sshrl.u32 @!p0 s15, $0x7;
	s16 =	simm.s32 @p1 $0x0  }
0x2ce: {  	s15 =	ssub.s32 @!p0 s15, s16  }
0x2cf: {  	s15 =	sshll.u32 @!p0 s15, $0x7  }
0x2d0: {  	s15 =	sand.u32 @!p0 $0x1FFFFF80, s15  }
0x2d1: {  	s16 =	simm.s32 @!p0 $0x9200;
	s15 =	sadd.s32 @!p0 s0, s15  }
0x2d2: {  	[tilespmem:s16], [sflag:$0x5] =	stream.strided.gather @!p0 [hbm4b:s15+s5], $0x1000, s13, s5, $0x38;
	[tilespmem:$0x14200] =	vst v63  }
0x2d3: {  	_ =	swait.ge [sflag:s6], $0x1000  }
0x2d4: {  	[sflag:s6] =	ssyncset.done $0x0  }
0x2d5: {  	[sflag:s6] =	ssyncadd.s32 $0xFFFFF000  }
0x2d6: {  	_ =	swait.ge [sflag:s6], $0x1000  }
0x2d7: {  	[sflag:s6] =	ssyncset.done $0x0  }
0x2d8: {  	[sflag:s6] =	ssyncadd.s32 $0xFFFFF000  }
0x2d9: {  	v4 =	vld [tilespmem:s9+$0xFFFFFFF0];
	_ =	sdelay $0x4  }
0x2da: {  	v4 =	vsel vm11, $0x0, v4  }
0x2db: {  	v4 =	vxor.u32 $0x80000000, v4  }
0x2dc: {  	(xrf0) =	vmax.scan.msk.u32 $0xffff, v4;
	_ =	sdelay $0x5  }
0x2dd: {  	v4, _, _ =	vpop (xrf0)  }
0x2de: {  	(v2sf) =	vpush v4, $0xF;
	_ =	sdelay $0xe  }
0x2df: {  	s16 =	spop (v2sf)  }
0x2e0: {  	s15 =	sand.u32 $0x7F, s16  }
0x2e1: {  	s17 =	sadd.s32 $0xFFFFFFFB, s10;
	v4 =	vor.u32 s15, v0  }
0x2e2: {  	v5 =	vmov s17;
	v52 =	vor.u32 s15, v3  }
0x2e3: {  	v53 =	vshll.u32 v5, $0x3  }
0x2e4: {  	v5 =	vand.u32 $0x7A, v5;
	v7 =	vand.u32 $0xC00, v53  }
0x2e5: {  	v5 =	vor.u32 v5, v7  }
0x2e6: {  	v7 =	vor.u32 v1, v5;
	v4 =	vld.idx.msk [tilespmem:v4+s26+$0x0], $0xffff  }
0x2e7: {  	v5 =	vor.u32 v2, v5;
	v6 =	vld.idx.msk [tilespmem:v52+s26+$0x0], $0xffff;
	_ =	sdelay $0x3  }
0x2e8: {  	[tilespmem:v7+s2+$0x0] =	vst.idx.msk $0xffff, v4  }
0x2e9: {  	[tilespmem:v5+s2+$0x0] =	vst.idx.msk $0xffff, v6  }
0x2ea: {  	v4 =	vld [tilespmem:s9+$0xFFFFFFF0];
	_ =	sdelay $0x4  }
0x2eb: {  	v4 =	vsel vm12, $0x0, v4  }
0x2ec: {  	v4 =	vxor.u32 $0x80000000, v4  }
0x2ed: {  	(xrf0) =	vmax.scan.msk.u32 $0xffff, v4;
	_ =	sdelay $0x5  }
0x2ee: {  	v4, _, _ =	vpop (xrf0)  }
0x2ef: {  	(v2sf) =	vpush v4, $0xF;
	_ =	sdelay $0xe  }
0x2f0: {  	s16 =	spop (v2sf)  }
0x2f1: {  	s15 =	sand.u32 $0x7F, s16  }
0x2f2: {  	s17 =	sadd.s32 $0xFFFFFFFC, s10;
	v4 =	vor.u32 s15, v0  }
0x2f3: {  	v5 =	vmov s17;
	v54 =	vor.u32 s15, v3  }
0x2f4: {  	v55 =	vshll.u32 v5, $0x3  }
0x2f5: {  	v5 =	vand.u32 $0x7B, v5;
	v7 =	vand.u32 $0xC00, v55  }
0x2f6: {  	v5 =	vor.u32 v5, v7  }
0x2f7: {  	v7 =	vor.u32 v1, v5;
	v4 =	vld.idx.msk [tilespmem:v4+s28+$0x0], $0xffff  }
0x2f8: {  	v5 =	vor.u32 v2, v5;
	v6 =	vld.idx.msk [tilespmem:v54+s28+$0x0], $0xffff;
	_ =	sdelay $0x3  }
0x2f9: {  	[tilespmem:v7+s2+$0x0] =	vst.idx.msk $0xffff, v4  }
0x2fa: {  	[tilespmem:v5+s2+$0x0] =	vst.idx.msk $0xffff, v6  }
0x2fb: {  	v4 =	vld @!p0 [tilespmem:s9+$0x0];
	_ =	sdelay $0x3  }
0x2fc: {  	vm1 =	vcmask @!p0 $0x272C  }
0x2fd: {  	v4 =	vsel @!p0 vm1, $0x0, v4  }
0x2fe: {  	v4 =	vxor.u32 @!p0 $0x80000000, v4  }
0x2ff: {  	(xrf0) =	vmax.scan.msk.u32 @!p0 $0xffff, v4;
	_ =	sdelay $0x5  }
0x300: {  	v4, _, _ =	vpop @!p0 (xrf0)  }
0x301: {  	(v2sf) =	vpush @!p0 v4, $0xF;
	_ =	sdelay $0xe  }
0x302: {  	s15 =	spop @!p0 (v2sf)  }
0x303: {  	s16 =	sxor.u32 @!p0 $0x80000000, s15  }
0x304: {  	p1 =	sgt.s32 @!p0 s15, $0xFFFFFFFF;
	s17 =	sand.u32 @!p0 $0x7F, s15;
	p2 =	slt.s32 @!p0 s16, $0x1  }
0x305: {  	p1 =	por @!p0 p1, p2;
	p2 =	sne.s32 @!p0 s17, $0x0  }
0x306: {  	s16 =	sshra.s32 @!p0 s16, $0x1F;
	p1 =	por @!p0 !p2, !p1  }
0x307: {  	s16 =	sshrl.u32 @!p0 s16, $0x19;
	p1 =	por @!p0 !p1, !p1  }
0x308: {  	s15 =	sadd.s32 @!p0 s16, s15;
	s16 =	simm.s32 @!p0 $0x1;
	p1 =	por !p1, p0  }
0x309: {  	s15 =	sshrl.u32 @!p0 s15, $0x7;
	s16 =	simm.s32 @p1 $0x0  }
0x30a: {  	s15 =	ssub.s32 @!p0 s15, s16  }
0x30b: {  	s15 =	sshll.u32 @!p0 s15, $0x7  }
0x30c: {  	s15 =	sand.u32 @!p0 $0x1FFFFF80, s15  }
0x30d: {  	s16 =	simm.s32 @!p0 $0xA200;
	s15 =	sadd.s32 @!p0 s0, s15  }
0x30e: {  	[tilespmem:s16], [sflag:$0x6] =	stream.strided.gather @!p0 [hbm4b:s15+s5], $0x1000, s13, s5, $0x38;
	[tilespmem:$0x14200] =	vst v63  }
0x30f: {  	v4 =	vld @!p0 [tilespmem:s9+$0x0];
	_ =	sdelay $0x3  }
0x310: {  	vm1 =	vcmask @!p0 $0x2B30  }
0x311: {  	v4 =	vsel @!p0 vm1, $0x0, v4  }
0x312: {  	v4 =	vxor.u32 @!p0 $0x80000000, v4  }
0x313: {  	(xrf0) =	vmax.scan.msk.u32 @!p0 $0xffff, v4;
	_ =	sdelay $0x5  }
0x314: {  	v4, _, _ =	vpop @!p0 (xrf0)  }
0x315: {  	(v2sf) =	vpush @!p0 v4, $0xF;
	_ =	sdelay $0xe  }
0x316: {  	s15 =	spop @!p0 (v2sf)  }
0x317: {  	s16 =	sxor.u32 @!p0 $0x80000000, s15  }
0x318: {  	p1 =	sgt.s32 @!p0 s15, $0xFFFFFFFF;
	s17 =	sand.u32 @!p0 $0x7F, s15;
	p2 =	slt.s32 @!p0 s16, $0x1  }
0x319: {  	p1 =	por @!p0 p1, p2;
	p2 =	sne.s32 @!p0 s17, $0x0  }
0x31a: {  	s16 =	sshra.s32 @!p0 s16, $0x1F;
	p1 =	por @!p0 !p2, !p1  }
0x31b: {  	s16 =	sshrl.u32 @!p0 s16, $0x19;
	p1 =	por @!p0 !p1, !p1  }
0x31c: {  	s15 =	sadd.s32 @!p0 s16, s15;
	s16 =	simm.s32 @!p0 $0x1;
	p1 =	por !p1, p0  }
0x31d: {  	s15 =	sshrl.u32 @!p0 s15, $0x7;
	s16 =	simm.s32 @p1 $0x0  }
0x31e: {  	s15 =	ssub.s32 @!p0 s15, s16  }
0x31f: {  	s15 =	sshll.u32 @!p0 s15, $0x7  }
0x320: {  	s15 =	sand.u32 @!p0 $0x1FFFFF80, s15  }
0x321: {  	s16 =	simm.s32 @!p0 $0xB200;
	s15 =	sadd.s32 @!p0 s0, s15  }
0x322: {  	[tilespmem:s16], [sflag:$0x6] =	stream.strided.gather @!p0 [hbm4b:s15+s5], $0x1000, s13, s5, $0x38;
	[tilespmem:$0x14200] =	vst v63  }
0x323: {  	_ =	swait.ge [sflag:s7], $0x1000  }
0x324: {  	[sflag:s7] =	ssyncset.done $0x0  }
0x325: {  	[sflag:s7] =	ssyncadd.s32 $0xFFFFF000  }
0x326: {  	_ =	swait.ge [sflag:s7], $0x1000  }
0x327: {  	[sflag:s7] =	ssyncset.done $0x0  }
0x328: {  	[sflag:s7] =	ssyncadd.s32 $0xFFFFF000  }
0x329: {  	v4 =	vld [tilespmem:s9+$0xFFFFFFF0];
	_ =	sdelay $0x4  }
0x32a: {  	v4 =	vsel vm13, $0x0, v4  }
0x32b: {  	v4 =	vxor.u32 $0x80000000, v4  }
0x32c: {  	(xrf0) =	vmax.scan.msk.u32 $0xffff, v4;
	_ =	sdelay $0x5  }
0x32d: {  	v4, _, _ =	vpop (xrf0)  }
0x32e: {  	(v2sf) =	vpush v4, $0xF;
	_ =	sdelay $0xe  }
0x32f: {  	s16 =	spop (v2sf)  }
0x330: {  	s15 =	sand.u32 $0x7F, s16  }
0x331: {  	s17 =	sadd.s32 $0xFFFFFFFD, s10;
	v4 =	vor.u32 s15, v0  }
0x332: {  	v5 =	vmov s17;
	v56 =	vor.u32 s15, v3  }
0x333: {  	v57 =	vshll.u32 v5, $0x3  }
0x334: {  	v5 =	vand.u32 $0x7C, v5;
	v7 =	vand.u32 $0xC00, v57  }
0x335: {  	v5 =	vor.u32 v5, v7  }
0x336: {  	v7 =	vor.u32 v1, v5;
	v4 =	vld.idx.msk [tilespmem:v4+s29+$0x0], $0xffff  }
0x337: {  	v5 =	vor.u32 v2, v5;
	v6 =	vld.idx.msk [tilespmem:v56+s29+$0x0], $0xffff;
	_ =	sdelay $0x3  }
0x338: {  	[tilespmem:v7+s2+$0x0] =	vst.idx.msk $0xffff, v4  }
0x339: {  	[tilespmem:v5+s2+$0x0] =	vst.idx.msk $0xffff, v6  }
0x33a: {  	v4 =	vld [tilespmem:s9+$0xFFFFFFF0];
	_ =	sdelay $0x4  }
0x33b: {  	v4 =	vsel vm14, $0x0, v4  }
0x33c: {  	v4 =	vxor.u32 $0x80000000, v4  }
0x33d: {  	(xrf0) =	vmax.scan.msk.u32 $0xffff, v4;
	_ =	sdelay $0x5  }
0x33e: {  	v4, _, _ =	vpop (xrf0)  }
0x33f: {  	(v2sf) =	vpush v4, $0xF;
	_ =	sdelay $0xe  }
0x340: {  	s16 =	spop (v2sf)  }
0x341: {  	s15 =	sand.u32 $0x7F, s16  }
0x342: {  	s17 =	sadd.s32 $0xFFFFFFFE, s10;
	v4 =	vor.u32 s15, v0  }
0x343: {  	v5 =	vmov s17;
	v58 =	vor.u32 s15, v3  }
0x344: {  	v59 =	vshll.u32 v5, $0x3  }
0x345: {  	v5 =	vand.u32 $0x7D, v5;
	v7 =	vand.u32 $0xC00, v59  }
0x346: {  	v5 =	vor.u32 v5, v7  }
0x347: {  	v7 =	vor.u32 v1, v5;
	v4 =	vld.idx.msk [tilespmem:v4+s30+$0x0], $0xffff  }
0x348: {  	v5 =	vor.u32 v2, v5;
	v6 =	vld.idx.msk [tilespmem:v58+s30+$0x0], $0xffff;
	_ =	sdelay $0x3  }
0x349: {  	[tilespmem:v7+s2+$0x0] =	vst.idx.msk $0xffff, v4  }
0x34a: {  	[tilespmem:v5+s2+$0x0] =	vst.idx.msk $0xffff, v6  }
0x34b: {  	v4 =	vld @!p0 [tilespmem:s9+$0x0];
	_ =	sdelay $0x3  }
0x34c: {  	vm1 =	vcmask @!p0 $0x2F34  }
0x34d: {  	v4 =	vsel @!p0 vm1, $0x0, v4  }
0x34e: {  	v4 =	vxor.u32 @!p0 $0x80000000, v4  }
0x34f: {  	(xrf0) =	vmax.scan.msk.u32 @!p0 $0xffff, v4;
	_ =	sdelay $0x5  }
0x350: {  	v4, _, _ =	vpop @!p0 (xrf0)  }
0x351: {  	(v2sf) =	vpush @!p0 v4, $0xF;
	_ =	sdelay $0xe  }
0x352: {  	s15 =	spop @!p0 (v2sf)  }
0x353: {  	s16 =	sxor.u32 @!p0 $0x80000000, s15  }
0x354: {  	p1 =	sgt.s32 @!p0 s15, $0xFFFFFFFF;
	s17 =	sand.u32 @!p0 $0x7F, s15;
	p2 =	slt.s32 @!p0 s16, $0x1  }
0x355: {  	p1 =	por @!p0 p1, p2;
	p2 =	sne.s32 @!p0 s17, $0x0  }
0x356: {  	s16 =	sshra.s32 @!p0 s16, $0x1F;
	p1 =	por @!p0 !p2, !p1  }
0x357: {  	s16 =	sshrl.u32 @!p0 s16, $0x19;
	p1 =	por @!p0 !p1, !p1  }
0x358: {  	s15 =	sadd.s32 @!p0 s16, s15;
	s16 =	simm.s32 @!p0 $0x1;
	p1 =	por !p1, p0  }
0x359: {  	s15 =	sshrl.u32 @!p0 s15, $0x7;
	s16 =	simm.s32 @p1 $0x0  }
0x35a: {  	s15 =	ssub.s32 @!p0 s15, s16  }
0x35b: {  	s15 =	sshll.u32 @!p0 s15, $0x7  }
0x35c: {  	s15 =	sand.u32 @!p0 $0x1FFFFF80, s15  }
0x35d: {  	s16 =	simm.s32 @!p0 $0xC200;
	s15 =	sadd.s32 @!p0 s0, s15  }
0x35e: {  	[tilespmem:s16], [sflag:$0x7] =	stream.strided.gather @!p0 [hbm4b:s15+s5], $0x1000, s13, s5, $0x38;
	[tilespmem:$0x14200] =	vst v63  }
0x35f: {  	v4 =	vld @!p0 [tilespmem:s9+$0x0];
	_ =	sdelay $0x3  }
0x360: {  	vm1 =	vcmask @!p0 $0x3338  }
0x361: {  	v4 =	vsel @!p0 vm1, $0x0, v4  }
0x362: {  	v4 =	vxor.u32 @!p0 $0x80000000, v4  }
0x363: {  	(xrf0) =	vmax.scan.msk.u32 @!p0 $0xffff, v4;
	_ =	sdelay $0x5  }
0x364: {  	v4, _, _ =	vpop @!p0 (xrf0)  }
0x365: {  	(v2sf) =	vpush @!p0 v4, $0xF;
	_ =	sdelay $0xe  }
0x366: {  	s15 =	spop @!p0 (v2sf)  }
0x367: {  	s16 =	sxor.u32 @!p0 $0x80000000, s15  }
0x368: {  	p1 =	sgt.s32 @!p0 s15, $0xFFFFFFFF;
	s17 =	sand.u32 @!p0 $0x7F, s15;
	p2 =	slt.s32 @!p0 s16, $0x1  }
0x369: {  	p1 =	por @!p0 p1, p2;
	p2 =	sne.s32 @!p0 s17, $0x0  }
0x36a: {  	s16 =	sshra.s32 @!p0 s16, $0x1F;
	p1 =	por @!p0 !p2, !p1  }
0x36b: {  	s16 =	sshrl.u32 @!p0 s16, $0x19;
	p1 =	por @!p0 !p1, !p1  }
0x36c: {  	s15 =	sadd.s32 @!p0 s16, s15;
	s16 =	simm.s32 @!p0 $0x1;
	p1 =	por !p1, p0  }
0x36d: {  	s15 =	sshrl.u32 @!p0 s15, $0x7;
	s16 =	simm.s32 @p1 $0x0  }
0x36e: {  	s15 =	ssub.s32 @!p0 s15, s16  }
0x36f: {  	s15 =	sshll.u32 @!p0 s15, $0x7  }
0x370: {  	s15 =	sand.u32 @!p0 $0x1FFFFF80, s15  }
0x371: {  	s16 =	simm.s32 @!p0 $0xD200;
	s15 =	sadd.s32 @!p0 s0, s15  }
0x372: {  	[tilespmem:s16], [sflag:$0x7] =	stream.strided.gather @!p0 [hbm4b:s15+s5], $0x1000, s13, s5, $0x38;
	[tilespmem:$0x14200] =	vst v63  }
0x373: {  	_ =	swait.ge [sflag:s8], $0x1000  }
0x374: {  	[sflag:s8] =	ssyncset.done $0x0  }
0x375: {  	[sflag:s8] =	ssyncadd.s32 $0xFFFFF000  }
0x376: {  	_ =	swait.ge [sflag:s8], $0x1000  }
0x377: {  	[sflag:s8] =	ssyncset.done $0x0  }
0x378: {  	[sflag:s8] =	ssyncadd.s32 $0xFFFFF000  }
0x379: {  	v4 =	vld [tilespmem:s9+$0xFFFFFFF0];
	_ =	sdelay $0x4  }
0x37a: {  	v4 =	vsel vm0, $0x0, v4  }
0x37b: {  	v4 =	vxor.u32 $0x80000000, v4  }
0x37c: {  	(xrf0) =	vmax.scan.msk.u32 $0xffff, v4;
	_ =	sdelay $0x5  }
0x37d: {  	v4, _, _ =	vpop (xrf0)  }
0x37e: {  	(v2sf) =	vpush v4, $0xF;
	_ =	sdelay $0xe  }
0x37f: {  	s16 =	spop (v2sf)  }
0x380: {  	s15 =	sand.u32 $0x7F, s16  }
0x381: {  	s17 =	sadd.s32 $0xFFFFFFFF, s10;
	v4 =	vor.u32 s15, v0  }
0x382: {  	v5 =	vmov s17;
	v60 =	vor.u32 s15, v3  }
0x383: {  	v61 =	vshll.u32 v5, $0x3  }
0x384: {  	v5 =	vand.u32 $0x7E, v5;
	v7 =	vand.u32 $0xC00, v61  }
0x385: {  	v5 =	vor.u32 v5, v7  }
0x386: {  	v7 =	vor.u32 v1, v5;
	v4 =	vld.idx.msk [tilespmem:v4+s31+$0x0], $0xffff  }
0x387: {  	v5 =	vor.u32 v2, v5;
	v6 =	vld.idx.msk [tilespmem:v60+s31+$0x0], $0xffff;
	_ =	sdelay $0x3  }
0x388: {  	[tilespmem:v7+s2+$0x0] =	vst.idx.msk $0xffff, v4  }
0x389: {  	[tilespmem:v5+s2+$0x0] =	vst.idx.msk $0xffff, v6  }
0x38a: {  	v4 =	vld [tilespmem:s9+$0xFFFFFFF0];
	_ =	sdelay $0x4  }
0x38b: {  	v4 =	vsel vm15, $0x0, v4  }
0x38c: {  	v4 =	vxor.u32 $0x80000000, v4  }
0x38d: {  	(xrf0) =	vmax.scan.msk.u32 $0xffff, v4;
	_ =	sdelay $0x5  }
0x38e: {  	v4, _, _ =	vpop (xrf0)  }
0x38f: {  	(v2sf) =	vpush v4, $0xF;
	_ =	sdelay $0xe  }
0x390: {  	s17 =	spop (v2sf)  }
0x391: {  	s15 =	sand.u32 $0x7F, s17  }
0x392: {  	v4 =	vor.u32 s15, v0  }
0x393: {  	v5 =	vmov s10;
	v62 =	vor.u32 s15, v3  }
0x394: {  	v63 =	vshll.u32 v5, $0x3  }
0x395: {  	v5 =	vand.u32 $0x7F, v5;
	v7 =	vand.u32 $0xC00, v63  }
0x396: {  	v5 =	vor.u32 v5, v7  }
0x397: {  	v7 =	vor.u32 v1, v5;
	v4 =	vld.idx.msk [tilespmem:v4+s1+$0x0], $0xffff  }
0x398: {  	v5 =	vor.u32 v2, v5;
	v6 =	vld.idx.msk [tilespmem:v62+s1+$0x0], $0xffff;
	_ =	sdelay $0x3  }
0x399: {  	[tilespmem:v7+s2+$0x0] =	vst.idx.msk $0xffff, v4  }
0x39a: {  	[tilespmem:v5+s2+$0x0] =	vst.idx.msk $0xffff, v6  }
0x39b: {  	v4 =	vld @!p0 [tilespmem:s9+$0x0];
	_ =	sdelay $0x3  }
0x39c: {  	vm1 =	vcmask @!p0 $0x373C  }
0x39d: {  	v4 =	vsel @!p0 vm1, $0x0, v4  }
0x39e: {  	v4 =	vxor.u32 @!p0 $0x80000000, v4  }
0x39f: {  	(xrf0) =	vmax.scan.msk.u32 @!p0 $0xffff, v4;
	_ =	sdelay $0x5  }
0x3a0: {  	v4, _, _ =	vpop @!p0 (xrf0)  }
0x3a1: {  	(v2sf) =	vpush @!p0 v4, $0xF;
	_ =	sdelay $0xe  }
0x3a2: {  	s15 =	spop @!p0 (v2sf)  }
0x3a3: {  	s16 =	sxor.u32 @!p0 $0x80000000, s15  }
0x3a4: {  	p1 =	sgt.s32 @!p0 s15, $0xFFFFFFFF;
	s17 =	sand.u32 @!p0 $0x7F, s15;
	p2 =	slt.s32 @!p0 s16, $0x1  }
0x3a5: {  	p1 =	por @!p0 p1, p2;
	p2 =	sne.s32 @!p0 s17, $0x0  }
0x3a6: {  	s16 =	sshra.s32 @!p0 s16, $0x1F;
	p1 =	por @!p0 !p2, !p1  }
0x3a7: {  	s16 =	sshrl.u32 @!p0 s16, $0x19;
	p1 =	por @!p0 !p1, !p1  }
0x3a8: {  	s15 =	sadd.s32 @!p0 s16, s15;
	s16 =	simm.s32 @!p0 $0x1;
	p1 =	por !p1, p0  }
0x3a9: {  	s15 =	sshrl.u32 @!p0 s15, $0x7;
	s16 =	simm.s32 @p1 $0x0  }
0x3aa: {  	s15 =	ssub.s32 @!p0 s15, s16  }
0x3ab: {  	s15 =	sshll.u32 @!p0 s15, $0x7  }
0x3ac: {  	s15 =	sand.u32 @!p0 $0x1FFFFF80, s15  }
0x3ad: {  	s16 =	simm.s32 @!p0 $0xE200;
	s15 =	sadd.s32 @!p0 s0, s15  }
0x3ae: {  	[tilespmem:s16], [sflag:$0x8] =	stream.strided.gather @!p0 [hbm4b:s15+s5], $0x1000, s13, s5, $0x38;
	[tilespmem:$0x14200] =	vst v63  }
0x3af: {  	v4 =	vld @!p0 [tilespmem:s9+$0x0];
	_ =	sdelay $0x3  }
0x3b0: {  	vm1 =	vmmov @!p0 $0x7fff  }
0x3b1: {  	v4 =	vsel @!p0 vm1, $0x0, v4  }
0x3b2: {  	v4 =	vxor.u32 @!p0 $0x80000000, v4  }
0x3b3: {  	(xrf0) =	vmax.scan.msk.u32 @!p0 $0xffff, v4;
	_ =	sdelay $0x5  }
0x3b4: {  	v4, _, _ =	vpop @!p0 (xrf0)  }
0x3b5: {  	(v2sf) =	vpush @!p0 v4, $0xF;
	_ =	sdelay $0xe  }
0x3b6: {  	s15 =	spop @!p0 (v2sf)  }
0x3b7: {  	s16 =	sxor.u32 @!p0 $0x80000000, s15  }
0x3b8: {  	p1 =	sgt.s32 @!p0 s15, $0xFFFFFFFF;
	s17 =	sand.u32 @!p0 $0x7F, s15;
	p2 =	slt.s32 @!p0 s16, $0x1  }
0x3b9: {  	p3 =	sne.s32 @!p0 s17, $0x0;
	p1 =	por @!p0 p1, p2  }
0x3ba: {  	s16 =	sshra.s32 @!p0 s16, $0x1F;
	p1 =	por @!p0 !p3, !p1  }
0x3bb: {  	s10 =	sadd.s32 @!p0 $0x10, s10;
	s16 =	sshrl.u32 @!p0 s16, $0x19;
	p1 =	por @!p0 !p1, !p1  }
0x3bc: {  	s15 =	sadd.s32 @!p0 s16, s15;
	s16 =	simm.s32 @!p0 $0x1;
	p1 =	por !p1, p0  }
0x3bd: {  	s15 =	sshrl.u32 @!p0 s15, $0x7;
	s16 =	simm.s32 @p1 $0x0;
	p1 =	sne.s32 @!p0 s10, $0x20F  }
0x3be: {  	s15 =	ssub.s32 @!p0 s15, s16;
	p1 =	por p0, !p1  }
.Ltmp0:
0x3bf: {  	s15 =	sshll.u32 @!p0 s15, $0x7;
	(pc) =	sbr.rel @!p1 .LBB2_2-.Ltmp0, $4  }
0x3c0: {  	s15 =	sand.u32 @!p0 $0x1FFFFF80, s15  }
0x3c1: {  	s16 =	simm.s32 @!p0 $0xF200;
	s15 =	sadd.s32 @!p0 s0, s15  }
0x3c2: {  	[tilespmem:s16], [sflag:$0x8] =	stream.strided.gather @!p0 [hbm4b:s15+s5], $0x1000, s13, s5, $0x38;
	[tilespmem:$0x14200] =	vst v63  }
0x3c3: {  	s9 =	sadd.s32 @!p0 $0x10, s9;
	s17 =	simm.s32 $0x1200;
	s16 =	simm.s32 $0x200  }
0x3c4: {  	s5 =	simm.s32 $0x9  }
0x3c5: {  	_ =	swait.ge [sflag:s5], $0x800  }
0x3c6: {  	s9 =	simm.s32 $0x1000;
	[sflag:s5] =	ssyncset.done $0x0  }
0x3c7: {  	s10 =	simm.s32 $0x20000;
	s15 =	rddreg [dreg:$0x8];
	[sflag:s5] =	ssyncadd.s32 $0xFFFFF800  }
0x3c8: {  	[hbm4b:s15+s9] =	stream.strided.scatter [tilespmem:s2], [sflag:$0xA], $0x4000, s10, s9, $0x38;
	[tilespmem:$0x14200] =	vst v63  }
0x3c9: {  	s10 =	simm.s32 $0xA  }
0x3ca: {  	_ =	swait.ge [sflag:s10], $0x4000  }
0x3cb: {  	s13 =	rddreg [dreg:$0xb]  }
0x3cc: {  	s15 =	rddreg [dreg:$0x9];
	s9 =	sadd.s32 $0x1, s13  }
0x3cd: {  	p0 =	sne.s32 s9, s15  }
.Ltmp1:
0x3ce: {  	_ = 	snop;
	(pc) =	sbr.rel @p0 .LBB2_1-.Ltmp1, $3  }
0x3cf: {  	_ =	sdelay $0x1  }
0x3d0: {  	[sflag:s10] =	ssyncset.done $0x0  }
0x3d1: {  	vm1 =	vmmov vm14;
	[sflag:s10] =	ssyncadd.s32 $0xFFFFC000  }
0x3d2: {  	_ =	sfence.sel $0x180000  }
0x3d3: {  	[bflag:$0x0] =	sbarrier.arrive $0xFFFF  }
0x3d4: {  	_ =	strace $0x90000047  }
0x3d5: {  	s0 =	stileid.u32;
	[bflag:$0x2] =	sbarrier.arrive $0xFFFF  }
0x3d6: {  	p0 =	sne.s32 s0, $0x0;
	s0 =	rddreg [dreg:$0x4]  }
0x3d7: {  	s0 =	sadd.s32 @!p0 $0x100000, s0  }
0x3d8: {  	[sflag:s0] =	ssyncadd.tile.s32 @!p0 $0x1;
	_ =	shalt  }
.Lfunc_end2:
_tile_overlayer_lowered:
.L_overlay_start_2:
0x3d9: {  	(tag) =	ssettag $0x2  }
0x3da: {  	s0 =	rddreg [dreg:$0x0];
	s2 =	stileid.u32  }
0x3db: {  	s1 =	rddreg [dreg:$0x1];
	p0 =	sne.s32 s2, $0x0  }
0x3dc: {  	s3 =	rddreg [dreg:$0x2];
	[bflag:$0x3] =	sbarrier.arrive $0xFFFF;
	s2 =	simm.s32 @!p0 $0x1C0A  }
0x3dd: {  	[timem:s3], [sflag:s2] =	dma.local @!p0 [hbm:s0], s1  }
0x3de: {  	s0 =	simm.s32 @!p0 $0xA  }
0x3df: {  	_ =	swait.ge @!p0 [sflag:s0], s1  }
0x3e0: {  	s1 =	ssub.s32 @!p0 $0x0, s1;
	[sflag:s0] =	ssyncset.done @!p0 $0x0  }
0x3e1: {  	[sflag:s0] =	ssyncadd.s32 @!p0 s1  }
0x3e2: {  	[bflag:$0x3] =	sbarrier.arrive $0xFFFF  }
0x3e3: {  	_ =	shalt  }

</sc_bundles>
